<compile_context>
chip_gen: v7x
topology: tpu7x:2x2x1
jax: 0.10.2.dev20260603
libtpu: 0.0.44.dev20260713+nightly
codegen_flags: <defaults>
</compile_context>

<pallas_src>
import functools

import jax
import jax.numpy as jnp
from jax import lax
from jax.experimental import pallas as pl
from jax.experimental.pallas import tpu as pltpu
from jax.experimental.pallas import tpu_sc as plsc

_NEI = 20
_POOL_NEI = 4


def _norm_cols(d):
    n = jnp.sqrt(jnp.sum(d * d, axis=0, keepdims=True))
    return d / jnp.maximum(n, 1e-12)


def _neg_dist_t(cands, rows_t):
    cx, cy, cz = cands[:, 0:1], cands[:, 1:2], cands[:, 2:3]
    rx, ry, rz = rows_t[0:1, :], rows_t[1:2, :], rows_t[2:3, :]
    inner = cx * rx + cy * ry + cz * rz
    qc = cx * cx + cy * cy + cz * cz
    qr = rx * rx + ry * ry + rz * rz
    return -((-2.0 * inner + qc) + qr)


def _select(neg, col, big):
    m = jnp.max(neg, axis=0, keepdims=True)
    ismax = neg == m
    idx = jnp.min(jnp.where(ismax, col, big), axis=0, keepdims=True)
    oh = col == idx
    return idx, oh, jnp.where(oh, -jnp.inf, neg)


def _dot0(a, b):
    return jax.lax.dot_general(
        a, b, (((0,), (0,)), ((), ())), preferred_element_type=jnp.float32
    )


def _dot(a, b):
    return jax.lax.dot_general(
        a, b, (((1,), (0,)), ((), ())), preferred_element_type=jnp.float32
    )


def _theta(nd3, sd):
    return jnp.maximum(_dot(nd3, sd), 0.0)


def _knn_body(with_surf, flat_idx, *refs):
    if with_surf:
        v_ref, vf_ref, vt_ref, dir0_ref, nidx_ref, nd_ref, fm0_ref = refs
    else:
        v_ref, vf_ref, vt_ref, nidx_ref, nd_ref = refs
    rows, vfull, rows_t = v_ref[0], vf_ref[0], vt_ref[0]
    r, m = rows.shape[0], vfull.shape[0]
    col = jax.lax.broadcasted_iota(jnp.int32, (m, r), 0)
    neg = _neg_dist_t(vfull, rows_t)
    if with_surf:
        sd0 = _norm_cols(dir0_ref[...])
        acc = None
    idxs, nds = [], []
    for t in range(_NEI + 1):
        idx, oh, neg = _select(neg, col, m)
        if t == 0:
            continue
        d3 = _dot0(oh.astype(jnp.float32), vfull) - rows
        den = jnp.maximum(
            jnp.sqrt(jnp.sum(d3 * d3, axis=1, keepdims=True)), 1e-12)
        nd3 = d3 / den
        idxs.append(idx)
        nds.append(nd3)
        if with_surf:
            th = _theta(nd3, sd0)
            acc = th if acc is None else jnp.maximum(acc, th)
    nidx = jnp.concatenate(idxs, axis=0)
    if flat_idx:
        nidx = nidx + pl.program_id(0) * m
    nidx_ref[0] = nidx
    nd_ref[0] = jnp.concatenate(nds, axis=1)
    if with_surf:
        fm0_ref[0] = jnp.maximum(acc, 0.0)


def _conv_body(cout, relu_out, reduce_out, fm_full_ref, fm_chunk_ref, w_ref,
               b_ref, d_ref, nidx_ref, nd_ref, out_ref):
    fm_full, fm_chunk = fm_full_ref[0], fm_chunk_ref[0]
    w, b = w_ref[...], b_ref[...]
    sup = _dot(fm_full, w[:, cout:]) + b[:, cout:]
    center = _dot(fm_chunk, w[:, :cout]) + b[:, :cout]
    sd = _norm_cols(d_ref[...])
    nidx = nidx_ref[0]
    nd = nd_ref[0]
    r, m = fm_chunk.shape[0], fm_full.shape[0]
    col = jax.lax.broadcasted_iota(jnp.int32, (m, r), 0)
    acc = None
    for t in range(_NEI):
        oh = (col == nidx[t:t + 1, :]).astype(jnp.float32)
        g = _dot0(oh, sup)
        v = _theta(nd[:, 3 * t:3 * t + 3], sd) * g
        acc = v if acc is None else jnp.maximum(acc, v)
    res = center + acc
    if relu_out:
        res = jnp.maximum(res, 0.0)
    if reduce_out:
        res = jnp.max(res, axis=0, keepdims=True)
    out_ref[0] = res


_SC_CORES = 2
_SC_SUBCORES = 16


def _sc_gather(table, idx, chunk=512):
    n, c = idx.shape[0], table.shape[1]
    nw = _SC_CORES * _SC_SUBCORES
    b_per_w = n // nw
    nch = b_per_w // chunk
    mesh = plsc.VectorSubcoreMesh(
        core_axis_name="c", subcore_axis_name="s",
        num_cores=_SC_CORES, num_subcores=_SC_SUBCORES)

    @functools.partial(
        pl.kernel, mesh=mesh,
        out_type=jax.ShapeDtypeStruct((n, c), jnp.float32),
        scratch_types=[pltpu.VMEM((chunk,), jnp.int32),
                       pltpu.VMEM((chunk, c), jnp.float32),
                       pltpu.SemaphoreType.DMA],
    )
    def k(table_hbm, idx_hbm, out_hbm, idx_v, rows_v, sem):
        wid = lax.axis_index("s") * _SC_CORES + lax.axis_index("c")
        base = wid * b_per_w
        for ci in range(nch):
            o = base + ci * chunk
            pltpu.sync_copy(idx_hbm.at[pl.ds(o, chunk)], idx_v)
            pltpu.async_copy(table_hbm.at[idx_v], rows_v, sem).wait()
            pltpu.sync_copy(rows_v, out_hbm.at[pl.ds(o, chunk)])

    return k(table, idx)


def _feat_body(fm_ref, w_ref, b_ref, out_ref):
    out_ref[0] = _dot(fm_ref[0], w_ref[...]) + b_ref[...]


def _convg_body(cout, relu_out, feat_chunk_ref, d_ref, g_ref, nd_ref,
                out_ref):
    feat = feat_chunk_ref[0]
    sd = _norm_cols(d_ref[...])
    g = g_ref[0]
    nd = nd_ref[0]
    acc = None
    for t in range(_NEI):
        v = _theta(nd[:, 3 * t:3 * t + 3], sd) * g[t][:, cout:]
        acc = v if acc is None else jnp.maximum(acc, v)
    res = feat[:, :cout] + acc
    if relu_out:
        res = jnp.maximum(res, 0.0)
    out_ref[0] = res


def _pool_body(svt_ref, vf_ref, fm_ref, out_ref):
    svt, vfull, fm = svt_ref[0], vf_ref[0], fm_ref[0]
    m, r = vfull.shape[0], svt.shape[1]
    col = jax.lax.broadcasted_iota(jnp.int32, (m, r), 0)
    neg = _neg_dist_t(vfull, svt)
    acc = None
    for t in range(_POOL_NEI + 1):
        _, oh, neg = _select(neg, col, m)
        if t == 0:
            continue
        g = _dot0(oh.astype(jnp.float32), fm)
        acc = g if acc is None else jnp.maximum(acc, g)
    out_ref[0] = acc


def _head_body(fg_ref, w1_ref, b1_ref, g_ref, be_ref, m_ref, var_ref,
               w2_ref, b2_ref, out_ref):
    h = _dot(fg_ref[...], w1_ref[...]) + b1_ref[...]
    h = (h - m_ref[...]) / jnp.sqrt(var_ref[...] + 1e-5) * g_ref[...] + be_ref[...]
    h = jnp.maximum(h, 0.0)
    out_ref[...] = _dot(h, w2_ref[...]) + b2_ref[...]


def _chunk(shape):
    return pl.BlockSpec((1,) + shape, lambda b, c: (b, c) + (0,) * (len(shape) - 1))


def _bfull(shape):
    return pl.BlockSpec((1,) + shape, lambda b, c: (b,) + (0,) * len(shape))


def _wfull(shape):
    return pl.BlockSpec(shape, lambda b, c: (0,) * len(shape))


def _chunk_t(shape):
    return pl.BlockSpec((1,) + shape, lambda b, c: (b, 0, c))


def _run_knn(v, vt, nchunks, dir0=None, flat_idx=False):
    bsz, nverts, _ = v.shape
    rc = nverts // nchunks
    f32, i32 = jnp.float32, jnp.int32
    out_shape = [jax.ShapeDtypeStruct((bsz, _NEI, nverts), i32),
                 jax.ShapeDtypeStruct((bsz, nverts, 3 * _NEI), f32)]
    out_specs = [_chunk_t((_NEI, rc)), _chunk((rc, 3 * _NEI))]
    in_specs = [_chunk((rc, 3)), _bfull((nverts, 3)), _chunk_t((3, rc))]
    args = [v, v, vt]
    if dir0 is not None:
        in_specs.append(_wfull((3, 32)))
        args.append(dir0)
        out_shape.append(jax.ShapeDtypeStruct((bsz, nverts, 32), f32))
        out_specs.append(_chunk((rc, 32)))
    return pl.pallas_call(
        functools.partial(_knn_body, dir0 is not None, flat_idx),
        grid=(bsz, nchunks),
        in_specs=in_specs,
        out_specs=out_specs,
        out_shape=out_shape,
    )(*args)


def _run_conv(fm, w, b, d, nidx, nd, cout, nchunks,
              relu_out=True, reduce_out=False):
    bsz, nverts, cin = fm.shape
    rc = nverts // nchunks
    out_r = 1 if reduce_out else rc
    out_n = 1 if reduce_out else nverts
    return pl.pallas_call(
        functools.partial(_conv_body, cout, relu_out, reduce_out),
        grid=(bsz, nchunks),
        in_specs=[_bfull((nverts, cin)), _chunk((rc, cin)),
                  _wfull((cin, 2 * cout)), _wfull((1, 2 * cout)),
                  _wfull((3, cout)), _chunk_t((_NEI, rc)),
                  _chunk((rc, 3 * _NEI))],
        out_specs=_chunk((out_r, cout)),
        out_shape=jax.ShapeDtypeStruct((bsz, out_n, cout), jnp.float32),
    )(fm, fm, w, b.reshape(1, -1), d, nidx, nd)


def _run_pool(svt, vfull, fm):
    bsz, r = svt.shape[0], svt.shape[2]
    nverts, c = fm.shape[1], fm.shape[2]
    return pl.pallas_call(
        _pool_body,
        grid=(bsz, 1),
        in_specs=[_bfull((3, r)), _bfull((nverts, 3)), _bfull((nverts, c))],
        out_specs=_bfull((r, c)),
        out_shape=jax.ShapeDtypeStruct((bsz, r, c), jnp.float32),
    )(svt, vfull, fm)


def kernel(vertices, dir0, w1, b1, d1, w2, b2, d2, w3, b3, d3, w4, b4, d4,
           fc1_w, fc1_b, bn_g, bn_b, bn_m, bn_v, fc2_w, fc2_b):
    bsz = vertices.shape[0]
    v = jnp.transpose(vertices, (0, 2, 1))
    vt = vertices

    samp1 = jax.random.permutation(jax.random.key(100), 1024)[:256]
    samp2 = jax.random.permutation(jax.random.key(101), 256)[:64]
    sv1 = v[:, samp1, :]
    sv1t = jnp.transpose(sv1, (0, 2, 1))
    sv2 = sv1[:, samp2, :]
    sv2t = jnp.transpose(sv2, (0, 2, 1))

    nidxf, nd, fm0 = _run_knn(v, vt, 2, dir0=dir0, flat_idx=True)
    feat1 = pl.pallas_call(
        _feat_body,
        grid=(bsz, 1),
        in_specs=[_bfull((1024, 32)), _wfull((32, 128)), _wfull((1, 128))],
        out_specs=_bfull((1024, 128)),
        out_shape=jax.ShapeDtypeStruct((bsz, 1024, 128), jnp.float32),
    )(fm0, w1, b1.reshape(1, -1))
    idx_flat = nidxf.reshape(-1)
    g1 = _sc_gather(feat1.reshape(bsz * 1024, 128), idx_flat)
    g1 = g1.reshape(bsz, _NEI, 1024, 128)
    rc1 = 512
    fm1 = pl.pallas_call(
        functools.partial(_convg_body, 64, True),
        grid=(bsz, 1024 // rc1),
        in_specs=[_chunk((rc1, 128)), _wfull((3, 64)),
                  pl.BlockSpec((1, _NEI, rc1, 128),
                               lambda b, c: (b, 0, c, 0)),
                  _chunk((rc1, 3 * _NEI))],
        out_specs=_chunk((rc1, 64)),
        out_shape=jax.ShapeDtypeStruct((bsz, 1024, 64), jnp.float32),
    )(feat1, d1, g1, nd)
    fm1p = _run_pool(sv1t, v, fm1)

    nidx, nd = _run_knn(sv1, sv1t, 1)
    fm2 = _run_conv(fm1p, w2, b2, d2, nidx, nd, 128, 1)
    fm3 = _run_conv(fm2, w3, b3, d3, nidx, nd, 256, 1)
    fm3p = _run_pool(sv2t, sv1, fm3)

    nidx, nd = _run_knn(sv2, sv2t, 1)
    fg = _run_conv(fm3p, w4, b4, d4, nidx, nd, 1024, 1,
                   relu_out=False, reduce_out=True)

    row = lambda x: x.reshape(1, -1)
    out = pl.pallas_call(
        _head_body,
        in_specs=[pl.BlockSpec((bsz, 1024), lambda: (0, 0)),
                  pl.BlockSpec((1024, 256), lambda: (0, 0))]
        + [pl.BlockSpec((1, 256), lambda: (0, 0))] * 5
        + [pl.BlockSpec((256, 40), lambda: (0, 0)),
           pl.BlockSpec((1, 40), lambda: (0, 0))],
        out_specs=pl.BlockSpec((bsz, 40), lambda: (0, 0)),
        out_shape=jax.ShapeDtypeStruct((bsz, 40), jnp.float32),
    )(fg.reshape(bsz, 1024), fc1_w, row(fc1_b), row(bn_g), row(bn_b),
      row(bn_m), row(bn_v), fc2_w, row(fc2_b))
    return out

# --- scband reference (transcript-rebuilt; emitter-appended) ---
"""Pipeline reference for scband-get-model-24670292148720 (READ-ONLY COPY).

The authoritative reference and input builder live on the scoring server;
editing this copy changes nothing except your own understanding.
"""

import jax, jax.numpy as jnp
import numpy as np

NEIGHBOR_NUM = 20
SUPPORT_NUM = 1

def _normalize(x, axis):
    n = jnp.linalg.norm(x, axis=axis, keepdims=True)
    return x / jnp.maximum(n, 1e-12)

def get_neighbor_index(vertices, k):
    inner = jnp.einsum('bnd,bmd->bnm', vertices, vertices)
    quad = jnp.sum(vertices ** 2, axis=2)
    dist = -2.0 * inner + quad[:, None, :] + quad[:, :, None]
    _, idx = jax.lax.top_k(-dist, k + 1)
    return idx[:, :, 1:]

def indexing_neighbor(tensor, index):
    return jax.vmap(lambda t, i: t[i])(tensor, index)

def conv_surface(nidx, vertices, directions, kernel_num):
    bs, v, n = nidx.shape
    nd = _normalize(indexing_neighbor(vertices, nidx) - vertices[:, :, None, :], -1)
    sd = _normalize(directions, 0)
    theta = jax.nn.relu(jnp.einsum('bvnd,dk->bvnk', nd, sd))
    theta = theta.reshape(bs, v, n, SUPPORT_NUM, kernel_num)
    return jnp.sum(jnp.max(theta, axis=2), axis=2)

def conv_layer(nidx, vertices, fm, weights, bias, directions, out_channel):
    bs, v, n = nidx.shape
    nd = _normalize(indexing_neighbor(vertices, nidx) - vertices[:, :, None, :], -1)
    sd = _normalize(directions, 0)
    theta = jax.nn.relu(jnp.einsum('bvnd,dk->bvnk', nd, sd))
    feat_out = fm @ weights + bias
    feat_center = feat_out[:, :, :out_channel]
    feat_support = indexing_neighbor(feat_out[:, :, out_channel:], nidx)
    act = (theta * feat_support).reshape(bs, v, n, SUPPORT_NUM, out_channel)
    act = jnp.sum(jnp.max(act, axis=2), axis=2)
    return feat_center + act

def pool_layer(vertices, fm, pooling_rate, neighbor_num, seed):
    bs, v, _ = vertices.shape
    nidx = get_neighbor_index(vertices, neighbor_num)
    pooled = jnp.max(indexing_neighbor(fm, nidx), axis=2)
    pool_num = int(v / pooling_rate)
    sample_idx = jax.random.permutation(jax.random.key(seed), v)[:pool_num]
    return vertices[:, sample_idx, :], pooled[:, sample_idx, :]

def forward(vertices, dir0, w1, b1, d1, w2, b2, d2, w3, b3, d3, w4, b4, d4, fc1_w, fc1_b, bn_g, bn_b, bn_m, bn_v, fc2_w, fc2_b):
    v = jnp.transpose(vertices, (0, 2, 1))
    nidx = get_neighbor_index(v, NEIGHBOR_NUM)
    fm0 = jax.nn.relu(conv_surface(nidx, v, dir0, 32))
    fm1 = jax.nn.relu(conv_layer(nidx, v, fm0, w1, b1, d1, 64))
    v, fm1 = pool_layer(v, fm1, 4, 4, 100)
    nidx = get_neighbor_index(v, NEIGHBOR_NUM)
    fm2 = jax.nn.relu(conv_layer(nidx, v, fm1, w2, b2, d2, 128))
    fm3 = jax.nn.relu(conv_layer(nidx, v, fm2, w3, b3, d3, 256))
    v, fm3 = pool_layer(v, fm3, 4, 4, 101)
    nidx = get_neighbor_index(v, NEIGHBOR_NUM)
    fm4 = conv_layer(nidx, v, fm3, w4, b4, d4, 1024)
    fg = jnp.max(fm4, axis=1)
    h = fg @ fc1_w + fc1_b
    h = (h - bn_m) / jnp.sqrt(bn_v + 1e-5) * bn_g + bn_b
    h = jax.nn.relu(h)
    return h @ fc2_w + fc2_b

def setup_inputs(seed: int = 0):
    key = jax.random.key(seed)
    ks = jax.random.split(key, 24)
    def u(k, shape, fan):
        s = 1.0 / float(np.sqrt(fan))
        return jax.random.uniform(k, shape, jnp.float32, -s, s)
    inp = {}
    inp['vertices'] = jax.random.normal(ks[0], (8, 3, 1024), jnp.float32)
    inp['dir0'] = u(ks[1], (3, 32), 32)
    inp['w1'] = u(ks[2], (32, 128), 128)
    inp['b1'] = u(ks[3], (128,), 128)
    inp['d1'] = u(ks[4], (3, 64), 128)
    inp['w2'] = u(ks[5], (64, 256), 256)
    inp['b2'] = u(ks[6], (256,), 256)
    inp['d2'] = u(ks[7], (3, 128), 256)
    inp['w3'] = u(ks[8], (128, 512), 512)
    inp['b3'] = u(ks[9], (512,), 512)
    inp['d3'] = u(ks[10], (3, 256), 512)
    inp['w4'] = u(ks[11], (256, 2048), 2048)
    inp['b4'] = u(ks[12], (2048,), 2048)
    inp['d4'] = u(ks[13], (3, 1024), 2048)
    inp['fc1_w'] = u(ks[14], (1024, 256), 1024)
    inp['fc1_b'] = u(ks[15], (256,), 1024)
    inp['bn_g'] = jnp.ones((256,), jnp.float32)
    inp['bn_b'] = jnp.zeros((256,), jnp.float32)
    inp['bn_m'] = jnp.zeros((256,), jnp.float32)
    inp['bn_v'] = jnp.ones((256,), jnp.float32)
    inp['fc2_w'] = u(ks[16], (256, 40), 256)
    inp['fc2_b'] = u(ks[17], (40,), 256)
    return inp

def reference(vertices, dir0, w1, b1, d1, w2, b2, d2, w3, b3, d3, w4, b4, d4, fc1_w, fc1_b, bn_g, bn_b, bn_m, bn_v, fc2_w, fc2_b):
    return forward(vertices, dir0, w1, b1, d1, w2, b2, d2, w3, b3, d3, w4, b4, d4, fc1_w, fc1_b, bn_g, bn_b, bn_m, bn_v, fc2_w, fc2_b)

if __name__ == "__main__":
    import jax
    _d = setup_inputs()
    print(jax.jit(kernel)(*tuple(_d.values())))

</pallas_src>

<mosaic_0001>
#map = affine_map<(d0, d1) -> (0, 0)>
#map1 = affine_map<(d0, d1) -> (0)>
module attributes {stable_mosaic.version = 14 : i64} {
  func.func @k(%arg0: i32, %arg1: i32, %arg2: memref<8192x128xf32, #tpu.memory_space<hbm>>, %arg3: memref<163840xi32, #tpu.memory_space<hbm>>, %arg4: memref<163840x128xf32, #tpu.memory_space<hbm>>, %arg5: memref<512xi32, #tpu.memory_space<vmem>>, %arg6: memref<512x128xf32, #tpu.memory_space<vmem>>, %arg7: memref<!tpu.dma_semaphore, #tpu.memory_space<semaphore_mem>>) attributes {dimension_semantics = [#tpu.dimension_semantics<core_parallel>, #tpu.dimension_semantics<subcore_parallel>], iteration_bounds = array<i64: 2, 16>, scalar_prefetch = 0 : i64, scratch_operands = 3 : i64, tpu.core_type = #tpu.core_type<sc_vector_subcore>, window_params = [{transform_indices = #map}, {transform_indices = #map1}, {transform_indices = #map}]} {
    %mul3A = arith.constant 2 : i32
    %mul3A_0 = arith.muli %arg1, %mul3A : i32
    %add3A = arith.addi %mul3A_0, %arg0 : i32
    %mul3A_1 = arith.constant 5120 : i32
    %mul3A_2 = arith.muli %add3A, %mul3A_1 : i32
    %add3A_3 = arith.constant 0 : i32
    %add3A_4 = arith.addi %mul3A_2, %add3A_3 : i32
    "tpu.region"() ({
      %run_scoped3A = tpu.sem_alloc : memref<!tpu.dma_semaphore, #tpu.memory_space<semaphore_mem>>
      %dma_start3A_81 = tpu.memref_slice %arg3[%add3A_4] : memref<163840xi32, #tpu.memory_space<hbm>> -> memref<512xi32, #tpu.memory_space<hbm>>
      %dma_start3A_82 = tpu.memref_slice %arg3[%add3A_4] : memref<163840xi32, #tpu.memory_space<hbm>> -> memref<512xi32, #tpu.memory_space<hbm>>
      tpu.enqueue_dma source(%dma_start3A_82 : memref<512xi32, #tpu.memory_space<hbm>>) target(%arg5 : memref<512xi32, #tpu.memory_space<vmem>>) target_semaphore(%run_scoped3A : memref<!tpu.dma_semaphore, #tpu.memory_space<semaphore_mem>>)
      %dma_wait3A_83 = tpu.memref_slice %arg3[%add3A_4] : memref<163840xi32, #tpu.memory_space<hbm>> -> memref<512xi32, #tpu.memory_space<hbm>>
      %dma_wait3A_84 = tpu.memref_slice %arg3[%add3A_4] : memref<163840xi32, #tpu.memory_space<hbm>> -> memref<512xi32, #tpu.memory_space<hbm>>
      tpu.wait_dma2 semaphore(%run_scoped3A : memref<!tpu.dma_semaphore, #tpu.memory_space<semaphore_mem>>) src(%dma_wait3A_84 : memref<512xi32, #tpu.memory_space<hbm>>) dst(%arg5 : memref<512xi32, #tpu.memory_space<vmem>>)
      tpu.yield
    }) : () -> ()
    %dma_start3A = arith.constant 0 : i32
    %dma_start3A_5 = arith.constant 0 : i32
    %dma_start3A_6 = tpu.memref_slice %arg2[%dma_start3A, %dma_start3A_5] : memref<8192x128xf32, #tpu.memory_space<hbm>> -> memref<8192x128xf32, #tpu.memory_space<hbm>>
    tpu.enqueue_indirect_dma source(%dma_start3A_6 : memref<8192x128xf32, #tpu.memory_space<hbm>>) target(%arg6 : memref<512x128xf32, #tpu.memory_space<vmem>>) offsets(%arg5 : memref<512xi32, #tpu.memory_space<vmem>>) semaphore(%arg7 : memref<!tpu.dma_semaphore, #tpu.memory_space<semaphore_mem>>)
    %dma_wait3A = arith.constant 0 : i32
    %dma_wait3A_7 = arith.constant 0 : i32
    %dma_wait3A_8 = tpu.memref_slice %arg2[%dma_wait3A, %dma_wait3A_7] : memref<8192x128xf32, #tpu.memory_space<hbm>> -> memref<8192x128xf32, #tpu.memory_space<hbm>>
    tpu.wait_indirect_dma semaphore(%arg7 : memref<!tpu.dma_semaphore, #tpu.memory_space<semaphore_mem>>) src(%dma_wait3A_8 : memref<8192x128xf32, #tpu.memory_space<hbm>>) dst(%arg6 : memref<512x128xf32, #tpu.memory_space<vmem>>)
    "tpu.region"() ({
      %run_scoped3A = tpu.sem_alloc : memref<!tpu.dma_semaphore, #tpu.memory_space<semaphore_mem>>
      %dma_start3A_81 = arith.constant 0 : i32
      %dma_start3A_82 = tpu.memref_slice %arg4[%add3A_4, %dma_start3A_81] : memref<163840x128xf32, #tpu.memory_space<hbm>> -> memref<512x128xf32, #tpu.memory_space<hbm>>
      %dma_start3A_83 = arith.constant 0 : i32
      %dma_start3A_84 = tpu.memref_slice %arg4[%add3A_4, %dma_start3A_83] : memref<163840x128xf32, #tpu.memory_space<hbm>> -> memref<512x128xf32, #tpu.memory_space<hbm>>
      tpu.enqueue_dma source(%arg6 : memref<512x128xf32, #tpu.memory_space<vmem>>) target(%dma_start3A_84 : memref<512x128xf32, #tpu.memory_space<hbm>>) target_semaphore(%run_scoped3A : memref<!tpu.dma_semaphore, #tpu.memory_space<semaphore_mem>>)
      %dma_wait3A_85 = arith.constant 0 : i32
      %dma_wait3A_86 = tpu.memref_slice %arg4[%add3A_4, %dma_wait3A_85] : memref<163840x128xf32, #tpu.memory_space<hbm>> -> memref<512x128xf32, #tpu.memory_space<hbm>>
      %dma_wait3A_87 = arith.constant 0 : i32
      %dma_wait3A_88 = tpu.memref_slice %arg4[%add3A_4, %dma_wait3A_87] : memref<163840x128xf32, #tpu.memory_space<hbm>> -> memref<512x128xf32, #tpu.memory_space<hbm>>
      tpu.wait_dma2 semaphore(%run_scoped3A : memref<!tpu.dma_semaphore, #tpu.memory_space<semaphore_mem>>) src(%arg6 : memref<512x128xf32, #tpu.memory_space<vmem>>) dst(%dma_wait3A_88 : memref<512x128xf32, #tpu.memory_space<hbm>>)
      tpu.yield
    }) : () -> ()
    %add3A_9 = arith.constant 512 : i32
    %add3A_10 = arith.addi %mul3A_2, %add3A_9 : i32
    "tpu.region"() ({
      %run_scoped3A = tpu.sem_alloc : memref<!tpu.dma_semaphore, #tpu.memory_space<semaphore_mem>>
      %dma_start3A_81 = tpu.memref_slice %arg3[%add3A_10] : memref<163840xi32, #tpu.memory_space<hbm>> -> memref<512xi32, #tpu.memory_space<hbm>>
      %dma_start3A_82 = tpu.memref_slice %arg3[%add3A_10] : memref<163840xi32, #tpu.memory_space<hbm>> -> memref<512xi32, #tpu.memory_space<hbm>>
      tpu.enqueue_dma source(%dma_start3A_82 : memref<512xi32, #tpu.memory_space<hbm>>) target(%arg5 : memref<512xi32, #tpu.memory_space<vmem>>) target_semaphore(%run_scoped3A : memref<!tpu.dma_semaphore, #tpu.memory_space<semaphore_mem>>)
      %dma_wait3A_83 = tpu.memref_slice %arg3[%add3A_10] : memref<163840xi32, #tpu.memory_space<hbm>> -> memref<512xi32, #tpu.memory_space<hbm>>
      %dma_wait3A_84 = tpu.memref_slice %arg3[%add3A_10] : memref<163840xi32, #tpu.memory_space<hbm>> -> memref<512xi32, #tpu.memory_space<hbm>>
      tpu.wait_dma2 semaphore(%run_scoped3A : memref<!tpu.dma_semaphore, #tpu.memory_space<semaphore_mem>>) src(%dma_wait3A_84 : memref<512xi32, #tpu.memory_space<hbm>>) dst(%arg5 : memref<512xi32, #tpu.memory_space<vmem>>)
      tpu.yield
    }) : () -> ()
    %dma_start3A_11 = arith.constant 0 : i32
    %dma_start3A_12 = arith.constant 0 : i32
    %dma_start3A_13 = tpu.memref_slice %arg2[%dma_start3A_11, %dma_start3A_12] : memref<8192x128xf32, #tpu.memory_space<hbm>> -> memref<8192x128xf32, #tpu.memory_space<hbm>>
    tpu.enqueue_indirect_dma source(%dma_start3A_13 : memref<8192x128xf32, #tpu.memory_space<hbm>>) target(%arg6 : memref<512x128xf32, #tpu.memory_space<vmem>>) offsets(%arg5 : memref<512xi32, #tpu.memory_space<vmem>>) semaphore(%arg7 : memref<!tpu.dma_semaphore, #tpu.memory_space<semaphore_mem>>)
    %dma_wait3A_14 = arith.constant 0 : i32
    %dma_wait3A_15 = arith.constant 0 : i32
    %dma_wait3A_16 = tpu.memref_slice %arg2[%dma_wait3A_14, %dma_wait3A_15] : memref<8192x128xf32, #tpu.memory_space<hbm>> -> memref<8192x128xf32, #tpu.memory_space<hbm>>
    tpu.wait_indirect_dma semaphore(%arg7 : memref<!tpu.dma_semaphore, #tpu.memory_space<semaphore_mem>>) src(%dma_wait3A_16 : memref<8192x128xf32, #tpu.memory_space<hbm>>) dst(%arg6 : memref<512x128xf32, #tpu.memory_space<vmem>>)
    "tpu.region"() ({
      %run_scoped3A = tpu.sem_alloc : memref<!tpu.dma_semaphore, #tpu.memory_space<semaphore_mem>>
      %dma_start3A_81 = arith.constant 0 : i32
      %dma_start3A_82 = tpu.memref_slice %arg4[%add3A_10, %dma_start3A_81] : memref<163840x128xf32, #tpu.memory_space<hbm>> -> memref<512x128xf32, #tpu.memory_space<hbm>>
      %dma_start3A_83 = arith.constant 0 : i32
      %dma_start3A_84 = tpu.memref_slice %arg4[%add3A_10, %dma_start3A_83] : memref<163840x128xf32, #tpu.memory_space<hbm>> -> memref<512x128xf32, #tpu.memory_space<hbm>>
      tpu.enqueue_dma source(%arg6 : memref<512x128xf32, #tpu.memory_space<vmem>>) target(%dma_start3A_84 : memref<512x128xf32, #tpu.memory_space<hbm>>) target_semaphore(%run_scoped3A : memref<!tpu.dma_semaphore, #tpu.memory_space<semaphore_mem>>)
      %dma_wait3A_85 = arith.constant 0 : i32
      %dma_wait3A_86 = tpu.memref_slice %arg4[%add3A_10, %dma_wait3A_85] : memref<163840x128xf32, #tpu.memory_space<hbm>> -> memref<512x128xf32, #tpu.memory_space<hbm>>
      %dma_wait3A_87 = arith.constant 0 : i32
      %dma_wait3A_88 = tpu.memref_slice %arg4[%add3A_10, %dma_wait3A_87] : memref<163840x128xf32, #tpu.memory_space<hbm>> -> memref<512x128xf32, #tpu.memory_space<hbm>>
      tpu.wait_dma2 semaphore(%run_scoped3A : memref<!tpu.dma_semaphore, #tpu.memory_space<semaphore_mem>>) src(%arg6 : memref<512x128xf32, #tpu.memory_space<vmem>>) dst(%dma_wait3A_88 : memref<512x128xf32, #tpu.memory_space<hbm>>)
      tpu.yield
    }) : () -> ()
    %add3A_17 = arith.constant 1024 : i32
    %add3A_18 = arith.addi %mul3A_2, %add3A_17 : i32
    "tpu.region"() ({
      %run_scoped3A = tpu.sem_alloc : memref<!tpu.dma_semaphore, #tpu.memory_space<semaphore_mem>>
      %dma_start3A_81 = tpu.memref_slice %arg3[%add3A_18] : memref<163840xi32, #tpu.memory_space<hbm>> -> memref<512xi32, #tpu.memory_space<hbm>>
      %dma_start3A_82 = tpu.memref_slice %arg3[%add3A_18] : memref<163840xi32, #tpu.memory_space<hbm>> -> memref<512xi32, #tpu.memory_space<hbm>>
      tpu.enqueue_dma source(%dma_start3A_82 : memref<512xi32, #tpu.memory_space<hbm>>) target(%arg5 : memref<512xi32, #tpu.memory_space<vmem>>) target_semaphore(%run_scoped3A : memref<!tpu.dma_semaphore, #tpu.memory_space<semaphore_mem>>)
      %dma_wait3A_83 = tpu.memref_slice %arg3[%add3A_18] : memref<163840xi32, #tpu.memory_space<hbm>> -> memref<512xi32, #tpu.memory_space<hbm>>
      %dma_wait3A_84 = tpu.memref_slice %arg3[%add3A_18] : memref<163840xi32, #tpu.memory_space<hbm>> -> memref<512xi32, #tpu.memory_space<hbm>>
      tpu.wait_dma2 semaphore(%run_scoped3A : memref<!tpu.dma_semaphore, #tpu.memory_space<semaphore_mem>>) src(%dma_wait3A_84 : memref<512xi32, #tpu.memory_space<hbm>>) dst(%arg5 : memref<512xi32, #tpu.memory_space<vmem>>)
      tpu.yield
    }) : () -> ()
    %dma_start3A_19 = arith.constant 0 : i32
    %dma_start3A_20 = arith.constant 0 : i32
    %dma_start3A_21 = tpu.memref_slice %arg2[%dma_start3A_19, %dma_start3A_20] : memref<8192x128xf32, #tpu.memory_space<hbm>> -> memref<8192x128xf32, #tpu.memory_space<hbm>>
    tpu.enqueue_indirect_dma source(%dma_start3A_21 : memref<8192x128xf32, #tpu.memory_space<hbm>>) target(%arg6 : memref<512x128xf32, #tpu.memory_space<vmem>>) offsets(%arg5 : memref<512xi32, #tpu.memory_space<vmem>>) semaphore(%arg7 : memref<!tpu.dma_semaphore, #tpu.memory_space<semaphore_mem>>)
    %dma_wait3A_22 = arith.constant 0 : i32
    %dma_wait3A_23 = arith.constant 0 : i32
    %dma_wait3A_24 = tpu.memref_slice %arg2[%dma_wait3A_22, %dma_wait3A_23] : memref<8192x128xf32, #tpu.memory_space<hbm>> -> memref<8192x128xf32, #tpu.memory_space<hbm>>
    tpu.wait_indirect_dma semaphore(%arg7 : memref<!tpu.dma_semaphore, #tpu.memory_space<semaphore_mem>>) src(%dma_wait3A_24 : memref<8192x128xf32, #tpu.memory_space<hbm>>) dst(%arg6 : memref<512x128xf32, #tpu.memory_space<vmem>>)
    "tpu.region"() ({
      %run_scoped3A = tpu.sem_alloc : memref<!tpu.dma_semaphore, #tpu.memory_space<semaphore_mem>>
      %dma_start3A_81 = arith.constant 0 : i32
      %dma_start3A_82 = tpu.memref_slice %arg4[%add3A_18, %dma_start3A_81] : memref<163840x128xf32, #tpu.memory_space<hbm>> -> memref<512x128xf32, #tpu.memory_space<hbm>>
      %dma_start3A_83 = arith.constant 0 : i32
      %dma_start3A_84 = tpu.memref_slice %arg4[%add3A_18, %dma_start3A_83] : memref<163840x128xf32, #tpu.memory_space<hbm>> -> memref<512x128xf32, #tpu.memory_space<hbm>>
      tpu.enqueue_dma source(%arg6 : memref<512x128xf32, #tpu.memory_space<vmem>>) target(%dma_start3A_84 : memref<512x128xf32, #tpu.memory_space<hbm>>) target_semaphore(%run_scoped3A : memref<!tpu.dma_semaphore, #tpu.memory_space<semaphore_mem>>)
      %dma_wait3A_85 = arith.constant 0 : i32
      %dma_wait3A_86 = tpu.memref_slice %arg4[%add3A_18, %dma_wait3A_85] : memref<163840x128xf32, #tpu.memory_space<hbm>> -> memref<512x128xf32, #tpu.memory_space<hbm>>
      %dma_wait3A_87 = arith.constant 0 : i32
      %dma_wait3A_88 = tpu.memref_slice %arg4[%add3A_18, %dma_wait3A_87] : memref<163840x128xf32, #tpu.memory_space<hbm>> -> memref<512x128xf32, #tpu.memory_space<hbm>>
      tpu.wait_dma2 semaphore(%run_scoped3A : memref<!tpu.dma_semaphore, #tpu.memory_space<semaphore_mem>>) src(%arg6 : memref<512x128xf32, #tpu.memory_space<vmem>>) dst(%dma_wait3A_88 : memref<512x128xf32, #tpu.memory_space<hbm>>)
      tpu.yield
    }) : () -> ()
    %add3A_25 = arith.constant 1536 : i32
    %add3A_26 = arith.addi %mul3A_2, %add3A_25 : i32
    "tpu.region"() ({
      %run_scoped3A = tpu.sem_alloc : memref<!tpu.dma_semaphore, #tpu.memory_space<semaphore_mem>>
      %dma_start3A_81 = tpu.memref_slice %arg3[%add3A_26] : memref<163840xi32, #tpu.memory_space<hbm>> -> memref<512xi32, #tpu.memory_space<hbm>>
      %dma_start3A_82 = tpu.memref_slice %arg3[%add3A_26] : memref<163840xi32, #tpu.memory_space<hbm>> -> memref<512xi32, #tpu.memory_space<hbm>>
      tpu.enqueue_dma source(%dma_start3A_82 : memref<512xi32, #tpu.memory_space<hbm>>) target(%arg5 : memref<512xi32, #tpu.memory_space<vmem>>) target_semaphore(%run_scoped3A : memref<!tpu.dma_semaphore, #tpu.memory_space<semaphore_mem>>)
      %dma_wait3A_83 = tpu.memref_slice %arg3[%add3A_26] : memref<163840xi32, #tpu.memory_space<hbm>> -> memref<512xi32, #tpu.memory_space<hbm>>
      %dma_wait3A_84 = tpu.memref_slice %arg3[%add3A_26] : memref<163840xi32, #tpu.memory_space<hbm>> -> memref<512xi32, #tpu.memory_space<hbm>>
      tpu.wait_dma2 semaphore(%run_scoped3A : memref<!tpu.dma_semaphore, #tpu.memory_space<semaphore_mem>>) src(%dma_wait3A_84 : memref<512xi32, #tpu.memory_space<hbm>>) dst(%arg5 : memref<512xi32, #tpu.memory_space<vmem>>)
      tpu.yield
    }) : () -> ()
    %dma_start3A_27 = arith.constant 0 : i32
    %dma_start3A_28 = arith.constant 0 : i32
    %dma_start3A_29 = tpu.memref_slice %arg2[%dma_start3A_27, %dma_start3A_28] : memref<8192x128xf32, #tpu.memory_space<hbm>> -> memref<8192x128xf32, #tpu.memory_space<hbm>>
    tpu.enqueue_indirect_dma source(%dma_start3A_29 : memref<8192x128xf32, #tpu.memory_space<hbm>>) target(%arg6 : memref<512x128xf32, #tpu.memory_space<vmem>>) offsets(%arg5 : memref<512xi32, #tpu.memory_space<vmem>>) semaphore(%arg7 : memref<!tpu.dma_semaphore, #tpu.memory_space<semaphore_mem>>)
    %dma_wait3A_30 = arith.constant 0 : i32
    %dma_wait3A_31 = arith.constant 0 : i32
    %dma_wait3A_32 = tpu.memref_slice %arg2[%dma_wait3A_30, %dma_wait3A_31] : memref<8192x128xf32, #tpu.memory_space<hbm>> -> memref<8192x128xf32, #tpu.memory_space<hbm>>
    tpu.wait_indirect_dma semaphore(%arg7 : memref<!tpu.dma_semaphore, #tpu.memory_space<semaphore_mem>>) src(%dma_wait3A_32 : memref<8192x128xf32, #tpu.memory_space<hbm>>) dst(%arg6 : memref<512x128xf32, #tpu.memory_space<vmem>>)
    "tpu.region"() ({
      %run_scoped3A = tpu.sem_alloc : memref<!tpu.dma_semaphore, #tpu.memory_space<semaphore_mem>>
      %dma_start3A_81 = arith.constant 0 : i32
      %dma_start3A_82 = tpu.memref_slice %arg4[%add3A_26, %dma_start3A_81] : memref<163840x128xf32, #tpu.memory_space<hbm>> -> memref<512x128xf32, #tpu.memory_space<hbm>>
      %dma_start3A_83 = arith.constant 0 : i32
      %dma_start3A_84 = tpu.memref_slice %arg4[%add3A_26, %dma_start3A_83] : memref<163840x128xf32, #tpu.memory_space<hbm>> -> memref<512x128xf32, #tpu.memory_space<hbm>>
      tpu.enqueue_dma source(%arg6 : memref<512x128xf32, #tpu.memory_space<vmem>>) target(%dma_start3A_84 : memref<512x128xf32, #tpu.memory_space<hbm>>) target_semaphore(%run_scoped3A : memref<!tpu.dma_semaphore, #tpu.memory_space<semaphore_mem>>)
      %dma_wait3A_85 = arith.constant 0 : i32
      %dma_wait3A_86 = tpu.memref_slice %arg4[%add3A_26, %dma_wait3A_85] : memref<163840x128xf32, #tpu.memory_space<hbm>> -> memref<512x128xf32, #tpu.memory_space<hbm>>
      %dma_wait3A_87 = arith.constant 0 : i32
      %dma_wait3A_88 = tpu.memref_slice %arg4[%add3A_26, %dma_wait3A_87] : memref<163840x128xf32, #tpu.memory_space<hbm>> -> memref<512x128xf32, #tpu.memory_space<hbm>>
      tpu.wait_dma2 semaphore(%run_scoped3A : memref<!tpu.dma_semaphore, #tpu.memory_space<semaphore_mem>>) src(%arg6 : memref<512x128xf32, #tpu.memory_space<vmem>>) dst(%dma_wait3A_88 : memref<512x128xf32, #tpu.memory_space<hbm>>)
      tpu.yield
    }) : () -> ()
    %add3A_33 = arith.constant 2048 : i32
    %add3A_34 = arith.addi %mul3A_2, %add3A_33 : i32
    "tpu.region"() ({
      %run_scoped3A = tpu.sem_alloc : memref<!tpu.dma_semaphore, #tpu.memory_space<semaphore_mem>>
      %dma_start3A_81 = tpu.memref_slice %arg3[%add3A_34] : memref<163840xi32, #tpu.memory_space<hbm>> -> memref<512xi32, #tpu.memory_space<hbm>>
      %dma_start3A_82 = tpu.memref_slice %arg3[%add3A_34] : memref<163840xi32, #tpu.memory_space<hbm>> -> memref<512xi32, #tpu.memory_space<hbm>>
      tpu.enqueue_dma source(%dma_start3A_82 : memref<512xi32, #tpu.memory_space<hbm>>) target(%arg5 : memref<512xi32, #tpu.memory_space<vmem>>) target_semaphore(%run_scoped3A : memref<!tpu.dma_semaphore, #tpu.memory_space<semaphore_mem>>)
      %dma_wait3A_83 = tpu.memref_slice %arg3[%add3A_34] : memref<163840xi32, #tpu.memory_space<hbm>> -> memref<512xi32, #tpu.memory_space<hbm>>
      %dma_wait3A_84 = tpu.memref_slice %arg3[%add3A_34] : memref<163840xi32, #tpu.memory_space<hbm>> -> memref<512xi32, #tpu.memory_space<hbm>>
      tpu.wait_dma2 semaphore(%run_scoped3A : memref<!tpu.dma_semaphore, #tpu.memory_space<semaphore_mem>>) src(%dma_wait3A_84 : memref<512xi32, #tpu.memory_space<hbm>>) dst(%arg5 : memref<512xi32, #tpu.memory_space<vmem>>)
      tpu.yield
    }) : () -> ()
    %dma_start3A_35 = arith.constant 0 : i32
    %dma_start3A_36 = arith.constant 0 : i32
    %dma_start3A_37 = tpu.memref_slice %arg2[%dma_start3A_35, %dma_start3A_36] : memref<8192x128xf32, #tpu.memory_space<hbm>> -> memref<8192x128xf32, #tpu.memory_space<hbm>>
    tpu.enqueue_indirect_dma source(%dma_start3A_37 : memref<8192x128xf32, #tpu.memory_space<hbm>>) target(%arg6 : memref<512x128xf32, #tpu.memory_space<vmem>>) offsets(%arg5 : memref<512xi32, #tpu.memory_space<vmem>>) semaphore(%arg7 : memref<!tpu.dma_semaphore, #tpu.memory_space<semaphore_mem>>)
    %dma_wait3A_38 = arith.constant 0 : i32
    %dma_wait3A_39 = arith.constant 0 : i32
    %dma_wait3A_40 = tpu.memref_slice %arg2[%dma_wait3A_38, %dma_wait3A_39] : memref<8192x128xf32, #tpu.memory_space<hbm>> -> memref<8192x128xf32, #tpu.memory_space<hbm>>
    tpu.wait_indirect_dma semaphore(%arg7 : memref<!tpu.dma_semaphore, #tpu.memory_space<semaphore_mem>>) src(%dma_wait3A_40 : memref<8192x128xf32, #tpu.memory_space<hbm>>) dst(%arg6 : memref<512x128xf32, #tpu.memory_space<vmem>>)
    "tpu.region"() ({
      %run_scoped3A = tpu.sem_alloc : memref<!tpu.dma_semaphore, #tpu.memory_space<semaphore_mem>>
      %dma_start3A_81 = arith.constant 0 : i32
      %dma_start3A_82 = tpu.memref_slice %arg4[%add3A_34, %dma_start3A_81] : memref<163840x128xf32, #tpu.memory_space<hbm>> -> memref<512x128xf32, #tpu.memory_space<hbm>>
      %dma_start3A_83 = arith.constant 0 : i32
      %dma_start3A_84 = tpu.memref_slice %arg4[%add3A_34, %dma_start3A_83] : memref<163840x128xf32, #tpu.memory_space<hbm>> -> memref<512x128xf32, #tpu.memory_space<hbm>>
      tpu.enqueue_dma source(%arg6 : memref<512x128xf32, #tpu.memory_space<vmem>>) target(%dma_start3A_84 : memref<512x128xf32, #tpu.memory_space<hbm>>) target_semaphore(%run_scoped3A : memref<!tpu.dma_semaphore, #tpu.memory_space<semaphore_mem>>)
      %dma_wait3A_85 = arith.constant 0 : i32
      %dma_wait3A_86 = tpu.memref_slice %arg4[%add3A_34, %dma_wait3A_85] : memref<163840x128xf32, #tpu.memory_space<hbm>> -> memref<512x128xf32, #tpu.memory_space<hbm>>
      %dma_wait3A_87 = arith.constant 0 : i32
      %dma_wait3A_88 = tpu.memref_slice %arg4[%add3A_34, %dma_wait3A_87] : memref<163840x128xf32, #tpu.memory_space<hbm>> -> memref<512x128xf32, #tpu.memory_space<hbm>>
      tpu.wait_dma2 semaphore(%run_scoped3A : memref<!tpu.dma_semaphore, #tpu.memory_space<semaphore_mem>>) src(%arg6 : memref<512x128xf32, #tpu.memory_space<vmem>>) dst(%dma_wait3A_88 : memref<512x128xf32, #tpu.memory_space<hbm>>)
      tpu.yield
    }) : () -> ()
    %add3A_41 = arith.constant 2560 : i32
    %add3A_42 = arith.addi %mul3A_2, %add3A_41 : i32
    "tpu.region"() ({
      %run_scoped3A = tpu.sem_alloc : memref<!tpu.dma_semaphore, #tpu.memory_space<semaphore_mem>>
      %dma_start3A_81 = tpu.memref_slice %arg3[%add3A_42] : memref<163840xi32, #tpu.memory_space<hbm>> -> memref<512xi32, #tpu.memory_space<hbm>>
      %dma_start3A_82 = tpu.memref_slice %arg3[%add3A_42] : memref<163840xi32, #tpu.memory_space<hbm>> -> memref<512xi32, #tpu.memory_space<hbm>>
      tpu.enqueue_dma source(%dma_start3A_82 : memref<512xi32, #tpu.memory_space<hbm>>) target(%arg5 : memref<512xi32, #tpu.memory_space<vmem>>) target_semaphore(%run_scoped3A : memref<!tpu.dma_semaphore, #tpu.memory_space<semaphore_mem>>)
      %dma_wait3A_83 = tpu.memref_slice %arg3[%add3A_42] : memref<163840xi32, #tpu.memory_space<hbm>> -> memref<512xi32, #tpu.memory_space<hbm>>
      %dma_wait3A_84 = tpu.memref_slice %arg3[%add3A_42] : memref<163840xi32, #tpu.memory_space<hbm>> -> memref<512xi32, #tpu.memory_space<hbm>>
      tpu.wait_dma2 semaphore(%run_scoped3A : memref<!tpu.dma_semaphore, #tpu.memory_space<semaphore_mem>>) src(%dma_wait3A_84 : memref<512xi32, #tpu.memory_space<hbm>>) dst(%arg5 : memref<512xi32, #tpu.memory_space<vmem>>)
      tpu.yield
    }) : () -> ()
    %dma_start3A_43 = arith.constant 0 : i32
    %dma_start3A_44 = arith.constant 0 : i32
    %dma_start3A_45 = tpu.memref_slice %arg2[%dma_start3A_43, %dma_start3A_44] : memref<8192x128xf32, #tpu.memory_space<hbm>> -> memref<8192x128xf32, #tpu.memory_space<hbm>>
    tpu.enqueue_indirect_dma source(%dma_start3A_45 : memref<8192x128xf32, #tpu.memory_space<hbm>>) target(%arg6 : memref<512x128xf32, #tpu.memory_space<vmem>>) offsets(%arg5 : memref<512xi32, #tpu.memory_space<vmem>>) semaphore(%arg7 : memref<!tpu.dma_semaphore, #tpu.memory_space<semaphore_mem>>)
    %dma_wait3A_46 = arith.constant 0 : i32
    %dma_wait3A_47 = arith.constant 0 : i32
    %dma_wait3A_48 = tpu.memref_slice %arg2[%dma_wait3A_46, %dma_wait3A_47] : memref<8192x128xf32, #tpu.memory_space<hbm>> -> memref<8192x128xf32, #tpu.memory_space<hbm>>
    tpu.wait_indirect_dma semaphore(%arg7 : memref<!tpu.dma_semaphore, #tpu.memory_space<semaphore_mem>>) src(%dma_wait3A_48 : memref<8192x128xf32, #tpu.memory_space<hbm>>) dst(%arg6 : memref<512x128xf32, #tpu.memory_space<vmem>>)
    "tpu.region"() ({
      %run_scoped3A = tpu.sem_alloc : memref<!tpu.dma_semaphore, #tpu.memory_space<semaphore_mem>>
      %dma_start3A_81 = arith.constant 0 : i32
      %dma_start3A_82 = tpu.memref_slice %arg4[%add3A_42, %dma_start3A_81] : memref<163840x128xf32, #tpu.memory_space<hbm>> -> memref<512x128xf32, #tpu.memory_space<hbm>>
      %dma_start3A_83 = arith.constant 0 : i32
      %dma_start3A_84 = tpu.memref_slice %arg4[%add3A_42, %dma_start3A_83] : memref<163840x128xf32, #tpu.memory_space<hbm>> -> memref<512x128xf32, #tpu.memory_space<hbm>>
      tpu.enqueue_dma source(%arg6 : memref<512x128xf32, #tpu.memory_space<vmem>>) target(%dma_start3A_84 : memref<512x128xf32, #tpu.memory_space<hbm>>) target_semaphore(%run_scoped3A : memref<!tpu.dma_semaphore, #tpu.memory_space<semaphore_mem>>)
      %dma_wait3A_85 = arith.constant 0 : i32
      %dma_wait3A_86 = tpu.memref_slice %arg4[%add3A_42, %dma_wait3A_85] : memref<163840x128xf32, #tpu.memory_space<hbm>> -> memref<512x128xf32, #tpu.memory_space<hbm>>
      %dma_wait3A_87 = arith.constant 0 : i32
      %dma_wait3A_88 = tpu.memref_slice %arg4[%add3A_42, %dma_wait3A_87] : memref<163840x128xf32, #tpu.memory_space<hbm>> -> memref<512x128xf32, #tpu.memory_space<hbm>>
      tpu.wait_dma2 semaphore(%run_scoped3A : memref<!tpu.dma_semaphore, #tpu.memory_space<semaphore_mem>>) src(%arg6 : memref<512x128xf32, #tpu.memory_space<vmem>>) dst(%dma_wait3A_88 : memref<512x128xf32, #tpu.memory_space<hbm>>)
      tpu.yield
    }) : () -> ()
    %add3A_49 = arith.constant 3072 : i32
    %add3A_50 = arith.addi %mul3A_2, %add3A_49 : i32
    "tpu.region"() ({
      %run_scoped3A = tpu.sem_alloc : memref<!tpu.dma_semaphore, #tpu.memory_space<semaphore_mem>>
      %dma_start3A_81 = tpu.memref_slice %arg3[%add3A_50] : memref<163840xi32, #tpu.memory_space<hbm>> -> memref<512xi32, #tpu.memory_space<hbm>>
      %dma_start3A_82 = tpu.memref_slice %arg3[%add3A_50] : memref<163840xi32, #tpu.memory_space<hbm>> -> memref<512xi32, #tpu.memory_space<hbm>>
      tpu.enqueue_dma source(%dma_start3A_82 : memref<512xi32, #tpu.memory_space<hbm>>) target(%arg5 : memref<512xi32, #tpu.memory_space<vmem>>) target_semaphore(%run_scoped3A : memref<!tpu.dma_semaphore, #tpu.memory_space<semaphore_mem>>)
      %dma_wait3A_83 = tpu.memref_slice %arg3[%add3A_50] : memref<163840xi32, #tpu.memory_space<hbm>> -> memref<512xi32, #tpu.memory_space<hbm>>
      %dma_wait3A_84 = tpu.memref_slice %arg3[%add3A_50] : memref<163840xi32, #tpu.memory_space<hbm>> -> memref<512xi32, #tpu.memory_space<hbm>>
      tpu.wait_dma2 semaphore(%run_scoped3A : memref<!tpu.dma_semaphore, #tpu.memory_space<semaphore_mem>>) src(%dma_wait3A_84 : memref<512xi32, #tpu.memory_space<hbm>>) dst(%arg5 : memref<512xi32, #tpu.memory_space<vmem>>)
      tpu.yield
    }) : () -> ()
    %dma_start3A_51 = arith.constant 0 : i32
    %dma_start3A_52 = arith.constant 0 : i32
    %dma_start3A_53 = tpu.memref_slice %arg2[%dma_start3A_51, %dma_start3A_52] : memref<8192x128xf32, #tpu.memory_space<hbm>> -> memref<8192x128xf32, #tpu.memory_space<hbm>>
    tpu.enqueue_indirect_dma source(%dma_start3A_53 : memref<8192x128xf32, #tpu.memory_space<hbm>>) target(%arg6 : memref<512x128xf32, #tpu.memory_space<vmem>>) offsets(%arg5 : memref<512xi32, #tpu.memory_space<vmem>>) semaphore(%arg7 : memref<!tpu.dma_semaphore, #tpu.memory_space<semaphore_mem>>)
    %dma_wait3A_54 = arith.constant 0 : i32
    %dma_wait3A_55 = arith.constant 0 : i32
    %dma_wait3A_56 = tpu.memref_slice %arg2[%dma_wait3A_54, %dma_wait3A_55] : memref<8192x128xf32, #tpu.memory_space<hbm>> -> memref<8192x128xf32, #tpu.memory_space<hbm>>
    tpu.wait_indirect_dma semaphore(%arg7 : memref<!tpu.dma_semaphore, #tpu.memory_space<semaphore_mem>>) src(%dma_wait3A_56 : memref<8192x128xf32, #tpu.memory_space<hbm>>) dst(%arg6 : memref<512x128xf32, #tpu.memory_space<vmem>>)
    "tpu.region"() ({
      %run_scoped3A = tpu.sem_alloc : memref<!tpu.dma_semaphore, #tpu.memory_space<semaphore_mem>>
      %dma_start3A_81 = arith.constant 0 : i32
      %dma_start3A_82 = tpu.memref_slice %arg4[%add3A_50, %dma_start3A_81] : memref<163840x128xf32, #tpu.memory_space<hbm>> -> memref<512x128xf32, #tpu.memory_space<hbm>>
      %dma_start3A_83 = arith.constant 0 : i32
      %dma_start3A_84 = tpu.memref_slice %arg4[%add3A_50, %dma_start3A_83] : memref<163840x128xf32, #tpu.memory_space<hbm>> -> memref<512x128xf32, #tpu.memory_space<hbm>>
      tpu.enqueue_dma source(%arg6 : memref<512x128xf32, #tpu.memory_space<vmem>>) target(%dma_start3A_84 : memref<512x128xf32, #tpu.memory_space<hbm>>) target_semaphore(%run_scoped3A : memref<!tpu.dma_semaphore, #tpu.memory_space<semaphore_mem>>)
      %dma_wait3A_85 = arith.constant 0 : i32
      %dma_wait3A_86 = tpu.memref_slice %arg4[%add3A_50, %dma_wait3A_85] : memref<163840x128xf32, #tpu.memory_space<hbm>> -> memref<512x128xf32, #tpu.memory_space<hbm>>
      %dma_wait3A_87 = arith.constant 0 : i32
      %dma_wait3A_88 = tpu.memref_slice %arg4[%add3A_50, %dma_wait3A_87] : memref<163840x128xf32, #tpu.memory_space<hbm>> -> memref<512x128xf32, #tpu.memory_space<hbm>>
      tpu.wait_dma2 semaphore(%run_scoped3A : memref<!tpu.dma_semaphore, #tpu.memory_space<semaphore_mem>>) src(%arg6 : memref<512x128xf32, #tpu.memory_space<vmem>>) dst(%dma_wait3A_88 : memref<512x128xf32, #tpu.memory_space<hbm>>)
      tpu.yield
    }) : () -> ()
    %add3A_57 = arith.constant 3584 : i32
    %add3A_58 = arith.addi %mul3A_2, %add3A_57 : i32
    "tpu.region"() ({
      %run_scoped3A = tpu.sem_alloc : memref<!tpu.dma_semaphore, #tpu.memory_space<semaphore_mem>>
      %dma_start3A_81 = tpu.memref_slice %arg3[%add3A_58] : memref<163840xi32, #tpu.memory_space<hbm>> -> memref<512xi32, #tpu.memory_space<hbm>>
      %dma_start3A_82 = tpu.memref_slice %arg3[%add3A_58] : memref<163840xi32, #tpu.memory_space<hbm>> -> memref<512xi32, #tpu.memory_space<hbm>>
      tpu.enqueue_dma source(%dma_start3A_82 : memref<512xi32, #tpu.memory_space<hbm>>) target(%arg5 : memref<512xi32, #tpu.memory_space<vmem>>) target_semaphore(%run_scoped3A : memref<!tpu.dma_semaphore, #tpu.memory_space<semaphore_mem>>)
      %dma_wait3A_83 = tpu.memref_slice %arg3[%add3A_58] : memref<163840xi32, #tpu.memory_space<hbm>> -> memref<512xi32, #tpu.memory_space<hbm>>
      %dma_wait3A_84 = tpu.memref_slice %arg3[%add3A_58] : memref<163840xi32, #tpu.memory_space<hbm>> -> memref<512xi32, #tpu.memory_space<hbm>>
      tpu.wait_dma2 semaphore(%run_scoped3A : memref<!tpu.dma_semaphore, #tpu.memory_space<semaphore_mem>>) src(%dma_wait3A_84 : memref<512xi32, #tpu.memory_space<hbm>>) dst(%arg5 : memref<512xi32, #tpu.memory_space<vmem>>)
      tpu.yield
    }) : () -> ()
    %dma_start3A_59 = arith.constant 0 : i32
    %dma_start3A_60 = arith.constant 0 : i32
    %dma_start3A_61 = tpu.memref_slice %arg2[%dma_start3A_59, %dma_start3A_60] : memref<8192x128xf32, #tpu.memory_space<hbm>> -> memref<8192x128xf32, #tpu.memory_space<hbm>>
    tpu.enqueue_indirect_dma source(%dma_start3A_61 : memref<8192x128xf32, #tpu.memory_space<hbm>>) target(%arg6 : memref<512x128xf32, #tpu.memory_space<vmem>>) offsets(%arg5 : memref<512xi32, #tpu.memory_space<vmem>>) semaphore(%arg7 : memref<!tpu.dma_semaphore, #tpu.memory_space<semaphore_mem>>)
    %dma_wait3A_62 = arith.constant 0 : i32
    %dma_wait3A_63 = arith.constant 0 : i32
    %dma_wait3A_64 = tpu.memref_slice %arg2[%dma_wait3A_62, %dma_wait3A_63] : memref<8192x128xf32, #tpu.memory_space<hbm>> -> memref<8192x128xf32, #tpu.memory_space<hbm>>
    tpu.wait_indirect_dma semaphore(%arg7 : memref<!tpu.dma_semaphore, #tpu.memory_space<semaphore_mem>>) src(%dma_wait3A_64 : memref<8192x128xf32, #tpu.memory_space<hbm>>) dst(%arg6 : memref<512x128xf32, #tpu.memory_space<vmem>>)
    "tpu.region"() ({
      %run_scoped3A = tpu.sem_alloc : memref<!tpu.dma_semaphore, #tpu.memory_space<semaphore_mem>>
      %dma_start3A_81 = arith.constant 0 : i32
      %dma_start3A_82 = tpu.memref_slice %arg4[%add3A_58, %dma_start3A_81] : memref<163840x128xf32, #tpu.memory_space<hbm>> -> memref<512x128xf32, #tpu.memory_space<hbm>>
      %dma_start3A_83 = arith.constant 0 : i32
      %dma_start3A_84 = tpu.memref_slice %arg4[%add3A_58, %dma_start3A_83] : memref<163840x128xf32, #tpu.memory_space<hbm>> -> memref<512x128xf32, #tpu.memory_space<hbm>>
      tpu.enqueue_dma source(%arg6 : memref<512x128xf32, #tpu.memory_space<vmem>>) target(%dma_start3A_84 : memref<512x128xf32, #tpu.memory_space<hbm>>) target_semaphore(%run_scoped3A : memref<!tpu.dma_semaphore, #tpu.memory_space<semaphore_mem>>)
      %dma_wait3A_85 = arith.constant 0 : i32
      %dma_wait3A_86 = tpu.memref_slice %arg4[%add3A_58, %dma_wait3A_85] : memref<163840x128xf32, #tpu.memory_space<hbm>> -> memref<512x128xf32, #tpu.memory_space<hbm>>
      %dma_wait3A_87 = arith.constant 0 : i32
      %dma_wait3A_88 = tpu.memref_slice %arg4[%add3A_58, %dma_wait3A_87] : memref<163840x128xf32, #tpu.memory_space<hbm>> -> memref<512x128xf32, #tpu.memory_space<hbm>>
      tpu.wait_dma2 semaphore(%run_scoped3A : memref<!tpu.dma_semaphore, #tpu.memory_space<semaphore_mem>>) src(%arg6 : memref<512x128xf32, #tpu.memory_space<vmem>>) dst(%dma_wait3A_88 : memref<512x128xf32, #tpu.memory_space<hbm>>)
      tpu.yield
    }) : () -> ()
    %add3A_65 = arith.constant 4096 : i32
    %add3A_66 = arith.addi %mul3A_2, %add3A_65 : i32
    "tpu.region"() ({
      %run_scoped3A = tpu.sem_alloc : memref<!tpu.dma_semaphore, #tpu.memory_space<semaphore_mem>>
      %dma_start3A_81 = tpu.memref_slice %arg3[%add3A_66] : memref<163840xi32, #tpu.memory_space<hbm>> -> memref<512xi32, #tpu.memory_space<hbm>>
      %dma_start3A_82 = tpu.memref_slice %arg3[%add3A_66] : memref<163840xi32, #tpu.memory_space<hbm>> -> memref<512xi32, #tpu.memory_space<hbm>>
      tpu.enqueue_dma source(%dma_start3A_82 : memref<512xi32, #tpu.memory_space<hbm>>) target(%arg5 : memref<512xi32, #tpu.memory_space<vmem>>) target_semaphore(%run_scoped3A : memref<!tpu.dma_semaphore, #tpu.memory_space<semaphore_mem>>)
      %dma_wait3A_83 = tpu.memref_slice %arg3[%add3A_66] : memref<163840xi32, #tpu.memory_space<hbm>> -> memref<512xi32, #tpu.memory_space<hbm>>
      %dma_wait3A_84 = tpu.memref_slice %arg3[%add3A_66] : memref<163840xi32, #tpu.memory_space<hbm>> -> memref<512xi32, #tpu.memory_space<hbm>>
      tpu.wait_dma2 semaphore(%run_scoped3A : memref<!tpu.dma_semaphore, #tpu.memory_space<semaphore_mem>>) src(%dma_wait3A_84 : memref<512xi32, #tpu.memory_space<hbm>>) dst(%arg5 : memref<512xi32, #tpu.memory_space<vmem>>)
      tpu.yield
    }) : () -> ()
    %dma_start3A_67 = arith.constant 0 : i32
    %dma_start3A_68 = arith.constant 0 : i32
    %dma_start3A_69 = tpu.memref_slice %arg2[%dma_start3A_67, %dma_start3A_68] : memref<8192x128xf32, #tpu.memory_space<hbm>> -> memref<8192x128xf32, #tpu.memory_space<hbm>>
    tpu.enqueue_indirect_dma source(%dma_start3A_69 : memref<8192x128xf32, #tpu.memory_space<hbm>>) target(%arg6 : memref<512x128xf32, #tpu.memory_space<vmem>>) offsets(%arg5 : memref<512xi32, #tpu.memory_space<vmem>>) semaphore(%arg7 : memref<!tpu.dma_semaphore, #tpu.memory_space<semaphore_mem>>)
    %dma_wait3A_70 = arith.constant 0 : i32
    %dma_wait3A_71 = arith.constant 0 : i32
    %dma_wait3A_72 = tpu.memref_slice %arg2[%dma_wait3A_70, %dma_wait3A_71] : memref<8192x128xf32, #tpu.memory_space<hbm>> -> memref<8192x128xf32, #tpu.memory_space<hbm>>
    tpu.wait_indirect_dma semaphore(%arg7 : memref<!tpu.dma_semaphore, #tpu.memory_space<semaphore_mem>>) src(%dma_wait3A_72 : memref<8192x128xf32, #tpu.memory_space<hbm>>) dst(%arg6 : memref<512x128xf32, #tpu.memory_space<vmem>>)
    "tpu.region"() ({
      %run_scoped3A = tpu.sem_alloc : memref<!tpu.dma_semaphore, #tpu.memory_space<semaphore_mem>>
      %dma_start3A_81 = arith.constant 0 : i32
      %dma_start3A_82 = tpu.memref_slice %arg4[%add3A_66, %dma_start3A_81] : memref<163840x128xf32, #tpu.memory_space<hbm>> -> memref<512x128xf32, #tpu.memory_space<hbm>>
      %dma_start3A_83 = arith.constant 0 : i32
      %dma_start3A_84 = tpu.memref_slice %arg4[%add3A_66, %dma_start3A_83] : memref<163840x128xf32, #tpu.memory_space<hbm>> -> memref<512x128xf32, #tpu.memory_space<hbm>>
      tpu.enqueue_dma source(%arg6 : memref<512x128xf32, #tpu.memory_space<vmem>>) target(%dma_start3A_84 : memref<512x128xf32, #tpu.memory_space<hbm>>) target_semaphore(%run_scoped3A : memref<!tpu.dma_semaphore, #tpu.memory_space<semaphore_mem>>)
      %dma_wait3A_85 = arith.constant 0 : i32
      %dma_wait3A_86 = tpu.memref_slice %arg4[%add3A_66, %dma_wait3A_85] : memref<163840x128xf32, #tpu.memory_space<hbm>> -> memref<512x128xf32, #tpu.memory_space<hbm>>
      %dma_wait3A_87 = arith.constant 0 : i32
      %dma_wait3A_88 = tpu.memref_slice %arg4[%add3A_66, %dma_wait3A_87] : memref<163840x128xf32, #tpu.memory_space<hbm>> -> memref<512x128xf32, #tpu.memory_space<hbm>>
      tpu.wait_dma2 semaphore(%run_scoped3A : memref<!tpu.dma_semaphore, #tpu.memory_space<semaphore_mem>>) src(%arg6 : memref<512x128xf32, #tpu.memory_space<vmem>>) dst(%dma_wait3A_88 : memref<512x128xf32, #tpu.memory_space<hbm>>)
      tpu.yield
    }) : () -> ()
    %add3A_73 = arith.constant 4608 : i32
    %add3A_74 = arith.addi %mul3A_2, %add3A_73 : i32
    "tpu.region"() ({
      %run_scoped3A = tpu.sem_alloc : memref<!tpu.dma_semaphore, #tpu.memory_space<semaphore_mem>>
      %dma_start3A_81 = tpu.memref_slice %arg3[%add3A_74] : memref<163840xi32, #tpu.memory_space<hbm>> -> memref<512xi32, #tpu.memory_space<hbm>>
      %dma_start3A_82 = tpu.memref_slice %arg3[%add3A_74] : memref<163840xi32, #tpu.memory_space<hbm>> -> memref<512xi32, #tpu.memory_space<hbm>>
      tpu.enqueue_dma source(%dma_start3A_82 : memref<512xi32, #tpu.memory_space<hbm>>) target(%arg5 : memref<512xi32, #tpu.memory_space<vmem>>) target_semaphore(%run_scoped3A : memref<!tpu.dma_semaphore, #tpu.memory_space<semaphore_mem>>)
      %dma_wait3A_83 = tpu.memref_slice %arg3[%add3A_74] : memref<163840xi32, #tpu.memory_space<hbm>> -> memref<512xi32, #tpu.memory_space<hbm>>
      %dma_wait3A_84 = tpu.memref_slice %arg3[%add3A_74] : memref<163840xi32, #tpu.memory_space<hbm>> -> memref<512xi32, #tpu.memory_space<hbm>>
      tpu.wait_dma2 semaphore(%run_scoped3A : memref<!tpu.dma_semaphore, #tpu.memory_space<semaphore_mem>>) src(%dma_wait3A_84 : memref<512xi32, #tpu.memory_space<hbm>>) dst(%arg5 : memref<512xi32, #tpu.memory_space<vmem>>)
      tpu.yield
    }) : () -> ()
    %dma_start3A_75 = arith.constant 0 : i32
    %dma_start3A_76 = arith.constant 0 : i32
    %dma_start3A_77 = tpu.memref_slice %arg2[%dma_start3A_75, %dma_start3A_76] : memref<8192x128xf32, #tpu.memory_space<hbm>> -> memref<8192x128xf32, #tpu.memory_space<hbm>>
    tpu.enqueue_indirect_dma source(%dma_start3A_77 : memref<8192x128xf32, #tpu.memory_space<hbm>>) target(%arg6 : memref<512x128xf32, #tpu.memory_space<vmem>>) offsets(%arg5 : memref<512xi32, #tpu.memory_space<vmem>>) semaphore(%arg7 : memref<!tpu.dma_semaphore, #tpu.memory_space<semaphore_mem>>)
    %dma_wait3A_78 = arith.constant 0 : i32
    %dma_wait3A_79 = arith.constant 0 : i32
    %dma_wait3A_80 = tpu.memref_slice %arg2[%dma_wait3A_78, %dma_wait3A_79] : memref<8192x128xf32, #tpu.memory_space<hbm>> -> memref<8192x128xf32, #tpu.memory_space<hbm>>
    tpu.wait_indirect_dma semaphore(%arg7 : memref<!tpu.dma_semaphore, #tpu.memory_space<semaphore_mem>>) src(%dma_wait3A_80 : memref<8192x128xf32, #tpu.memory_space<hbm>>) dst(%arg6 : memref<512x128xf32, #tpu.memory_space<vmem>>)
    "tpu.region"() ({
      %run_scoped3A = tpu.sem_alloc : memref<!tpu.dma_semaphore, #tpu.memory_space<semaphore_mem>>
      %dma_start3A_81 = arith.constant 0 : i32
      %dma_start3A_82 = tpu.memref_slice %arg4[%add3A_74, %dma_start3A_81] : memref<163840x128xf32, #tpu.memory_space<hbm>> -> memref<512x128xf32, #tpu.memory_space<hbm>>
      %dma_start3A_83 = arith.constant 0 : i32
      %dma_start3A_84 = tpu.memref_slice %arg4[%add3A_74, %dma_start3A_83] : memref<163840x128xf32, #tpu.memory_space<hbm>> -> memref<512x128xf32, #tpu.memory_space<hbm>>
      tpu.enqueue_dma source(%arg6 : memref<512x128xf32, #tpu.memory_space<vmem>>) target(%dma_start3A_84 : memref<512x128xf32, #tpu.memory_space<hbm>>) target_semaphore(%run_scoped3A : memref<!tpu.dma_semaphore, #tpu.memory_space<semaphore_mem>>)
      %dma_wait3A_85 = arith.constant 0 : i32
      %dma_wait3A_86 = tpu.memref_slice %arg4[%add3A_74, %dma_wait3A_85] : memref<163840x128xf32, #tpu.memory_space<hbm>> -> memref<512x128xf32, #tpu.memory_space<hbm>>
      %dma_wait3A_87 = arith.constant 0 : i32
      %dma_wait3A_88 = tpu.memref_slice %arg4[%add3A_74, %dma_wait3A_87] : memref<163840x128xf32, #tpu.memory_space<hbm>> -> memref<512x128xf32, #tpu.memory_space<hbm>>
      tpu.wait_dma2 semaphore(%run_scoped3A : memref<!tpu.dma_semaphore, #tpu.memory_space<semaphore_mem>>) src(%arg6 : memref<512x128xf32, #tpu.memory_space<vmem>>) dst(%dma_wait3A_88 : memref<512x128xf32, #tpu.memory_space<hbm>>)
      tpu.yield
    }) : () -> ()
    return
  }
}

module attributes {stable_mosaic.version = 14 : i64} {
  func.func @_knn_body(%arg0: i32, %arg1: i32, %arg2: memref<1x512x3xf32, #tpu.memory_space<vmem>>, %arg3: memref<1x1024x3xf32, #tpu.memory_space<vmem>>, %arg4: memref<1x3x512xf32, #tpu.memory_space<vmem>>, %arg5: memref<3x32xf32, #tpu.memory_space<vmem>>, %arg6: memref<1x20x512xi32, #tpu.memory_space<vmem>>, %arg7: memref<1x512x60xf32, #tpu.memory_space<vmem>>, %arg8: memref<1x512x32xf32, #tpu.memory_space<vmem>>) attributes {dimension_semantics = [#tpu.dimension_semantics<arbitrary>, #tpu.dimension_semantics<arbitrary>], iteration_bounds = array<i64: 8, 2>, scalar_prefetch = 0 : i64, scratch_operands = 0 : i64, tpu.core_type = #tpu.core_type<tc>, window_params = [{transform_indices = @transform_0, window_bounds = array<i64: 1, 512, 3>}, {transform_indices = @transform_1, window_bounds = array<i64: 1, 1024, 3>}, {transform_indices = @transform_2, window_bounds = array<i64: 1, 3, 512>}, {pipeline_mode = #tpu.pipeline_mode<synchronous>, transform_indices = @transform_3, window_bounds = array<i64: 3, 32>}, {transform_indices = @transform_4, window_bounds = array<i64: 1, 20, 512>}, {transform_indices = @transform_5, window_bounds = array<i64: 1, 512, 60>}, {transform_indices = @transform_6, window_bounds = array<i64: 1, 512, 32>}]} {
    %get3A = arith.constant 0 : index
    %get3A_0 = arith.constant 0 : index
    %get3A_1 = arith.constant 0 : index
    %get3A_2 = vector.load %arg2[%get3A, %get3A_0, %get3A_1] : memref<1x512x3xf32, #tpu.memory_space<vmem>>, vector<1x512x3xf32>
    %get3A_3 = vector.shape_cast %get3A_2 : vector<1x512x3xf32> to vector<512x3xf32>
    %get3A_4 = arith.constant 0 : index
    %get3A_5 = arith.constant 0 : index
    %get3A_6 = arith.constant 0 : index
    %get3A_7 = vector.load %arg3[%get3A_4, %get3A_5, %get3A_6] : memref<1x1024x3xf32, #tpu.memory_space<vmem>>, vector<1x1024x3xf32>
    %get3A_8 = vector.shape_cast %get3A_7 : vector<1x1024x3xf32> to vector<1024x3xf32>
    %get3A_9 = arith.constant 0 : index
    %get3A_10 = arith.constant 0 : index
    %get3A_11 = arith.constant 0 : index
    %get3A_12 = vector.load %arg4[%get3A_9, %get3A_10, %get3A_11] : memref<1x3x512xf32, #tpu.memory_space<vmem>>, vector<1x3x512xf32>
    %get3A_13 = vector.shape_cast %get3A_12 : vector<1x3x512xf32> to vector<3x512xf32>
    %iota3A = tpu.iota {dimensions = array<i32: 0>} : vector<1024x512xi32>
    %slice3A = vector.extract_strided_slice %get3A_8 {offsets = [0, 0], sizes = [1024, 1], strides = [1, 1]} : vector<1024x3xf32> to vector<1024x1xf32>
    %slice3A_14 = vector.extract_strided_slice %get3A_8 {offsets = [0, 1], sizes = [1024, 1], strides = [1, 1]} : vector<1024x3xf32> to vector<1024x1xf32>
    %slice3A_15 = vector.extract_strided_slice %get3A_8 {offsets = [0, 2], sizes = [1024, 1], strides = [1, 1]} : vector<1024x3xf32> to vector<1024x1xf32>
    %slice3A_16 = vector.extract_strided_slice %get3A_13 {offsets = [0, 0], sizes = [1, 512], strides = [1, 1]} : vector<3x512xf32> to vector<1x512xf32>
    %slice3A_17 = vector.extract_strided_slice %get3A_13 {offsets = [1, 0], sizes = [1, 512], strides = [1, 1]} : vector<3x512xf32> to vector<1x512xf32>
    %slice3A_18 = vector.extract_strided_slice %get3A_13 {offsets = [2, 0], sizes = [1, 512], strides = [1, 1]} : vector<3x512xf32> to vector<1x512xf32>
    %mul3A = vector.broadcast %slice3A : vector<1024x1xf32> to vector<1024x512xf32>
    %mul3A_19 = vector.broadcast %slice3A_16 : vector<1x512xf32> to vector<1024x512xf32>
    %mul3A_20 = arith.mulf %mul3A, %mul3A_19 : vector<1024x512xf32>
    %mul3A_21 = vector.broadcast %slice3A_14 : vector<1024x1xf32> to vector<1024x512xf32>
    %mul3A_22 = vector.broadcast %slice3A_17 : vector<1x512xf32> to vector<1024x512xf32>
    %mul3A_23 = arith.mulf %mul3A_21, %mul3A_22 : vector<1024x512xf32>
    %add3A = arith.addf %mul3A_20, %mul3A_23 : vector<1024x512xf32>
    %mul3A_24 = vector.broadcast %slice3A_15 : vector<1024x1xf32> to vector<1024x512xf32>
    %mul3A_25 = vector.broadcast %slice3A_18 : vector<1x512xf32> to vector<1024x512xf32>
    %mul3A_26 = arith.mulf %mul3A_24, %mul3A_25 : vector<1024x512xf32>
    %add3A_27 = arith.addf %add3A, %mul3A_26 : vector<1024x512xf32>
    %mul3A_28 = arith.mulf %slice3A, %slice3A : vector<1024x1xf32>
    %mul3A_29 = arith.mulf %slice3A_14, %slice3A_14 : vector<1024x1xf32>
    %add3A_30 = arith.addf %mul3A_28, %mul3A_29 : vector<1024x1xf32>
    %mul3A_31 = arith.mulf %slice3A_15, %slice3A_15 : vector<1024x1xf32>
    %add3A_32 = arith.addf %add3A_30, %mul3A_31 : vector<1024x1xf32>
    %mul3A_33 = arith.mulf %slice3A_16, %slice3A_16 : vector<1x512xf32>
    %mul3A_34 = arith.mulf %slice3A_17, %slice3A_17 : vector<1x512xf32>
    %add3A_35 = arith.addf %mul3A_33, %mul3A_34 : vector<1x512xf32>
    %mul3A_36 = arith.mulf %slice3A_18, %slice3A_18 : vector<1x512xf32>
    %add3A_37 = arith.addf %add3A_35, %mul3A_36 : vector<1x512xf32>
    %mul3A_38 = arith.constant -2.000000e+00 : f32
    %mul3A_39 = vector.broadcast %mul3A_38 : f32 to vector<1024x512xf32>
    %mul3A_40 = arith.mulf %mul3A_39, %add3A_27 : vector<1024x512xf32>
    %add3A_41 = vector.broadcast %add3A_32 : vector<1024x1xf32> to vector<1024x512xf32>
    %add3A_42 = arith.addf %mul3A_40, %add3A_41 : vector<1024x512xf32>
    %add3A_43 = vector.broadcast %add3A_37 : vector<1x512xf32> to vector<1024x512xf32>
    %add3A_44 = arith.addf %add3A_42, %add3A_43 : vector<1024x512xf32>
    %neg3A = arith.constant 0.000000e+00 : f32
    %neg3A_45 = vector.broadcast %neg3A : f32 to vector<1024x512xf32>
    %neg3A_46 = arith.subf %neg3A_45, %add3A_44 : vector<1024x512xf32>
    %get3A_47 = arith.constant 0 : index
    %get3A_48 = arith.constant 0 : index
    %get3A_49 = vector.load %arg5[%get3A_47, %get3A_48] : memref<3x32xf32, #tpu.memory_space<vmem>>, vector<3x32xf32>
    %mul3A_50 = arith.mulf %get3A_49, %get3A_49 : vector<3x32xf32>
    %reduce_sum3A = arith.constant dense<0.000000e+00> : vector<32xf32>
    %reduce_sum3A_51 = vector.multi_reduction <add>, %mul3A_50, %reduce_sum3A [0] : vector<3x32xf32> to vector<32xf32>
    %broadcast_in_dim3A = vector.shape_cast %reduce_sum3A_51 : vector<32xf32> to vector<1x32xf32>
    %sqrt3A = math.sqrt %broadcast_in_dim3A : vector<1x32xf32>
    %max3A = arith.constant 9.99999996E-13 : f32
    %max3A_52 = vector.broadcast %max3A : f32 to vector<1x32xf32>
    %max3A_53 = arith.maximumf %sqrt3A, %max3A_52 : vector<1x32xf32>
    %div3A = vector.broadcast %max3A_53 : vector<1x32xf32> to vector<3x32xf32>
    %div3A_54 = arith.divf %get3A_49, %div3A : vector<3x32xf32>
    %reduce_max3A = arith.constant dense<0xFF800000> : vector<512xf32>
    %reduce_max3A_55 = vector.multi_reduction <maximumf>, %neg3A_46, %reduce_max3A [0] : vector<1024x512xf32> to vector<512xf32>
    %broadcast_in_dim3A_56 = vector.shape_cast %reduce_max3A_55 : vector<512xf32> to vector<1x512xf32>
    %eq3A = vector.broadcast %broadcast_in_dim3A_56 : vector<1x512xf32> to vector<1024x512xf32>
    %eq3A_57 = arith.cmpf oeq, %neg3A_46, %eq3A : vector<1024x512xf32>
    %jit3A = arith.constant 1024 : i32
    %broadcast_in_dim3A_58 = vector.broadcast %jit3A : i32 to vector<1024x512xi32>
    %select_n3A = arith.select %eq3A_57, %iota3A, %broadcast_in_dim3A_58 : vector<1024x512xi1>, vector<1024x512xi32>
    %reduce_min3A = arith.constant dense<2147483647> : vector<512xi32>
    %reduce_min3A_59 = vector.multi_reduction <minsi>, %select_n3A, %reduce_min3A [0] : vector<1024x512xi32> to vector<512xi32>
    %broadcast_in_dim3A_60 = vector.shape_cast %reduce_min3A_59 : vector<512xi32> to vector<1x512xi32>
    %eq3A_61 = vector.broadcast %broadcast_in_dim3A_60 : vector<1x512xi32> to vector<1024x512xi32>
    %eq3A_62 = arith.cmpi eq, %iota3A, %eq3A_61 : vector<1024x512xi32>
    %jit3A_63 = arith.constant 0xFF800000 : f32
    %broadcast_in_dim3A_64 = vector.broadcast %jit3A_63 : f32 to vector<1024x512xf32>
    %select_n3A_65 = arith.select %eq3A_62, %broadcast_in_dim3A_64, %neg3A_46 : vector<1024x512xi1>, vector<1024x512xf32>
    %reduce_max3A_66 = arith.constant dense<0xFF800000> : vector<512xf32>
    %reduce_max3A_67 = vector.multi_reduction <maximumf>, %select_n3A_65, %reduce_max3A_66 [0] : vector<1024x512xf32> to vector<512xf32>
    %broadcast_in_dim3A_68 = vector.shape_cast %reduce_max3A_67 : vector<512xf32> to vector<1x512xf32>
    %eq3A_69 = vector.broadcast %broadcast_in_dim3A_68 : vector<1x512xf32> to vector<1024x512xf32>
    %eq3A_70 = arith.cmpf oeq, %select_n3A_65, %eq3A_69 : vector<1024x512xf32>
    %jit3A_71 = arith.constant 1024 : i32
    %broadcast_in_dim3A_72 = vector.broadcast %jit3A_71 : i32 to vector<1024x512xi32>
    %select_n3A_73 = arith.select %eq3A_70, %iota3A, %broadcast_in_dim3A_72 : vector<1024x512xi1>, vector<1024x512xi32>
    %reduce_min3A_74 = arith.constant dense<2147483647> : vector<512xi32>
    %reduce_min3A_75 = vector.multi_reduction <minsi>, %select_n3A_73, %reduce_min3A_74 [0] : vector<1024x512xi32> to vector<512xi32>
    %broadcast_in_dim3A_76 = vector.shape_cast %reduce_min3A_75 : vector<512xi32> to vector<1x512xi32>
    %eq3A_77 = vector.broadcast %broadcast_in_dim3A_76 : vector<1x512xi32> to vector<1024x512xi32>
    %eq3A_78 = arith.cmpi eq, %iota3A, %eq3A_77 : vector<1024x512xi32>
    %jit3A_79 = arith.constant 0xFF800000 : f32
    %broadcast_in_dim3A_80 = vector.broadcast %jit3A_79 : f32 to vector<1024x512xf32>
    %select_n3A_81 = arith.select %eq3A_78, %broadcast_in_dim3A_80, %select_n3A_65 : vector<1024x512xi1>, vector<1024x512xf32>
    %convert_element_type3A = arith.extui %eq3A_78 : vector<1024x512xi1> to vector<1024x512xi32>
    %convert_element_type3A_82 = arith.sitofp %convert_element_type3A : vector<1024x512xi32> to vector<1024x512xf32>
    %dot_general3A = arith.constant dense<0.000000e+00> : vector<512x3xf32>
    %dot_general3A_83 = tpu.matmul %convert_element_type3A_82, %get3A_8, %dot_general3A {dimension_numbers = #tpu.dot_dimension_numbers<[0], [0], [1], [1], [0, 1, 1, 1], [], []>, transpose_lhs_hint = false} : vector<1024x512xf32>, vector<1024x3xf32>, vector<512x3xf32> -> vector<512x3xf32>
    %sub3A = arith.subf %dot_general3A_83, %get3A_3 : vector<512x3xf32>
    %mul3A_84 = arith.mulf %sub3A, %sub3A : vector<512x3xf32>
    %reduce_sum3A_85 = arith.constant dense<0.000000e+00> : vector<512xf32>
    %reduce_sum3A_86 = vector.multi_reduction <add>, %mul3A_84, %reduce_sum3A_85 [1] : vector<512x3xf32> to vector<512xf32>
    %broadcast_in_dim3A_87 = vector.shape_cast %reduce_sum3A_86 : vector<512xf32> to vector<512x1xf32>
    %sqrt3A_88 = math.sqrt %broadcast_in_dim3A_87 : vector<512x1xf32>
    %max3A_89 = arith.constant 9.99999996E-13 : f32
    %max3A_90 = vector.broadcast %max3A_89 : f32 to vector<512x1xf32>
    %max3A_91 = arith.maximumf %sqrt3A_88, %max3A_90 : vector<512x1xf32>
    %div3A_92 = vector.broadcast %max3A_91 : vector<512x1xf32> to vector<512x3xf32>
    %div3A_93 = arith.divf %sub3A, %div3A_92 : vector<512x3xf32>
    %dot_general3A_94 = arith.constant dense<0.000000e+00> : vector<512x32xf32>
    %dot_general3A_95 = tpu.matmul %div3A_93, %div3A_54, %dot_general3A_94 {dimension_numbers = #tpu.dot_dimension_numbers<[1], [0], [0], [1], [0, 0, 1, 1], [], []>, transpose_lhs_hint = false} : vector<512x3xf32>, vector<3x32xf32>, vector<512x32xf32> -> vector<512x32xf32>
    %max3A_96 = arith.constant 0.000000e+00 : f32
    %max3A_97 = vector.broadcast %max3A_96 : f32 to vector<512x32xf32>
    %max3A_98 = arith.maximumf %dot_general3A_95, %max3A_97 : vector<512x32xf32>
    %reduce_max3A_99 = arith.constant dense<0xFF800000> : vector<512xf32>
    %reduce_max3A_100 = vector.multi_reduction <maximumf>, %select_n3A_81, %reduce_max3A_99 [0] : vector<1024x512xf32> to vector<512xf32>
    %broadcast_in_dim3A_101 = vector.shape_cast %reduce_max3A_100 : vector<512xf32> to vector<1x512xf32>
    %eq3A_102 = vector.broadcast %broadcast_in_dim3A_101 : vector<1x512xf32> to vector<1024x512xf32>
    %eq3A_103 = arith.cmpf oeq, %select_n3A_81, %eq3A_102 : vector<1024x512xf32>
    %jit3A_104 = arith.constant 1024 : i32
    %broadcast_in_dim3A_105 = vector.broadcast %jit3A_104 : i32 to vector<1024x512xi32>
    %select_n3A_106 = arith.select %eq3A_103, %iota3A, %broadcast_in_dim3A_105 : vector<1024x512xi1>, vector<1024x512xi32>
    %reduce_min3A_107 = arith.constant dense<2147483647> : vector<512xi32>
    %reduce_min3A_108 = vector.multi_reduction <minsi>, %select_n3A_106, %reduce_min3A_107 [0] : vector<1024x512xi32> to vector<512xi32>
    %broadcast_in_dim3A_109 = vector.shape_cast %reduce_min3A_108 : vector<512xi32> to vector<1x512xi32>
    %eq3A_110 = vector.broadcast %broadcast_in_dim3A_109 : vector<1x512xi32> to vector<1024x512xi32>
    %eq3A_111 = arith.cmpi eq, %iota3A, %eq3A_110 : vector<1024x512xi32>
    %jit3A_112 = arith.constant 0xFF800000 : f32
    %broadcast_in_dim3A_113 = vector.broadcast %jit3A_112 : f32 to vector<1024x512xf32>
    %select_n3A_114 = arith.select %eq3A_111, %broadcast_in_dim3A_113, %select_n3A_81 : vector<1024x512xi1>, vector<1024x512xf32>
    %convert_element_type3A_115 = arith.extui %eq3A_111 : vector<1024x512xi1> to vector<1024x512xi32>
    %convert_element_type3A_116 = arith.sitofp %convert_element_type3A_115 : vector<1024x512xi32> to vector<1024x512xf32>
    %dot_general3A_117 = arith.constant dense<0.000000e+00> : vector<512x3xf32>
    %dot_general3A_118 = tpu.matmul %convert_element_type3A_116, %get3A_8, %dot_general3A_117 {dimension_numbers = #tpu.dot_dimension_numbers<[0], [0], [1], [1], [0, 1, 1, 1], [], []>, transpose_lhs_hint = false} : vector<1024x512xf32>, vector<1024x3xf32>, vector<512x3xf32> -> vector<512x3xf32>
    %sub3A_119 = arith.subf %dot_general3A_118, %get3A_3 : vector<512x3xf32>
    %mul3A_120 = arith.mulf %sub3A_119, %sub3A_119 : vector<512x3xf32>
    %reduce_sum3A_121 = arith.constant dense<0.000000e+00> : vector<512xf32>
    %reduce_sum3A_122 = vector.multi_reduction <add>, %mul3A_120, %reduce_sum3A_121 [1] : vector<512x3xf32> to vector<512xf32>
    %broadcast_in_dim3A_123 = vector.shape_cast %reduce_sum3A_122 : vector<512xf32> to vector<512x1xf32>
    %sqrt3A_124 = math.sqrt %broadcast_in_dim3A_123 : vector<512x1xf32>
    %max3A_125 = arith.constant 9.99999996E-13 : f32
    %max3A_126 = vector.broadcast %max3A_125 : f32 to vector<512x1xf32>
    %max3A_127 = arith.maximumf %sqrt3A_124, %max3A_126 : vector<512x1xf32>
    %div3A_128 = vector.broadcast %max3A_127 : vector<512x1xf32> to vector<512x3xf32>
    %div3A_129 = arith.divf %sub3A_119, %div3A_128 : vector<512x3xf32>
    %dot_general3A_130 = arith.constant dense<0.000000e+00> : vector<512x32xf32>
    %dot_general3A_131 = tpu.matmul %div3A_129, %div3A_54, %dot_general3A_130 {dimension_numbers = #tpu.dot_dimension_numbers<[1], [0], [0], [1], [0, 0, 1, 1], [], []>, transpose_lhs_hint = false} : vector<512x3xf32>, vector<3x32xf32>, vector<512x32xf32> -> vector<512x32xf32>
    %max3A_132 = arith.constant 0.000000e+00 : f32
    %max3A_133 = vector.broadcast %max3A_132 : f32 to vector<512x32xf32>
    %max3A_134 = arith.maximumf %dot_general3A_131, %max3A_133 : vector<512x32xf32>
    %max3A_135 = arith.maximumf %max3A_98, %max3A_134 : vector<512x32xf32>
    %reduce_max3A_136 = arith.constant dense<0xFF800000> : vector<512xf32>
    %reduce_max3A_137 = vector.multi_reduction <maximumf>, %select_n3A_114, %reduce_max3A_136 [0] : vector<1024x512xf32> to vector<512xf32>
    %broadcast_in_dim3A_138 = vector.shape_cast %reduce_max3A_137 : vector<512xf32> to vector<1x512xf32>
    %eq3A_139 = vector.broadcast %broadcast_in_dim3A_138 : vector<1x512xf32> to vector<1024x512xf32>
    %eq3A_140 = arith.cmpf oeq, %select_n3A_114, %eq3A_139 : vector<1024x512xf32>
    %jit3A_141 = arith.constant 1024 : i32
    %broadcast_in_dim3A_142 = vector.broadcast %jit3A_141 : i32 to vector<1024x512xi32>
    %select_n3A_143 = arith.select %eq3A_140, %iota3A, %broadcast_in_dim3A_142 : vector<1024x512xi1>, vector<1024x512xi32>
    %reduce_min3A_144 = arith.constant dense<2147483647> : vector<512xi32>
    %reduce_min3A_145 = vector.multi_reduction <minsi>, %select_n3A_143, %reduce_min3A_144 [0] : vector<1024x512xi32> to vector<512xi32>
    %broadcast_in_dim3A_146 = vector.shape_cast %reduce_min3A_145 : vector<512xi32> to vector<1x512xi32>
    %eq3A_147 = vector.broadcast %broadcast_in_dim3A_146 : vector<1x512xi32> to vector<1024x512xi32>
    %eq3A_148 = arith.cmpi eq, %iota3A, %eq3A_147 : vector<1024x512xi32>
    %jit3A_149 = arith.constant 0xFF800000 : f32
    %broadcast_in_dim3A_150 = vector.broadcast %jit3A_149 : f32 to vector<1024x512xf32>
    %select_n3A_151 = arith.select %eq3A_148, %broadcast_in_dim3A_150, %select_n3A_114 : vector<1024x512xi1>, vector<1024x512xf32>
    %convert_element_type3A_152 = arith.extui %eq3A_148 : vector<1024x512xi1> to vector<1024x512xi32>
    %convert_element_type3A_153 = arith.sitofp %convert_element_type3A_152 : vector<1024x512xi32> to vector<1024x512xf32>
    %dot_general3A_154 = arith.constant dense<0.000000e+00> : vector<512x3xf32>
    %dot_general3A_155 = tpu.matmul %convert_element_type3A_153, %get3A_8, %dot_general3A_154 {dimension_numbers = #tpu.dot_dimension_numbers<[0], [0], [1], [1], [0, 1, 1, 1], [], []>, transpose_lhs_hint = false} : vector<1024x512xf32>, vector<1024x3xf32>, vector<512x3xf32> -> vector<512x3xf32>
    %sub3A_156 = arith.subf %dot_general3A_155, %get3A_3 : vector<512x3xf32>
    %mul3A_157 = arith.mulf %sub3A_156, %sub3A_156 : vector<512x3xf32>
    %reduce_sum3A_158 = arith.constant dense<0.000000e+00> : vector<512xf32>
    %reduce_sum3A_159 = vector.multi_reduction <add>, %mul3A_157, %reduce_sum3A_158 [1] : vector<512x3xf32> to vector<512xf32>
    %broadcast_in_dim3A_160 = vector.shape_cast %reduce_sum3A_159 : vector<512xf32> to vector<512x1xf32>
    %sqrt3A_161 = math.sqrt %broadcast_in_dim3A_160 : vector<512x1xf32>
    %max3A_162 = arith.constant 9.99999996E-13 : f32
    %max3A_163 = vector.broadcast %max3A_162 : f32 to vector<512x1xf32>
    %max3A_164 = arith.maximumf %sqrt3A_161, %max3A_163 : vector<512x1xf32>
    %div3A_165 = vector.broadcast %max3A_164 : vector<512x1xf32> to vector<512x3xf32>
    %div3A_166 = arith.divf %sub3A_156, %div3A_165 : vector<512x3xf32>
    %dot_general3A_167 = arith.constant dense<0.000000e+00> : vector<512x32xf32>
    %dot_general3A_168 = tpu.matmul %div3A_166, %div3A_54, %dot_general3A_167 {dimension_numbers = #tpu.dot_dimension_numbers<[1], [0], [0], [1], [0, 0, 1, 1], [], []>, transpose_lhs_hint = false} : vector<512x3xf32>, vector<3x32xf32>, vector<512x32xf32> -> vector<512x32xf32>
    %max3A_169 = arith.constant 0.000000e+00 : f32
    %max3A_170 = vector.broadcast %max3A_169 : f32 to vector<512x32xf32>
    %max3A_171 = arith.maximumf %dot_general3A_168, %max3A_170 : vector<512x32xf32>
    %max3A_172 = arith.maximumf %max3A_135, %max3A_171 : vector<512x32xf32>
    %reduce_max3A_173 = arith.constant dense<0xFF800000> : vector<512xf32>
    %reduce_max3A_174 = vector.multi_reduction <maximumf>, %select_n3A_151, %reduce_max3A_173 [0] : vector<1024x512xf32> to vector<512xf32>
    %broadcast_in_dim3A_175 = vector.shape_cast %reduce_max3A_174 : vector<512xf32> to vector<1x512xf32>
    %eq3A_176 = vector.broadcast %broadcast_in_dim3A_175 : vector<1x512xf32> to vector<1024x512xf32>
    %eq3A_177 = arith.cmpf oeq, %select_n3A_151, %eq3A_176 : vector<1024x512xf32>
    %jit3A_178 = arith.constant 1024 : i32
    %broadcast_in_dim3A_179 = vector.broadcast %jit3A_178 : i32 to vector<1024x512xi32>
    %select_n3A_180 = arith.select %eq3A_177, %iota3A, %broadcast_in_dim3A_179 : vector<1024x512xi1>, vector<1024x512xi32>
    %reduce_min3A_181 = arith.constant dense<2147483647> : vector<512xi32>
    %reduce_min3A_182 = vector.multi_reduction <minsi>, %select_n3A_180, %reduce_min3A_181 [0] : vector<1024x512xi32> to vector<512xi32>
    %broadcast_in_dim3A_183 = vector.shape_cast %reduce_min3A_182 : vector<512xi32> to vector<1x512xi32>
    %eq3A_184 = vector.broadcast %broadcast_in_dim3A_183 : vector<1x512xi32> to vector<1024x512xi32>
    %eq3A_185 = arith.cmpi eq, %iota3A, %eq3A_184 : vector<1024x512xi32>
    %jit3A_186 = arith.constant 0xFF800000 : f32
    %broadcast_in_dim3A_187 = vector.broadcast %jit3A_186 : f32 to vector<1024x512xf32>
    %select_n3A_188 = arith.select %eq3A_185, %broadcast_in_dim3A_187, %select_n3A_151 : vector<1024x512xi1>, vector<1024x512xf32>
    %convert_element_type3A_189 = arith.extui %eq3A_185 : vector<1024x512xi1> to vector<1024x512xi32>
    %convert_element_type3A_190 = arith.sitofp %convert_element_type3A_189 : vector<1024x512xi32> to vector<1024x512xf32>
    %dot_general3A_191 = arith.constant dense<0.000000e+00> : vector<512x3xf32>
    %dot_general3A_192 = tpu.matmul %convert_element_type3A_190, %get3A_8, %dot_general3A_191 {dimension_numbers = #tpu.dot_dimension_numbers<[0], [0], [1], [1], [0, 1, 1, 1], [], []>, transpose_lhs_hint = false} : vector<1024x512xf32>, vector<1024x3xf32>, vector<512x3xf32> -> vector<512x3xf32>
    %sub3A_193 = arith.subf %dot_general3A_192, %get3A_3 : vector<512x3xf32>
    %mul3A_194 = arith.mulf %sub3A_193, %sub3A_193 : vector<512x3xf32>
    %reduce_sum3A_195 = arith.constant dense<0.000000e+00> : vector<512xf32>
    %reduce_sum3A_196 = vector.multi_reduction <add>, %mul3A_194, %reduce_sum3A_195 [1] : vector<512x3xf32> to vector<512xf32>
    %broadcast_in_dim3A_197 = vector.shape_cast %reduce_sum3A_196 : vector<512xf32> to vector<512x1xf32>
    %sqrt3A_198 = math.sqrt %broadcast_in_dim3A_197 : vector<512x1xf32>
    %max3A_199 = arith.constant 9.99999996E-13 : f32
    %max3A_200 = vector.broadcast %max3A_199 : f32 to vector<512x1xf32>
    %max3A_201 = arith.maximumf %sqrt3A_198, %max3A_200 : vector<512x1xf32>
    %div3A_202 = vector.broadcast %max3A_201 : vector<512x1xf32> to vector<512x3xf32>
    %div3A_203 = arith.divf %sub3A_193, %div3A_202 : vector<512x3xf32>
    %dot_general3A_204 = arith.constant dense<0.000000e+00> : vector<512x32xf32>
    %dot_general3A_205 = tpu.matmul %div3A_203, %div3A_54, %dot_general3A_204 {dimension_numbers = #tpu.dot_dimension_numbers<[1], [0], [0], [1], [0, 0, 1, 1], [], []>, transpose_lhs_hint = false} : vector<512x3xf32>, vector<3x32xf32>, vector<512x32xf32> -> vector<512x32xf32>
    %max3A_206 = arith.constant 0.000000e+00 : f32
    %max3A_207 = vector.broadcast %max3A_206 : f32 to vector<512x32xf32>
    %max3A_208 = arith.maximumf %dot_general3A_205, %max3A_207 : vector<512x32xf32>
    %max3A_209 = arith.maximumf %max3A_172, %max3A_208 : vector<512x32xf32>
    %reduce_max3A_210 = arith.constant dense<0xFF800000> : vector<512xf32>
    %reduce_max3A_211 = vector.multi_reduction <maximumf>, %select_n3A_188, %reduce_max3A_210 [0] : vector<1024x512xf32> to vector<512xf32>
    %broadcast_in_dim3A_212 = vector.shape_cast %reduce_max3A_211 : vector<512xf32> to vector<1x512xf32>
    %eq3A_213 = vector.broadcast %broadcast_in_dim3A_212 : vector<1x512xf32> to vector<1024x512xf32>
    %eq3A_214 = arith.cmpf oeq, %select_n3A_188, %eq3A_213 : vector<1024x512xf32>
    %jit3A_215 = arith.constant 1024 : i32
    %broadcast_in_dim3A_216 = vector.broadcast %jit3A_215 : i32 to vector<1024x512xi32>
    %select_n3A_217 = arith.select %eq3A_214, %iota3A, %broadcast_in_dim3A_216 : vector<1024x512xi1>, vector<1024x512xi32>
    %reduce_min3A_218 = arith.constant dense<2147483647> : vector<512xi32>
    %reduce_min3A_219 = vector.multi_reduction <minsi>, %select_n3A_217, %reduce_min3A_218 [0] : vector<1024x512xi32> to vector<512xi32>
    %broadcast_in_dim3A_220 = vector.shape_cast %reduce_min3A_219 : vector<512xi32> to vector<1x512xi32>
    %eq3A_221 = vector.broadcast %broadcast_in_dim3A_220 : vector<1x512xi32> to vector<1024x512xi32>
    %eq3A_222 = arith.cmpi eq, %iota3A, %eq3A_221 : vector<1024x512xi32>
    %jit3A_223 = arith.constant 0xFF800000 : f32
    %broadcast_in_dim3A_224 = vector.broadcast %jit3A_223 : f32 to vector<1024x512xf32>
    %select_n3A_225 = arith.select %eq3A_222, %broadcast_in_dim3A_224, %select_n3A_188 : vector<1024x512xi1>, vector<1024x512xf32>
    %convert_element_type3A_226 = arith.extui %eq3A_222 : vector<1024x512xi1> to vector<1024x512xi32>
    %convert_element_type3A_227 = arith.sitofp %convert_element_type3A_226 : vector<1024x512xi32> to vector<1024x512xf32>
    %dot_general3A_228 = arith.constant dense<0.000000e+00> : vector<512x3xf32>
    %dot_general3A_229 = tpu.matmul %convert_element_type3A_227, %get3A_8, %dot_general3A_228 {dimension_numbers = #tpu.dot_dimension_numbers<[0], [0], [1], [1], [0, 1, 1, 1], [], []>, transpose_lhs_hint = false} : vector<1024x512xf32>, vector<1024x3xf32>, vector<512x3xf32> -> vector<512x3xf32>
    %sub3A_230 = arith.subf %dot_general3A_229, %get3A_3 : vector<512x3xf32>
    %mul3A_231 = arith.mulf %sub3A_230, %sub3A_230 : vector<512x3xf32>
    %reduce_sum3A_232 = arith.constant dense<0.000000e+00> : vector<512xf32>
    %reduce_sum3A_233 = vector.multi_reduction <add>, %mul3A_231, %reduce_sum3A_232 [1] : vector<512x3xf32> to vector<512xf32>
    %broadcast_in_dim3A_234 = vector.shape_cast %reduce_sum3A_233 : vector<512xf32> to vector<512x1xf32>
    %sqrt3A_235 = math.sqrt %broadcast_in_dim3A_234 : vector<512x1xf32>
    %max3A_236 = arith.constant 9.99999996E-13 : f32
    %max3A_237 = vector.broadcast %max3A_236 : f32 to vector<512x1xf32>
    %max3A_238 = arith.maximumf %sqrt3A_235, %max3A_237 : vector<512x1xf32>
    %div3A_239 = vector.broadcast %max3A_238 : vector<512x1xf32> to vector<512x3xf32>
    %div3A_240 = arith.divf %sub3A_230, %div3A_239 : vector<512x3xf32>
    %dot_general3A_241 = arith.constant dense<0.000000e+00> : vector<512x32xf32>
    %dot_general3A_242 = tpu.matmul %div3A_240, %div3A_54, %dot_general3A_241 {dimension_numbers = #tpu.dot_dimension_numbers<[1], [0], [0], [1], [0, 0, 1, 1], [], []>, transpose_lhs_hint = false} : vector<512x3xf32>, vector<3x32xf32>, vector<512x32xf32> -> vector<512x32xf32>
    %max3A_243 = arith.constant 0.000000e+00 : f32
    %max3A_244 = vector.broadcast %max3A_243 : f32 to vector<512x32xf32>
    %max3A_245 = arith.maximumf %dot_general3A_242, %max3A_244 : vector<512x32xf32>
    %max3A_246 = arith.maximumf %max3A_209, %max3A_245 : vector<512x32xf32>
    %reduce_max3A_247 = arith.constant dense<0xFF800000> : vector<512xf32>
    %reduce_max3A_248 = vector.multi_reduction <maximumf>, %select_n3A_225, %reduce_max3A_247 [0] : vector<1024x512xf32> to vector<512xf32>
    %broadcast_in_dim3A_249 = vector.shape_cast %reduce_max3A_248 : vector<512xf32> to vector<1x512xf32>
    %eq3A_250 = vector.broadcast %broadcast_in_dim3A_249 : vector<1x512xf32> to vector<1024x512xf32>
    %eq3A_251 = arith.cmpf oeq, %select_n3A_225, %eq3A_250 : vector<1024x512xf32>
    %jit3A_252 = arith.constant 1024 : i32
    %broadcast_in_dim3A_253 = vector.broadcast %jit3A_252 : i32 to vector<1024x512xi32>
    %select_n3A_254 = arith.select %eq3A_251, %iota3A, %broadcast_in_dim3A_253 : vector<1024x512xi1>, vector<1024x512xi32>
    %reduce_min3A_255 = arith.constant dense<2147483647> : vector<512xi32>
    %reduce_min3A_256 = vector.multi_reduction <minsi>, %select_n3A_254, %reduce_min3A_255 [0] : vector<1024x512xi32> to vector<512xi32>
    %broadcast_in_dim3A_257 = vector.shape_cast %reduce_min3A_256 : vector<512xi32> to vector<1x512xi32>
    %eq3A_258 = vector.broadcast %broadcast_in_dim3A_257 : vector<1x512xi32> to vector<1024x512xi32>
    %eq3A_259 = arith.cmpi eq, %iota3A, %eq3A_258 : vector<1024x512xi32>
    %jit3A_260 = arith.constant 0xFF800000 : f32
    %broadcast_in_dim3A_261 = vector.broadcast %jit3A_260 : f32 to vector<1024x512xf32>
    %select_n3A_262 = arith.select %eq3A_259, %broadcast_in_dim3A_261, %select_n3A_225 : vector<1024x512xi1>, vector<1024x512xf32>
    %convert_element_type3A_263 = arith.extui %eq3A_259 : vector<1024x512xi1> to vector<1024x512xi32>
    %convert_element_type3A_264 = arith.sitofp %convert_element_type3A_263 : vector<1024x512xi32> to vector<1024x512xf32>
    %dot_general3A_265 = arith.constant dense<0.000000e+00> : vector<512x3xf32>
    %dot_general3A_266 = tpu.matmul %convert_element_type3A_264, %get3A_8, %dot_general3A_265 {dimension_numbers = #tpu.dot_dimension_numbers<[0], [0], [1], [1], [0, 1, 1, 1], [], []>, transpose_lhs_hint = false} : vector<1024x512xf32>, vector<1024x3xf32>, vector<512x3xf32> -> vector<512x3xf32>
    %sub3A_267 = arith.subf %dot_general3A_266, %get3A_3 : vector<512x3xf32>
    %mul3A_268 = arith.mulf %sub3A_267, %sub3A_267 : vector<512x3xf32>
    %reduce_sum3A_269 = arith.constant dense<0.000000e+00> : vector<512xf32>
    %reduce_sum3A_270 = vector.multi_reduction <add>, %mul3A_268, %reduce_sum3A_269 [1] : vector<512x3xf32> to vector<512xf32>
    %broadcast_in_dim3A_271 = vector.shape_cast %reduce_sum3A_270 : vector<512xf32> to vector<512x1xf32>
    %sqrt3A_272 = math.sqrt %broadcast_in_dim3A_271 : vector<512x1xf32>
    %max3A_273 = arith.constant 9.99999996E-13 : f32
    %max3A_274 = vector.broadcast %max3A_273 : f32 to vector<512x1xf32>
    %max3A_275 = arith.maximumf %sqrt3A_272, %max3A_274 : vector<512x1xf32>
    %div3A_276 = vector.broadcast %max3A_275 : vector<512x1xf32> to vector<512x3xf32>
    %div3A_277 = arith.divf %sub3A_267, %div3A_276 : vector<512x3xf32>
    %dot_general3A_278 = arith.constant dense<0.000000e+00> : vector<512x32xf32>
    %dot_general3A_279 = tpu.matmul %div3A_277, %div3A_54, %dot_general3A_278 {dimension_numbers = #tpu.dot_dimension_numbers<[1], [0], [0], [1], [0, 0, 1, 1], [], []>, transpose_lhs_hint = false} : vector<512x3xf32>, vector<3x32xf32>, vector<512x32xf32> -> vector<512x32xf32>
    %max3A_280 = arith.constant 0.000000e+00 : f32
    %max3A_281 = vector.broadcast %max3A_280 : f32 to vector<512x32xf32>
    %max3A_282 = arith.maximumf %dot_general3A_279, %max3A_281 : vector<512x32xf32>
    %max3A_283 = arith.maximumf %max3A_246, %max3A_282 : vector<512x32xf32>
    %reduce_max3A_284 = arith.constant dense<0xFF800000> : vector<512xf32>
    %reduce_max3A_285 = vector.multi_reduction <maximumf>, %select_n3A_262, %reduce_max3A_284 [0] : vector<1024x512xf32> to vector<512xf32>
    %broadcast_in_dim3A_286 = vector.shape_cast %reduce_max3A_285 : vector<512xf32> to vector<1x512xf32>
    %eq3A_287 = vector.broadcast %broadcast_in_dim3A_286 : vector<1x512xf32> to vector<1024x512xf32>
    %eq3A_288 = arith.cmpf oeq, %select_n3A_262, %eq3A_287 : vector<1024x512xf32>
    %jit3A_289 = arith.constant 1024 : i32
    %broadcast_in_dim3A_290 = vector.broadcast %jit3A_289 : i32 to vector<1024x512xi32>
    %select_n3A_291 = arith.select %eq3A_288, %iota3A, %broadcast_in_dim3A_290 : vector<1024x512xi1>, vector<1024x512xi32>
    %reduce_min3A_292 = arith.constant dense<2147483647> : vector<512xi32>
    %reduce_min3A_293 = vector.multi_reduction <minsi>, %select_n3A_291, %reduce_min3A_292 [0] : vector<1024x512xi32> to vector<512xi32>
    %broadcast_in_dim3A_294 = vector.shape_cast %reduce_min3A_293 : vector<512xi32> to vector<1x512xi32>
    %eq3A_295 = vector.broadcast %broadcast_in_dim3A_294 : vector<1x512xi32> to vector<1024x512xi32>
    %eq3A_296 = arith.cmpi eq, %iota3A, %eq3A_295 : vector<1024x512xi32>
    %jit3A_297 = arith.constant 0xFF800000 : f32
    %broadcast_in_dim3A_298 = vector.broadcast %jit3A_297 : f32 to vector<1024x512xf32>
    %select_n3A_299 = arith.select %eq3A_296, %broadcast_in_dim3A_298, %select_n3A_262 : vector<1024x512xi1>, vector<1024x512xf32>
    %convert_element_type3A_300 = arith.extui %eq3A_296 : vector<1024x512xi1> to vector<1024x512xi32>
    %convert_element_type3A_301 = arith.sitofp %convert_element_type3A_300 : vector<1024x512xi32> to vector<1024x512xf32>
    %dot_general3A_302 = arith.constant dense<0.000000e+00> : vector<512x3xf32>
    %dot_general3A_303 = tpu.matmul %convert_element_type3A_301, %get3A_8, %dot_general3A_302 {dimension_numbers = #tpu.dot_dimension_numbers<[0], [0], [1], [1], [0, 1, 1, 1], [], []>, transpose_lhs_hint = false} : vector<1024x512xf32>, vector<1024x3xf32>, vector<512x3xf32> -> vector<512x3xf32>
    %sub3A_304 = arith.subf %dot_general3A_303, %get3A_3 : vector<512x3xf32>
    %mul3A_305 = arith.mulf %sub3A_304, %sub3A_304 : vector<512x3xf32>
    %reduce_sum3A_306 = arith.constant dense<0.000000e+00> : vector<512xf32>
    %reduce_sum3A_307 = vector.multi_reduction <add>, %mul3A_305, %reduce_sum3A_306 [1] : vector<512x3xf32> to vector<512xf32>
    %broadcast_in_dim3A_308 = vector.shape_cast %reduce_sum3A_307 : vector<512xf32> to vector<512x1xf32>
    %sqrt3A_309 = math.sqrt %broadcast_in_dim3A_308 : vector<512x1xf32>
    %max3A_310 = arith.constant 9.99999996E-13 : f32
    %max3A_311 = vector.broadcast %max3A_310 : f32 to vector<512x1xf32>
    %max3A_312 = arith.maximumf %sqrt3A_309, %max3A_311 : vector<512x1xf32>
    %div3A_313 = vector.broadcast %max3A_312 : vector<512x1xf32> to vector<512x3xf32>
    %div3A_314 = arith.divf %sub3A_304, %div3A_313 : vector<512x3xf32>
    %dot_general3A_315 = arith.constant dense<0.000000e+00> : vector<512x32xf32>
    %dot_general3A_316 = tpu.matmul %div3A_314, %div3A_54, %dot_general3A_315 {dimension_numbers = #tpu.dot_dimension_numbers<[1], [0], [0], [1], [0, 0, 1, 1], [], []>, transpose_lhs_hint = false} : vector<512x3xf32>, vector<3x32xf32>, vector<512x32xf32> -> vector<512x32xf32>
    %max3A_317 = arith.constant 0.000000e+00 : f32
    %max3A_318 = vector.broadcast %max3A_317 : f32 to vector<512x32xf32>
    %max3A_319 = arith.maximumf %dot_general3A_316, %max3A_318 : vector<512x32xf32>
    %max3A_320 = arith.maximumf %max3A_283, %max3A_319 : vector<512x32xf32>
    %reduce_max3A_321 = arith.constant dense<0xFF800000> : vector<512xf32>
    %reduce_max3A_322 = vector.multi_reduction <maximumf>, %select_n3A_299, %reduce_max3A_321 [0] : vector<1024x512xf32> to vector<512xf32>
    %broadcast_in_dim3A_323 = vector.shape_cast %reduce_max3A_322 : vector<512xf32> to vector<1x512xf32>
    %eq3A_324 = vector.broadcast %broadcast_in_dim3A_323 : vector<1x512xf32> to vector<1024x512xf32>
    %eq3A_325 = arith.cmpf oeq, %select_n3A_299, %eq3A_324 : vector<1024x512xf32>
    %jit3A_326 = arith.constant 1024 : i32
    %broadcast_in_dim3A_327 = vector.broadcast %jit3A_326 : i32 to vector<1024x512xi32>
    %select_n3A_328 = arith.select %eq3A_325, %iota3A, %broadcast_in_dim3A_327 : vector<1024x512xi1>, vector<1024x512xi32>
    %reduce_min3A_329 = arith.constant dense<2147483647> : vector<512xi32>
    %reduce_min3A_330 = vector.multi_reduction <minsi>, %select_n3A_328, %reduce_min3A_329 [0] : vector<1024x512xi32> to vector<512xi32>
    %broadcast_in_dim3A_331 = vector.shape_cast %reduce_min3A_330 : vector<512xi32> to vector<1x512xi32>
    %eq3A_332 = vector.broadcast %broadcast_in_dim3A_331 : vector<1x512xi32> to vector<1024x512xi32>
    %eq3A_333 = arith.cmpi eq, %iota3A, %eq3A_332 : vector<1024x512xi32>
    %jit3A_334 = arith.constant 0xFF800000 : f32
    %broadcast_in_dim3A_335 = vector.broadcast %jit3A_334 : f32 to vector<1024x512xf32>
    %select_n3A_336 = arith.select %eq3A_333, %broadcast_in_dim3A_335, %select_n3A_299 : vector<1024x512xi1>, vector<1024x512xf32>
    %convert_element_type3A_337 = arith.extui %eq3A_333 : vector<1024x512xi1> to vector<1024x512xi32>
    %convert_element_type3A_338 = arith.sitofp %convert_element_type3A_337 : vector<1024x512xi32> to vector<1024x512xf32>
    %dot_general3A_339 = arith.constant dense<0.000000e+00> : vector<512x3xf32>
    %dot_general3A_340 = tpu.matmul %convert_element_type3A_338, %get3A_8, %dot_general3A_339 {dimension_numbers = #tpu.dot_dimension_numbers<[0], [0], [1], [1], [0, 1, 1, 1], [], []>, transpose_lhs_hint = false} : vector<1024x512xf32>, vector<1024x3xf32>, vector<512x3xf32> -> vector<512x3xf32>
    %sub3A_341 = arith.subf %dot_general3A_340, %get3A_3 : vector<512x3xf32>
    %mul3A_342 = arith.mulf %sub3A_341, %sub3A_341 : vector<512x3xf32>
    %reduce_sum3A_343 = arith.constant dense<0.000000e+00> : vector<512xf32>
    %reduce_sum3A_344 = vector.multi_reduction <add>, %mul3A_342, %reduce_sum3A_343 [1] : vector<512x3xf32> to vector<512xf32>
    %broadcast_in_dim3A_345 = vector.shape_cast %reduce_sum3A_344 : vector<512xf32> to vector<512x1xf32>
    %sqrt3A_346 = math.sqrt %broadcast_in_dim3A_345 : vector<512x1xf32>
    %max3A_347 = arith.constant 9.99999996E-13 : f32
    %max3A_348 = vector.broadcast %max3A_347 : f32 to vector<512x1xf32>
    %max3A_349 = arith.maximumf %sqrt3A_346, %max3A_348 : vector<512x1xf32>
    %div3A_350 = vector.broadcast %max3A_349 : vector<512x1xf32> to vector<512x3xf32>
    %div3A_351 = arith.divf %sub3A_341, %div3A_350 : vector<512x3xf32>
    %dot_general3A_352 = arith.constant dense<0.000000e+00> : vector<512x32xf32>
    %dot_general3A_353 = tpu.matmul %div3A_351, %div3A_54, %dot_general3A_352 {dimension_numbers = #tpu.dot_dimension_numbers<[1], [0], [0], [1], [0, 0, 1, 1], [], []>, transpose_lhs_hint = false} : vector<512x3xf32>, vector<3x32xf32>, vector<512x32xf32> -> vector<512x32xf32>
    %max3A_354 = arith.constant 0.000000e+00 : f32
    %max3A_355 = vector.broadcast %max3A_354 : f32 to vector<512x32xf32>
    %max3A_356 = arith.maximumf %dot_general3A_353, %max3A_355 : vector<512x32xf32>
    %max3A_357 = arith.maximumf %max3A_320, %max3A_356 : vector<512x32xf32>
    %reduce_max3A_358 = arith.constant dense<0xFF800000> : vector<512xf32>
    %reduce_max3A_359 = vector.multi_reduction <maximumf>, %select_n3A_336, %reduce_max3A_358 [0] : vector<1024x512xf32> to vector<512xf32>
    %broadcast_in_dim3A_360 = vector.shape_cast %reduce_max3A_359 : vector<512xf32> to vector<1x512xf32>
    %eq3A_361 = vector.broadcast %broadcast_in_dim3A_360 : vector<1x512xf32> to vector<1024x512xf32>
    %eq3A_362 = arith.cmpf oeq, %select_n3A_336, %eq3A_361 : vector<1024x512xf32>
    %jit3A_363 = arith.constant 1024 : i32
    %broadcast_in_dim3A_364 = vector.broadcast %jit3A_363 : i32 to vector<1024x512xi32>
    %select_n3A_365 = arith.select %eq3A_362, %iota3A, %broadcast_in_dim3A_364 : vector<1024x512xi1>, vector<1024x512xi32>
    %reduce_min3A_366 = arith.constant dense<2147483647> : vector<512xi32>
    %reduce_min3A_367 = vector.multi_reduction <minsi>, %select_n3A_365, %reduce_min3A_366 [0] : vector<1024x512xi32> to vector<512xi32>
    %broadcast_in_dim3A_368 = vector.shape_cast %reduce_min3A_367 : vector<512xi32> to vector<1x512xi32>
    %eq3A_369 = vector.broadcast %broadcast_in_dim3A_368 : vector<1x512xi32> to vector<1024x512xi32>
    %eq3A_370 = arith.cmpi eq, %iota3A, %eq3A_369 : vector<1024x512xi32>
    %jit3A_371 = arith.constant 0xFF800000 : f32
    %broadcast_in_dim3A_372 = vector.broadcast %jit3A_371 : f32 to vector<1024x512xf32>
    %select_n3A_373 = arith.select %eq3A_370, %broadcast_in_dim3A_372, %select_n3A_336 : vector<1024x512xi1>, vector<1024x512xf32>
    %convert_element_type3A_374 = arith.extui %eq3A_370 : vector<1024x512xi1> to vector<1024x512xi32>
    %convert_element_type3A_375 = arith.sitofp %convert_element_type3A_374 : vector<1024x512xi32> to vector<1024x512xf32>
    %dot_general3A_376 = arith.constant dense<0.000000e+00> : vector<512x3xf32>
    %dot_general3A_377 = tpu.matmul %convert_element_type3A_375, %get3A_8, %dot_general3A_376 {dimension_numbers = #tpu.dot_dimension_numbers<[0], [0], [1], [1], [0, 1, 1, 1], [], []>, transpose_lhs_hint = false} : vector<1024x512xf32>, vector<1024x3xf32>, vector<512x3xf32> -> vector<512x3xf32>
    %sub3A_378 = arith.subf %dot_general3A_377, %get3A_3 : vector<512x3xf32>
    %mul3A_379 = arith.mulf %sub3A_378, %sub3A_378 : vector<512x3xf32>
    %reduce_sum3A_380 = arith.constant dense<0.000000e+00> : vector<512xf32>
    %reduce_sum3A_381 = vector.multi_reduction <add>, %mul3A_379, %reduce_sum3A_380 [1] : vector<512x3xf32> to vector<512xf32>
    %broadcast_in_dim3A_382 = vector.shape_cast %reduce_sum3A_381 : vector<512xf32> to vector<512x1xf32>
    %sqrt3A_383 = math.sqrt %broadcast_in_dim3A_382 : vector<512x1xf32>
    %max3A_384 = arith.constant 9.99999996E-13 : f32
    %max3A_385 = vector.broadcast %max3A_384 : f32 to vector<512x1xf32>
    %max3A_386 = arith.maximumf %sqrt3A_383, %max3A_385 : vector<512x1xf32>
    %div3A_387 = vector.broadcast %max3A_386 : vector<512x1xf32> to vector<512x3xf32>
    %div3A_388 = arith.divf %sub3A_378, %div3A_387 : vector<512x3xf32>
    %dot_general3A_389 = arith.constant dense<0.000000e+00> : vector<512x32xf32>
    %dot_general3A_390 = tpu.matmul %div3A_388, %div3A_54, %dot_general3A_389 {dimension_numbers = #tpu.dot_dimension_numbers<[1], [0], [0], [1], [0, 0, 1, 1], [], []>, transpose_lhs_hint = false} : vector<512x3xf32>, vector<3x32xf32>, vector<512x32xf32> -> vector<512x32xf32>
    %max3A_391 = arith.constant 0.000000e+00 : f32
    %max3A_392 = vector.broadcast %max3A_391 : f32 to vector<512x32xf32>
    %max3A_393 = arith.maximumf %dot_general3A_390, %max3A_392 : vector<512x32xf32>
    %max3A_394 = arith.maximumf %max3A_357, %max3A_393 : vector<512x32xf32>
    %reduce_max3A_395 = arith.constant dense<0xFF800000> : vector<512xf32>
    %reduce_max3A_396 = vector.multi_reduction <maximumf>, %select_n3A_373, %reduce_max3A_395 [0] : vector<1024x512xf32> to vector<512xf32>
    %broadcast_in_dim3A_397 = vector.shape_cast %reduce_max3A_396 : vector<512xf32> to vector<1x512xf32>
    %eq3A_398 = vector.broadcast %broadcast_in_dim3A_397 : vector<1x512xf32> to vector<1024x512xf32>
    %eq3A_399 = arith.cmpf oeq, %select_n3A_373, %eq3A_398 : vector<1024x512xf32>
    %jit3A_400 = arith.constant 1024 : i32
    %broadcast_in_dim3A_401 = vector.broadcast %jit3A_400 : i32 to vector<1024x512xi32>
    %select_n3A_402 = arith.select %eq3A_399, %iota3A, %broadcast_in_dim3A_401 : vector<1024x512xi1>, vector<1024x512xi32>
    %reduce_min3A_403 = arith.constant dense<2147483647> : vector<512xi32>
    %reduce_min3A_404 = vector.multi_reduction <minsi>, %select_n3A_402, %reduce_min3A_403 [0] : vector<1024x512xi32> to vector<512xi32>
    %broadcast_in_dim3A_405 = vector.shape_cast %reduce_min3A_404 : vector<512xi32> to vector<1x512xi32>
    %eq3A_406 = vector.broadcast %broadcast_in_dim3A_405 : vector<1x512xi32> to vector<1024x512xi32>
    %eq3A_407 = arith.cmpi eq, %iota3A, %eq3A_406 : vector<1024x512xi32>
    %jit3A_408 = arith.constant 0xFF800000 : f32
    %broadcast_in_dim3A_409 = vector.broadcast %jit3A_408 : f32 to vector<1024x512xf32>
    %select_n3A_410 = arith.select %eq3A_407, %broadcast_in_dim3A_409, %select_n3A_373 : vector<1024x512xi1>, vector<1024x512xf32>
    %convert_element_type3A_411 = arith.extui %eq3A_407 : vector<1024x512xi1> to vector<1024x512xi32>
    %convert_element_type3A_412 = arith.sitofp %convert_element_type3A_411 : vector<1024x512xi32> to vector<1024x512xf32>
    %dot_general3A_413 = arith.constant dense<0.000000e+00> : vector<512x3xf32>
    %dot_general3A_414 = tpu.matmul %convert_element_type3A_412, %get3A_8, %dot_general3A_413 {dimension_numbers = #tpu.dot_dimension_numbers<[0], [0], [1], [1], [0, 1, 1, 1], [], []>, transpose_lhs_hint = false} : vector<1024x512xf32>, vector<1024x3xf32>, vector<512x3xf32> -> vector<512x3xf32>
    %sub3A_415 = arith.subf %dot_general3A_414, %get3A_3 : vector<512x3xf32>
    %mul3A_416 = arith.mulf %sub3A_415, %sub3A_415 : vector<512x3xf32>
    %reduce_sum3A_417 = arith.constant dense<0.000000e+00> : vector<512xf32>
    %reduce_sum3A_418 = vector.multi_reduction <add>, %mul3A_416, %reduce_sum3A_417 [1] : vector<512x3xf32> to vector<512xf32>
    %broadcast_in_dim3A_419 = vector.shape_cast %reduce_sum3A_418 : vector<512xf32> to vector<512x1xf32>
    %sqrt3A_420 = math.sqrt %broadcast_in_dim3A_419 : vector<512x1xf32>
    %max3A_421 = arith.constant 9.99999996E-13 : f32
    %max3A_422 = vector.broadcast %max3A_421 : f32 to vector<512x1xf32>
    %max3A_423 = arith.maximumf %sqrt3A_420, %max3A_422 : vector<512x1xf32>
    %div3A_424 = vector.broadcast %max3A_423 : vector<512x1xf32> to vector<512x3xf32>
    %div3A_425 = arith.divf %sub3A_415, %div3A_424 : vector<512x3xf32>
    %dot_general3A_426 = arith.constant dense<0.000000e+00> : vector<512x32xf32>
    %dot_general3A_427 = tpu.matmul %div3A_425, %div3A_54, %dot_general3A_426 {dimension_numbers = #tpu.dot_dimension_numbers<[1], [0], [0], [1], [0, 0, 1, 1], [], []>, transpose_lhs_hint = false} : vector<512x3xf32>, vector<3x32xf32>, vector<512x32xf32> -> vector<512x32xf32>
    %max3A_428 = arith.constant 0.000000e+00 : f32
    %max3A_429 = vector.broadcast %max3A_428 : f32 to vector<512x32xf32>
    %max3A_430 = arith.maximumf %dot_general3A_427, %max3A_429 : vector<512x32xf32>
    %max3A_431 = arith.maximumf %max3A_394, %max3A_430 : vector<512x32xf32>
    %reduce_max3A_432 = arith.constant dense<0xFF800000> : vector<512xf32>
    %reduce_max3A_433 = vector.multi_reduction <maximumf>, %select_n3A_410, %reduce_max3A_432 [0] : vector<1024x512xf32> to vector<512xf32>
    %broadcast_in_dim3A_434 = vector.shape_cast %reduce_max3A_433 : vector<512xf32> to vector<1x512xf32>
    %eq3A_435 = vector.broadcast %broadcast_in_dim3A_434 : vector<1x512xf32> to vector<1024x512xf32>
    %eq3A_436 = arith.cmpf oeq, %select_n3A_410, %eq3A_435 : vector<1024x512xf32>
    %jit3A_437 = arith.constant 1024 : i32
    %broadcast_in_dim3A_438 = vector.broadcast %jit3A_437 : i32 to vector<1024x512xi32>
    %select_n3A_439 = arith.select %eq3A_436, %iota3A, %broadcast_in_dim3A_438 : vector<1024x512xi1>, vector<1024x512xi32>
    %reduce_min3A_440 = arith.constant dense<2147483647> : vector<512xi32>
    %reduce_min3A_441 = vector.multi_reduction <minsi>, %select_n3A_439, %reduce_min3A_440 [0] : vector<1024x512xi32> to vector<512xi32>
    %broadcast_in_dim3A_442 = vector.shape_cast %reduce_min3A_441 : vector<512xi32> to vector<1x512xi32>
    %eq3A_443 = vector.broadcast %broadcast_in_dim3A_442 : vector<1x512xi32> to vector<1024x512xi32>
    %eq3A_444 = arith.cmpi eq, %iota3A, %eq3A_443 : vector<1024x512xi32>
    %jit3A_445 = arith.constant 0xFF800000 : f32
    %broadcast_in_dim3A_446 = vector.broadcast %jit3A_445 : f32 to vector<1024x512xf32>
    %select_n3A_447 = arith.select %eq3A_444, %broadcast_in_dim3A_446, %select_n3A_410 : vector<1024x512xi1>, vector<1024x512xf32>
    %convert_element_type3A_448 = arith.extui %eq3A_444 : vector<1024x512xi1> to vector<1024x512xi32>
    %convert_element_type3A_449 = arith.sitofp %convert_element_type3A_448 : vector<1024x512xi32> to vector<1024x512xf32>
    %dot_general3A_450 = arith.constant dense<0.000000e+00> : vector<512x3xf32>
    %dot_general3A_451 = tpu.matmul %convert_element_type3A_449, %get3A_8, %dot_general3A_450 {dimension_numbers = #tpu.dot_dimension_numbers<[0], [0], [1], [1], [0, 1, 1, 1], [], []>, transpose_lhs_hint = false} : vector<1024x512xf32>, vector<1024x3xf32>, vector<512x3xf32> -> vector<512x3xf32>
    %sub3A_452 = arith.subf %dot_general3A_451, %get3A_3 : vector<512x3xf32>
    %mul3A_453 = arith.mulf %sub3A_452, %sub3A_452 : vector<512x3xf32>
    %reduce_sum3A_454 = arith.constant dense<0.000000e+00> : vector<512xf32>
    %reduce_sum3A_455 = vector.multi_reduction <add>, %mul3A_453, %reduce_sum3A_454 [1] : vector<512x3xf32> to vector<512xf32>
    %broadcast_in_dim3A_456 = vector.shape_cast %reduce_sum3A_455 : vector<512xf32> to vector<512x1xf32>
    %sqrt3A_457 = math.sqrt %broadcast_in_dim3A_456 : vector<512x1xf32>
    %max3A_458 = arith.constant 9.99999996E-13 : f32
    %max3A_459 = vector.broadcast %max3A_458 : f32 to vector<512x1xf32>
    %max3A_460 = arith.maximumf %sqrt3A_457, %max3A_459 : vector<512x1xf32>
    %div3A_461 = vector.broadcast %max3A_460 : vector<512x1xf32> to vector<512x3xf32>
    %div3A_462 = arith.divf %sub3A_452, %div3A_461 : vector<512x3xf32>
    %dot_general3A_463 = arith.constant dense<0.000000e+00> : vector<512x32xf32>
    %dot_general3A_464 = tpu.matmul %div3A_462, %div3A_54, %dot_general3A_463 {dimension_numbers = #tpu.dot_dimension_numbers<[1], [0], [0], [1], [0, 0, 1, 1], [], []>, transpose_lhs_hint = false} : vector<512x3xf32>, vector<3x32xf32>, vector<512x32xf32> -> vector<512x32xf32>
    %max3A_465 = arith.constant 0.000000e+00 : f32
    %max3A_466 = vector.broadcast %max3A_465 : f32 to vector<512x32xf32>
    %max3A_467 = arith.maximumf %dot_general3A_464, %max3A_466 : vector<512x32xf32>
    %max3A_468 = arith.maximumf %max3A_431, %max3A_467 : vector<512x32xf32>
    %reduce_max3A_469 = arith.constant dense<0xFF800000> : vector<512xf32>
    %reduce_max3A_470 = vector.multi_reduction <maximumf>, %select_n3A_447, %reduce_max3A_469 [0] : vector<1024x512xf32> to vector<512xf32>
    %broadcast_in_dim3A_471 = vector.shape_cast %reduce_max3A_470 : vector<512xf32> to vector<1x512xf32>
    %eq3A_472 = vector.broadcast %broadcast_in_dim3A_471 : vector<1x512xf32> to vector<1024x512xf32>
    %eq3A_473 = arith.cmpf oeq, %select_n3A_447, %eq3A_472 : vector<1024x512xf32>
    %jit3A_474 = arith.constant 1024 : i32
    %broadcast_in_dim3A_475 = vector.broadcast %jit3A_474 : i32 to vector<1024x512xi32>
    %select_n3A_476 = arith.select %eq3A_473, %iota3A, %broadcast_in_dim3A_475 : vector<1024x512xi1>, vector<1024x512xi32>
    %reduce_min3A_477 = arith.constant dense<2147483647> : vector<512xi32>
    %reduce_min3A_478 = vector.multi_reduction <minsi>, %select_n3A_476, %reduce_min3A_477 [0] : vector<1024x512xi32> to vector<512xi32>
    %broadcast_in_dim3A_479 = vector.shape_cast %reduce_min3A_478 : vector<512xi32> to vector<1x512xi32>
    %eq3A_480 = vector.broadcast %broadcast_in_dim3A_479 : vector<1x512xi32> to vector<1024x512xi32>
    %eq3A_481 = arith.cmpi eq, %iota3A, %eq3A_480 : vector<1024x512xi32>
    %jit3A_482 = arith.constant 0xFF800000 : f32
    %broadcast_in_dim3A_483 = vector.broadcast %jit3A_482 : f32 to vector<1024x512xf32>
    %select_n3A_484 = arith.select %eq3A_481, %broadcast_in_dim3A_483, %select_n3A_447 : vector<1024x512xi1>, vector<1024x512xf32>
    %convert_element_type3A_485 = arith.extui %eq3A_481 : vector<1024x512xi1> to vector<1024x512xi32>
    %convert_element_type3A_486 = arith.sitofp %convert_element_type3A_485 : vector<1024x512xi32> to vector<1024x512xf32>
    %dot_general3A_487 = arith.constant dense<0.000000e+00> : vector<512x3xf32>
    %dot_general3A_488 = tpu.matmul %convert_element_type3A_486, %get3A_8, %dot_general3A_487 {dimension_numbers = #tpu.dot_dimension_numbers<[0], [0], [1], [1], [0, 1, 1, 1], [], []>, transpose_lhs_hint = false} : vector<1024x512xf32>, vector<1024x3xf32>, vector<512x3xf32> -> vector<512x3xf32>
    %sub3A_489 = arith.subf %dot_general3A_488, %get3A_3 : vector<512x3xf32>
    %mul3A_490 = arith.mulf %sub3A_489, %sub3A_489 : vector<512x3xf32>
    %reduce_sum3A_491 = arith.constant dense<0.000000e+00> : vector<512xf32>
    %reduce_sum3A_492 = vector.multi_reduction <add>, %mul3A_490, %reduce_sum3A_491 [1] : vector<512x3xf32> to vector<512xf32>
    %broadcast_in_dim3A_493 = vector.shape_cast %reduce_sum3A_492 : vector<512xf32> to vector<512x1xf32>
    %sqrt3A_494 = math.sqrt %broadcast_in_dim3A_493 : vector<512x1xf32>
    %max3A_495 = arith.constant 9.99999996E-13 : f32
    %max3A_496 = vector.broadcast %max3A_495 : f32 to vector<512x1xf32>
    %max3A_497 = arith.maximumf %sqrt3A_494, %max3A_496 : vector<512x1xf32>
    %div3A_498 = vector.broadcast %max3A_497 : vector<512x1xf32> to vector<512x3xf32>
    %div3A_499 = arith.divf %sub3A_489, %div3A_498 : vector<512x3xf32>
    %dot_general3A_500 = arith.constant dense<0.000000e+00> : vector<512x32xf32>
    %dot_general3A_501 = tpu.matmul %div3A_499, %div3A_54, %dot_general3A_500 {dimension_numbers = #tpu.dot_dimension_numbers<[1], [0], [0], [1], [0, 0, 1, 1], [], []>, transpose_lhs_hint = false} : vector<512x3xf32>, vector<3x32xf32>, vector<512x32xf32> -> vector<512x32xf32>
    %max3A_502 = arith.constant 0.000000e+00 : f32
    %max3A_503 = vector.broadcast %max3A_502 : f32 to vector<512x32xf32>
    %max3A_504 = arith.maximumf %dot_general3A_501, %max3A_503 : vector<512x32xf32>
    %max3A_505 = arith.maximumf %max3A_468, %max3A_504 : vector<512x32xf32>
    %reduce_max3A_506 = arith.constant dense<0xFF800000> : vector<512xf32>
    %reduce_max3A_507 = vector.multi_reduction <maximumf>, %select_n3A_484, %reduce_max3A_506 [0] : vector<1024x512xf32> to vector<512xf32>
    %broadcast_in_dim3A_508 = vector.shape_cast %reduce_max3A_507 : vector<512xf32> to vector<1x512xf32>
    %eq3A_509 = vector.broadcast %broadcast_in_dim3A_508 : vector<1x512xf32> to vector<1024x512xf32>
    %eq3A_510 = arith.cmpf oeq, %select_n3A_484, %eq3A_509 : vector<1024x512xf32>
    %jit3A_511 = arith.constant 1024 : i32
    %broadcast_in_dim3A_512 = vector.broadcast %jit3A_511 : i32 to vector<1024x512xi32>
    %select_n3A_513 = arith.select %eq3A_510, %iota3A, %broadcast_in_dim3A_512 : vector<1024x512xi1>, vector<1024x512xi32>
    %reduce_min3A_514 = arith.constant dense<2147483647> : vector<512xi32>
    %reduce_min3A_515 = vector.multi_reduction <minsi>, %select_n3A_513, %reduce_min3A_514 [0] : vector<1024x512xi32> to vector<512xi32>
    %broadcast_in_dim3A_516 = vector.shape_cast %reduce_min3A_515 : vector<512xi32> to vector<1x512xi32>
    %eq3A_517 = vector.broadcast %broadcast_in_dim3A_516 : vector<1x512xi32> to vector<1024x512xi32>
    %eq3A_518 = arith.cmpi eq, %iota3A, %eq3A_517 : vector<1024x512xi32>
    %jit3A_519 = arith.constant 0xFF800000 : f32
    %broadcast_in_dim3A_520 = vector.broadcast %jit3A_519 : f32 to vector<1024x512xf32>
    %select_n3A_521 = arith.select %eq3A_518, %broadcast_in_dim3A_520, %select_n3A_484 : vector<1024x512xi1>, vector<1024x512xf32>
    %convert_element_type3A_522 = arith.extui %eq3A_518 : vector<1024x512xi1> to vector<1024x512xi32>
    %convert_element_type3A_523 = arith.sitofp %convert_element_type3A_522 : vector<1024x512xi32> to vector<1024x512xf32>
    %dot_general3A_524 = arith.constant dense<0.000000e+00> : vector<512x3xf32>
    %dot_general3A_525 = tpu.matmul %convert_element_type3A_523, %get3A_8, %dot_general3A_524 {dimension_numbers = #tpu.dot_dimension_numbers<[0], [0], [1], [1], [0, 1, 1, 1], [], []>, transpose_lhs_hint = false} : vector<1024x512xf32>, vector<1024x3xf32>, vector<512x3xf32> -> vector<512x3xf32>
    %sub3A_526 = arith.subf %dot_general3A_525, %get3A_3 : vector<512x3xf32>
    %mul3A_527 = arith.mulf %sub3A_526, %sub3A_526 : vector<512x3xf32>
    %reduce_sum3A_528 = arith.constant dense<0.000000e+00> : vector<512xf32>
    %reduce_sum3A_529 = vector.multi_reduction <add>, %mul3A_527, %reduce_sum3A_528 [1] : vector<512x3xf32> to vector<512xf32>
    %broadcast_in_dim3A_530 = vector.shape_cast %reduce_sum3A_529 : vector<512xf32> to vector<512x1xf32>
    %sqrt3A_531 = math.sqrt %broadcast_in_dim3A_530 : vector<512x1xf32>
    %max3A_532 = arith.constant 9.99999996E-13 : f32
    %max3A_533 = vector.broadcast %max3A_532 : f32 to vector<512x1xf32>
    %max3A_534 = arith.maximumf %sqrt3A_531, %max3A_533 : vector<512x1xf32>
    %div3A_535 = vector.broadcast %max3A_534 : vector<512x1xf32> to vector<512x3xf32>
    %div3A_536 = arith.divf %sub3A_526, %div3A_535 : vector<512x3xf32>
    %dot_general3A_537 = arith.constant dense<0.000000e+00> : vector<512x32xf32>
    %dot_general3A_538 = tpu.matmul %div3A_536, %div3A_54, %dot_general3A_537 {dimension_numbers = #tpu.dot_dimension_numbers<[1], [0], [0], [1], [0, 0, 1, 1], [], []>, transpose_lhs_hint = false} : vector<512x3xf32>, vector<3x32xf32>, vector<512x32xf32> -> vector<512x32xf32>
    %max3A_539 = arith.constant 0.000000e+00 : f32
    %max3A_540 = vector.broadcast %max3A_539 : f32 to vector<512x32xf32>
    %max3A_541 = arith.maximumf %dot_general3A_538, %max3A_540 : vector<512x32xf32>
    %max3A_542 = arith.maximumf %max3A_505, %max3A_541 : vector<512x32xf32>
    %reduce_max3A_543 = arith.constant dense<0xFF800000> : vector<512xf32>
    %reduce_max3A_544 = vector.multi_reduction <maximumf>, %select_n3A_521, %reduce_max3A_543 [0] : vector<1024x512xf32> to vector<512xf32>
    %broadcast_in_dim3A_545 = vector.shape_cast %reduce_max3A_544 : vector<512xf32> to vector<1x512xf32>
    %eq3A_546 = vector.broadcast %broadcast_in_dim3A_545 : vector<1x512xf32> to vector<1024x512xf32>
    %eq3A_547 = arith.cmpf oeq, %select_n3A_521, %eq3A_546 : vector<1024x512xf32>
    %jit3A_548 = arith.constant 1024 : i32
    %broadcast_in_dim3A_549 = vector.broadcast %jit3A_548 : i32 to vector<1024x512xi32>
    %select_n3A_550 = arith.select %eq3A_547, %iota3A, %broadcast_in_dim3A_549 : vector<1024x512xi1>, vector<1024x512xi32>
    %reduce_min3A_551 = arith.constant dense<2147483647> : vector<512xi32>
    %reduce_min3A_552 = vector.multi_reduction <minsi>, %select_n3A_550, %reduce_min3A_551 [0] : vector<1024x512xi32> to vector<512xi32>
    %broadcast_in_dim3A_553 = vector.shape_cast %reduce_min3A_552 : vector<512xi32> to vector<1x512xi32>
    %eq3A_554 = vector.broadcast %broadcast_in_dim3A_553 : vector<1x512xi32> to vector<1024x512xi32>
    %eq3A_555 = arith.cmpi eq, %iota3A, %eq3A_554 : vector<1024x512xi32>
    %jit3A_556 = arith.constant 0xFF800000 : f32
    %broadcast_in_dim3A_557 = vector.broadcast %jit3A_556 : f32 to vector<1024x512xf32>
    %select_n3A_558 = arith.select %eq3A_555, %broadcast_in_dim3A_557, %select_n3A_521 : vector<1024x512xi1>, vector<1024x512xf32>
    %convert_element_type3A_559 = arith.extui %eq3A_555 : vector<1024x512xi1> to vector<1024x512xi32>
    %convert_element_type3A_560 = arith.sitofp %convert_element_type3A_559 : vector<1024x512xi32> to vector<1024x512xf32>
    %dot_general3A_561 = arith.constant dense<0.000000e+00> : vector<512x3xf32>
    %dot_general3A_562 = tpu.matmul %convert_element_type3A_560, %get3A_8, %dot_general3A_561 {dimension_numbers = #tpu.dot_dimension_numbers<[0], [0], [1], [1], [0, 1, 1, 1], [], []>, transpose_lhs_hint = false} : vector<1024x512xf32>, vector<1024x3xf32>, vector<512x3xf32> -> vector<512x3xf32>
    %sub3A_563 = arith.subf %dot_general3A_562, %get3A_3 : vector<512x3xf32>
    %mul3A_564 = arith.mulf %sub3A_563, %sub3A_563 : vector<512x3xf32>
    %reduce_sum3A_565 = arith.constant dense<0.000000e+00> : vector<512xf32>
    %reduce_sum3A_566 = vector.multi_reduction <add>, %mul3A_564, %reduce_sum3A_565 [1] : vector<512x3xf32> to vector<512xf32>
    %broadcast_in_dim3A_567 = vector.shape_cast %reduce_sum3A_566 : vector<512xf32> to vector<512x1xf32>
    %sqrt3A_568 = math.sqrt %broadcast_in_dim3A_567 : vector<512x1xf32>
    %max3A_569 = arith.constant 9.99999996E-13 : f32
    %max3A_570 = vector.broadcast %max3A_569 : f32 to vector<512x1xf32>
    %max3A_571 = arith.maximumf %sqrt3A_568, %max3A_570 : vector<512x1xf32>
    %div3A_572 = vector.broadcast %max3A_571 : vector<512x1xf32> to vector<512x3xf32>
    %div3A_573 = arith.divf %sub3A_563, %div3A_572 : vector<512x3xf32>
    %dot_general3A_574 = arith.constant dense<0.000000e+00> : vector<512x32xf32>
    %dot_general3A_575 = tpu.matmul %div3A_573, %div3A_54, %dot_general3A_574 {dimension_numbers = #tpu.dot_dimension_numbers<[1], [0], [0], [1], [0, 0, 1, 1], [], []>, transpose_lhs_hint = false} : vector<512x3xf32>, vector<3x32xf32>, vector<512x32xf32> -> vector<512x32xf32>
    %max3A_576 = arith.constant 0.000000e+00 : f32
    %max3A_577 = vector.broadcast %max3A_576 : f32 to vector<512x32xf32>
    %max3A_578 = arith.maximumf %dot_general3A_575, %max3A_577 : vector<512x32xf32>
    %max3A_579 = arith.maximumf %max3A_542, %max3A_578 : vector<512x32xf32>
    %reduce_max3A_580 = arith.constant dense<0xFF800000> : vector<512xf32>
    %reduce_max3A_581 = vector.multi_reduction <maximumf>, %select_n3A_558, %reduce_max3A_580 [0] : vector<1024x512xf32> to vector<512xf32>
    %broadcast_in_dim3A_582 = vector.shape_cast %reduce_max3A_581 : vector<512xf32> to vector<1x512xf32>
    %eq3A_583 = vector.broadcast %broadcast_in_dim3A_582 : vector<1x512xf32> to vector<1024x512xf32>
    %eq3A_584 = arith.cmpf oeq, %select_n3A_558, %eq3A_583 : vector<1024x512xf32>
    %jit3A_585 = arith.constant 1024 : i32
    %broadcast_in_dim3A_586 = vector.broadcast %jit3A_585 : i32 to vector<1024x512xi32>
    %select_n3A_587 = arith.select %eq3A_584, %iota3A, %broadcast_in_dim3A_586 : vector<1024x512xi1>, vector<1024x512xi32>
    %reduce_min3A_588 = arith.constant dense<2147483647> : vector<512xi32>
    %reduce_min3A_589 = vector.multi_reduction <minsi>, %select_n3A_587, %reduce_min3A_588 [0] : vector<1024x512xi32> to vector<512xi32>
    %broadcast_in_dim3A_590 = vector.shape_cast %reduce_min3A_589 : vector<512xi32> to vector<1x512xi32>
    %eq3A_591 = vector.broadcast %broadcast_in_dim3A_590 : vector<1x512xi32> to vector<1024x512xi32>
    %eq3A_592 = arith.cmpi eq, %iota3A, %eq3A_591 : vector<1024x512xi32>
    %jit3A_593 = arith.constant 0xFF800000 : f32
    %broadcast_in_dim3A_594 = vector.broadcast %jit3A_593 : f32 to vector<1024x512xf32>
    %select_n3A_595 = arith.select %eq3A_592, %broadcast_in_dim3A_594, %select_n3A_558 : vector<1024x512xi1>, vector<1024x512xf32>
    %convert_element_type3A_596 = arith.extui %eq3A_592 : vector<1024x512xi1> to vector<1024x512xi32>
    %convert_element_type3A_597 = arith.sitofp %convert_element_type3A_596 : vector<1024x512xi32> to vector<1024x512xf32>
    %dot_general3A_598 = arith.constant dense<0.000000e+00> : vector<512x3xf32>
    %dot_general3A_599 = tpu.matmul %convert_element_type3A_597, %get3A_8, %dot_general3A_598 {dimension_numbers = #tpu.dot_dimension_numbers<[0], [0], [1], [1], [0, 1, 1, 1], [], []>, transpose_lhs_hint = false} : vector<1024x512xf32>, vector<1024x3xf32>, vector<512x3xf32> -> vector<512x3xf32>
    %sub3A_600 = arith.subf %dot_general3A_599, %get3A_3 : vector<512x3xf32>
    %mul3A_601 = arith.mulf %sub3A_600, %sub3A_600 : vector<512x3xf32>
    %reduce_sum3A_602 = arith.constant dense<0.000000e+00> : vector<512xf32>
    %reduce_sum3A_603 = vector.multi_reduction <add>, %mul3A_601, %reduce_sum3A_602 [1] : vector<512x3xf32> to vector<512xf32>
    %broadcast_in_dim3A_604 = vector.shape_cast %reduce_sum3A_603 : vector<512xf32> to vector<512x1xf32>
    %sqrt3A_605 = math.sqrt %broadcast_in_dim3A_604 : vector<512x1xf32>
    %max3A_606 = arith.constant 9.99999996E-13 : f32
    %max3A_607 = vector.broadcast %max3A_606 : f32 to vector<512x1xf32>
    %max3A_608 = arith.maximumf %sqrt3A_605, %max3A_607 : vector<512x1xf32>
    %div3A_609 = vector.broadcast %max3A_608 : vector<512x1xf32> to vector<512x3xf32>
    %div3A_610 = arith.divf %sub3A_600, %div3A_609 : vector<512x3xf32>
    %dot_general3A_611 = arith.constant dense<0.000000e+00> : vector<512x32xf32>
    %dot_general3A_612 = tpu.matmul %div3A_610, %div3A_54, %dot_general3A_611 {dimension_numbers = #tpu.dot_dimension_numbers<[1], [0], [0], [1], [0, 0, 1, 1], [], []>, transpose_lhs_hint = false} : vector<512x3xf32>, vector<3x32xf32>, vector<512x32xf32> -> vector<512x32xf32>
    %max3A_613 = arith.constant 0.000000e+00 : f32
    %max3A_614 = vector.broadcast %max3A_613 : f32 to vector<512x32xf32>
    %max3A_615 = arith.maximumf %dot_general3A_612, %max3A_614 : vector<512x32xf32>
    %max3A_616 = arith.maximumf %max3A_579, %max3A_615 : vector<512x32xf32>
    %reduce_max3A_617 = arith.constant dense<0xFF800000> : vector<512xf32>
    %reduce_max3A_618 = vector.multi_reduction <maximumf>, %select_n3A_595, %reduce_max3A_617 [0] : vector<1024x512xf32> to vector<512xf32>
    %broadcast_in_dim3A_619 = vector.shape_cast %reduce_max3A_618 : vector<512xf32> to vector<1x512xf32>
    %eq3A_620 = vector.broadcast %broadcast_in_dim3A_619 : vector<1x512xf32> to vector<1024x512xf32>
    %eq3A_621 = arith.cmpf oeq, %select_n3A_595, %eq3A_620 : vector<1024x512xf32>
    %jit3A_622 = arith.constant 1024 : i32
    %broadcast_in_dim3A_623 = vector.broadcast %jit3A_622 : i32 to vector<1024x512xi32>
    %select_n3A_624 = arith.select %eq3A_621, %iota3A, %broadcast_in_dim3A_623 : vector<1024x512xi1>, vector<1024x512xi32>
    %reduce_min3A_625 = arith.constant dense<2147483647> : vector<512xi32>
    %reduce_min3A_626 = vector.multi_reduction <minsi>, %select_n3A_624, %reduce_min3A_625 [0] : vector<1024x512xi32> to vector<512xi32>
    %broadcast_in_dim3A_627 = vector.shape_cast %reduce_min3A_626 : vector<512xi32> to vector<1x512xi32>
    %eq3A_628 = vector.broadcast %broadcast_in_dim3A_627 : vector<1x512xi32> to vector<1024x512xi32>
    %eq3A_629 = arith.cmpi eq, %iota3A, %eq3A_628 : vector<1024x512xi32>
    %jit3A_630 = arith.constant 0xFF800000 : f32
    %broadcast_in_dim3A_631 = vector.broadcast %jit3A_630 : f32 to vector<1024x512xf32>
    %select_n3A_632 = arith.select %eq3A_629, %broadcast_in_dim3A_631, %select_n3A_595 : vector<1024x512xi1>, vector<1024x512xf32>
    %convert_element_type3A_633 = arith.extui %eq3A_629 : vector<1024x512xi1> to vector<1024x512xi32>
    %convert_element_type3A_634 = arith.sitofp %convert_element_type3A_633 : vector<1024x512xi32> to vector<1024x512xf32>
    %dot_general3A_635 = arith.constant dense<0.000000e+00> : vector<512x3xf32>
    %dot_general3A_636 = tpu.matmul %convert_element_type3A_634, %get3A_8, %dot_general3A_635 {dimension_numbers = #tpu.dot_dimension_numbers<[0], [0], [1], [1], [0, 1, 1, 1], [], []>, transpose_lhs_hint = false} : vector<1024x512xf32>, vector<1024x3xf32>, vector<512x3xf32> -> vector<512x3xf32>
    %sub3A_637 = arith.subf %dot_general3A_636, %get3A_3 : vector<512x3xf32>
    %mul3A_638 = arith.mulf %sub3A_637, %sub3A_637 : vector<512x3xf32>
    %reduce_sum3A_639 = arith.constant dense<0.000000e+00> : vector<512xf32>
    %reduce_sum3A_640 = vector.multi_reduction <add>, %mul3A_638, %reduce_sum3A_639 [1] : vector<512x3xf32> to vector<512xf32>
    %broadcast_in_dim3A_641 = vector.shape_cast %reduce_sum3A_640 : vector<512xf32> to vector<512x1xf32>
    %sqrt3A_642 = math.sqrt %broadcast_in_dim3A_641 : vector<512x1xf32>
    %max3A_643 = arith.constant 9.99999996E-13 : f32
    %max3A_644 = vector.broadcast %max3A_643 : f32 to vector<512x1xf32>
    %max3A_645 = arith.maximumf %sqrt3A_642, %max3A_644 : vector<512x1xf32>
    %div3A_646 = vector.broadcast %max3A_645 : vector<512x1xf32> to vector<512x3xf32>
    %div3A_647 = arith.divf %sub3A_637, %div3A_646 : vector<512x3xf32>
    %dot_general3A_648 = arith.constant dense<0.000000e+00> : vector<512x32xf32>
    %dot_general3A_649 = tpu.matmul %div3A_647, %div3A_54, %dot_general3A_648 {dimension_numbers = #tpu.dot_dimension_numbers<[1], [0], [0], [1], [0, 0, 1, 1], [], []>, transpose_lhs_hint = false} : vector<512x3xf32>, vector<3x32xf32>, vector<512x32xf32> -> vector<512x32xf32>
    %max3A_650 = arith.constant 0.000000e+00 : f32
    %max3A_651 = vector.broadcast %max3A_650 : f32 to vector<512x32xf32>
    %max3A_652 = arith.maximumf %dot_general3A_649, %max3A_651 : vector<512x32xf32>
    %max3A_653 = arith.maximumf %max3A_616, %max3A_652 : vector<512x32xf32>
    %reduce_max3A_654 = arith.constant dense<0xFF800000> : vector<512xf32>
    %reduce_max3A_655 = vector.multi_reduction <maximumf>, %select_n3A_632, %reduce_max3A_654 [0] : vector<1024x512xf32> to vector<512xf32>
    %broadcast_in_dim3A_656 = vector.shape_cast %reduce_max3A_655 : vector<512xf32> to vector<1x512xf32>
    %eq3A_657 = vector.broadcast %broadcast_in_dim3A_656 : vector<1x512xf32> to vector<1024x512xf32>
    %eq3A_658 = arith.cmpf oeq, %select_n3A_632, %eq3A_657 : vector<1024x512xf32>
    %jit3A_659 = arith.constant 1024 : i32
    %broadcast_in_dim3A_660 = vector.broadcast %jit3A_659 : i32 to vector<1024x512xi32>
    %select_n3A_661 = arith.select %eq3A_658, %iota3A, %broadcast_in_dim3A_660 : vector<1024x512xi1>, vector<1024x512xi32>
    %reduce_min3A_662 = arith.constant dense<2147483647> : vector<512xi32>
    %reduce_min3A_663 = vector.multi_reduction <minsi>, %select_n3A_661, %reduce_min3A_662 [0] : vector<1024x512xi32> to vector<512xi32>
    %broadcast_in_dim3A_664 = vector.shape_cast %reduce_min3A_663 : vector<512xi32> to vector<1x512xi32>
    %eq3A_665 = vector.broadcast %broadcast_in_dim3A_664 : vector<1x512xi32> to vector<1024x512xi32>
    %eq3A_666 = arith.cmpi eq, %iota3A, %eq3A_665 : vector<1024x512xi32>
    %jit3A_667 = arith.constant 0xFF800000 : f32
    %broadcast_in_dim3A_668 = vector.broadcast %jit3A_667 : f32 to vector<1024x512xf32>
    %select_n3A_669 = arith.select %eq3A_666, %broadcast_in_dim3A_668, %select_n3A_632 : vector<1024x512xi1>, vector<1024x512xf32>
    %convert_element_type3A_670 = arith.extui %eq3A_666 : vector<1024x512xi1> to vector<1024x512xi32>
    %convert_element_type3A_671 = arith.sitofp %convert_element_type3A_670 : vector<1024x512xi32> to vector<1024x512xf32>
    %dot_general3A_672 = arith.constant dense<0.000000e+00> : vector<512x3xf32>
    %dot_general3A_673 = tpu.matmul %convert_element_type3A_671, %get3A_8, %dot_general3A_672 {dimension_numbers = #tpu.dot_dimension_numbers<[0], [0], [1], [1], [0, 1, 1, 1], [], []>, transpose_lhs_hint = false} : vector<1024x512xf32>, vector<1024x3xf32>, vector<512x3xf32> -> vector<512x3xf32>
    %sub3A_674 = arith.subf %dot_general3A_673, %get3A_3 : vector<512x3xf32>
    %mul3A_675 = arith.mulf %sub3A_674, %sub3A_674 : vector<512x3xf32>
    %reduce_sum3A_676 = arith.constant dense<0.000000e+00> : vector<512xf32>
    %reduce_sum3A_677 = vector.multi_reduction <add>, %mul3A_675, %reduce_sum3A_676 [1] : vector<512x3xf32> to vector<512xf32>
    %broadcast_in_dim3A_678 = vector.shape_cast %reduce_sum3A_677 : vector<512xf32> to vector<512x1xf32>
    %sqrt3A_679 = math.sqrt %broadcast_in_dim3A_678 : vector<512x1xf32>
    %max3A_680 = arith.constant 9.99999996E-13 : f32
    %max3A_681 = vector.broadcast %max3A_680 : f32 to vector<512x1xf32>
    %max3A_682 = arith.maximumf %sqrt3A_679, %max3A_681 : vector<512x1xf32>
    %div3A_683 = vector.broadcast %max3A_682 : vector<512x1xf32> to vector<512x3xf32>
    %div3A_684 = arith.divf %sub3A_674, %div3A_683 : vector<512x3xf32>
    %dot_general3A_685 = arith.constant dense<0.000000e+00> : vector<512x32xf32>
    %dot_general3A_686 = tpu.matmul %div3A_684, %div3A_54, %dot_general3A_685 {dimension_numbers = #tpu.dot_dimension_numbers<[1], [0], [0], [1], [0, 0, 1, 1], [], []>, transpose_lhs_hint = false} : vector<512x3xf32>, vector<3x32xf32>, vector<512x32xf32> -> vector<512x32xf32>
    %max3A_687 = arith.constant 0.000000e+00 : f32
    %max3A_688 = vector.broadcast %max3A_687 : f32 to vector<512x32xf32>
    %max3A_689 = arith.maximumf %dot_general3A_686, %max3A_688 : vector<512x32xf32>
    %max3A_690 = arith.maximumf %max3A_653, %max3A_689 : vector<512x32xf32>
    %reduce_max3A_691 = arith.constant dense<0xFF800000> : vector<512xf32>
    %reduce_max3A_692 = vector.multi_reduction <maximumf>, %select_n3A_669, %reduce_max3A_691 [0] : vector<1024x512xf32> to vector<512xf32>
    %broadcast_in_dim3A_693 = vector.shape_cast %reduce_max3A_692 : vector<512xf32> to vector<1x512xf32>
    %eq3A_694 = vector.broadcast %broadcast_in_dim3A_693 : vector<1x512xf32> to vector<1024x512xf32>
    %eq3A_695 = arith.cmpf oeq, %select_n3A_669, %eq3A_694 : vector<1024x512xf32>
    %jit3A_696 = arith.constant 1024 : i32
    %broadcast_in_dim3A_697 = vector.broadcast %jit3A_696 : i32 to vector<1024x512xi32>
    %select_n3A_698 = arith.select %eq3A_695, %iota3A, %broadcast_in_dim3A_697 : vector<1024x512xi1>, vector<1024x512xi32>
    %reduce_min3A_699 = arith.constant dense<2147483647> : vector<512xi32>
    %reduce_min3A_700 = vector.multi_reduction <minsi>, %select_n3A_698, %reduce_min3A_699 [0] : vector<1024x512xi32> to vector<512xi32>
    %broadcast_in_dim3A_701 = vector.shape_cast %reduce_min3A_700 : vector<512xi32> to vector<1x512xi32>
    %eq3A_702 = vector.broadcast %broadcast_in_dim3A_701 : vector<1x512xi32> to vector<1024x512xi32>
    %eq3A_703 = arith.cmpi eq, %iota3A, %eq3A_702 : vector<1024x512xi32>
    %jit3A_704 = arith.constant 0xFF800000 : f32
    %broadcast_in_dim3A_705 = vector.broadcast %jit3A_704 : f32 to vector<1024x512xf32>
    %select_n3A_706 = arith.select %eq3A_703, %broadcast_in_dim3A_705, %select_n3A_669 : vector<1024x512xi1>, vector<1024x512xf32>
    %convert_element_type3A_707 = arith.extui %eq3A_703 : vector<1024x512xi1> to vector<1024x512xi32>
    %convert_element_type3A_708 = arith.sitofp %convert_element_type3A_707 : vector<1024x512xi32> to vector<1024x512xf32>
    %dot_general3A_709 = arith.constant dense<0.000000e+00> : vector<512x3xf32>
    %dot_general3A_710 = tpu.matmul %convert_element_type3A_708, %get3A_8, %dot_general3A_709 {dimension_numbers = #tpu.dot_dimension_numbers<[0], [0], [1], [1], [0, 1, 1, 1], [], []>, transpose_lhs_hint = false} : vector<1024x512xf32>, vector<1024x3xf32>, vector<512x3xf32> -> vector<512x3xf32>
    %sub3A_711 = arith.subf %dot_general3A_710, %get3A_3 : vector<512x3xf32>
    %mul3A_712 = arith.mulf %sub3A_711, %sub3A_711 : vector<512x3xf32>
    %reduce_sum3A_713 = arith.constant dense<0.000000e+00> : vector<512xf32>
    %reduce_sum3A_714 = vector.multi_reduction <add>, %mul3A_712, %reduce_sum3A_713 [1] : vector<512x3xf32> to vector<512xf32>
    %broadcast_in_dim3A_715 = vector.shape_cast %reduce_sum3A_714 : vector<512xf32> to vector<512x1xf32>
    %sqrt3A_716 = math.sqrt %broadcast_in_dim3A_715 : vector<512x1xf32>
    %max3A_717 = arith.constant 9.99999996E-13 : f32
    %max3A_718 = vector.broadcast %max3A_717 : f32 to vector<512x1xf32>
    %max3A_719 = arith.maximumf %sqrt3A_716, %max3A_718 : vector<512x1xf32>
    %div3A_720 = vector.broadcast %max3A_719 : vector<512x1xf32> to vector<512x3xf32>
    %div3A_721 = arith.divf %sub3A_711, %div3A_720 : vector<512x3xf32>
    %dot_general3A_722 = arith.constant dense<0.000000e+00> : vector<512x32xf32>
    %dot_general3A_723 = tpu.matmul %div3A_721, %div3A_54, %dot_general3A_722 {dimension_numbers = #tpu.dot_dimension_numbers<[1], [0], [0], [1], [0, 0, 1, 1], [], []>, transpose_lhs_hint = false} : vector<512x3xf32>, vector<3x32xf32>, vector<512x32xf32> -> vector<512x32xf32>
    %max3A_724 = arith.constant 0.000000e+00 : f32
    %max3A_725 = vector.broadcast %max3A_724 : f32 to vector<512x32xf32>
    %max3A_726 = arith.maximumf %dot_general3A_723, %max3A_725 : vector<512x32xf32>
    %max3A_727 = arith.maximumf %max3A_690, %max3A_726 : vector<512x32xf32>
    %reduce_max3A_728 = arith.constant dense<0xFF800000> : vector<512xf32>
    %reduce_max3A_729 = vector.multi_reduction <maximumf>, %select_n3A_706, %reduce_max3A_728 [0] : vector<1024x512xf32> to vector<512xf32>
    %broadcast_in_dim3A_730 = vector.shape_cast %reduce_max3A_729 : vector<512xf32> to vector<1x512xf32>
    %eq3A_731 = vector.broadcast %broadcast_in_dim3A_730 : vector<1x512xf32> to vector<1024x512xf32>
    %eq3A_732 = arith.cmpf oeq, %select_n3A_706, %eq3A_731 : vector<1024x512xf32>
    %jit3A_733 = arith.constant 1024 : i32
    %broadcast_in_dim3A_734 = vector.broadcast %jit3A_733 : i32 to vector<1024x512xi32>
    %select_n3A_735 = arith.select %eq3A_732, %iota3A, %broadcast_in_dim3A_734 : vector<1024x512xi1>, vector<1024x512xi32>
    %reduce_min3A_736 = arith.constant dense<2147483647> : vector<512xi32>
    %reduce_min3A_737 = vector.multi_reduction <minsi>, %select_n3A_735, %reduce_min3A_736 [0] : vector<1024x512xi32> to vector<512xi32>
    %broadcast_in_dim3A_738 = vector.shape_cast %reduce_min3A_737 : vector<512xi32> to vector<1x512xi32>
    %eq3A_739 = vector.broadcast %broadcast_in_dim3A_738 : vector<1x512xi32> to vector<1024x512xi32>
    %eq3A_740 = arith.cmpi eq, %iota3A, %eq3A_739 : vector<1024x512xi32>
    %jit3A_741 = arith.constant 0xFF800000 : f32
    %broadcast_in_dim3A_742 = vector.broadcast %jit3A_741 : f32 to vector<1024x512xf32>
    %select_n3A_743 = arith.select %eq3A_740, %broadcast_in_dim3A_742, %select_n3A_706 : vector<1024x512xi1>, vector<1024x512xf32>
    %convert_element_type3A_744 = arith.extui %eq3A_740 : vector<1024x512xi1> to vector<1024x512xi32>
    %convert_element_type3A_745 = arith.sitofp %convert_element_type3A_744 : vector<1024x512xi32> to vector<1024x512xf32>
    %dot_general3A_746 = arith.constant dense<0.000000e+00> : vector<512x3xf32>
    %dot_general3A_747 = tpu.matmul %convert_element_type3A_745, %get3A_8, %dot_general3A_746 {dimension_numbers = #tpu.dot_dimension_numbers<[0], [0], [1], [1], [0, 1, 1, 1], [], []>, transpose_lhs_hint = false} : vector<1024x512xf32>, vector<1024x3xf32>, vector<512x3xf32> -> vector<512x3xf32>
    %sub3A_748 = arith.subf %dot_general3A_747, %get3A_3 : vector<512x3xf32>
    %mul3A_749 = arith.mulf %sub3A_748, %sub3A_748 : vector<512x3xf32>
    %reduce_sum3A_750 = arith.constant dense<0.000000e+00> : vector<512xf32>
    %reduce_sum3A_751 = vector.multi_reduction <add>, %mul3A_749, %reduce_sum3A_750 [1] : vector<512x3xf32> to vector<512xf32>
    %broadcast_in_dim3A_752 = vector.shape_cast %reduce_sum3A_751 : vector<512xf32> to vector<512x1xf32>
    %sqrt3A_753 = math.sqrt %broadcast_in_dim3A_752 : vector<512x1xf32>
    %max3A_754 = arith.constant 9.99999996E-13 : f32
    %max3A_755 = vector.broadcast %max3A_754 : f32 to vector<512x1xf32>
    %max3A_756 = arith.maximumf %sqrt3A_753, %max3A_755 : vector<512x1xf32>
    %div3A_757 = vector.broadcast %max3A_756 : vector<512x1xf32> to vector<512x3xf32>
    %div3A_758 = arith.divf %sub3A_748, %div3A_757 : vector<512x3xf32>
    %dot_general3A_759 = arith.constant dense<0.000000e+00> : vector<512x32xf32>
    %dot_general3A_760 = tpu.matmul %div3A_758, %div3A_54, %dot_general3A_759 {dimension_numbers = #tpu.dot_dimension_numbers<[1], [0], [0], [1], [0, 0, 1, 1], [], []>, transpose_lhs_hint = false} : vector<512x3xf32>, vector<3x32xf32>, vector<512x32xf32> -> vector<512x32xf32>
    %max3A_761 = arith.constant 0.000000e+00 : f32
    %max3A_762 = vector.broadcast %max3A_761 : f32 to vector<512x32xf32>
    %max3A_763 = arith.maximumf %dot_general3A_760, %max3A_762 : vector<512x32xf32>
    %max3A_764 = arith.maximumf %max3A_727, %max3A_763 : vector<512x32xf32>
    %reduce_max3A_765 = arith.constant dense<0xFF800000> : vector<512xf32>
    %reduce_max3A_766 = vector.multi_reduction <maximumf>, %select_n3A_743, %reduce_max3A_765 [0] : vector<1024x512xf32> to vector<512xf32>
    %broadcast_in_dim3A_767 = vector.shape_cast %reduce_max3A_766 : vector<512xf32> to vector<1x512xf32>
    %eq3A_768 = vector.broadcast %broadcast_in_dim3A_767 : vector<1x512xf32> to vector<1024x512xf32>
    %eq3A_769 = arith.cmpf oeq, %select_n3A_743, %eq3A_768 : vector<1024x512xf32>
    %jit3A_770 = arith.constant 1024 : i32
    %broadcast_in_dim3A_771 = vector.broadcast %jit3A_770 : i32 to vector<1024x512xi32>
    %select_n3A_772 = arith.select %eq3A_769, %iota3A, %broadcast_in_dim3A_771 : vector<1024x512xi1>, vector<1024x512xi32>
    %reduce_min3A_773 = arith.constant dense<2147483647> : vector<512xi32>
    %reduce_min3A_774 = vector.multi_reduction <minsi>, %select_n3A_772, %reduce_min3A_773 [0] : vector<1024x512xi32> to vector<512xi32>
    %broadcast_in_dim3A_775 = vector.shape_cast %reduce_min3A_774 : vector<512xi32> to vector<1x512xi32>
    %eq3A_776 = vector.broadcast %broadcast_in_dim3A_775 : vector<1x512xi32> to vector<1024x512xi32>
    %eq3A_777 = arith.cmpi eq, %iota3A, %eq3A_776 : vector<1024x512xi32>
    %convert_element_type3A_778 = arith.extui %eq3A_777 : vector<1024x512xi1> to vector<1024x512xi32>
    %convert_element_type3A_779 = arith.sitofp %convert_element_type3A_778 : vector<1024x512xi32> to vector<1024x512xf32>
    %dot_general3A_780 = arith.constant dense<0.000000e+00> : vector<512x3xf32>
    %dot_general3A_781 = tpu.matmul %convert_element_type3A_779, %get3A_8, %dot_general3A_780 {dimension_numbers = #tpu.dot_dimension_numbers<[0], [0], [1], [1], [0, 1, 1, 1], [], []>, transpose_lhs_hint = false} : vector<1024x512xf32>, vector<1024x3xf32>, vector<512x3xf32> -> vector<512x3xf32>
    %sub3A_782 = arith.subf %dot_general3A_781, %get3A_3 : vector<512x3xf32>
    %mul3A_783 = arith.mulf %sub3A_782, %sub3A_782 : vector<512x3xf32>
    %reduce_sum3A_784 = arith.constant dense<0.000000e+00> : vector<512xf32>
    %reduce_sum3A_785 = vector.multi_reduction <add>, %mul3A_783, %reduce_sum3A_784 [1] : vector<512x3xf32> to vector<512xf32>
    %broadcast_in_dim3A_786 = vector.shape_cast %reduce_sum3A_785 : vector<512xf32> to vector<512x1xf32>
    %sqrt3A_787 = math.sqrt %broadcast_in_dim3A_786 : vector<512x1xf32>
    %max3A_788 = arith.constant 9.99999996E-13 : f32
    %max3A_789 = vector.broadcast %max3A_788 : f32 to vector<512x1xf32>
    %max3A_790 = arith.maximumf %sqrt3A_787, %max3A_789 : vector<512x1xf32>
    %div3A_791 = vector.broadcast %max3A_790 : vector<512x1xf32> to vector<512x3xf32>
    %div3A_792 = arith.divf %sub3A_782, %div3A_791 : vector<512x3xf32>
    %dot_general3A_793 = arith.constant dense<0.000000e+00> : vector<512x32xf32>
    %dot_general3A_794 = tpu.matmul %div3A_792, %div3A_54, %dot_general3A_793 {dimension_numbers = #tpu.dot_dimension_numbers<[1], [0], [0], [1], [0, 0, 1, 1], [], []>, transpose_lhs_hint = false} : vector<512x3xf32>, vector<3x32xf32>, vector<512x32xf32> -> vector<512x32xf32>
    %max3A_795 = arith.constant 0.000000e+00 : f32
    %max3A_796 = vector.broadcast %max3A_795 : f32 to vector<512x32xf32>
    %max3A_797 = arith.maximumf %dot_general3A_794, %max3A_796 : vector<512x32xf32>
    %max3A_798 = arith.maximumf %max3A_764, %max3A_797 : vector<512x32xf32>
    %concatenate3A = tpu.concatenate %broadcast_in_dim3A_76, %broadcast_in_dim3A_109, %broadcast_in_dim3A_146, %broadcast_in_dim3A_183, %broadcast_in_dim3A_220, %broadcast_in_dim3A_257, %broadcast_in_dim3A_294, %broadcast_in_dim3A_331, %broadcast_in_dim3A_368, %broadcast_in_dim3A_405, %broadcast_in_dim3A_442, %broadcast_in_dim3A_479, %broadcast_in_dim3A_516, %broadcast_in_dim3A_553, %broadcast_in_dim3A_590, %broadcast_in_dim3A_627, %broadcast_in_dim3A_664, %broadcast_in_dim3A_701, %broadcast_in_dim3A_738, %broadcast_in_dim3A_775 in 0 : vector<1x512xi32>, vector<1x512xi32>, vector<1x512xi32>, vector<1x512xi32>, vector<1x512xi32>, vector<1x512xi32>, vector<1x512xi32>, vector<1x512xi32>, vector<1x512xi32>, vector<1x512xi32>, vector<1x512xi32>, vector<1x512xi32>, vector<1x512xi32>, vector<1x512xi32>, vector<1x512xi32>, vector<1x512xi32>, vector<1x512xi32>, vector<1x512xi32>, vector<1x512xi32>, vector<1x512xi32> -> vector<20x512xi32>
    %mul3A_799 = arith.constant 1024 : i32
    %mul3A_800 = arith.muli %arg0, %mul3A_799 : i32
    %add3A_801 = vector.broadcast %mul3A_800 : i32 to vector<20x512xi32>
    %add3A_802 = arith.addi %concatenate3A, %add3A_801 : vector<20x512xi32>
    %swap3A = arith.constant 0 : index
    %swap3A_803 = arith.constant 0 : index
    %swap3A_804 = arith.constant 0 : index
    %swap3A_805 = vector.load %arg6[%swap3A, %swap3A_803, %swap3A_804] : memref<1x20x512xi32, #tpu.memory_space<vmem>>, vector<1x20x512xi32>
    %swap3A_806 = vector.shape_cast %swap3A_805 : vector<1x20x512xi32> to vector<20x512xi32>
    %swap3A_807 = vector.shape_cast %add3A_802 : vector<20x512xi32> to vector<1x20x512xi32>
    tpu.vector_store %arg6[%swap3A, %swap3A_803, %swap3A_804], %swap3A_807 {strides = array<i32>} : memref<1x20x512xi32, #tpu.memory_space<vmem>>, vector<1x20x512xi32>,
    %concatenate3A_808 = tpu.concatenate %div3A_93, %div3A_129, %div3A_166, %div3A_203, %div3A_240, %div3A_277, %div3A_314, %div3A_351, %div3A_388, %div3A_425, %div3A_462, %div3A_499, %div3A_536, %div3A_573, %div3A_610, %div3A_647, %div3A_684, %div3A_721, %div3A_758, %div3A_792 in 1 : vector<512x3xf32>, vector<512x3xf32>, vector<512x3xf32>, vector<512x3xf32>, vector<512x3xf32>, vector<512x3xf32>, vector<512x3xf32>, vector<512x3xf32>, vector<512x3xf32>, vector<512x3xf32>, vector<512x3xf32>, vector<512x3xf32>, vector<512x3xf32>, vector<512x3xf32>, vector<512x3xf32>, vector<512x3xf32>, vector<512x3xf32>, vector<512x3xf32>, vector<512x3xf32>, vector<512x3xf32> -> vector<512x60xf32>
    %swap3A_809 = arith.constant 0 : index
    %swap3A_810 = arith.constant 0 : index
    %swap3A_811 = arith.constant 0 : index
    %swap3A_812 = vector.load %arg7[%swap3A_809, %swap3A_810, %swap3A_811] : memref<1x512x60xf32, #tpu.memory_space<vmem>>, vector<1x512x60xf32>
    %swap3A_813 = vector.shape_cast %swap3A_812 : vector<1x512x60xf32> to vector<512x60xf32>
    %swap3A_814 = vector.shape_cast %concatenate3A_808 : vector<512x60xf32> to vector<1x512x60xf32>
    tpu.vector_store %arg7[%swap3A_809, %swap3A_810, %swap3A_811], %swap3A_814 {strides = array<i32>} : memref<1x512x60xf32, #tpu.memory_space<vmem>>, vector<1x512x60xf32>,
    %max3A_815 = arith.constant 0.000000e+00 : f32
    %max3A_816 = vector.broadcast %max3A_815 : f32 to vector<512x32xf32>
    %max3A_817 = arith.maximumf %max3A_798, %max3A_816 : vector<512x32xf32>
    %swap3A_818 = arith.constant 0 : index
    %swap3A_819 = arith.constant 0 : index
    %swap3A_820 = arith.constant 0 : index
    %swap3A_821 = vector.load %arg8[%swap3A_818, %swap3A_819, %swap3A_820] : memref<1x512x32xf32, #tpu.memory_space<vmem>>, vector<1x512x32xf32>
    %swap3A_822 = vector.shape_cast %swap3A_821 : vector<1x512x32xf32> to vector<512x32xf32>
    %swap3A_823 = vector.shape_cast %max3A_817 : vector<512x32xf32> to vector<1x512x32xf32>
    tpu.vector_store %arg8[%swap3A_818, %swap3A_819, %swap3A_820], %swap3A_823 {strides = array<i32>} : memref<1x512x32xf32, #tpu.memory_space<vmem>>, vector<1x512x32xf32>,
    return
  }
  func.func @transform_0(%arg0: i32, %arg1: i32) -> (i32, i32, i32) {
    %c0_i32 = arith.constant 0 : i32
    %c0_i32_0 = arith.constant 0 : i32
    return %arg0, %arg1, %c0_i32 : i32, i32, i32
  }
  func.func @transform_1(%arg0: i32, %arg1: i32) -> (i32, i32, i32) {
    %c0_i32 = arith.constant 0 : i32
    %c0_i32_0 = arith.constant 0 : i32
    %c0_i32_1 = arith.constant 0 : i32
    return %arg0, %c0_i32, %c0_i32_0 : i32, i32, i32
  }
  func.func @transform_2(%arg0: i32, %arg1: i32) -> (i32, i32, i32) {
    %c0_i32 = arith.constant 0 : i32
    %c0_i32_0 = arith.constant 0 : i32
    return %arg0, %c0_i32, %arg1 : i32, i32, i32
  }
  func.func @transform_3(%arg0: i32, %arg1: i32) -> (i32, i32) {
    %c0_i32 = arith.constant 0 : i32
    %c0_i32_0 = arith.constant 0 : i32
    %c0_i32_1 = arith.constant 0 : i32
    return %c0_i32, %c0_i32_0 : i32, i32
  }
  func.func @transform_4(%arg0: i32, %arg1: i32) -> (i32, i32, i32) {
    %c0_i32 = arith.constant 0 : i32
    %c0_i32_0 = arith.constant 0 : i32
    return %arg0, %c0_i32, %arg1 : i32, i32, i32
  }
  func.func @transform_5(%arg0: i32, %arg1: i32) -> (i32, i32, i32) {
    %c0_i32 = arith.constant 0 : i32
    %c0_i32_0 = arith.constant 0 : i32
    return %arg0, %arg1, %c0_i32 : i32, i32, i32
  }
  func.func @transform_6(%arg0: i32, %arg1: i32) -> (i32, i32, i32) {
    %c0_i32 = arith.constant 0 : i32
    %c0_i32_0 = arith.constant 0 : i32
    return %arg0, %arg1, %c0_i32 : i32, i32, i32
  }
}

module attributes {stable_mosaic.version = 14 : i64} {
  func.func @_feat_body(%arg0: i32, %arg1: i32, %arg2: memref<1x1024x32xf32, #tpu.memory_space<vmem>>, %arg3: memref<32x128xf32, #tpu.memory_space<vmem>>, %arg4: memref<1x128xf32, #tpu.memory_space<vmem>>, %arg5: memref<1x1024x128xf32, #tpu.memory_space<vmem>>) attributes {dimension_semantics = [#tpu.dimension_semantics<arbitrary>, #tpu.dimension_semantics<arbitrary>], iteration_bounds = array<i64: 8, 1>, scalar_prefetch = 0 : i64, scratch_operands = 0 : i64, tpu.core_type = #tpu.core_type<tc>, window_params = [{transform_indices = @transform_0, window_bounds = array<i64: 1, 1024, 32>}, {pipeline_mode = #tpu.pipeline_mode<synchronous>, transform_indices = @transform_1, window_bounds = array<i64: 32, 128>}, {pipeline_mode = #tpu.pipeline_mode<synchronous>, transform_indices = @transform_2, window_bounds = array<i64: 1, 128>}, {transform_indices = @transform_3, window_bounds = array<i64: 1, 1024, 128>}]} {
    %get3A = arith.constant 0 : index
    %get3A_0 = arith.constant 0 : index
    %get3A_1 = arith.constant 0 : index
    %get3A_2 = vector.load %arg2[%get3A, %get3A_0, %get3A_1] : memref<1x1024x32xf32, #tpu.memory_space<vmem>>, vector<1x1024x32xf32>
    %get3A_3 = vector.shape_cast %get3A_2 : vector<1x1024x32xf32> to vector<1024x32xf32>
    %get3A_4 = arith.constant 0 : index
    %get3A_5 = arith.constant 0 : index
    %get3A_6 = vector.load %arg3[%get3A_4, %get3A_5] : memref<32x128xf32, #tpu.memory_space<vmem>>, vector<32x128xf32>
    %dot_general3A = arith.constant dense<0.000000e+00> : vector<1024x128xf32>
    %dot_general3A_7 = tpu.matmul %get3A_3, %get3A_6, %dot_general3A {dimension_numbers = #tpu.dot_dimension_numbers<[1], [0], [0], [1], [0, 0, 1, 1], [], []>, transpose_lhs_hint = false} : vector<1024x32xf32>, vector<32x128xf32>, vector<1024x128xf32> -> vector<1024x128xf32>
    %get3A_8 = arith.constant 0 : index
    %get3A_9 = arith.constant 0 : index
    %get3A_10 = vector.load %arg4[%get3A_8, %get3A_9] : memref<1x128xf32, #tpu.memory_space<vmem>>, vector<1x128xf32>
    %add3A = vector.broadcast %get3A_10 : vector<1x128xf32> to vector<1024x128xf32>
    %add3A_11 = arith.addf %dot_general3A_7, %add3A : vector<1024x128xf32>
    %swap3A = arith.constant 0 : index
    %swap3A_12 = arith.constant 0 : index
    %swap3A_13 = arith.constant 0 : index
    %swap3A_14 = vector.load %arg5[%swap3A, %swap3A_12, %swap3A_13] : memref<1x1024x128xf32, #tpu.memory_space<vmem>>, vector<1x1024x128xf32>
    %swap3A_15 = vector.shape_cast %swap3A_14 : vector<1x1024x128xf32> to vector<1024x128xf32>
    %swap3A_16 = vector.shape_cast %add3A_11 : vector<1024x128xf32> to vector<1x1024x128xf32>
    tpu.vector_store %arg5[%swap3A, %swap3A_12, %swap3A_13], %swap3A_16 {strides = array<i32>} : memref<1x1024x128xf32, #tpu.memory_space<vmem>>, vector<1x1024x128xf32>,
    return
  }
  func.func @transform_0(%arg0: i32, %arg1: i32) -> (i32, i32, i32) {
    %c0_i32 = arith.constant 0 : i32
    %c0_i32_0 = arith.constant 0 : i32
    %c0_i32_1 = arith.constant 0 : i32
    return %arg0, %c0_i32, %c0_i32_0 : i32, i32, i32
  }
  func.func @transform_1(%arg0: i32, %arg1: i32) -> (i32, i32) {
    %c0_i32 = arith.constant 0 : i32
    %c0_i32_0 = arith.constant 0 : i32
    %c0_i32_1 = arith.constant 0 : i32
    return %c0_i32, %c0_i32_0 : i32, i32
  }
  func.func @transform_2(%arg0: i32, %arg1: i32) -> (i32, i32) {
    %c0_i32 = arith.constant 0 : i32
    %c0_i32_0 = arith.constant 0 : i32
    %c0_i32_1 = arith.constant 0 : i32
    return %c0_i32, %c0_i32_0 : i32, i32
  }
  func.func @transform_3(%arg0: i32, %arg1: i32) -> (i32, i32, i32) {
    %c0_i32 = arith.constant 0 : i32
    %c0_i32_0 = arith.constant 0 : i32
    %c0_i32_1 = arith.constant 0 : i32
    return %arg0, %c0_i32, %c0_i32_0 : i32, i32, i32
  }
}

module attributes {stable_mosaic.version = 14 : i64} {
  func.func @_knn_body(%arg0: i32, %arg1: i32, %arg2: memref<1x256x3xf32, #tpu.memory_space<vmem>>, %arg3: memref<1x256x3xf32, #tpu.memory_space<vmem>>, %arg4: memref<1x3x256xf32, #tpu.memory_space<vmem>>, %arg5: memref<1x20x256xi32, #tpu.memory_space<vmem>>, %arg6: memref<1x256x60xf32, #tpu.memory_space<vmem>>) attributes {dimension_semantics = [#tpu.dimension_semantics<arbitrary>, #tpu.dimension_semantics<arbitrary>], iteration_bounds = array<i64: 8, 1>, scalar_prefetch = 0 : i64, scratch_operands = 0 : i64, tpu.core_type = #tpu.core_type<tc>, window_params = [{transform_indices = @transform_0, window_bounds = array<i64: 1, 256, 3>}, {transform_indices = @transform_1, window_bounds = array<i64: 1, 256, 3>}, {transform_indices = @transform_2, window_bounds = array<i64: 1, 3, 256>}, {transform_indices = @transform_3, window_bounds = array<i64: 1, 20, 256>}, {transform_indices = @transform_4, window_bounds = array<i64: 1, 256, 60>}]} {
    %get3A = arith.constant 0 : index
    %get3A_0 = arith.constant 0 : index
    %get3A_1 = arith.constant 0 : index
    %get3A_2 = vector.load %arg2[%get3A, %get3A_0, %get3A_1] : memref<1x256x3xf32, #tpu.memory_space<vmem>>, vector<1x256x3xf32>
    %get3A_3 = vector.shape_cast %get3A_2 : vector<1x256x3xf32> to vector<256x3xf32>
    %get3A_4 = arith.constant 0 : index
    %get3A_5 = arith.constant 0 : index
    %get3A_6 = arith.constant 0 : index
    %get3A_7 = vector.load %arg3[%get3A_4, %get3A_5, %get3A_6] : memref<1x256x3xf32, #tpu.memory_space<vmem>>, vector<1x256x3xf32>
    %get3A_8 = vector.shape_cast %get3A_7 : vector<1x256x3xf32> to vector<256x3xf32>
    %get3A_9 = arith.constant 0 : index
    %get3A_10 = arith.constant 0 : index
    %get3A_11 = arith.constant 0 : index
    %get3A_12 = vector.load %arg4[%get3A_9, %get3A_10, %get3A_11] : memref<1x3x256xf32, #tpu.memory_space<vmem>>, vector<1x3x256xf32>
    %get3A_13 = vector.shape_cast %get3A_12 : vector<1x3x256xf32> to vector<3x256xf32>
    %iota3A = tpu.iota {dimensions = array<i32: 0>} : vector<256x256xi32>
    %slice3A = vector.extract_strided_slice %get3A_8 {offsets = [0, 0], sizes = [256, 1], strides = [1, 1]} : vector<256x3xf32> to vector<256x1xf32>
    %slice3A_14 = vector.extract_strided_slice %get3A_8 {offsets = [0, 1], sizes = [256, 1], strides = [1, 1]} : vector<256x3xf32> to vector<256x1xf32>
    %slice3A_15 = vector.extract_strided_slice %get3A_8 {offsets = [0, 2], sizes = [256, 1], strides = [1, 1]} : vector<256x3xf32> to vector<256x1xf32>
    %slice3A_16 = vector.extract_strided_slice %get3A_13 {offsets = [0, 0], sizes = [1, 256], strides = [1, 1]} : vector<3x256xf32> to vector<1x256xf32>
    %slice3A_17 = vector.extract_strided_slice %get3A_13 {offsets = [1, 0], sizes = [1, 256], strides = [1, 1]} : vector<3x256xf32> to vector<1x256xf32>
    %slice3A_18 = vector.extract_strided_slice %get3A_13 {offsets = [2, 0], sizes = [1, 256], strides = [1, 1]} : vector<3x256xf32> to vector<1x256xf32>
    %mul3A = vector.broadcast %slice3A : vector<256x1xf32> to vector<256x256xf32>
    %mul3A_19 = vector.broadcast %slice3A_16 : vector<1x256xf32> to vector<256x256xf32>
    %mul3A_20 = arith.mulf %mul3A, %mul3A_19 : vector<256x256xf32>
    %mul3A_21 = vector.broadcast %slice3A_14 : vector<256x1xf32> to vector<256x256xf32>
    %mul3A_22 = vector.broadcast %slice3A_17 : vector<1x256xf32> to vector<256x256xf32>
    %mul3A_23 = arith.mulf %mul3A_21, %mul3A_22 : vector<256x256xf32>
    %add3A = arith.addf %mul3A_20, %mul3A_23 : vector<256x256xf32>
    %mul3A_24 = vector.broadcast %slice3A_15 : vector<256x1xf32> to vector<256x256xf32>
    %mul3A_25 = vector.broadcast %slice3A_18 : vector<1x256xf32> to vector<256x256xf32>
    %mul3A_26 = arith.mulf %mul3A_24, %mul3A_25 : vector<256x256xf32>
    %add3A_27 = arith.addf %add3A, %mul3A_26 : vector<256x256xf32>
    %mul3A_28 = arith.mulf %slice3A, %slice3A : vector<256x1xf32>
    %mul3A_29 = arith.mulf %slice3A_14, %slice3A_14 : vector<256x1xf32>
    %add3A_30 = arith.addf %mul3A_28, %mul3A_29 : vector<256x1xf32>
    %mul3A_31 = arith.mulf %slice3A_15, %slice3A_15 : vector<256x1xf32>
    %add3A_32 = arith.addf %add3A_30, %mul3A_31 : vector<256x1xf32>
    %mul3A_33 = arith.mulf %slice3A_16, %slice3A_16 : vector<1x256xf32>
    %mul3A_34 = arith.mulf %slice3A_17, %slice3A_17 : vector<1x256xf32>
    %add3A_35 = arith.addf %mul3A_33, %mul3A_34 : vector<1x256xf32>
    %mul3A_36 = arith.mulf %slice3A_18, %slice3A_18 : vector<1x256xf32>
    %add3A_37 = arith.addf %add3A_35, %mul3A_36 : vector<1x256xf32>
    %mul3A_38 = arith.constant -2.000000e+00 : f32
    %mul3A_39 = vector.broadcast %mul3A_38 : f32 to vector<256x256xf32>
    %mul3A_40 = arith.mulf %mul3A_39, %add3A_27 : vector<256x256xf32>
    %add3A_41 = vector.broadcast %add3A_32 : vector<256x1xf32> to vector<256x256xf32>
    %add3A_42 = arith.addf %mul3A_40, %add3A_41 : vector<256x256xf32>
    %add3A_43 = vector.broadcast %add3A_37 : vector<1x256xf32> to vector<256x256xf32>
    %add3A_44 = arith.addf %add3A_42, %add3A_43 : vector<256x256xf32>
    %neg3A = arith.constant 0.000000e+00 : f32
    %neg3A_45 = vector.broadcast %neg3A : f32 to vector<256x256xf32>
    %neg3A_46 = arith.subf %neg3A_45, %add3A_44 : vector<256x256xf32>
    %reduce_max3A = arith.constant dense<0xFF800000> : vector<256xf32>
    %reduce_max3A_47 = vector.multi_reduction <maximumf>, %neg3A_46, %reduce_max3A [0] : vector<256x256xf32> to vector<256xf32>
    %broadcast_in_dim3A = vector.shape_cast %reduce_max3A_47 : vector<256xf32> to vector<1x256xf32>
    %eq3A = vector.broadcast %broadcast_in_dim3A : vector<1x256xf32> to vector<256x256xf32>
    %eq3A_48 = arith.cmpf oeq, %neg3A_46, %eq3A : vector<256x256xf32>
    %jit3A = arith.constant 256 : i32
    %broadcast_in_dim3A_49 = vector.broadcast %jit3A : i32 to vector<256x256xi32>
    %select_n3A = arith.select %eq3A_48, %iota3A, %broadcast_in_dim3A_49 : vector<256x256xi1>, vector<256x256xi32>
    %reduce_min3A = arith.constant dense<2147483647> : vector<256xi32>
    %reduce_min3A_50 = vector.multi_reduction <minsi>, %select_n3A, %reduce_min3A [0] : vector<256x256xi32> to vector<256xi32>
    %broadcast_in_dim3A_51 = vector.shape_cast %reduce_min3A_50 : vector<256xi32> to vector<1x256xi32>
    %eq3A_52 = vector.broadcast %broadcast_in_dim3A_51 : vector<1x256xi32> to vector<256x256xi32>
    %eq3A_53 = arith.cmpi eq, %iota3A, %eq3A_52 : vector<256x256xi32>
    %jit3A_54 = arith.constant 0xFF800000 : f32
    %broadcast_in_dim3A_55 = vector.broadcast %jit3A_54 : f32 to vector<256x256xf32>
    %select_n3A_56 = arith.select %eq3A_53, %broadcast_in_dim3A_55, %neg3A_46 : vector<256x256xi1>, vector<256x256xf32>
    %reduce_max3A_57 = arith.constant dense<0xFF800000> : vector<256xf32>
    %reduce_max3A_58 = vector.multi_reduction <maximumf>, %select_n3A_56, %reduce_max3A_57 [0] : vector<256x256xf32> to vector<256xf32>
    %broadcast_in_dim3A_59 = vector.shape_cast %reduce_max3A_58 : vector<256xf32> to vector<1x256xf32>
    %eq3A_60 = vector.broadcast %broadcast_in_dim3A_59 : vector<1x256xf32> to vector<256x256xf32>
    %eq3A_61 = arith.cmpf oeq, %select_n3A_56, %eq3A_60 : vector<256x256xf32>
    %jit3A_62 = arith.constant 256 : i32
    %broadcast_in_dim3A_63 = vector.broadcast %jit3A_62 : i32 to vector<256x256xi32>
    %select_n3A_64 = arith.select %eq3A_61, %iota3A, %broadcast_in_dim3A_63 : vector<256x256xi1>, vector<256x256xi32>
    %reduce_min3A_65 = arith.constant dense<2147483647> : vector<256xi32>
    %reduce_min3A_66 = vector.multi_reduction <minsi>, %select_n3A_64, %reduce_min3A_65 [0] : vector<256x256xi32> to vector<256xi32>
    %broadcast_in_dim3A_67 = vector.shape_cast %reduce_min3A_66 : vector<256xi32> to vector<1x256xi32>
    %eq3A_68 = vector.broadcast %broadcast_in_dim3A_67 : vector<1x256xi32> to vector<256x256xi32>
    %eq3A_69 = arith.cmpi eq, %iota3A, %eq3A_68 : vector<256x256xi32>
    %jit3A_70 = arith.constant 0xFF800000 : f32
    %broadcast_in_dim3A_71 = vector.broadcast %jit3A_70 : f32 to vector<256x256xf32>
    %select_n3A_72 = arith.select %eq3A_69, %broadcast_in_dim3A_71, %select_n3A_56 : vector<256x256xi1>, vector<256x256xf32>
    %convert_element_type3A = arith.extui %eq3A_69 : vector<256x256xi1> to vector<256x256xi32>
    %convert_element_type3A_73 = arith.sitofp %convert_element_type3A : vector<256x256xi32> to vector<256x256xf32>
    %dot_general3A = arith.constant dense<0.000000e+00> : vector<256x3xf32>
    %dot_general3A_74 = tpu.matmul %convert_element_type3A_73, %get3A_8, %dot_general3A {dimension_numbers = #tpu.dot_dimension_numbers<[0], [0], [1], [1], [0, 1, 1, 1], [], []>, transpose_lhs_hint = false} : vector<256x256xf32>, vector<256x3xf32>, vector<256x3xf32> -> vector<256x3xf32>
    %sub3A = arith.subf %dot_general3A_74, %get3A_3 : vector<256x3xf32>
    %mul3A_75 = arith.mulf %sub3A, %sub3A : vector<256x3xf32>
    %reduce_sum3A = arith.constant dense<0.000000e+00> : vector<256xf32>
    %reduce_sum3A_76 = vector.multi_reduction <add>, %mul3A_75, %reduce_sum3A [1] : vector<256x3xf32> to vector<256xf32>
    %broadcast_in_dim3A_77 = vector.shape_cast %reduce_sum3A_76 : vector<256xf32> to vector<256x1xf32>
    %sqrt3A = math.sqrt %broadcast_in_dim3A_77 : vector<256x1xf32>
    %max3A = arith.constant 9.99999996E-13 : f32
    %max3A_78 = vector.broadcast %max3A : f32 to vector<256x1xf32>
    %max3A_79 = arith.maximumf %sqrt3A, %max3A_78 : vector<256x1xf32>
    %div3A = vector.broadcast %max3A_79 : vector<256x1xf32> to vector<256x3xf32>
    %div3A_80 = arith.divf %sub3A, %div3A : vector<256x3xf32>
    %reduce_max3A_81 = arith.constant dense<0xFF800000> : vector<256xf32>
    %reduce_max3A_82 = vector.multi_reduction <maximumf>, %select_n3A_72, %reduce_max3A_81 [0] : vector<256x256xf32> to vector<256xf32>
    %broadcast_in_dim3A_83 = vector.shape_cast %reduce_max3A_82 : vector<256xf32> to vector<1x256xf32>
    %eq3A_84 = vector.broadcast %broadcast_in_dim3A_83 : vector<1x256xf32> to vector<256x256xf32>
    %eq3A_85 = arith.cmpf oeq, %select_n3A_72, %eq3A_84 : vector<256x256xf32>
    %jit3A_86 = arith.constant 256 : i32
    %broadcast_in_dim3A_87 = vector.broadcast %jit3A_86 : i32 to vector<256x256xi32>
    %select_n3A_88 = arith.select %eq3A_85, %iota3A, %broadcast_in_dim3A_87 : vector<256x256xi1>, vector<256x256xi32>
    %reduce_min3A_89 = arith.constant dense<2147483647> : vector<256xi32>
    %reduce_min3A_90 = vector.multi_reduction <minsi>, %select_n3A_88, %reduce_min3A_89 [0] : vector<256x256xi32> to vector<256xi32>
    %broadcast_in_dim3A_91 = vector.shape_cast %reduce_min3A_90 : vector<256xi32> to vector<1x256xi32>
    %eq3A_92 = vector.broadcast %broadcast_in_dim3A_91 : vector<1x256xi32> to vector<256x256xi32>
    %eq3A_93 = arith.cmpi eq, %iota3A, %eq3A_92 : vector<256x256xi32>
    %jit3A_94 = arith.constant 0xFF800000 : f32
    %broadcast_in_dim3A_95 = vector.broadcast %jit3A_94 : f32 to vector<256x256xf32>
    %select_n3A_96 = arith.select %eq3A_93, %broadcast_in_dim3A_95, %select_n3A_72 : vector<256x256xi1>, vector<256x256xf32>
    %convert_element_type3A_97 = arith.extui %eq3A_93 : vector<256x256xi1> to vector<256x256xi32>
    %convert_element_type3A_98 = arith.sitofp %convert_element_type3A_97 : vector<256x256xi32> to vector<256x256xf32>
    %dot_general3A_99 = arith.constant dense<0.000000e+00> : vector<256x3xf32>
    %dot_general3A_100 = tpu.matmul %convert_element_type3A_98, %get3A_8, %dot_general3A_99 {dimension_numbers = #tpu.dot_dimension_numbers<[0], [0], [1], [1], [0, 1, 1, 1], [], []>, transpose_lhs_hint = false} : vector<256x256xf32>, vector<256x3xf32>, vector<256x3xf32> -> vector<256x3xf32>
    %sub3A_101 = arith.subf %dot_general3A_100, %get3A_3 : vector<256x3xf32>
    %mul3A_102 = arith.mulf %sub3A_101, %sub3A_101 : vector<256x3xf32>
    %reduce_sum3A_103 = arith.constant dense<0.000000e+00> : vector<256xf32>
    %reduce_sum3A_104 = vector.multi_reduction <add>, %mul3A_102, %reduce_sum3A_103 [1] : vector<256x3xf32> to vector<256xf32>
    %broadcast_in_dim3A_105 = vector.shape_cast %reduce_sum3A_104 : vector<256xf32> to vector<256x1xf32>
    %sqrt3A_106 = math.sqrt %broadcast_in_dim3A_105 : vector<256x1xf32>
    %max3A_107 = arith.constant 9.99999996E-13 : f32
    %max3A_108 = vector.broadcast %max3A_107 : f32 to vector<256x1xf32>
    %max3A_109 = arith.maximumf %sqrt3A_106, %max3A_108 : vector<256x1xf32>
    %div3A_110 = vector.broadcast %max3A_109 : vector<256x1xf32> to vector<256x3xf32>
    %div3A_111 = arith.divf %sub3A_101, %div3A_110 : vector<256x3xf32>
    %reduce_max3A_112 = arith.constant dense<0xFF800000> : vector<256xf32>
    %reduce_max3A_113 = vector.multi_reduction <maximumf>, %select_n3A_96, %reduce_max3A_112 [0] : vector<256x256xf32> to vector<256xf32>
    %broadcast_in_dim3A_114 = vector.shape_cast %reduce_max3A_113 : vector<256xf32> to vector<1x256xf32>
    %eq3A_115 = vector.broadcast %broadcast_in_dim3A_114 : vector<1x256xf32> to vector<256x256xf32>
    %eq3A_116 = arith.cmpf oeq, %select_n3A_96, %eq3A_115 : vector<256x256xf32>
    %jit3A_117 = arith.constant 256 : i32
    %broadcast_in_dim3A_118 = vector.broadcast %jit3A_117 : i32 to vector<256x256xi32>
    %select_n3A_119 = arith.select %eq3A_116, %iota3A, %broadcast_in_dim3A_118 : vector<256x256xi1>, vector<256x256xi32>
    %reduce_min3A_120 = arith.constant dense<2147483647> : vector<256xi32>
    %reduce_min3A_121 = vector.multi_reduction <minsi>, %select_n3A_119, %reduce_min3A_120 [0] : vector<256x256xi32> to vector<256xi32>
    %broadcast_in_dim3A_122 = vector.shape_cast %reduce_min3A_121 : vector<256xi32> to vector<1x256xi32>
    %eq3A_123 = vector.broadcast %broadcast_in_dim3A_122 : vector<1x256xi32> to vector<256x256xi32>
    %eq3A_124 = arith.cmpi eq, %iota3A, %eq3A_123 : vector<256x256xi32>
    %jit3A_125 = arith.constant 0xFF800000 : f32
    %broadcast_in_dim3A_126 = vector.broadcast %jit3A_125 : f32 to vector<256x256xf32>
    %select_n3A_127 = arith.select %eq3A_124, %broadcast_in_dim3A_126, %select_n3A_96 : vector<256x256xi1>, vector<256x256xf32>
    %convert_element_type3A_128 = arith.extui %eq3A_124 : vector<256x256xi1> to vector<256x256xi32>
    %convert_element_type3A_129 = arith.sitofp %convert_element_type3A_128 : vector<256x256xi32> to vector<256x256xf32>
    %dot_general3A_130 = arith.constant dense<0.000000e+00> : vector<256x3xf32>
    %dot_general3A_131 = tpu.matmul %convert_element_type3A_129, %get3A_8, %dot_general3A_130 {dimension_numbers = #tpu.dot_dimension_numbers<[0], [0], [1], [1], [0, 1, 1, 1], [], []>, transpose_lhs_hint = false} : vector<256x256xf32>, vector<256x3xf32>, vector<256x3xf32> -> vector<256x3xf32>
    %sub3A_132 = arith.subf %dot_general3A_131, %get3A_3 : vector<256x3xf32>
    %mul3A_133 = arith.mulf %sub3A_132, %sub3A_132 : vector<256x3xf32>
    %reduce_sum3A_134 = arith.constant dense<0.000000e+00> : vector<256xf32>
    %reduce_sum3A_135 = vector.multi_reduction <add>, %mul3A_133, %reduce_sum3A_134 [1] : vector<256x3xf32> to vector<256xf32>
    %broadcast_in_dim3A_136 = vector.shape_cast %reduce_sum3A_135 : vector<256xf32> to vector<256x1xf32>
    %sqrt3A_137 = math.sqrt %broadcast_in_dim3A_136 : vector<256x1xf32>
    %max3A_138 = arith.constant 9.99999996E-13 : f32
    %max3A_139 = vector.broadcast %max3A_138 : f32 to vector<256x1xf32>
    %max3A_140 = arith.maximumf %sqrt3A_137, %max3A_139 : vector<256x1xf32>
    %div3A_141 = vector.broadcast %max3A_140 : vector<256x1xf32> to vector<256x3xf32>
    %div3A_142 = arith.divf %sub3A_132, %div3A_141 : vector<256x3xf32>
    %reduce_max3A_143 = arith.constant dense<0xFF800000> : vector<256xf32>
    %reduce_max3A_144 = vector.multi_reduction <maximumf>, %select_n3A_127, %reduce_max3A_143 [0] : vector<256x256xf32> to vector<256xf32>
    %broadcast_in_dim3A_145 = vector.shape_cast %reduce_max3A_144 : vector<256xf32> to vector<1x256xf32>
    %eq3A_146 = vector.broadcast %broadcast_in_dim3A_145 : vector<1x256xf32> to vector<256x256xf32>
    %eq3A_147 = arith.cmpf oeq, %select_n3A_127, %eq3A_146 : vector<256x256xf32>
    %jit3A_148 = arith.constant 256 : i32
    %broadcast_in_dim3A_149 = vector.broadcast %jit3A_148 : i32 to vector<256x256xi32>
    %select_n3A_150 = arith.select %eq3A_147, %iota3A, %broadcast_in_dim3A_149 : vector<256x256xi1>, vector<256x256xi32>
    %reduce_min3A_151 = arith.constant dense<2147483647> : vector<256xi32>
    %reduce_min3A_152 = vector.multi_reduction <minsi>, %select_n3A_150, %reduce_min3A_151 [0] : vector<256x256xi32> to vector<256xi32>
    %broadcast_in_dim3A_153 = vector.shape_cast %reduce_min3A_152 : vector<256xi32> to vector<1x256xi32>
    %eq3A_154 = vector.broadcast %broadcast_in_dim3A_153 : vector<1x256xi32> to vector<256x256xi32>
    %eq3A_155 = arith.cmpi eq, %iota3A, %eq3A_154 : vector<256x256xi32>
    %jit3A_156 = arith.constant 0xFF800000 : f32
    %broadcast_in_dim3A_157 = vector.broadcast %jit3A_156 : f32 to vector<256x256xf32>
    %select_n3A_158 = arith.select %eq3A_155, %broadcast_in_dim3A_157, %select_n3A_127 : vector<256x256xi1>, vector<256x256xf32>
    %convert_element_type3A_159 = arith.extui %eq3A_155 : vector<256x256xi1> to vector<256x256xi32>
    %convert_element_type3A_160 = arith.sitofp %convert_element_type3A_159 : vector<256x256xi32> to vector<256x256xf32>
    %dot_general3A_161 = arith.constant dense<0.000000e+00> : vector<256x3xf32>
    %dot_general3A_162 = tpu.matmul %convert_element_type3A_160, %get3A_8, %dot_general3A_161 {dimension_numbers = #tpu.dot_dimension_numbers<[0], [0], [1], [1], [0, 1, 1, 1], [], []>, transpose_lhs_hint = false} : vector<256x256xf32>, vector<256x3xf32>, vector<256x3xf32> -> vector<256x3xf32>
    %sub3A_163 = arith.subf %dot_general3A_162, %get3A_3 : vector<256x3xf32>
    %mul3A_164 = arith.mulf %sub3A_163, %sub3A_163 : vector<256x3xf32>
    %reduce_sum3A_165 = arith.constant dense<0.000000e+00> : vector<256xf32>
    %reduce_sum3A_166 = vector.multi_reduction <add>, %mul3A_164, %reduce_sum3A_165 [1] : vector<256x3xf32> to vector<256xf32>
    %broadcast_in_dim3A_167 = vector.shape_cast %reduce_sum3A_166 : vector<256xf32> to vector<256x1xf32>
    %sqrt3A_168 = math.sqrt %broadcast_in_dim3A_167 : vector<256x1xf32>
    %max3A_169 = arith.constant 9.99999996E-13 : f32
    %max3A_170 = vector.broadcast %max3A_169 : f32 to vector<256x1xf32>
    %max3A_171 = arith.maximumf %sqrt3A_168, %max3A_170 : vector<256x1xf32>
    %div3A_172 = vector.broadcast %max3A_171 : vector<256x1xf32> to vector<256x3xf32>
    %div3A_173 = arith.divf %sub3A_163, %div3A_172 : vector<256x3xf32>
    %reduce_max3A_174 = arith.constant dense<0xFF800000> : vector<256xf32>
    %reduce_max3A_175 = vector.multi_reduction <maximumf>, %select_n3A_158, %reduce_max3A_174 [0] : vector<256x256xf32> to vector<256xf32>
    %broadcast_in_dim3A_176 = vector.shape_cast %reduce_max3A_175 : vector<256xf32> to vector<1x256xf32>
    %eq3A_177 = vector.broadcast %broadcast_in_dim3A_176 : vector<1x256xf32> to vector<256x256xf32>
    %eq3A_178 = arith.cmpf oeq, %select_n3A_158, %eq3A_177 : vector<256x256xf32>
    %jit3A_179 = arith.constant 256 : i32
    %broadcast_in_dim3A_180 = vector.broadcast %jit3A_179 : i32 to vector<256x256xi32>
    %select_n3A_181 = arith.select %eq3A_178, %iota3A, %broadcast_in_dim3A_180 : vector<256x256xi1>, vector<256x256xi32>
    %reduce_min3A_182 = arith.constant dense<2147483647> : vector<256xi32>
    %reduce_min3A_183 = vector.multi_reduction <minsi>, %select_n3A_181, %reduce_min3A_182 [0] : vector<256x256xi32> to vector<256xi32>
    %broadcast_in_dim3A_184 = vector.shape_cast %reduce_min3A_183 : vector<256xi32> to vector<1x256xi32>
    %eq3A_185 = vector.broadcast %broadcast_in_dim3A_184 : vector<1x256xi32> to vector<256x256xi32>
    %eq3A_186 = arith.cmpi eq, %iota3A, %eq3A_185 : vector<256x256xi32>
    %jit3A_187 = arith.constant 0xFF800000 : f32
    %broadcast_in_dim3A_188 = vector.broadcast %jit3A_187 : f32 to vector<256x256xf32>
    %select_n3A_189 = arith.select %eq3A_186, %broadcast_in_dim3A_188, %select_n3A_158 : vector<256x256xi1>, vector<256x256xf32>
    %convert_element_type3A_190 = arith.extui %eq3A_186 : vector<256x256xi1> to vector<256x256xi32>
    %convert_element_type3A_191 = arith.sitofp %convert_element_type3A_190 : vector<256x256xi32> to vector<256x256xf32>
    %dot_general3A_192 = arith.constant dense<0.000000e+00> : vector<256x3xf32>
    %dot_general3A_193 = tpu.matmul %convert_element_type3A_191, %get3A_8, %dot_general3A_192 {dimension_numbers = #tpu.dot_dimension_numbers<[0], [0], [1], [1], [0, 1, 1, 1], [], []>, transpose_lhs_hint = false} : vector<256x256xf32>, vector<256x3xf32>, vector<256x3xf32> -> vector<256x3xf32>
    %sub3A_194 = arith.subf %dot_general3A_193, %get3A_3 : vector<256x3xf32>
    %mul3A_195 = arith.mulf %sub3A_194, %sub3A_194 : vector<256x3xf32>
    %reduce_sum3A_196 = arith.constant dense<0.000000e+00> : vector<256xf32>
    %reduce_sum3A_197 = vector.multi_reduction <add>, %mul3A_195, %reduce_sum3A_196 [1] : vector<256x3xf32> to vector<256xf32>
    %broadcast_in_dim3A_198 = vector.shape_cast %reduce_sum3A_197 : vector<256xf32> to vector<256x1xf32>
    %sqrt3A_199 = math.sqrt %broadcast_in_dim3A_198 : vector<256x1xf32>
    %max3A_200 = arith.constant 9.99999996E-13 : f32
    %max3A_201 = vector.broadcast %max3A_200 : f32 to vector<256x1xf32>
    %max3A_202 = arith.maximumf %sqrt3A_199, %max3A_201 : vector<256x1xf32>
    %div3A_203 = vector.broadcast %max3A_202 : vector<256x1xf32> to vector<256x3xf32>
    %div3A_204 = arith.divf %sub3A_194, %div3A_203 : vector<256x3xf32>
    %reduce_max3A_205 = arith.constant dense<0xFF800000> : vector<256xf32>
    %reduce_max3A_206 = vector.multi_reduction <maximumf>, %select_n3A_189, %reduce_max3A_205 [0] : vector<256x256xf32> to vector<256xf32>
    %broadcast_in_dim3A_207 = vector.shape_cast %reduce_max3A_206 : vector<256xf32> to vector<1x256xf32>
    %eq3A_208 = vector.broadcast %broadcast_in_dim3A_207 : vector<1x256xf32> to vector<256x256xf32>
    %eq3A_209 = arith.cmpf oeq, %select_n3A_189, %eq3A_208 : vector<256x256xf32>
    %jit3A_210 = arith.constant 256 : i32
    %broadcast_in_dim3A_211 = vector.broadcast %jit3A_210 : i32 to vector<256x256xi32>
    %select_n3A_212 = arith.select %eq3A_209, %iota3A, %broadcast_in_dim3A_211 : vector<256x256xi1>, vector<256x256xi32>
    %reduce_min3A_213 = arith.constant dense<2147483647> : vector<256xi32>
    %reduce_min3A_214 = vector.multi_reduction <minsi>, %select_n3A_212, %reduce_min3A_213 [0] : vector<256x256xi32> to vector<256xi32>
    %broadcast_in_dim3A_215 = vector.shape_cast %reduce_min3A_214 : vector<256xi32> to vector<1x256xi32>
    %eq3A_216 = vector.broadcast %broadcast_in_dim3A_215 : vector<1x256xi32> to vector<256x256xi32>
    %eq3A_217 = arith.cmpi eq, %iota3A, %eq3A_216 : vector<256x256xi32>
    %jit3A_218 = arith.constant 0xFF800000 : f32
    %broadcast_in_dim3A_219 = vector.broadcast %jit3A_218 : f32 to vector<256x256xf32>
    %select_n3A_220 = arith.select %eq3A_217, %broadcast_in_dim3A_219, %select_n3A_189 : vector<256x256xi1>, vector<256x256xf32>
    %convert_element_type3A_221 = arith.extui %eq3A_217 : vector<256x256xi1> to vector<256x256xi32>
    %convert_element_type3A_222 = arith.sitofp %convert_element_type3A_221 : vector<256x256xi32> to vector<256x256xf32>
    %dot_general3A_223 = arith.constant dense<0.000000e+00> : vector<256x3xf32>
    %dot_general3A_224 = tpu.matmul %convert_element_type3A_222, %get3A_8, %dot_general3A_223 {dimension_numbers = #tpu.dot_dimension_numbers<[0], [0], [1], [1], [0, 1, 1, 1], [], []>, transpose_lhs_hint = false} : vector<256x256xf32>, vector<256x3xf32>, vector<256x3xf32> -> vector<256x3xf32>
    %sub3A_225 = arith.subf %dot_general3A_224, %get3A_3 : vector<256x3xf32>
    %mul3A_226 = arith.mulf %sub3A_225, %sub3A_225 : vector<256x3xf32>
    %reduce_sum3A_227 = arith.constant dense<0.000000e+00> : vector<256xf32>
    %reduce_sum3A_228 = vector.multi_reduction <add>, %mul3A_226, %reduce_sum3A_227 [1] : vector<256x3xf32> to vector<256xf32>
    %broadcast_in_dim3A_229 = vector.shape_cast %reduce_sum3A_228 : vector<256xf32> to vector<256x1xf32>
    %sqrt3A_230 = math.sqrt %broadcast_in_dim3A_229 : vector<256x1xf32>
    %max3A_231 = arith.constant 9.99999996E-13 : f32
    %max3A_232 = vector.broadcast %max3A_231 : f32 to vector<256x1xf32>
    %max3A_233 = arith.maximumf %sqrt3A_230, %max3A_232 : vector<256x1xf32>
    %div3A_234 = vector.broadcast %max3A_233 : vector<256x1xf32> to vector<256x3xf32>
    %div3A_235 = arith.divf %sub3A_225, %div3A_234 : vector<256x3xf32>
    %reduce_max3A_236 = arith.constant dense<0xFF800000> : vector<256xf32>
    %reduce_max3A_237 = vector.multi_reduction <maximumf>, %select_n3A_220, %reduce_max3A_236 [0] : vector<256x256xf32> to vector<256xf32>
    %broadcast_in_dim3A_238 = vector.shape_cast %reduce_max3A_237 : vector<256xf32> to vector<1x256xf32>
    %eq3A_239 = vector.broadcast %broadcast_in_dim3A_238 : vector<1x256xf32> to vector<256x256xf32>
    %eq3A_240 = arith.cmpf oeq, %select_n3A_220, %eq3A_239 : vector<256x256xf32>
    %jit3A_241 = arith.constant 256 : i32
    %broadcast_in_dim3A_242 = vector.broadcast %jit3A_241 : i32 to vector<256x256xi32>
    %select_n3A_243 = arith.select %eq3A_240, %iota3A, %broadcast_in_dim3A_242 : vector<256x256xi1>, vector<256x256xi32>
    %reduce_min3A_244 = arith.constant dense<2147483647> : vector<256xi32>
    %reduce_min3A_245 = vector.multi_reduction <minsi>, %select_n3A_243, %reduce_min3A_244 [0] : vector<256x256xi32> to vector<256xi32>
    %broadcast_in_dim3A_246 = vector.shape_cast %reduce_min3A_245 : vector<256xi32> to vector<1x256xi32>
    %eq3A_247 = vector.broadcast %broadcast_in_dim3A_246 : vector<1x256xi32> to vector<256x256xi32>
    %eq3A_248 = arith.cmpi eq, %iota3A, %eq3A_247 : vector<256x256xi32>
    %jit3A_249 = arith.constant 0xFF800000 : f32
    %broadcast_in_dim3A_250 = vector.broadcast %jit3A_249 : f32 to vector<256x256xf32>
    %select_n3A_251 = arith.select %eq3A_248, %broadcast_in_dim3A_250, %select_n3A_220 : vector<256x256xi1>, vector<256x256xf32>
    %convert_element_type3A_252 = arith.extui %eq3A_248 : vector<256x256xi1> to vector<256x256xi32>
    %convert_element_type3A_253 = arith.sitofp %convert_element_type3A_252 : vector<256x256xi32> to vector<256x256xf32>
    %dot_general3A_254 = arith.constant dense<0.000000e+00> : vector<256x3xf32>
    %dot_general3A_255 = tpu.matmul %convert_element_type3A_253, %get3A_8, %dot_general3A_254 {dimension_numbers = #tpu.dot_dimension_numbers<[0], [0], [1], [1], [0, 1, 1, 1], [], []>, transpose_lhs_hint = false} : vector<256x256xf32>, vector<256x3xf32>, vector<256x3xf32> -> vector<256x3xf32>
    %sub3A_256 = arith.subf %dot_general3A_255, %get3A_3 : vector<256x3xf32>
    %mul3A_257 = arith.mulf %sub3A_256, %sub3A_256 : vector<256x3xf32>
    %reduce_sum3A_258 = arith.constant dense<0.000000e+00> : vector<256xf32>
    %reduce_sum3A_259 = vector.multi_reduction <add>, %mul3A_257, %reduce_sum3A_258 [1] : vector<256x3xf32> to vector<256xf32>
    %broadcast_in_dim3A_260 = vector.shape_cast %reduce_sum3A_259 : vector<256xf32> to vector<256x1xf32>
    %sqrt3A_261 = math.sqrt %broadcast_in_dim3A_260 : vector<256x1xf32>
    %max3A_262 = arith.constant 9.99999996E-13 : f32
    %max3A_263 = vector.broadcast %max3A_262 : f32 to vector<256x1xf32>
    %max3A_264 = arith.maximumf %sqrt3A_261, %max3A_263 : vector<256x1xf32>
    %div3A_265 = vector.broadcast %max3A_264 : vector<256x1xf32> to vector<256x3xf32>
    %div3A_266 = arith.divf %sub3A_256, %div3A_265 : vector<256x3xf32>
    %reduce_max3A_267 = arith.constant dense<0xFF800000> : vector<256xf32>
    %reduce_max3A_268 = vector.multi_reduction <maximumf>, %select_n3A_251, %reduce_max3A_267 [0] : vector<256x256xf32> to vector<256xf32>
    %broadcast_in_dim3A_269 = vector.shape_cast %reduce_max3A_268 : vector<256xf32> to vector<1x256xf32>
    %eq3A_270 = vector.broadcast %broadcast_in_dim3A_269 : vector<1x256xf32> to vector<256x256xf32>
    %eq3A_271 = arith.cmpf oeq, %select_n3A_251, %eq3A_270 : vector<256x256xf32>
    %jit3A_272 = arith.constant 256 : i32
    %broadcast_in_dim3A_273 = vector.broadcast %jit3A_272 : i32 to vector<256x256xi32>
    %select_n3A_274 = arith.select %eq3A_271, %iota3A, %broadcast_in_dim3A_273 : vector<256x256xi1>, vector<256x256xi32>
    %reduce_min3A_275 = arith.constant dense<2147483647> : vector<256xi32>
    %reduce_min3A_276 = vector.multi_reduction <minsi>, %select_n3A_274, %reduce_min3A_275 [0] : vector<256x256xi32> to vector<256xi32>
    %broadcast_in_dim3A_277 = vector.shape_cast %reduce_min3A_276 : vector<256xi32> to vector<1x256xi32>
    %eq3A_278 = vector.broadcast %broadcast_in_dim3A_277 : vector<1x256xi32> to vector<256x256xi32>
    %eq3A_279 = arith.cmpi eq, %iota3A, %eq3A_278 : vector<256x256xi32>
    %jit3A_280 = arith.constant 0xFF800000 : f32
    %broadcast_in_dim3A_281 = vector.broadcast %jit3A_280 : f32 to vector<256x256xf32>
    %select_n3A_282 = arith.select %eq3A_279, %broadcast_in_dim3A_281, %select_n3A_251 : vector<256x256xi1>, vector<256x256xf32>
    %convert_element_type3A_283 = arith.extui %eq3A_279 : vector<256x256xi1> to vector<256x256xi32>
    %convert_element_type3A_284 = arith.sitofp %convert_element_type3A_283 : vector<256x256xi32> to vector<256x256xf32>
    %dot_general3A_285 = arith.constant dense<0.000000e+00> : vector<256x3xf32>
    %dot_general3A_286 = tpu.matmul %convert_element_type3A_284, %get3A_8, %dot_general3A_285 {dimension_numbers = #tpu.dot_dimension_numbers<[0], [0], [1], [1], [0, 1, 1, 1], [], []>, transpose_lhs_hint = false} : vector<256x256xf32>, vector<256x3xf32>, vector<256x3xf32> -> vector<256x3xf32>
    %sub3A_287 = arith.subf %dot_general3A_286, %get3A_3 : vector<256x3xf32>
    %mul3A_288 = arith.mulf %sub3A_287, %sub3A_287 : vector<256x3xf32>
    %reduce_sum3A_289 = arith.constant dense<0.000000e+00> : vector<256xf32>
    %reduce_sum3A_290 = vector.multi_reduction <add>, %mul3A_288, %reduce_sum3A_289 [1] : vector<256x3xf32> to vector<256xf32>
    %broadcast_in_dim3A_291 = vector.shape_cast %reduce_sum3A_290 : vector<256xf32> to vector<256x1xf32>
    %sqrt3A_292 = math.sqrt %broadcast_in_dim3A_291 : vector<256x1xf32>
    %max3A_293 = arith.constant 9.99999996E-13 : f32
    %max3A_294 = vector.broadcast %max3A_293 : f32 to vector<256x1xf32>
    %max3A_295 = arith.maximumf %sqrt3A_292, %max3A_294 : vector<256x1xf32>
    %div3A_296 = vector.broadcast %max3A_295 : vector<256x1xf32> to vector<256x3xf32>
    %div3A_297 = arith.divf %sub3A_287, %div3A_296 : vector<256x3xf32>
    %reduce_max3A_298 = arith.constant dense<0xFF800000> : vector<256xf32>
    %reduce_max3A_299 = vector.multi_reduction <maximumf>, %select_n3A_282, %reduce_max3A_298 [0] : vector<256x256xf32> to vector<256xf32>
    %broadcast_in_dim3A_300 = vector.shape_cast %reduce_max3A_299 : vector<256xf32> to vector<1x256xf32>
    %eq3A_301 = vector.broadcast %broadcast_in_dim3A_300 : vector<1x256xf32> to vector<256x256xf32>
    %eq3A_302 = arith.cmpf oeq, %select_n3A_282, %eq3A_301 : vector<256x256xf32>
    %jit3A_303 = arith.constant 256 : i32
    %broadcast_in_dim3A_304 = vector.broadcast %jit3A_303 : i32 to vector<256x256xi32>
    %select_n3A_305 = arith.select %eq3A_302, %iota3A, %broadcast_in_dim3A_304 : vector<256x256xi1>, vector<256x256xi32>
    %reduce_min3A_306 = arith.constant dense<2147483647> : vector<256xi32>
    %reduce_min3A_307 = vector.multi_reduction <minsi>, %select_n3A_305, %reduce_min3A_306 [0] : vector<256x256xi32> to vector<256xi32>
    %broadcast_in_dim3A_308 = vector.shape_cast %reduce_min3A_307 : vector<256xi32> to vector<1x256xi32>
    %eq3A_309 = vector.broadcast %broadcast_in_dim3A_308 : vector<1x256xi32> to vector<256x256xi32>
    %eq3A_310 = arith.cmpi eq, %iota3A, %eq3A_309 : vector<256x256xi32>
    %jit3A_311 = arith.constant 0xFF800000 : f32
    %broadcast_in_dim3A_312 = vector.broadcast %jit3A_311 : f32 to vector<256x256xf32>
    %select_n3A_313 = arith.select %eq3A_310, %broadcast_in_dim3A_312, %select_n3A_282 : vector<256x256xi1>, vector<256x256xf32>
    %convert_element_type3A_314 = arith.extui %eq3A_310 : vector<256x256xi1> to vector<256x256xi32>
    %convert_element_type3A_315 = arith.sitofp %convert_element_type3A_314 : vector<256x256xi32> to vector<256x256xf32>
    %dot_general3A_316 = arith.constant dense<0.000000e+00> : vector<256x3xf32>
    %dot_general3A_317 = tpu.matmul %convert_element_type3A_315, %get3A_8, %dot_general3A_316 {dimension_numbers = #tpu.dot_dimension_numbers<[0], [0], [1], [1], [0, 1, 1, 1], [], []>, transpose_lhs_hint = false} : vector<256x256xf32>, vector<256x3xf32>, vector<256x3xf32> -> vector<256x3xf32>
    %sub3A_318 = arith.subf %dot_general3A_317, %get3A_3 : vector<256x3xf32>
    %mul3A_319 = arith.mulf %sub3A_318, %sub3A_318 : vector<256x3xf32>
    %reduce_sum3A_320 = arith.constant dense<0.000000e+00> : vector<256xf32>
    %reduce_sum3A_321 = vector.multi_reduction <add>, %mul3A_319, %reduce_sum3A_320 [1] : vector<256x3xf32> to vector<256xf32>
    %broadcast_in_dim3A_322 = vector.shape_cast %reduce_sum3A_321 : vector<256xf32> to vector<256x1xf32>
    %sqrt3A_323 = math.sqrt %broadcast_in_dim3A_322 : vector<256x1xf32>
    %max3A_324 = arith.constant 9.99999996E-13 : f32
    %max3A_325 = vector.broadcast %max3A_324 : f32 to vector<256x1xf32>
    %max3A_326 = arith.maximumf %sqrt3A_323, %max3A_325 : vector<256x1xf32>
    %div3A_327 = vector.broadcast %max3A_326 : vector<256x1xf32> to vector<256x3xf32>
    %div3A_328 = arith.divf %sub3A_318, %div3A_327 : vector<256x3xf32>
    %reduce_max3A_329 = arith.constant dense<0xFF800000> : vector<256xf32>
    %reduce_max3A_330 = vector.multi_reduction <maximumf>, %select_n3A_313, %reduce_max3A_329 [0] : vector<256x256xf32> to vector<256xf32>
    %broadcast_in_dim3A_331 = vector.shape_cast %reduce_max3A_330 : vector<256xf32> to vector<1x256xf32>
    %eq3A_332 = vector.broadcast %broadcast_in_dim3A_331 : vector<1x256xf32> to vector<256x256xf32>
    %eq3A_333 = arith.cmpf oeq, %select_n3A_313, %eq3A_332 : vector<256x256xf32>
    %jit3A_334 = arith.constant 256 : i32
    %broadcast_in_dim3A_335 = vector.broadcast %jit3A_334 : i32 to vector<256x256xi32>
    %select_n3A_336 = arith.select %eq3A_333, %iota3A, %broadcast_in_dim3A_335 : vector<256x256xi1>, vector<256x256xi32>
    %reduce_min3A_337 = arith.constant dense<2147483647> : vector<256xi32>
    %reduce_min3A_338 = vector.multi_reduction <minsi>, %select_n3A_336, %reduce_min3A_337 [0] : vector<256x256xi32> to vector<256xi32>
    %broadcast_in_dim3A_339 = vector.shape_cast %reduce_min3A_338 : vector<256xi32> to vector<1x256xi32>
    %eq3A_340 = vector.broadcast %broadcast_in_dim3A_339 : vector<1x256xi32> to vector<256x256xi32>
    %eq3A_341 = arith.cmpi eq, %iota3A, %eq3A_340 : vector<256x256xi32>
    %jit3A_342 = arith.constant 0xFF800000 : f32
    %broadcast_in_dim3A_343 = vector.broadcast %jit3A_342 : f32 to vector<256x256xf32>
    %select_n3A_344 = arith.select %eq3A_341, %broadcast_in_dim3A_343, %select_n3A_313 : vector<256x256xi1>, vector<256x256xf32>
    %convert_element_type3A_345 = arith.extui %eq3A_341 : vector<256x256xi1> to vector<256x256xi32>
    %convert_element_type3A_346 = arith.sitofp %convert_element_type3A_345 : vector<256x256xi32> to vector<256x256xf32>
    %dot_general3A_347 = arith.constant dense<0.000000e+00> : vector<256x3xf32>
    %dot_general3A_348 = tpu.matmul %convert_element_type3A_346, %get3A_8, %dot_general3A_347 {dimension_numbers = #tpu.dot_dimension_numbers<[0], [0], [1], [1], [0, 1, 1, 1], [], []>, transpose_lhs_hint = false} : vector<256x256xf32>, vector<256x3xf32>, vector<256x3xf32> -> vector<256x3xf32>
    %sub3A_349 = arith.subf %dot_general3A_348, %get3A_3 : vector<256x3xf32>
    %mul3A_350 = arith.mulf %sub3A_349, %sub3A_349 : vector<256x3xf32>
    %reduce_sum3A_351 = arith.constant dense<0.000000e+00> : vector<256xf32>
    %reduce_sum3A_352 = vector.multi_reduction <add>, %mul3A_350, %reduce_sum3A_351 [1] : vector<256x3xf32> to vector<256xf32>
    %broadcast_in_dim3A_353 = vector.shape_cast %reduce_sum3A_352 : vector<256xf32> to vector<256x1xf32>
    %sqrt3A_354 = math.sqrt %broadcast_in_dim3A_353 : vector<256x1xf32>
    %max3A_355 = arith.constant 9.99999996E-13 : f32
    %max3A_356 = vector.broadcast %max3A_355 : f32 to vector<256x1xf32>
    %max3A_357 = arith.maximumf %sqrt3A_354, %max3A_356 : vector<256x1xf32>
    %div3A_358 = vector.broadcast %max3A_357 : vector<256x1xf32> to vector<256x3xf32>
    %div3A_359 = arith.divf %sub3A_349, %div3A_358 : vector<256x3xf32>
    %reduce_max3A_360 = arith.constant dense<0xFF800000> : vector<256xf32>
    %reduce_max3A_361 = vector.multi_reduction <maximumf>, %select_n3A_344, %reduce_max3A_360 [0] : vector<256x256xf32> to vector<256xf32>
    %broadcast_in_dim3A_362 = vector.shape_cast %reduce_max3A_361 : vector<256xf32> to vector<1x256xf32>
    %eq3A_363 = vector.broadcast %broadcast_in_dim3A_362 : vector<1x256xf32> to vector<256x256xf32>
    %eq3A_364 = arith.cmpf oeq, %select_n3A_344, %eq3A_363 : vector<256x256xf32>
    %jit3A_365 = arith.constant 256 : i32
    %broadcast_in_dim3A_366 = vector.broadcast %jit3A_365 : i32 to vector<256x256xi32>
    %select_n3A_367 = arith.select %eq3A_364, %iota3A, %broadcast_in_dim3A_366 : vector<256x256xi1>, vector<256x256xi32>
    %reduce_min3A_368 = arith.constant dense<2147483647> : vector<256xi32>
    %reduce_min3A_369 = vector.multi_reduction <minsi>, %select_n3A_367, %reduce_min3A_368 [0] : vector<256x256xi32> to vector<256xi32>
    %broadcast_in_dim3A_370 = vector.shape_cast %reduce_min3A_369 : vector<256xi32> to vector<1x256xi32>
    %eq3A_371 = vector.broadcast %broadcast_in_dim3A_370 : vector<1x256xi32> to vector<256x256xi32>
    %eq3A_372 = arith.cmpi eq, %iota3A, %eq3A_371 : vector<256x256xi32>
    %jit3A_373 = arith.constant 0xFF800000 : f32
    %broadcast_in_dim3A_374 = vector.broadcast %jit3A_373 : f32 to vector<256x256xf32>
    %select_n3A_375 = arith.select %eq3A_372, %broadcast_in_dim3A_374, %select_n3A_344 : vector<256x256xi1>, vector<256x256xf32>
    %convert_element_type3A_376 = arith.extui %eq3A_372 : vector<256x256xi1> to vector<256x256xi32>
    %convert_element_type3A_377 = arith.sitofp %convert_element_type3A_376 : vector<256x256xi32> to vector<256x256xf32>
    %dot_general3A_378 = arith.constant dense<0.000000e+00> : vector<256x3xf32>
    %dot_general3A_379 = tpu.matmul %convert_element_type3A_377, %get3A_8, %dot_general3A_378 {dimension_numbers = #tpu.dot_dimension_numbers<[0], [0], [1], [1], [0, 1, 1, 1], [], []>, transpose_lhs_hint = false} : vector<256x256xf32>, vector<256x3xf32>, vector<256x3xf32> -> vector<256x3xf32>
    %sub3A_380 = arith.subf %dot_general3A_379, %get3A_3 : vector<256x3xf32>
    %mul3A_381 = arith.mulf %sub3A_380, %sub3A_380 : vector<256x3xf32>
    %reduce_sum3A_382 = arith.constant dense<0.000000e+00> : vector<256xf32>
    %reduce_sum3A_383 = vector.multi_reduction <add>, %mul3A_381, %reduce_sum3A_382 [1] : vector<256x3xf32> to vector<256xf32>
    %broadcast_in_dim3A_384 = vector.shape_cast %reduce_sum3A_383 : vector<256xf32> to vector<256x1xf32>
    %sqrt3A_385 = math.sqrt %broadcast_in_dim3A_384 : vector<256x1xf32>
    %max3A_386 = arith.constant 9.99999996E-13 : f32
    %max3A_387 = vector.broadcast %max3A_386 : f32 to vector<256x1xf32>
    %max3A_388 = arith.maximumf %sqrt3A_385, %max3A_387 : vector<256x1xf32>
    %div3A_389 = vector.broadcast %max3A_388 : vector<256x1xf32> to vector<256x3xf32>
    %div3A_390 = arith.divf %sub3A_380, %div3A_389 : vector<256x3xf32>
    %reduce_max3A_391 = arith.constant dense<0xFF800000> : vector<256xf32>
    %reduce_max3A_392 = vector.multi_reduction <maximumf>, %select_n3A_375, %reduce_max3A_391 [0] : vector<256x256xf32> to vector<256xf32>
    %broadcast_in_dim3A_393 = vector.shape_cast %reduce_max3A_392 : vector<256xf32> to vector<1x256xf32>
    %eq3A_394 = vector.broadcast %broadcast_in_dim3A_393 : vector<1x256xf32> to vector<256x256xf32>
    %eq3A_395 = arith.cmpf oeq, %select_n3A_375, %eq3A_394 : vector<256x256xf32>
    %jit3A_396 = arith.constant 256 : i32
    %broadcast_in_dim3A_397 = vector.broadcast %jit3A_396 : i32 to vector<256x256xi32>
    %select_n3A_398 = arith.select %eq3A_395, %iota3A, %broadcast_in_dim3A_397 : vector<256x256xi1>, vector<256x256xi32>
    %reduce_min3A_399 = arith.constant dense<2147483647> : vector<256xi32>
    %reduce_min3A_400 = vector.multi_reduction <minsi>, %select_n3A_398, %reduce_min3A_399 [0] : vector<256x256xi32> to vector<256xi32>
    %broadcast_in_dim3A_401 = vector.shape_cast %reduce_min3A_400 : vector<256xi32> to vector<1x256xi32>
    %eq3A_402 = vector.broadcast %broadcast_in_dim3A_401 : vector<1x256xi32> to vector<256x256xi32>
    %eq3A_403 = arith.cmpi eq, %iota3A, %eq3A_402 : vector<256x256xi32>
    %jit3A_404 = arith.constant 0xFF800000 : f32
    %broadcast_in_dim3A_405 = vector.broadcast %jit3A_404 : f32 to vector<256x256xf32>
    %select_n3A_406 = arith.select %eq3A_403, %broadcast_in_dim3A_405, %select_n3A_375 : vector<256x256xi1>, vector<256x256xf32>
    %convert_element_type3A_407 = arith.extui %eq3A_403 : vector<256x256xi1> to vector<256x256xi32>
    %convert_element_type3A_408 = arith.sitofp %convert_element_type3A_407 : vector<256x256xi32> to vector<256x256xf32>
    %dot_general3A_409 = arith.constant dense<0.000000e+00> : vector<256x3xf32>
    %dot_general3A_410 = tpu.matmul %convert_element_type3A_408, %get3A_8, %dot_general3A_409 {dimension_numbers = #tpu.dot_dimension_numbers<[0], [0], [1], [1], [0, 1, 1, 1], [], []>, transpose_lhs_hint = false} : vector<256x256xf32>, vector<256x3xf32>, vector<256x3xf32> -> vector<256x3xf32>
    %sub3A_411 = arith.subf %dot_general3A_410, %get3A_3 : vector<256x3xf32>
    %mul3A_412 = arith.mulf %sub3A_411, %sub3A_411 : vector<256x3xf32>
    %reduce_sum3A_413 = arith.constant dense<0.000000e+00> : vector<256xf32>
    %reduce_sum3A_414 = vector.multi_reduction <add>, %mul3A_412, %reduce_sum3A_413 [1] : vector<256x3xf32> to vector<256xf32>
    %broadcast_in_dim3A_415 = vector.shape_cast %reduce_sum3A_414 : vector<256xf32> to vector<256x1xf32>
    %sqrt3A_416 = math.sqrt %broadcast_in_dim3A_415 : vector<256x1xf32>
    %max3A_417 = arith.constant 9.99999996E-13 : f32
    %max3A_418 = vector.broadcast %max3A_417 : f32 to vector<256x1xf32>
    %max3A_419 = arith.maximumf %sqrt3A_416, %max3A_418 : vector<256x1xf32>
    %div3A_420 = vector.broadcast %max3A_419 : vector<256x1xf32> to vector<256x3xf32>
    %div3A_421 = arith.divf %sub3A_411, %div3A_420 : vector<256x3xf32>
    %reduce_max3A_422 = arith.constant dense<0xFF800000> : vector<256xf32>
    %reduce_max3A_423 = vector.multi_reduction <maximumf>, %select_n3A_406, %reduce_max3A_422 [0] : vector<256x256xf32> to vector<256xf32>
    %broadcast_in_dim3A_424 = vector.shape_cast %reduce_max3A_423 : vector<256xf32> to vector<1x256xf32>
    %eq3A_425 = vector.broadcast %broadcast_in_dim3A_424 : vector<1x256xf32> to vector<256x256xf32>
    %eq3A_426 = arith.cmpf oeq, %select_n3A_406, %eq3A_425 : vector<256x256xf32>
    %jit3A_427 = arith.constant 256 : i32
    %broadcast_in_dim3A_428 = vector.broadcast %jit3A_427 : i32 to vector<256x256xi32>
    %select_n3A_429 = arith.select %eq3A_426, %iota3A, %broadcast_in_dim3A_428 : vector<256x256xi1>, vector<256x256xi32>
    %reduce_min3A_430 = arith.constant dense<2147483647> : vector<256xi32>
    %reduce_min3A_431 = vector.multi_reduction <minsi>, %select_n3A_429, %reduce_min3A_430 [0] : vector<256x256xi32> to vector<256xi32>
    %broadcast_in_dim3A_432 = vector.shape_cast %reduce_min3A_431 : vector<256xi32> to vector<1x256xi32>
    %eq3A_433 = vector.broadcast %broadcast_in_dim3A_432 : vector<1x256xi32> to vector<256x256xi32>
    %eq3A_434 = arith.cmpi eq, %iota3A, %eq3A_433 : vector<256x256xi32>
    %jit3A_435 = arith.constant 0xFF800000 : f32
    %broadcast_in_dim3A_436 = vector.broadcast %jit3A_435 : f32 to vector<256x256xf32>
    %select_n3A_437 = arith.select %eq3A_434, %broadcast_in_dim3A_436, %select_n3A_406 : vector<256x256xi1>, vector<256x256xf32>
    %convert_element_type3A_438 = arith.extui %eq3A_434 : vector<256x256xi1> to vector<256x256xi32>
    %convert_element_type3A_439 = arith.sitofp %convert_element_type3A_438 : vector<256x256xi32> to vector<256x256xf32>
    %dot_general3A_440 = arith.constant dense<0.000000e+00> : vector<256x3xf32>
    %dot_general3A_441 = tpu.matmul %convert_element_type3A_439, %get3A_8, %dot_general3A_440 {dimension_numbers = #tpu.dot_dimension_numbers<[0], [0], [1], [1], [0, 1, 1, 1], [], []>, transpose_lhs_hint = false} : vector<256x256xf32>, vector<256x3xf32>, vector<256x3xf32> -> vector<256x3xf32>
    %sub3A_442 = arith.subf %dot_general3A_441, %get3A_3 : vector<256x3xf32>
    %mul3A_443 = arith.mulf %sub3A_442, %sub3A_442 : vector<256x3xf32>
    %reduce_sum3A_444 = arith.constant dense<0.000000e+00> : vector<256xf32>
    %reduce_sum3A_445 = vector.multi_reduction <add>, %mul3A_443, %reduce_sum3A_444 [1] : vector<256x3xf32> to vector<256xf32>
    %broadcast_in_dim3A_446 = vector.shape_cast %reduce_sum3A_445 : vector<256xf32> to vector<256x1xf32>
    %sqrt3A_447 = math.sqrt %broadcast_in_dim3A_446 : vector<256x1xf32>
    %max3A_448 = arith.constant 9.99999996E-13 : f32
    %max3A_449 = vector.broadcast %max3A_448 : f32 to vector<256x1xf32>
    %max3A_450 = arith.maximumf %sqrt3A_447, %max3A_449 : vector<256x1xf32>
    %div3A_451 = vector.broadcast %max3A_450 : vector<256x1xf32> to vector<256x3xf32>
    %div3A_452 = arith.divf %sub3A_442, %div3A_451 : vector<256x3xf32>
    %reduce_max3A_453 = arith.constant dense<0xFF800000> : vector<256xf32>
    %reduce_max3A_454 = vector.multi_reduction <maximumf>, %select_n3A_437, %reduce_max3A_453 [0] : vector<256x256xf32> to vector<256xf32>
    %broadcast_in_dim3A_455 = vector.shape_cast %reduce_max3A_454 : vector<256xf32> to vector<1x256xf32>
    %eq3A_456 = vector.broadcast %broadcast_in_dim3A_455 : vector<1x256xf32> to vector<256x256xf32>
    %eq3A_457 = arith.cmpf oeq, %select_n3A_437, %eq3A_456 : vector<256x256xf32>
    %jit3A_458 = arith.constant 256 : i32
    %broadcast_in_dim3A_459 = vector.broadcast %jit3A_458 : i32 to vector<256x256xi32>
    %select_n3A_460 = arith.select %eq3A_457, %iota3A, %broadcast_in_dim3A_459 : vector<256x256xi1>, vector<256x256xi32>
    %reduce_min3A_461 = arith.constant dense<2147483647> : vector<256xi32>
    %reduce_min3A_462 = vector.multi_reduction <minsi>, %select_n3A_460, %reduce_min3A_461 [0] : vector<256x256xi32> to vector<256xi32>
    %broadcast_in_dim3A_463 = vector.shape_cast %reduce_min3A_462 : vector<256xi32> to vector<1x256xi32>
    %eq3A_464 = vector.broadcast %broadcast_in_dim3A_463 : vector<1x256xi32> to vector<256x256xi32>
    %eq3A_465 = arith.cmpi eq, %iota3A, %eq3A_464 : vector<256x256xi32>
    %jit3A_466 = arith.constant 0xFF800000 : f32
    %broadcast_in_dim3A_467 = vector.broadcast %jit3A_466 : f32 to vector<256x256xf32>
    %select_n3A_468 = arith.select %eq3A_465, %broadcast_in_dim3A_467, %select_n3A_437 : vector<256x256xi1>, vector<256x256xf32>
    %convert_element_type3A_469 = arith.extui %eq3A_465 : vector<256x256xi1> to vector<256x256xi32>
    %convert_element_type3A_470 = arith.sitofp %convert_element_type3A_469 : vector<256x256xi32> to vector<256x256xf32>
    %dot_general3A_471 = arith.constant dense<0.000000e+00> : vector<256x3xf32>
    %dot_general3A_472 = tpu.matmul %convert_element_type3A_470, %get3A_8, %dot_general3A_471 {dimension_numbers = #tpu.dot_dimension_numbers<[0], [0], [1], [1], [0, 1, 1, 1], [], []>, transpose_lhs_hint = false} : vector<256x256xf32>, vector<256x3xf32>, vector<256x3xf32> -> vector<256x3xf32>
    %sub3A_473 = arith.subf %dot_general3A_472, %get3A_3 : vector<256x3xf32>
    %mul3A_474 = arith.mulf %sub3A_473, %sub3A_473 : vector<256x3xf32>
    %reduce_sum3A_475 = arith.constant dense<0.000000e+00> : vector<256xf32>
    %reduce_sum3A_476 = vector.multi_reduction <add>, %mul3A_474, %reduce_sum3A_475 [1] : vector<256x3xf32> to vector<256xf32>
    %broadcast_in_dim3A_477 = vector.shape_cast %reduce_sum3A_476 : vector<256xf32> to vector<256x1xf32>
    %sqrt3A_478 = math.sqrt %broadcast_in_dim3A_477 : vector<256x1xf32>
    %max3A_479 = arith.constant 9.99999996E-13 : f32
    %max3A_480 = vector.broadcast %max3A_479 : f32 to vector<256x1xf32>
    %max3A_481 = arith.maximumf %sqrt3A_478, %max3A_480 : vector<256x1xf32>
    %div3A_482 = vector.broadcast %max3A_481 : vector<256x1xf32> to vector<256x3xf32>
    %div3A_483 = arith.divf %sub3A_473, %div3A_482 : vector<256x3xf32>
    %reduce_max3A_484 = arith.constant dense<0xFF800000> : vector<256xf32>
    %reduce_max3A_485 = vector.multi_reduction <maximumf>, %select_n3A_468, %reduce_max3A_484 [0] : vector<256x256xf32> to vector<256xf32>
    %broadcast_in_dim3A_486 = vector.shape_cast %reduce_max3A_485 : vector<256xf32> to vector<1x256xf32>
    %eq3A_487 = vector.broadcast %broadcast_in_dim3A_486 : vector<1x256xf32> to vector<256x256xf32>
    %eq3A_488 = arith.cmpf oeq, %select_n3A_468, %eq3A_487 : vector<256x256xf32>
    %jit3A_489 = arith.constant 256 : i32
    %broadcast_in_dim3A_490 = vector.broadcast %jit3A_489 : i32 to vector<256x256xi32>
    %select_n3A_491 = arith.select %eq3A_488, %iota3A, %broadcast_in_dim3A_490 : vector<256x256xi1>, vector<256x256xi32>
    %reduce_min3A_492 = arith.constant dense<2147483647> : vector<256xi32>
    %reduce_min3A_493 = vector.multi_reduction <minsi>, %select_n3A_491, %reduce_min3A_492 [0] : vector<256x256xi32> to vector<256xi32>
    %broadcast_in_dim3A_494 = vector.shape_cast %reduce_min3A_493 : vector<256xi32> to vector<1x256xi32>
    %eq3A_495 = vector.broadcast %broadcast_in_dim3A_494 : vector<1x256xi32> to vector<256x256xi32>
    %eq3A_496 = arith.cmpi eq, %iota3A, %eq3A_495 : vector<256x256xi32>
    %jit3A_497 = arith.constant 0xFF800000 : f32
    %broadcast_in_dim3A_498 = vector.broadcast %jit3A_497 : f32 to vector<256x256xf32>
    %select_n3A_499 = arith.select %eq3A_496, %broadcast_in_dim3A_498, %select_n3A_468 : vector<256x256xi1>, vector<256x256xf32>
    %convert_element_type3A_500 = arith.extui %eq3A_496 : vector<256x256xi1> to vector<256x256xi32>
    %convert_element_type3A_501 = arith.sitofp %convert_element_type3A_500 : vector<256x256xi32> to vector<256x256xf32>
    %dot_general3A_502 = arith.constant dense<0.000000e+00> : vector<256x3xf32>
    %dot_general3A_503 = tpu.matmul %convert_element_type3A_501, %get3A_8, %dot_general3A_502 {dimension_numbers = #tpu.dot_dimension_numbers<[0], [0], [1], [1], [0, 1, 1, 1], [], []>, transpose_lhs_hint = false} : vector<256x256xf32>, vector<256x3xf32>, vector<256x3xf32> -> vector<256x3xf32>
    %sub3A_504 = arith.subf %dot_general3A_503, %get3A_3 : vector<256x3xf32>
    %mul3A_505 = arith.mulf %sub3A_504, %sub3A_504 : vector<256x3xf32>
    %reduce_sum3A_506 = arith.constant dense<0.000000e+00> : vector<256xf32>
    %reduce_sum3A_507 = vector.multi_reduction <add>, %mul3A_505, %reduce_sum3A_506 [1] : vector<256x3xf32> to vector<256xf32>
    %broadcast_in_dim3A_508 = vector.shape_cast %reduce_sum3A_507 : vector<256xf32> to vector<256x1xf32>
    %sqrt3A_509 = math.sqrt %broadcast_in_dim3A_508 : vector<256x1xf32>
    %max3A_510 = arith.constant 9.99999996E-13 : f32
    %max3A_511 = vector.broadcast %max3A_510 : f32 to vector<256x1xf32>
    %max3A_512 = arith.maximumf %sqrt3A_509, %max3A_511 : vector<256x1xf32>
    %div3A_513 = vector.broadcast %max3A_512 : vector<256x1xf32> to vector<256x3xf32>
    %div3A_514 = arith.divf %sub3A_504, %div3A_513 : vector<256x3xf32>
    %reduce_max3A_515 = arith.constant dense<0xFF800000> : vector<256xf32>
    %reduce_max3A_516 = vector.multi_reduction <maximumf>, %select_n3A_499, %reduce_max3A_515 [0] : vector<256x256xf32> to vector<256xf32>
    %broadcast_in_dim3A_517 = vector.shape_cast %reduce_max3A_516 : vector<256xf32> to vector<1x256xf32>
    %eq3A_518 = vector.broadcast %broadcast_in_dim3A_517 : vector<1x256xf32> to vector<256x256xf32>
    %eq3A_519 = arith.cmpf oeq, %select_n3A_499, %eq3A_518 : vector<256x256xf32>
    %jit3A_520 = arith.constant 256 : i32
    %broadcast_in_dim3A_521 = vector.broadcast %jit3A_520 : i32 to vector<256x256xi32>
    %select_n3A_522 = arith.select %eq3A_519, %iota3A, %broadcast_in_dim3A_521 : vector<256x256xi1>, vector<256x256xi32>
    %reduce_min3A_523 = arith.constant dense<2147483647> : vector<256xi32>
    %reduce_min3A_524 = vector.multi_reduction <minsi>, %select_n3A_522, %reduce_min3A_523 [0] : vector<256x256xi32> to vector<256xi32>
    %broadcast_in_dim3A_525 = vector.shape_cast %reduce_min3A_524 : vector<256xi32> to vector<1x256xi32>
    %eq3A_526 = vector.broadcast %broadcast_in_dim3A_525 : vector<1x256xi32> to vector<256x256xi32>
    %eq3A_527 = arith.cmpi eq, %iota3A, %eq3A_526 : vector<256x256xi32>
    %jit3A_528 = arith.constant 0xFF800000 : f32
    %broadcast_in_dim3A_529 = vector.broadcast %jit3A_528 : f32 to vector<256x256xf32>
    %select_n3A_530 = arith.select %eq3A_527, %broadcast_in_dim3A_529, %select_n3A_499 : vector<256x256xi1>, vector<256x256xf32>
    %convert_element_type3A_531 = arith.extui %eq3A_527 : vector<256x256xi1> to vector<256x256xi32>
    %convert_element_type3A_532 = arith.sitofp %convert_element_type3A_531 : vector<256x256xi32> to vector<256x256xf32>
    %dot_general3A_533 = arith.constant dense<0.000000e+00> : vector<256x3xf32>
    %dot_general3A_534 = tpu.matmul %convert_element_type3A_532, %get3A_8, %dot_general3A_533 {dimension_numbers = #tpu.dot_dimension_numbers<[0], [0], [1], [1], [0, 1, 1, 1], [], []>, transpose_lhs_hint = false} : vector<256x256xf32>, vector<256x3xf32>, vector<256x3xf32> -> vector<256x3xf32>
    %sub3A_535 = arith.subf %dot_general3A_534, %get3A_3 : vector<256x3xf32>
    %mul3A_536 = arith.mulf %sub3A_535, %sub3A_535 : vector<256x3xf32>
    %reduce_sum3A_537 = arith.constant dense<0.000000e+00> : vector<256xf32>
    %reduce_sum3A_538 = vector.multi_reduction <add>, %mul3A_536, %reduce_sum3A_537 [1] : vector<256x3xf32> to vector<256xf32>
    %broadcast_in_dim3A_539 = vector.shape_cast %reduce_sum3A_538 : vector<256xf32> to vector<256x1xf32>
    %sqrt3A_540 = math.sqrt %broadcast_in_dim3A_539 : vector<256x1xf32>
    %max3A_541 = arith.constant 9.99999996E-13 : f32
    %max3A_542 = vector.broadcast %max3A_541 : f32 to vector<256x1xf32>
    %max3A_543 = arith.maximumf %sqrt3A_540, %max3A_542 : vector<256x1xf32>
    %div3A_544 = vector.broadcast %max3A_543 : vector<256x1xf32> to vector<256x3xf32>
    %div3A_545 = arith.divf %sub3A_535, %div3A_544 : vector<256x3xf32>
    %reduce_max3A_546 = arith.constant dense<0xFF800000> : vector<256xf32>
    %reduce_max3A_547 = vector.multi_reduction <maximumf>, %select_n3A_530, %reduce_max3A_546 [0] : vector<256x256xf32> to vector<256xf32>
    %broadcast_in_dim3A_548 = vector.shape_cast %reduce_max3A_547 : vector<256xf32> to vector<1x256xf32>
    %eq3A_549 = vector.broadcast %broadcast_in_dim3A_548 : vector<1x256xf32> to vector<256x256xf32>
    %eq3A_550 = arith.cmpf oeq, %select_n3A_530, %eq3A_549 : vector<256x256xf32>
    %jit3A_551 = arith.constant 256 : i32
    %broadcast_in_dim3A_552 = vector.broadcast %jit3A_551 : i32 to vector<256x256xi32>
    %select_n3A_553 = arith.select %eq3A_550, %iota3A, %broadcast_in_dim3A_552 : vector<256x256xi1>, vector<256x256xi32>
    %reduce_min3A_554 = arith.constant dense<2147483647> : vector<256xi32>
    %reduce_min3A_555 = vector.multi_reduction <minsi>, %select_n3A_553, %reduce_min3A_554 [0] : vector<256x256xi32> to vector<256xi32>
    %broadcast_in_dim3A_556 = vector.shape_cast %reduce_min3A_555 : vector<256xi32> to vector<1x256xi32>
    %eq3A_557 = vector.broadcast %broadcast_in_dim3A_556 : vector<1x256xi32> to vector<256x256xi32>
    %eq3A_558 = arith.cmpi eq, %iota3A, %eq3A_557 : vector<256x256xi32>
    %jit3A_559 = arith.constant 0xFF800000 : f32
    %broadcast_in_dim3A_560 = vector.broadcast %jit3A_559 : f32 to vector<256x256xf32>
    %select_n3A_561 = arith.select %eq3A_558, %broadcast_in_dim3A_560, %select_n3A_530 : vector<256x256xi1>, vector<256x256xf32>
    %convert_element_type3A_562 = arith.extui %eq3A_558 : vector<256x256xi1> to vector<256x256xi32>
    %convert_element_type3A_563 = arith.sitofp %convert_element_type3A_562 : vector<256x256xi32> to vector<256x256xf32>
    %dot_general3A_564 = arith.constant dense<0.000000e+00> : vector<256x3xf32>
    %dot_general3A_565 = tpu.matmul %convert_element_type3A_563, %get3A_8, %dot_general3A_564 {dimension_numbers = #tpu.dot_dimension_numbers<[0], [0], [1], [1], [0, 1, 1, 1], [], []>, transpose_lhs_hint = false} : vector<256x256xf32>, vector<256x3xf32>, vector<256x3xf32> -> vector<256x3xf32>
    %sub3A_566 = arith.subf %dot_general3A_565, %get3A_3 : vector<256x3xf32>
    %mul3A_567 = arith.mulf %sub3A_566, %sub3A_566 : vector<256x3xf32>
    %reduce_sum3A_568 = arith.constant dense<0.000000e+00> : vector<256xf32>
    %reduce_sum3A_569 = vector.multi_reduction <add>, %mul3A_567, %reduce_sum3A_568 [1] : vector<256x3xf32> to vector<256xf32>
    %broadcast_in_dim3A_570 = vector.shape_cast %reduce_sum3A_569 : vector<256xf32> to vector<256x1xf32>
    %sqrt3A_571 = math.sqrt %broadcast_in_dim3A_570 : vector<256x1xf32>
    %max3A_572 = arith.constant 9.99999996E-13 : f32
    %max3A_573 = vector.broadcast %max3A_572 : f32 to vector<256x1xf32>
    %max3A_574 = arith.maximumf %sqrt3A_571, %max3A_573 : vector<256x1xf32>
    %div3A_575 = vector.broadcast %max3A_574 : vector<256x1xf32> to vector<256x3xf32>
    %div3A_576 = arith.divf %sub3A_566, %div3A_575 : vector<256x3xf32>
    %reduce_max3A_577 = arith.constant dense<0xFF800000> : vector<256xf32>
    %reduce_max3A_578 = vector.multi_reduction <maximumf>, %select_n3A_561, %reduce_max3A_577 [0] : vector<256x256xf32> to vector<256xf32>
    %broadcast_in_dim3A_579 = vector.shape_cast %reduce_max3A_578 : vector<256xf32> to vector<1x256xf32>
    %eq3A_580 = vector.broadcast %broadcast_in_dim3A_579 : vector<1x256xf32> to vector<256x256xf32>
    %eq3A_581 = arith.cmpf oeq, %select_n3A_561, %eq3A_580 : vector<256x256xf32>
    %jit3A_582 = arith.constant 256 : i32
    %broadcast_in_dim3A_583 = vector.broadcast %jit3A_582 : i32 to vector<256x256xi32>
    %select_n3A_584 = arith.select %eq3A_581, %iota3A, %broadcast_in_dim3A_583 : vector<256x256xi1>, vector<256x256xi32>
    %reduce_min3A_585 = arith.constant dense<2147483647> : vector<256xi32>
    %reduce_min3A_586 = vector.multi_reduction <minsi>, %select_n3A_584, %reduce_min3A_585 [0] : vector<256x256xi32> to vector<256xi32>
    %broadcast_in_dim3A_587 = vector.shape_cast %reduce_min3A_586 : vector<256xi32> to vector<1x256xi32>
    %eq3A_588 = vector.broadcast %broadcast_in_dim3A_587 : vector<1x256xi32> to vector<256x256xi32>
    %eq3A_589 = arith.cmpi eq, %iota3A, %eq3A_588 : vector<256x256xi32>
    %jit3A_590 = arith.constant 0xFF800000 : f32
    %broadcast_in_dim3A_591 = vector.broadcast %jit3A_590 : f32 to vector<256x256xf32>
    %select_n3A_592 = arith.select %eq3A_589, %broadcast_in_dim3A_591, %select_n3A_561 : vector<256x256xi1>, vector<256x256xf32>
    %convert_element_type3A_593 = arith.extui %eq3A_589 : vector<256x256xi1> to vector<256x256xi32>
    %convert_element_type3A_594 = arith.sitofp %convert_element_type3A_593 : vector<256x256xi32> to vector<256x256xf32>
    %dot_general3A_595 = arith.constant dense<0.000000e+00> : vector<256x3xf32>
    %dot_general3A_596 = tpu.matmul %convert_element_type3A_594, %get3A_8, %dot_general3A_595 {dimension_numbers = #tpu.dot_dimension_numbers<[0], [0], [1], [1], [0, 1, 1, 1], [], []>, transpose_lhs_hint = false} : vector<256x256xf32>, vector<256x3xf32>, vector<256x3xf32> -> vector<256x3xf32>
    %sub3A_597 = arith.subf %dot_general3A_596, %get3A_3 : vector<256x3xf32>
    %mul3A_598 = arith.mulf %sub3A_597, %sub3A_597 : vector<256x3xf32>
    %reduce_sum3A_599 = arith.constant dense<0.000000e+00> : vector<256xf32>
    %reduce_sum3A_600 = vector.multi_reduction <add>, %mul3A_598, %reduce_sum3A_599 [1] : vector<256x3xf32> to vector<256xf32>
    %broadcast_in_dim3A_601 = vector.shape_cast %reduce_sum3A_600 : vector<256xf32> to vector<256x1xf32>
    %sqrt3A_602 = math.sqrt %broadcast_in_dim3A_601 : vector<256x1xf32>
    %max3A_603 = arith.constant 9.99999996E-13 : f32
    %max3A_604 = vector.broadcast %max3A_603 : f32 to vector<256x1xf32>
    %max3A_605 = arith.maximumf %sqrt3A_602, %max3A_604 : vector<256x1xf32>
    %div3A_606 = vector.broadcast %max3A_605 : vector<256x1xf32> to vector<256x3xf32>
    %div3A_607 = arith.divf %sub3A_597, %div3A_606 : vector<256x3xf32>
    %reduce_max3A_608 = arith.constant dense<0xFF800000> : vector<256xf32>
    %reduce_max3A_609 = vector.multi_reduction <maximumf>, %select_n3A_592, %reduce_max3A_608 [0] : vector<256x256xf32> to vector<256xf32>
    %broadcast_in_dim3A_610 = vector.shape_cast %reduce_max3A_609 : vector<256xf32> to vector<1x256xf32>
    %eq3A_611 = vector.broadcast %broadcast_in_dim3A_610 : vector<1x256xf32> to vector<256x256xf32>
    %eq3A_612 = arith.cmpf oeq, %select_n3A_592, %eq3A_611 : vector<256x256xf32>
    %jit3A_613 = arith.constant 256 : i32
    %broadcast_in_dim3A_614 = vector.broadcast %jit3A_613 : i32 to vector<256x256xi32>
    %select_n3A_615 = arith.select %eq3A_612, %iota3A, %broadcast_in_dim3A_614 : vector<256x256xi1>, vector<256x256xi32>
    %reduce_min3A_616 = arith.constant dense<2147483647> : vector<256xi32>
    %reduce_min3A_617 = vector.multi_reduction <minsi>, %select_n3A_615, %reduce_min3A_616 [0] : vector<256x256xi32> to vector<256xi32>
    %broadcast_in_dim3A_618 = vector.shape_cast %reduce_min3A_617 : vector<256xi32> to vector<1x256xi32>
    %eq3A_619 = vector.broadcast %broadcast_in_dim3A_618 : vector<1x256xi32> to vector<256x256xi32>
    %eq3A_620 = arith.cmpi eq, %iota3A, %eq3A_619 : vector<256x256xi32>
    %jit3A_621 = arith.constant 0xFF800000 : f32
    %broadcast_in_dim3A_622 = vector.broadcast %jit3A_621 : f32 to vector<256x256xf32>
    %select_n3A_623 = arith.select %eq3A_620, %broadcast_in_dim3A_622, %select_n3A_592 : vector<256x256xi1>, vector<256x256xf32>
    %convert_element_type3A_624 = arith.extui %eq3A_620 : vector<256x256xi1> to vector<256x256xi32>
    %convert_element_type3A_625 = arith.sitofp %convert_element_type3A_624 : vector<256x256xi32> to vector<256x256xf32>
    %dot_general3A_626 = arith.constant dense<0.000000e+00> : vector<256x3xf32>
    %dot_general3A_627 = tpu.matmul %convert_element_type3A_625, %get3A_8, %dot_general3A_626 {dimension_numbers = #tpu.dot_dimension_numbers<[0], [0], [1], [1], [0, 1, 1, 1], [], []>, transpose_lhs_hint = false} : vector<256x256xf32>, vector<256x3xf32>, vector<256x3xf32> -> vector<256x3xf32>
    %sub3A_628 = arith.subf %dot_general3A_627, %get3A_3 : vector<256x3xf32>
    %mul3A_629 = arith.mulf %sub3A_628, %sub3A_628 : vector<256x3xf32>
    %reduce_sum3A_630 = arith.constant dense<0.000000e+00> : vector<256xf32>
    %reduce_sum3A_631 = vector.multi_reduction <add>, %mul3A_629, %reduce_sum3A_630 [1] : vector<256x3xf32> to vector<256xf32>
    %broadcast_in_dim3A_632 = vector.shape_cast %reduce_sum3A_631 : vector<256xf32> to vector<256x1xf32>
    %sqrt3A_633 = math.sqrt %broadcast_in_dim3A_632 : vector<256x1xf32>
    %max3A_634 = arith.constant 9.99999996E-13 : f32
    %max3A_635 = vector.broadcast %max3A_634 : f32 to vector<256x1xf32>
    %max3A_636 = arith.maximumf %sqrt3A_633, %max3A_635 : vector<256x1xf32>
    %div3A_637 = vector.broadcast %max3A_636 : vector<256x1xf32> to vector<256x3xf32>
    %div3A_638 = arith.divf %sub3A_628, %div3A_637 : vector<256x3xf32>
    %reduce_max3A_639 = arith.constant dense<0xFF800000> : vector<256xf32>
    %reduce_max3A_640 = vector.multi_reduction <maximumf>, %select_n3A_623, %reduce_max3A_639 [0] : vector<256x256xf32> to vector<256xf32>
    %broadcast_in_dim3A_641 = vector.shape_cast %reduce_max3A_640 : vector<256xf32> to vector<1x256xf32>
    %eq3A_642 = vector.broadcast %broadcast_in_dim3A_641 : vector<1x256xf32> to vector<256x256xf32>
    %eq3A_643 = arith.cmpf oeq, %select_n3A_623, %eq3A_642 : vector<256x256xf32>
    %jit3A_644 = arith.constant 256 : i32
    %broadcast_in_dim3A_645 = vector.broadcast %jit3A_644 : i32 to vector<256x256xi32>
    %select_n3A_646 = arith.select %eq3A_643, %iota3A, %broadcast_in_dim3A_645 : vector<256x256xi1>, vector<256x256xi32>
    %reduce_min3A_647 = arith.constant dense<2147483647> : vector<256xi32>
    %reduce_min3A_648 = vector.multi_reduction <minsi>, %select_n3A_646, %reduce_min3A_647 [0] : vector<256x256xi32> to vector<256xi32>
    %broadcast_in_dim3A_649 = vector.shape_cast %reduce_min3A_648 : vector<256xi32> to vector<1x256xi32>
    %eq3A_650 = vector.broadcast %broadcast_in_dim3A_649 : vector<1x256xi32> to vector<256x256xi32>
    %eq3A_651 = arith.cmpi eq, %iota3A, %eq3A_650 : vector<256x256xi32>
    %convert_element_type3A_652 = arith.extui %eq3A_651 : vector<256x256xi1> to vector<256x256xi32>
    %convert_element_type3A_653 = arith.sitofp %convert_element_type3A_652 : vector<256x256xi32> to vector<256x256xf32>
    %dot_general3A_654 = arith.constant dense<0.000000e+00> : vector<256x3xf32>
    %dot_general3A_655 = tpu.matmul %convert_element_type3A_653, %get3A_8, %dot_general3A_654 {dimension_numbers = #tpu.dot_dimension_numbers<[0], [0], [1], [1], [0, 1, 1, 1], [], []>, transpose_lhs_hint = false} : vector<256x256xf32>, vector<256x3xf32>, vector<256x3xf32> -> vector<256x3xf32>
    %sub3A_656 = arith.subf %dot_general3A_655, %get3A_3 : vector<256x3xf32>
    %mul3A_657 = arith.mulf %sub3A_656, %sub3A_656 : vector<256x3xf32>
    %reduce_sum3A_658 = arith.constant dense<0.000000e+00> : vector<256xf32>
    %reduce_sum3A_659 = vector.multi_reduction <add>, %mul3A_657, %reduce_sum3A_658 [1] : vector<256x3xf32> to vector<256xf32>
    %broadcast_in_dim3A_660 = vector.shape_cast %reduce_sum3A_659 : vector<256xf32> to vector<256x1xf32>
    %sqrt3A_661 = math.sqrt %broadcast_in_dim3A_660 : vector<256x1xf32>
    %max3A_662 = arith.constant 9.99999996E-13 : f32
    %max3A_663 = vector.broadcast %max3A_662 : f32 to vector<256x1xf32>
    %max3A_664 = arith.maximumf %sqrt3A_661, %max3A_663 : vector<256x1xf32>
    %div3A_665 = vector.broadcast %max3A_664 : vector<256x1xf32> to vector<256x3xf32>
    %div3A_666 = arith.divf %sub3A_656, %div3A_665 : vector<256x3xf32>
    %concatenate3A = tpu.concatenate %broadcast_in_dim3A_67, %broadcast_in_dim3A_91, %broadcast_in_dim3A_122, %broadcast_in_dim3A_153, %broadcast_in_dim3A_184, %broadcast_in_dim3A_215, %broadcast_in_dim3A_246, %broadcast_in_dim3A_277, %broadcast_in_dim3A_308, %broadcast_in_dim3A_339, %broadcast_in_dim3A_370, %broadcast_in_dim3A_401, %broadcast_in_dim3A_432, %broadcast_in_dim3A_463, %broadcast_in_dim3A_494, %broadcast_in_dim3A_525, %broadcast_in_dim3A_556, %broadcast_in_dim3A_587, %broadcast_in_dim3A_618, %broadcast_in_dim3A_649 in 0 : vector<1x256xi32>, vector<1x256xi32>, vector<1x256xi32>, vector<1x256xi32>, vector<1x256xi32>, vector<1x256xi32>, vector<1x256xi32>, vector<1x256xi32>, vector<1x256xi32>, vector<1x256xi32>, vector<1x256xi32>, vector<1x256xi32>, vector<1x256xi32>, vector<1x256xi32>, vector<1x256xi32>, vector<1x256xi32>, vector<1x256xi32>, vector<1x256xi32>, vector<1x256xi32>, vector<1x256xi32> -> vector<20x256xi32>
    %swap3A = arith.constant 0 : index
    %swap3A_667 = arith.constant 0 : index
    %swap3A_668 = arith.constant 0 : index
    %swap3A_669 = vector.load %arg5[%swap3A, %swap3A_667, %swap3A_668] : memref<1x20x256xi32, #tpu.memory_space<vmem>>, vector<1x20x256xi32>
    %swap3A_670 = vector.shape_cast %swap3A_669 : vector<1x20x256xi32> to vector<20x256xi32>
    %swap3A_671 = vector.shape_cast %concatenate3A : vector<20x256xi32> to vector<1x20x256xi32>
    tpu.vector_store %arg5[%swap3A, %swap3A_667, %swap3A_668], %swap3A_671 {strides = array<i32>} : memref<1x20x256xi32, #tpu.memory_space<vmem>>, vector<1x20x256xi32>,
    %concatenate3A_672 = tpu.concatenate %div3A_80, %div3A_111, %div3A_142, %div3A_173, %div3A_204, %div3A_235, %div3A_266, %div3A_297, %div3A_328, %div3A_359, %div3A_390, %div3A_421, %div3A_452, %div3A_483, %div3A_514, %div3A_545, %div3A_576, %div3A_607, %div3A_638, %div3A_666 in 1 : vector<256x3xf32>, vector<256x3xf32>, vector<256x3xf32>, vector<256x3xf32>, vector<256x3xf32>, vector<256x3xf32>, vector<256x3xf32>, vector<256x3xf32>, vector<256x3xf32>, vector<256x3xf32>, vector<256x3xf32>, vector<256x3xf32>, vector<256x3xf32>, vector<256x3xf32>, vector<256x3xf32>, vector<256x3xf32>, vector<256x3xf32>, vector<256x3xf32>, vector<256x3xf32>, vector<256x3xf32> -> vector<256x60xf32>
    %swap3A_673 = arith.constant 0 : index
    %swap3A_674 = arith.constant 0 : index
    %swap3A_675 = arith.constant 0 : index
    %swap3A_676 = vector.load %arg6[%swap3A_673, %swap3A_674, %swap3A_675] : memref<1x256x60xf32, #tpu.memory_space<vmem>>, vector<1x256x60xf32>
    %swap3A_677 = vector.shape_cast %swap3A_676 : vector<1x256x60xf32> to vector<256x60xf32>
    %swap3A_678 = vector.shape_cast %concatenate3A_672 : vector<256x60xf32> to vector<1x256x60xf32>
    tpu.vector_store %arg6[%swap3A_673, %swap3A_674, %swap3A_675], %swap3A_678 {strides = array<i32>} : memref<1x256x60xf32, #tpu.memory_space<vmem>>, vector<1x256x60xf32>,
    return
  }
  func.func @transform_0(%arg0: i32, %arg1: i32) -> (i32, i32, i32) {
    %c0_i32 = arith.constant 0 : i32
    %c0_i32_0 = arith.constant 0 : i32
    return %arg0, %arg1, %c0_i32 : i32, i32, i32
  }
  func.func @transform_1(%arg0: i32, %arg1: i32) -> (i32, i32, i32) {
    %c0_i32 = arith.constant 0 : i32
    %c0_i32_0 = arith.constant 0 : i32
    %c0_i32_1 = arith.constant 0 : i32
    return %arg0, %c0_i32, %c0_i32_0 : i32, i32, i32
  }
  func.func @transform_2(%arg0: i32, %arg1: i32) -> (i32, i32, i32) {
    %c0_i32 = arith.constant 0 : i32
    %c0_i32_0 = arith.constant 0 : i32
    return %arg0, %c0_i32, %arg1 : i32, i32, i32
  }
  func.func @transform_3(%arg0: i32, %arg1: i32) -> (i32, i32, i32) {
    %c0_i32 = arith.constant 0 : i32
    %c0_i32_0 = arith.constant 0 : i32
    return %arg0, %c0_i32, %arg1 : i32, i32, i32
  }
  func.func @transform_4(%arg0: i32, %arg1: i32) -> (i32, i32, i32) {
    %c0_i32 = arith.constant 0 : i32
    %c0_i32_0 = arith.constant 0 : i32
    return %arg0, %arg1, %c0_i32 : i32, i32, i32
  }
}

module attributes {stable_mosaic.version = 14 : i64} {
  func.func @_knn_body(%arg0: i32, %arg1: i32, %arg2: memref<1x64x3xf32, #tpu.memory_space<vmem>>, %arg3: memref<1x64x3xf32, #tpu.memory_space<vmem>>, %arg4: memref<1x3x64xf32, #tpu.memory_space<vmem>>, %arg5: memref<1x20x64xi32, #tpu.memory_space<vmem>>, %arg6: memref<1x64x60xf32, #tpu.memory_space<vmem>>) attributes {dimension_semantics = [#tpu.dimension_semantics<arbitrary>, #tpu.dimension_semantics<arbitrary>], iteration_bounds = array<i64: 8, 1>, scalar_prefetch = 0 : i64, scratch_operands = 0 : i64, tpu.core_type = #tpu.core_type<tc>, window_params = [{transform_indices = @transform_0, window_bounds = array<i64: 1, 64, 3>}, {transform_indices = @transform_1, window_bounds = array<i64: 1, 64, 3>}, {transform_indices = @transform_2, window_bounds = array<i64: 1, 3, 64>}, {transform_indices = @transform_3, window_bounds = array<i64: 1, 20, 64>}, {transform_indices = @transform_4, window_bounds = array<i64: 1, 64, 60>}]} {
    %get3A = arith.constant 0 : index
    %get3A_0 = arith.constant 0 : index
    %get3A_1 = arith.constant 0 : index
    %get3A_2 = vector.load %arg2[%get3A, %get3A_0, %get3A_1] : memref<1x64x3xf32, #tpu.memory_space<vmem>>, vector<1x64x3xf32>
    %get3A_3 = vector.shape_cast %get3A_2 : vector<1x64x3xf32> to vector<64x3xf32>
    %get3A_4 = arith.constant 0 : index
    %get3A_5 = arith.constant 0 : index
    %get3A_6 = arith.constant 0 : index
    %get3A_7 = vector.load %arg3[%get3A_4, %get3A_5, %get3A_6] : memref<1x64x3xf32, #tpu.memory_space<vmem>>, vector<1x64x3xf32>
    %get3A_8 = vector.shape_cast %get3A_7 : vector<1x64x3xf32> to vector<64x3xf32>
    %get3A_9 = arith.constant 0 : index
    %get3A_10 = arith.constant 0 : index
    %get3A_11 = arith.constant 0 : index
    %get3A_12 = vector.load %arg4[%get3A_9, %get3A_10, %get3A_11] : memref<1x3x64xf32, #tpu.memory_space<vmem>>, vector<1x3x64xf32>
    %get3A_13 = vector.shape_cast %get3A_12 : vector<1x3x64xf32> to vector<3x64xf32>
    %iota3A = tpu.iota {dimensions = array<i32: 0>} : vector<64x64xi32>
    %slice3A = vector.extract_strided_slice %get3A_8 {offsets = [0, 0], sizes = [64, 1], strides = [1, 1]} : vector<64x3xf32> to vector<64x1xf32>
    %slice3A_14 = vector.extract_strided_slice %get3A_8 {offsets = [0, 1], sizes = [64, 1], strides = [1, 1]} : vector<64x3xf32> to vector<64x1xf32>
    %slice3A_15 = vector.extract_strided_slice %get3A_8 {offsets = [0, 2], sizes = [64, 1], strides = [1, 1]} : vector<64x3xf32> to vector<64x1xf32>
    %slice3A_16 = vector.extract_strided_slice %get3A_13 {offsets = [0, 0], sizes = [1, 64], strides = [1, 1]} : vector<3x64xf32> to vector<1x64xf32>
    %slice3A_17 = vector.extract_strided_slice %get3A_13 {offsets = [1, 0], sizes = [1, 64], strides = [1, 1]} : vector<3x64xf32> to vector<1x64xf32>
    %slice3A_18 = vector.extract_strided_slice %get3A_13 {offsets = [2, 0], sizes = [1, 64], strides = [1, 1]} : vector<3x64xf32> to vector<1x64xf32>
    %mul3A = vector.broadcast %slice3A : vector<64x1xf32> to vector<64x64xf32>
    %mul3A_19 = vector.broadcast %slice3A_16 : vector<1x64xf32> to vector<64x64xf32>
    %mul3A_20 = arith.mulf %mul3A, %mul3A_19 : vector<64x64xf32>
    %mul3A_21 = vector.broadcast %slice3A_14 : vector<64x1xf32> to vector<64x64xf32>
    %mul3A_22 = vector.broadcast %slice3A_17 : vector<1x64xf32> to vector<64x64xf32>
    %mul3A_23 = arith.mulf %mul3A_21, %mul3A_22 : vector<64x64xf32>
    %add3A = arith.addf %mul3A_20, %mul3A_23 : vector<64x64xf32>
    %mul3A_24 = vector.broadcast %slice3A_15 : vector<64x1xf32> to vector<64x64xf32>
    %mul3A_25 = vector.broadcast %slice3A_18 : vector<1x64xf32> to vector<64x64xf32>
    %mul3A_26 = arith.mulf %mul3A_24, %mul3A_25 : vector<64x64xf32>
    %add3A_27 = arith.addf %add3A, %mul3A_26 : vector<64x64xf32>
    %mul3A_28 = arith.mulf %slice3A, %slice3A : vector<64x1xf32>
    %mul3A_29 = arith.mulf %slice3A_14, %slice3A_14 : vector<64x1xf32>
    %add3A_30 = arith.addf %mul3A_28, %mul3A_29 : vector<64x1xf32>
    %mul3A_31 = arith.mulf %slice3A_15, %slice3A_15 : vector<64x1xf32>
    %add3A_32 = arith.addf %add3A_30, %mul3A_31 : vector<64x1xf32>
    %mul3A_33 = arith.mulf %slice3A_16, %slice3A_16 : vector<1x64xf32>
    %mul3A_34 = arith.mulf %slice3A_17, %slice3A_17 : vector<1x64xf32>
    %add3A_35 = arith.addf %mul3A_33, %mul3A_34 : vector<1x64xf32>
    %mul3A_36 = arith.mulf %slice3A_18, %slice3A_18 : vector<1x64xf32>
    %add3A_37 = arith.addf %add3A_35, %mul3A_36 : vector<1x64xf32>
    %mul3A_38 = arith.constant -2.000000e+00 : f32
    %mul3A_39 = vector.broadcast %mul3A_38 : f32 to vector<64x64xf32>
    %mul3A_40 = arith.mulf %mul3A_39, %add3A_27 : vector<64x64xf32>
    %add3A_41 = vector.broadcast %add3A_32 : vector<64x1xf32> to vector<64x64xf32>
    %add3A_42 = arith.addf %mul3A_40, %add3A_41 : vector<64x64xf32>
    %add3A_43 = vector.broadcast %add3A_37 : vector<1x64xf32> to vector<64x64xf32>
    %add3A_44 = arith.addf %add3A_42, %add3A_43 : vector<64x64xf32>
    %neg3A = arith.constant 0.000000e+00 : f32
    %neg3A_45 = vector.broadcast %neg3A : f32 to vector<64x64xf32>
    %neg3A_46 = arith.subf %neg3A_45, %add3A_44 : vector<64x64xf32>
    %reduce_max3A = arith.constant dense<0xFF800000> : vector<64xf32>
    %reduce_max3A_47 = vector.multi_reduction <maximumf>, %neg3A_46, %reduce_max3A [0] : vector<64x64xf32> to vector<64xf32>
    %broadcast_in_dim3A = vector.shape_cast %reduce_max3A_47 : vector<64xf32> to vector<1x64xf32>
    %eq3A = vector.broadcast %broadcast_in_dim3A : vector<1x64xf32> to vector<64x64xf32>
    %eq3A_48 = arith.cmpf oeq, %neg3A_46, %eq3A : vector<64x64xf32>
    %jit3A = arith.constant 64 : i32
    %broadcast_in_dim3A_49 = vector.broadcast %jit3A : i32 to vector<64x64xi32>
    %select_n3A = arith.select %eq3A_48, %iota3A, %broadcast_in_dim3A_49 : vector<64x64xi1>, vector<64x64xi32>
    %reduce_min3A = arith.constant dense<2147483647> : vector<64xi32>
    %reduce_min3A_50 = vector.multi_reduction <minsi>, %select_n3A, %reduce_min3A [0] : vector<64x64xi32> to vector<64xi32>
    %broadcast_in_dim3A_51 = vector.shape_cast %reduce_min3A_50 : vector<64xi32> to vector<1x64xi32>
    %eq3A_52 = vector.broadcast %broadcast_in_dim3A_51 : vector<1x64xi32> to vector<64x64xi32>
    %eq3A_53 = arith.cmpi eq, %iota3A, %eq3A_52 : vector<64x64xi32>
    %jit3A_54 = arith.constant 0xFF800000 : f32
    %broadcast_in_dim3A_55 = vector.broadcast %jit3A_54 : f32 to vector<64x64xf32>
    %select_n3A_56 = arith.select %eq3A_53, %broadcast_in_dim3A_55, %neg3A_46 : vector<64x64xi1>, vector<64x64xf32>
    %reduce_max3A_57 = arith.constant dense<0xFF800000> : vector<64xf32>
    %reduce_max3A_58 = vector.multi_reduction <maximumf>, %select_n3A_56, %reduce_max3A_57 [0] : vector<64x64xf32> to vector<64xf32>
    %broadcast_in_dim3A_59 = vector.shape_cast %reduce_max3A_58 : vector<64xf32> to vector<1x64xf32>
    %eq3A_60 = vector.broadcast %broadcast_in_dim3A_59 : vector<1x64xf32> to vector<64x64xf32>
    %eq3A_61 = arith.cmpf oeq, %select_n3A_56, %eq3A_60 : vector<64x64xf32>
    %jit3A_62 = arith.constant 64 : i32
    %broadcast_in_dim3A_63 = vector.broadcast %jit3A_62 : i32 to vector<64x64xi32>
    %select_n3A_64 = arith.select %eq3A_61, %iota3A, %broadcast_in_dim3A_63 : vector<64x64xi1>, vector<64x64xi32>
    %reduce_min3A_65 = arith.constant dense<2147483647> : vector<64xi32>
    %reduce_min3A_66 = vector.multi_reduction <minsi>, %select_n3A_64, %reduce_min3A_65 [0] : vector<64x64xi32> to vector<64xi32>
    %broadcast_in_dim3A_67 = vector.shape_cast %reduce_min3A_66 : vector<64xi32> to vector<1x64xi32>
    %eq3A_68 = vector.broadcast %broadcast_in_dim3A_67 : vector<1x64xi32> to vector<64x64xi32>
    %eq3A_69 = arith.cmpi eq, %iota3A, %eq3A_68 : vector<64x64xi32>
    %jit3A_70 = arith.constant 0xFF800000 : f32
    %broadcast_in_dim3A_71 = vector.broadcast %jit3A_70 : f32 to vector<64x64xf32>
    %select_n3A_72 = arith.select %eq3A_69, %broadcast_in_dim3A_71, %select_n3A_56 : vector<64x64xi1>, vector<64x64xf32>
    %convert_element_type3A = arith.extui %eq3A_69 : vector<64x64xi1> to vector<64x64xi32>
    %convert_element_type3A_73 = arith.sitofp %convert_element_type3A : vector<64x64xi32> to vector<64x64xf32>
    %dot_general3A = arith.constant dense<0.000000e+00> : vector<64x3xf32>
    %dot_general3A_74 = tpu.matmul %convert_element_type3A_73, %get3A_8, %dot_general3A {dimension_numbers = #tpu.dot_dimension_numbers<[0], [0], [1], [1], [0, 1, 1, 1], [], []>, transpose_lhs_hint = false} : vector<64x64xf32>, vector<64x3xf32>, vector<64x3xf32> -> vector<64x3xf32>
    %sub3A = arith.subf %dot_general3A_74, %get3A_3 : vector<64x3xf32>
    %mul3A_75 = arith.mulf %sub3A, %sub3A : vector<64x3xf32>
    %reduce_sum3A = arith.constant dense<0.000000e+00> : vector<64xf32>
    %reduce_sum3A_76 = vector.multi_reduction <add>, %mul3A_75, %reduce_sum3A [1] : vector<64x3xf32> to vector<64xf32>
    %broadcast_in_dim3A_77 = vector.shape_cast %reduce_sum3A_76 : vector<64xf32> to vector<64x1xf32>
    %sqrt3A = math.sqrt %broadcast_in_dim3A_77 : vector<64x1xf32>
    %max3A = arith.constant 9.99999996E-13 : f32
    %max3A_78 = vector.broadcast %max3A : f32 to vector<64x1xf32>
    %max3A_79 = arith.maximumf %sqrt3A, %max3A_78 : vector<64x1xf32>
    %div3A = vector.broadcast %max3A_79 : vector<64x1xf32> to vector<64x3xf32>
    %div3A_80 = arith.divf %sub3A, %div3A : vector<64x3xf32>
    %reduce_max3A_81 = arith.constant dense<0xFF800000> : vector<64xf32>
    %reduce_max3A_82 = vector.multi_reduction <maximumf>, %select_n3A_72, %reduce_max3A_81 [0] : vector<64x64xf32> to vector<64xf32>
    %broadcast_in_dim3A_83 = vector.shape_cast %reduce_max3A_82 : vector<64xf32> to vector<1x64xf32>
    %eq3A_84 = vector.broadcast %broadcast_in_dim3A_83 : vector<1x64xf32> to vector<64x64xf32>
    %eq3A_85 = arith.cmpf oeq, %select_n3A_72, %eq3A_84 : vector<64x64xf32>
    %jit3A_86 = arith.constant 64 : i32
    %broadcast_in_dim3A_87 = vector.broadcast %jit3A_86 : i32 to vector<64x64xi32>
    %select_n3A_88 = arith.select %eq3A_85, %iota3A, %broadcast_in_dim3A_87 : vector<64x64xi1>, vector<64x64xi32>
    %reduce_min3A_89 = arith.constant dense<2147483647> : vector<64xi32>
    %reduce_min3A_90 = vector.multi_reduction <minsi>, %select_n3A_88, %reduce_min3A_89 [0] : vector<64x64xi32> to vector<64xi32>
    %broadcast_in_dim3A_91 = vector.shape_cast %reduce_min3A_90 : vector<64xi32> to vector<1x64xi32>
    %eq3A_92 = vector.broadcast %broadcast_in_dim3A_91 : vector<1x64xi32> to vector<64x64xi32>
    %eq3A_93 = arith.cmpi eq, %iota3A, %eq3A_92 : vector<64x64xi32>
    %jit3A_94 = arith.constant 0xFF800000 : f32
    %broadcast_in_dim3A_95 = vector.broadcast %jit3A_94 : f32 to vector<64x64xf32>
    %select_n3A_96 = arith.select %eq3A_93, %broadcast_in_dim3A_95, %select_n3A_72 : vector<64x64xi1>, vector<64x64xf32>
    %convert_element_type3A_97 = arith.extui %eq3A_93 : vector<64x64xi1> to vector<64x64xi32>
    %convert_element_type3A_98 = arith.sitofp %convert_element_type3A_97 : vector<64x64xi32> to vector<64x64xf32>
    %dot_general3A_99 = arith.constant dense<0.000000e+00> : vector<64x3xf32>
    %dot_general3A_100 = tpu.matmul %convert_element_type3A_98, %get3A_8, %dot_general3A_99 {dimension_numbers = #tpu.dot_dimension_numbers<[0], [0], [1], [1], [0, 1, 1, 1], [], []>, transpose_lhs_hint = false} : vector<64x64xf32>, vector<64x3xf32>, vector<64x3xf32> -> vector<64x3xf32>
    %sub3A_101 = arith.subf %dot_general3A_100, %get3A_3 : vector<64x3xf32>
    %mul3A_102 = arith.mulf %sub3A_101, %sub3A_101 : vector<64x3xf32>
    %reduce_sum3A_103 = arith.constant dense<0.000000e+00> : vector<64xf32>
    %reduce_sum3A_104 = vector.multi_reduction <add>, %mul3A_102, %reduce_sum3A_103 [1] : vector<64x3xf32> to vector<64xf32>
    %broadcast_in_dim3A_105 = vector.shape_cast %reduce_sum3A_104 : vector<64xf32> to vector<64x1xf32>
    %sqrt3A_106 = math.sqrt %broadcast_in_dim3A_105 : vector<64x1xf32>
    %max3A_107 = arith.constant 9.99999996E-13 : f32
    %max3A_108 = vector.broadcast %max3A_107 : f32 to vector<64x1xf32>
    %max3A_109 = arith.maximumf %sqrt3A_106, %max3A_108 : vector<64x1xf32>
    %div3A_110 = vector.broadcast %max3A_109 : vector<64x1xf32> to vector<64x3xf32>
    %div3A_111 = arith.divf %sub3A_101, %div3A_110 : vector<64x3xf32>
    %reduce_max3A_112 = arith.constant dense<0xFF800000> : vector<64xf32>
    %reduce_max3A_113 = vector.multi_reduction <maximumf>, %select_n3A_96, %reduce_max3A_112 [0] : vector<64x64xf32> to vector<64xf32>
    %broadcast_in_dim3A_114 = vector.shape_cast %reduce_max3A_113 : vector<64xf32> to vector<1x64xf32>
    %eq3A_115 = vector.broadcast %broadcast_in_dim3A_114 : vector<1x64xf32> to vector<64x64xf32>
    %eq3A_116 = arith.cmpf oeq, %select_n3A_96, %eq3A_115 : vector<64x64xf32>
    %jit3A_117 = arith.constant 64 : i32
    %broadcast_in_dim3A_118 = vector.broadcast %jit3A_117 : i32 to vector<64x64xi32>
    %select_n3A_119 = arith.select %eq3A_116, %iota3A, %broadcast_in_dim3A_118 : vector<64x64xi1>, vector<64x64xi32>
    %reduce_min3A_120 = arith.constant dense<2147483647> : vector<64xi32>
    %reduce_min3A_121 = vector.multi_reduction <minsi>, %select_n3A_119, %reduce_min3A_120 [0] : vector<64x64xi32> to vector<64xi32>
    %broadcast_in_dim3A_122 = vector.shape_cast %reduce_min3A_121 : vector<64xi32> to vector<1x64xi32>
    %eq3A_123 = vector.broadcast %broadcast_in_dim3A_122 : vector<1x64xi32> to vector<64x64xi32>
    %eq3A_124 = arith.cmpi eq, %iota3A, %eq3A_123 : vector<64x64xi32>
    %jit3A_125 = arith.constant 0xFF800000 : f32
    %broadcast_in_dim3A_126 = vector.broadcast %jit3A_125 : f32 to vector<64x64xf32>
    %select_n3A_127 = arith.select %eq3A_124, %broadcast_in_dim3A_126, %select_n3A_96 : vector<64x64xi1>, vector<64x64xf32>
    %convert_element_type3A_128 = arith.extui %eq3A_124 : vector<64x64xi1> to vector<64x64xi32>
    %convert_element_type3A_129 = arith.sitofp %convert_element_type3A_128 : vector<64x64xi32> to vector<64x64xf32>
    %dot_general3A_130 = arith.constant dense<0.000000e+00> : vector<64x3xf32>
    %dot_general3A_131 = tpu.matmul %convert_element_type3A_129, %get3A_8, %dot_general3A_130 {dimension_numbers = #tpu.dot_dimension_numbers<[0], [0], [1], [1], [0, 1, 1, 1], [], []>, transpose_lhs_hint = false} : vector<64x64xf32>, vector<64x3xf32>, vector<64x3xf32> -> vector<64x3xf32>
    %sub3A_132 = arith.subf %dot_general3A_131, %get3A_3 : vector<64x3xf32>
    %mul3A_133 = arith.mulf %sub3A_132, %sub3A_132 : vector<64x3xf32>
    %reduce_sum3A_134 = arith.constant dense<0.000000e+00> : vector<64xf32>
    %reduce_sum3A_135 = vector.multi_reduction <add>, %mul3A_133, %reduce_sum3A_134 [1] : vector<64x3xf32> to vector<64xf32>
    %broadcast_in_dim3A_136 = vector.shape_cast %reduce_sum3A_135 : vector<64xf32> to vector<64x1xf32>
    %sqrt3A_137 = math.sqrt %broadcast_in_dim3A_136 : vector<64x1xf32>
    %max3A_138 = arith.constant 9.99999996E-13 : f32
    %max3A_139 = vector.broadcast %max3A_138 : f32 to vector<64x1xf32>
    %max3A_140 = arith.maximumf %sqrt3A_137, %max3A_139 : vector<64x1xf32>
    %div3A_141 = vector.broadcast %max3A_140 : vector<64x1xf32> to vector<64x3xf32>
    %div3A_142 = arith.divf %sub3A_132, %div3A_141 : vector<64x3xf32>
    %reduce_max3A_143 = arith.constant dense<0xFF800000> : vector<64xf32>
    %reduce_max3A_144 = vector.multi_reduction <maximumf>, %select_n3A_127, %reduce_max3A_143 [0] : vector<64x64xf32> to vector<64xf32>
    %broadcast_in_dim3A_145 = vector.shape_cast %reduce_max3A_144 : vector<64xf32> to vector<1x64xf32>
    %eq3A_146 = vector.broadcast %broadcast_in_dim3A_145 : vector<1x64xf32> to vector<64x64xf32>
    %eq3A_147 = arith.cmpf oeq, %select_n3A_127, %eq3A_146 : vector<64x64xf32>
    %jit3A_148 = arith.constant 64 : i32
    %broadcast_in_dim3A_149 = vector.broadcast %jit3A_148 : i32 to vector<64x64xi32>
    %select_n3A_150 = arith.select %eq3A_147, %iota3A, %broadcast_in_dim3A_149 : vector<64x64xi1>, vector<64x64xi32>
    %reduce_min3A_151 = arith.constant dense<2147483647> : vector<64xi32>
    %reduce_min3A_152 = vector.multi_reduction <minsi>, %select_n3A_150, %reduce_min3A_151 [0] : vector<64x64xi32> to vector<64xi32>
    %broadcast_in_dim3A_153 = vector.shape_cast %reduce_min3A_152 : vector<64xi32> to vector<1x64xi32>
    %eq3A_154 = vector.broadcast %broadcast_in_dim3A_153 : vector<1x64xi32> to vector<64x64xi32>
    %eq3A_155 = arith.cmpi eq, %iota3A, %eq3A_154 : vector<64x64xi32>
    %jit3A_156 = arith.constant 0xFF800000 : f32
    %broadcast_in_dim3A_157 = vector.broadcast %jit3A_156 : f32 to vector<64x64xf32>
    %select_n3A_158 = arith.select %eq3A_155, %broadcast_in_dim3A_157, %select_n3A_127 : vector<64x64xi1>, vector<64x64xf32>
    %convert_element_type3A_159 = arith.extui %eq3A_155 : vector<64x64xi1> to vector<64x64xi32>
    %convert_element_type3A_160 = arith.sitofp %convert_element_type3A_159 : vector<64x64xi32> to vector<64x64xf32>
    %dot_general3A_161 = arith.constant dense<0.000000e+00> : vector<64x3xf32>
    %dot_general3A_162 = tpu.matmul %convert_element_type3A_160, %get3A_8, %dot_general3A_161 {dimension_numbers = #tpu.dot_dimension_numbers<[0], [0], [1], [1], [0, 1, 1, 1], [], []>, transpose_lhs_hint = false} : vector<64x64xf32>, vector<64x3xf32>, vector<64x3xf32> -> vector<64x3xf32>
    %sub3A_163 = arith.subf %dot_general3A_162, %get3A_3 : vector<64x3xf32>
    %mul3A_164 = arith.mulf %sub3A_163, %sub3A_163 : vector<64x3xf32>
    %reduce_sum3A_165 = arith.constant dense<0.000000e+00> : vector<64xf32>
    %reduce_sum3A_166 = vector.multi_reduction <add>, %mul3A_164, %reduce_sum3A_165 [1] : vector<64x3xf32> to vector<64xf32>
    %broadcast_in_dim3A_167 = vector.shape_cast %reduce_sum3A_166 : vector<64xf32> to vector<64x1xf32>
    %sqrt3A_168 = math.sqrt %broadcast_in_dim3A_167 : vector<64x1xf32>
    %max3A_169 = arith.constant 9.99999996E-13 : f32
    %max3A_170 = vector.broadcast %max3A_169 : f32 to vector<64x1xf32>
    %max3A_171 = arith.maximumf %sqrt3A_168, %max3A_170 : vector<64x1xf32>
    %div3A_172 = vector.broadcast %max3A_171 : vector<64x1xf32> to vector<64x3xf32>
    %div3A_173 = arith.divf %sub3A_163, %div3A_172 : vector<64x3xf32>
    %reduce_max3A_174 = arith.constant dense<0xFF800000> : vector<64xf32>
    %reduce_max3A_175 = vector.multi_reduction <maximumf>, %select_n3A_158, %reduce_max3A_174 [0] : vector<64x64xf32> to vector<64xf32>
    %broadcast_in_dim3A_176 = vector.shape_cast %reduce_max3A_175 : vector<64xf32> to vector<1x64xf32>
    %eq3A_177 = vector.broadcast %broadcast_in_dim3A_176 : vector<1x64xf32> to vector<64x64xf32>
    %eq3A_178 = arith.cmpf oeq, %select_n3A_158, %eq3A_177 : vector<64x64xf32>
    %jit3A_179 = arith.constant 64 : i32
    %broadcast_in_dim3A_180 = vector.broadcast %jit3A_179 : i32 to vector<64x64xi32>
    %select_n3A_181 = arith.select %eq3A_178, %iota3A, %broadcast_in_dim3A_180 : vector<64x64xi1>, vector<64x64xi32>
    %reduce_min3A_182 = arith.constant dense<2147483647> : vector<64xi32>
    %reduce_min3A_183 = vector.multi_reduction <minsi>, %select_n3A_181, %reduce_min3A_182 [0] : vector<64x64xi32> to vector<64xi32>
    %broadcast_in_dim3A_184 = vector.shape_cast %reduce_min3A_183 : vector<64xi32> to vector<1x64xi32>
    %eq3A_185 = vector.broadcast %broadcast_in_dim3A_184 : vector<1x64xi32> to vector<64x64xi32>
    %eq3A_186 = arith.cmpi eq, %iota3A, %eq3A_185 : vector<64x64xi32>
    %jit3A_187 = arith.constant 0xFF800000 : f32
    %broadcast_in_dim3A_188 = vector.broadcast %jit3A_187 : f32 to vector<64x64xf32>
    %select_n3A_189 = arith.select %eq3A_186, %broadcast_in_dim3A_188, %select_n3A_158 : vector<64x64xi1>, vector<64x64xf32>
    %convert_element_type3A_190 = arith.extui %eq3A_186 : vector<64x64xi1> to vector<64x64xi32>
    %convert_element_type3A_191 = arith.sitofp %convert_element_type3A_190 : vector<64x64xi32> to vector<64x64xf32>
    %dot_general3A_192 = arith.constant dense<0.000000e+00> : vector<64x3xf32>
    %dot_general3A_193 = tpu.matmul %convert_element_type3A_191, %get3A_8, %dot_general3A_192 {dimension_numbers = #tpu.dot_dimension_numbers<[0], [0], [1], [1], [0, 1, 1, 1], [], []>, transpose_lhs_hint = false} : vector<64x64xf32>, vector<64x3xf32>, vector<64x3xf32> -> vector<64x3xf32>
    %sub3A_194 = arith.subf %dot_general3A_193, %get3A_3 : vector<64x3xf32>
    %mul3A_195 = arith.mulf %sub3A_194, %sub3A_194 : vector<64x3xf32>
    %reduce_sum3A_196 = arith.constant dense<0.000000e+00> : vector<64xf32>
    %reduce_sum3A_197 = vector.multi_reduction <add>, %mul3A_195, %reduce_sum3A_196 [1] : vector<64x3xf32> to vector<64xf32>
    %broadcast_in_dim3A_198 = vector.shape_cast %reduce_sum3A_197 : vector<64xf32> to vector<64x1xf32>
    %sqrt3A_199 = math.sqrt %broadcast_in_dim3A_198 : vector<64x1xf32>
    %max3A_200 = arith.constant 9.99999996E-13 : f32
    %max3A_201 = vector.broadcast %max3A_200 : f32 to vector<64x1xf32>
    %max3A_202 = arith.maximumf %sqrt3A_199, %max3A_201 : vector<64x1xf32>
    %div3A_203 = vector.broadcast %max3A_202 : vector<64x1xf32> to vector<64x3xf32>
    %div3A_204 = arith.divf %sub3A_194, %div3A_203 : vector<64x3xf32>
    %reduce_max3A_205 = arith.constant dense<0xFF800000> : vector<64xf32>
    %reduce_max3A_206 = vector.multi_reduction <maximumf>, %select_n3A_189, %reduce_max3A_205 [0] : vector<64x64xf32> to vector<64xf32>
    %broadcast_in_dim3A_207 = vector.shape_cast %reduce_max3A_206 : vector<64xf32> to vector<1x64xf32>
    %eq3A_208 = vector.broadcast %broadcast_in_dim3A_207 : vector<1x64xf32> to vector<64x64xf32>
    %eq3A_209 = arith.cmpf oeq, %select_n3A_189, %eq3A_208 : vector<64x64xf32>
    %jit3A_210 = arith.constant 64 : i32
    %broadcast_in_dim3A_211 = vector.broadcast %jit3A_210 : i32 to vector<64x64xi32>
    %select_n3A_212 = arith.select %eq3A_209, %iota3A, %broadcast_in_dim3A_211 : vector<64x64xi1>, vector<64x64xi32>
    %reduce_min3A_213 = arith.constant dense<2147483647> : vector<64xi32>
    %reduce_min3A_214 = vector.multi_reduction <minsi>, %select_n3A_212, %reduce_min3A_213 [0] : vector<64x64xi32> to vector<64xi32>
    %broadcast_in_dim3A_215 = vector.shape_cast %reduce_min3A_214 : vector<64xi32> to vector<1x64xi32>
    %eq3A_216 = vector.broadcast %broadcast_in_dim3A_215 : vector<1x64xi32> to vector<64x64xi32>
    %eq3A_217 = arith.cmpi eq, %iota3A, %eq3A_216 : vector<64x64xi32>
    %jit3A_218 = arith.constant 0xFF800000 : f32
    %broadcast_in_dim3A_219 = vector.broadcast %jit3A_218 : f32 to vector<64x64xf32>
    %select_n3A_220 = arith.select %eq3A_217, %broadcast_in_dim3A_219, %select_n3A_189 : vector<64x64xi1>, vector<64x64xf32>
    %convert_element_type3A_221 = arith.extui %eq3A_217 : vector<64x64xi1> to vector<64x64xi32>
    %convert_element_type3A_222 = arith.sitofp %convert_element_type3A_221 : vector<64x64xi32> to vector<64x64xf32>
    %dot_general3A_223 = arith.constant dense<0.000000e+00> : vector<64x3xf32>
    %dot_general3A_224 = tpu.matmul %convert_element_type3A_222, %get3A_8, %dot_general3A_223 {dimension_numbers = #tpu.dot_dimension_numbers<[0], [0], [1], [1], [0, 1, 1, 1], [], []>, transpose_lhs_hint = false} : vector<64x64xf32>, vector<64x3xf32>, vector<64x3xf32> -> vector<64x3xf32>
    %sub3A_225 = arith.subf %dot_general3A_224, %get3A_3 : vector<64x3xf32>
    %mul3A_226 = arith.mulf %sub3A_225, %sub3A_225 : vector<64x3xf32>
    %reduce_sum3A_227 = arith.constant dense<0.000000e+00> : vector<64xf32>
    %reduce_sum3A_228 = vector.multi_reduction <add>, %mul3A_226, %reduce_sum3A_227 [1] : vector<64x3xf32> to vector<64xf32>
    %broadcast_in_dim3A_229 = vector.shape_cast %reduce_sum3A_228 : vector<64xf32> to vector<64x1xf32>
    %sqrt3A_230 = math.sqrt %broadcast_in_dim3A_229 : vector<64x1xf32>
    %max3A_231 = arith.constant 9.99999996E-13 : f32
    %max3A_232 = vector.broadcast %max3A_231 : f32 to vector<64x1xf32>
    %max3A_233 = arith.maximumf %sqrt3A_230, %max3A_232 : vector<64x1xf32>
    %div3A_234 = vector.broadcast %max3A_233 : vector<64x1xf32> to vector<64x3xf32>
    %div3A_235 = arith.divf %sub3A_225, %div3A_234 : vector<64x3xf32>
    %reduce_max3A_236 = arith.constant dense<0xFF800000> : vector<64xf32>
    %reduce_max3A_237 = vector.multi_reduction <maximumf>, %select_n3A_220, %reduce_max3A_236 [0] : vector<64x64xf32> to vector<64xf32>
    %broadcast_in_dim3A_238 = vector.shape_cast %reduce_max3A_237 : vector<64xf32> to vector<1x64xf32>
    %eq3A_239 = vector.broadcast %broadcast_in_dim3A_238 : vector<1x64xf32> to vector<64x64xf32>
    %eq3A_240 = arith.cmpf oeq, %select_n3A_220, %eq3A_239 : vector<64x64xf32>
    %jit3A_241 = arith.constant 64 : i32
    %broadcast_in_dim3A_242 = vector.broadcast %jit3A_241 : i32 to vector<64x64xi32>
    %select_n3A_243 = arith.select %eq3A_240, %iota3A, %broadcast_in_dim3A_242 : vector<64x64xi1>, vector<64x64xi32>
    %reduce_min3A_244 = arith.constant dense<2147483647> : vector<64xi32>
    %reduce_min3A_245 = vector.multi_reduction <minsi>, %select_n3A_243, %reduce_min3A_244 [0] : vector<64x64xi32> to vector<64xi32>
    %broadcast_in_dim3A_246 = vector.shape_cast %reduce_min3A_245 : vector<64xi32> to vector<1x64xi32>
    %eq3A_247 = vector.broadcast %broadcast_in_dim3A_246 : vector<1x64xi32> to vector<64x64xi32>
    %eq3A_248 = arith.cmpi eq, %iota3A, %eq3A_247 : vector<64x64xi32>
    %jit3A_249 = arith.constant 0xFF800000 : f32
    %broadcast_in_dim3A_250 = vector.broadcast %jit3A_249 : f32 to vector<64x64xf32>
    %select_n3A_251 = arith.select %eq3A_248, %broadcast_in_dim3A_250, %select_n3A_220 : vector<64x64xi1>, vector<64x64xf32>
    %convert_element_type3A_252 = arith.extui %eq3A_248 : vector<64x64xi1> to vector<64x64xi32>
    %convert_element_type3A_253 = arith.sitofp %convert_element_type3A_252 : vector<64x64xi32> to vector<64x64xf32>
    %dot_general3A_254 = arith.constant dense<0.000000e+00> : vector<64x3xf32>
    %dot_general3A_255 = tpu.matmul %convert_element_type3A_253, %get3A_8, %dot_general3A_254 {dimension_numbers = #tpu.dot_dimension_numbers<[0], [0], [1], [1], [0, 1, 1, 1], [], []>, transpose_lhs_hint = false} : vector<64x64xf32>, vector<64x3xf32>, vector<64x3xf32> -> vector<64x3xf32>
    %sub3A_256 = arith.subf %dot_general3A_255, %get3A_3 : vector<64x3xf32>
    %mul3A_257 = arith.mulf %sub3A_256, %sub3A_256 : vector<64x3xf32>
    %reduce_sum3A_258 = arith.constant dense<0.000000e+00> : vector<64xf32>
    %reduce_sum3A_259 = vector.multi_reduction <add>, %mul3A_257, %reduce_sum3A_258 [1] : vector<64x3xf32> to vector<64xf32>
    %broadcast_in_dim3A_260 = vector.shape_cast %reduce_sum3A_259 : vector<64xf32> to vector<64x1xf32>
    %sqrt3A_261 = math.sqrt %broadcast_in_dim3A_260 : vector<64x1xf32>
    %max3A_262 = arith.constant 9.99999996E-13 : f32
    %max3A_263 = vector.broadcast %max3A_262 : f32 to vector<64x1xf32>
    %max3A_264 = arith.maximumf %sqrt3A_261, %max3A_263 : vector<64x1xf32>
    %div3A_265 = vector.broadcast %max3A_264 : vector<64x1xf32> to vector<64x3xf32>
    %div3A_266 = arith.divf %sub3A_256, %div3A_265 : vector<64x3xf32>
    %reduce_max3A_267 = arith.constant dense<0xFF800000> : vector<64xf32>
    %reduce_max3A_268 = vector.multi_reduction <maximumf>, %select_n3A_251, %reduce_max3A_267 [0] : vector<64x64xf32> to vector<64xf32>
    %broadcast_in_dim3A_269 = vector.shape_cast %reduce_max3A_268 : vector<64xf32> to vector<1x64xf32>
    %eq3A_270 = vector.broadcast %broadcast_in_dim3A_269 : vector<1x64xf32> to vector<64x64xf32>
    %eq3A_271 = arith.cmpf oeq, %select_n3A_251, %eq3A_270 : vector<64x64xf32>
    %jit3A_272 = arith.constant 64 : i32
    %broadcast_in_dim3A_273 = vector.broadcast %jit3A_272 : i32 to vector<64x64xi32>
    %select_n3A_274 = arith.select %eq3A_271, %iota3A, %broadcast_in_dim3A_273 : vector<64x64xi1>, vector<64x64xi32>
    %reduce_min3A_275 = arith.constant dense<2147483647> : vector<64xi32>
    %reduce_min3A_276 = vector.multi_reduction <minsi>, %select_n3A_274, %reduce_min3A_275 [0] : vector<64x64xi32> to vector<64xi32>
    %broadcast_in_dim3A_277 = vector.shape_cast %reduce_min3A_276 : vector<64xi32> to vector<1x64xi32>
    %eq3A_278 = vector.broadcast %broadcast_in_dim3A_277 : vector<1x64xi32> to vector<64x64xi32>
    %eq3A_279 = arith.cmpi eq, %iota3A, %eq3A_278 : vector<64x64xi32>
    %jit3A_280 = arith.constant 0xFF800000 : f32
    %broadcast_in_dim3A_281 = vector.broadcast %jit3A_280 : f32 to vector<64x64xf32>
    %select_n3A_282 = arith.select %eq3A_279, %broadcast_in_dim3A_281, %select_n3A_251 : vector<64x64xi1>, vector<64x64xf32>
    %convert_element_type3A_283 = arith.extui %eq3A_279 : vector<64x64xi1> to vector<64x64xi32>
    %convert_element_type3A_284 = arith.sitofp %convert_element_type3A_283 : vector<64x64xi32> to vector<64x64xf32>
    %dot_general3A_285 = arith.constant dense<0.000000e+00> : vector<64x3xf32>
    %dot_general3A_286 = tpu.matmul %convert_element_type3A_284, %get3A_8, %dot_general3A_285 {dimension_numbers = #tpu.dot_dimension_numbers<[0], [0], [1], [1], [0, 1, 1, 1], [], []>, transpose_lhs_hint = false} : vector<64x64xf32>, vector<64x3xf32>, vector<64x3xf32> -> vector<64x3xf32>
    %sub3A_287 = arith.subf %dot_general3A_286, %get3A_3 : vector<64x3xf32>
    %mul3A_288 = arith.mulf %sub3A_287, %sub3A_287 : vector<64x3xf32>
    %reduce_sum3A_289 = arith.constant dense<0.000000e+00> : vector<64xf32>
    %reduce_sum3A_290 = vector.multi_reduction <add>, %mul3A_288, %reduce_sum3A_289 [1] : vector<64x3xf32> to vector<64xf32>
    %broadcast_in_dim3A_291 = vector.shape_cast %reduce_sum3A_290 : vector<64xf32> to vector<64x1xf32>
    %sqrt3A_292 = math.sqrt %broadcast_in_dim3A_291 : vector<64x1xf32>
    %max3A_293 = arith.constant 9.99999996E-13 : f32
    %max3A_294 = vector.broadcast %max3A_293 : f32 to vector<64x1xf32>
    %max3A_295 = arith.maximumf %sqrt3A_292, %max3A_294 : vector<64x1xf32>
    %div3A_296 = vector.broadcast %max3A_295 : vector<64x1xf32> to vector<64x3xf32>
    %div3A_297 = arith.divf %sub3A_287, %div3A_296 : vector<64x3xf32>
    %reduce_max3A_298 = arith.constant dense<0xFF800000> : vector<64xf32>
    %reduce_max3A_299 = vector.multi_reduction <maximumf>, %select_n3A_282, %reduce_max3A_298 [0] : vector<64x64xf32> to vector<64xf32>
    %broadcast_in_dim3A_300 = vector.shape_cast %reduce_max3A_299 : vector<64xf32> to vector<1x64xf32>
    %eq3A_301 = vector.broadcast %broadcast_in_dim3A_300 : vector<1x64xf32> to vector<64x64xf32>
    %eq3A_302 = arith.cmpf oeq, %select_n3A_282, %eq3A_301 : vector<64x64xf32>
    %jit3A_303 = arith.constant 64 : i32
    %broadcast_in_dim3A_304 = vector.broadcast %jit3A_303 : i32 to vector<64x64xi32>
    %select_n3A_305 = arith.select %eq3A_302, %iota3A, %broadcast_in_dim3A_304 : vector<64x64xi1>, vector<64x64xi32>
    %reduce_min3A_306 = arith.constant dense<2147483647> : vector<64xi32>
    %reduce_min3A_307 = vector.multi_reduction <minsi>, %select_n3A_305, %reduce_min3A_306 [0] : vector<64x64xi32> to vector<64xi32>
    %broadcast_in_dim3A_308 = vector.shape_cast %reduce_min3A_307 : vector<64xi32> to vector<1x64xi32>
    %eq3A_309 = vector.broadcast %broadcast_in_dim3A_308 : vector<1x64xi32> to vector<64x64xi32>
    %eq3A_310 = arith.cmpi eq, %iota3A, %eq3A_309 : vector<64x64xi32>
    %jit3A_311 = arith.constant 0xFF800000 : f32
    %broadcast_in_dim3A_312 = vector.broadcast %jit3A_311 : f32 to vector<64x64xf32>
    %select_n3A_313 = arith.select %eq3A_310, %broadcast_in_dim3A_312, %select_n3A_282 : vector<64x64xi1>, vector<64x64xf32>
    %convert_element_type3A_314 = arith.extui %eq3A_310 : vector<64x64xi1> to vector<64x64xi32>
    %convert_element_type3A_315 = arith.sitofp %convert_element_type3A_314 : vector<64x64xi32> to vector<64x64xf32>
    %dot_general3A_316 = arith.constant dense<0.000000e+00> : vector<64x3xf32>
    %dot_general3A_317 = tpu.matmul %convert_element_type3A_315, %get3A_8, %dot_general3A_316 {dimension_numbers = #tpu.dot_dimension_numbers<[0], [0], [1], [1], [0, 1, 1, 1], [], []>, transpose_lhs_hint = false} : vector<64x64xf32>, vector<64x3xf32>, vector<64x3xf32> -> vector<64x3xf32>
    %sub3A_318 = arith.subf %dot_general3A_317, %get3A_3 : vector<64x3xf32>
    %mul3A_319 = arith.mulf %sub3A_318, %sub3A_318 : vector<64x3xf32>
    %reduce_sum3A_320 = arith.constant dense<0.000000e+00> : vector<64xf32>
    %reduce_sum3A_321 = vector.multi_reduction <add>, %mul3A_319, %reduce_sum3A_320 [1] : vector<64x3xf32> to vector<64xf32>
    %broadcast_in_dim3A_322 = vector.shape_cast %reduce_sum3A_321 : vector<64xf32> to vector<64x1xf32>
    %sqrt3A_323 = math.sqrt %broadcast_in_dim3A_322 : vector<64x1xf32>
    %max3A_324 = arith.constant 9.99999996E-13 : f32
    %max3A_325 = vector.broadcast %max3A_324 : f32 to vector<64x1xf32>
    %max3A_326 = arith.maximumf %sqrt3A_323, %max3A_325 : vector<64x1xf32>
    %div3A_327 = vector.broadcast %max3A_326 : vector<64x1xf32> to vector<64x3xf32>
    %div3A_328 = arith.divf %sub3A_318, %div3A_327 : vector<64x3xf32>
    %reduce_max3A_329 = arith.constant dense<0xFF800000> : vector<64xf32>
    %reduce_max3A_330 = vector.multi_reduction <maximumf>, %select_n3A_313, %reduce_max3A_329 [0] : vector<64x64xf32> to vector<64xf32>
    %broadcast_in_dim3A_331 = vector.shape_cast %reduce_max3A_330 : vector<64xf32> to vector<1x64xf32>
    %eq3A_332 = vector.broadcast %broadcast_in_dim3A_331 : vector<1x64xf32> to vector<64x64xf32>
    %eq3A_333 = arith.cmpf oeq, %select_n3A_313, %eq3A_332 : vector<64x64xf32>
    %jit3A_334 = arith.constant 64 : i32
    %broadcast_in_dim3A_335 = vector.broadcast %jit3A_334 : i32 to vector<64x64xi32>
    %select_n3A_336 = arith.select %eq3A_333, %iota3A, %broadcast_in_dim3A_335 : vector<64x64xi1>, vector<64x64xi32>
    %reduce_min3A_337 = arith.constant dense<2147483647> : vector<64xi32>
    %reduce_min3A_338 = vector.multi_reduction <minsi>, %select_n3A_336, %reduce_min3A_337 [0] : vector<64x64xi32> to vector<64xi32>
    %broadcast_in_dim3A_339 = vector.shape_cast %reduce_min3A_338 : vector<64xi32> to vector<1x64xi32>
    %eq3A_340 = vector.broadcast %broadcast_in_dim3A_339 : vector<1x64xi32> to vector<64x64xi32>
    %eq3A_341 = arith.cmpi eq, %iota3A, %eq3A_340 : vector<64x64xi32>
    %jit3A_342 = arith.constant 0xFF800000 : f32
    %broadcast_in_dim3A_343 = vector.broadcast %jit3A_342 : f32 to vector<64x64xf32>
    %select_n3A_344 = arith.select %eq3A_341, %broadcast_in_dim3A_343, %select_n3A_313 : vector<64x64xi1>, vector<64x64xf32>
    %convert_element_type3A_345 = arith.extui %eq3A_341 : vector<64x64xi1> to vector<64x64xi32>
    %convert_element_type3A_346 = arith.sitofp %convert_element_type3A_345 : vector<64x64xi32> to vector<64x64xf32>
    %dot_general3A_347 = arith.constant dense<0.000000e+00> : vector<64x3xf32>
    %dot_general3A_348 = tpu.matmul %convert_element_type3A_346, %get3A_8, %dot_general3A_347 {dimension_numbers = #tpu.dot_dimension_numbers<[0], [0], [1], [1], [0, 1, 1, 1], [], []>, transpose_lhs_hint = false} : vector<64x64xf32>, vector<64x3xf32>, vector<64x3xf32> -> vector<64x3xf32>
    %sub3A_349 = arith.subf %dot_general3A_348, %get3A_3 : vector<64x3xf32>
    %mul3A_350 = arith.mulf %sub3A_349, %sub3A_349 : vector<64x3xf32>
    %reduce_sum3A_351 = arith.constant dense<0.000000e+00> : vector<64xf32>
    %reduce_sum3A_352 = vector.multi_reduction <add>, %mul3A_350, %reduce_sum3A_351 [1] : vector<64x3xf32> to vector<64xf32>
    %broadcast_in_dim3A_353 = vector.shape_cast %reduce_sum3A_352 : vector<64xf32> to vector<64x1xf32>
    %sqrt3A_354 = math.sqrt %broadcast_in_dim3A_353 : vector<64x1xf32>
    %max3A_355 = arith.constant 9.99999996E-13 : f32
    %max3A_356 = vector.broadcast %max3A_355 : f32 to vector<64x1xf32>
    %max3A_357 = arith.maximumf %sqrt3A_354, %max3A_356 : vector<64x1xf32>
    %div3A_358 = vector.broadcast %max3A_357 : vector<64x1xf32> to vector<64x3xf32>
    %div3A_359 = arith.divf %sub3A_349, %div3A_358 : vector<64x3xf32>
    %reduce_max3A_360 = arith.constant dense<0xFF800000> : vector<64xf32>
    %reduce_max3A_361 = vector.multi_reduction <maximumf>, %select_n3A_344, %reduce_max3A_360 [0] : vector<64x64xf32> to vector<64xf32>
    %broadcast_in_dim3A_362 = vector.shape_cast %reduce_max3A_361 : vector<64xf32> to vector<1x64xf32>
    %eq3A_363 = vector.broadcast %broadcast_in_dim3A_362 : vector<1x64xf32> to vector<64x64xf32>
    %eq3A_364 = arith.cmpf oeq, %select_n3A_344, %eq3A_363 : vector<64x64xf32>
    %jit3A_365 = arith.constant 64 : i32
    %broadcast_in_dim3A_366 = vector.broadcast %jit3A_365 : i32 to vector<64x64xi32>
    %select_n3A_367 = arith.select %eq3A_364, %iota3A, %broadcast_in_dim3A_366 : vector<64x64xi1>, vector<64x64xi32>
    %reduce_min3A_368 = arith.constant dense<2147483647> : vector<64xi32>
    %reduce_min3A_369 = vector.multi_reduction <minsi>, %select_n3A_367, %reduce_min3A_368 [0] : vector<64x64xi32> to vector<64xi32>
    %broadcast_in_dim3A_370 = vector.shape_cast %reduce_min3A_369 : vector<64xi32> to vector<1x64xi32>
    %eq3A_371 = vector.broadcast %broadcast_in_dim3A_370 : vector<1x64xi32> to vector<64x64xi32>
    %eq3A_372 = arith.cmpi eq, %iota3A, %eq3A_371 : vector<64x64xi32>
    %jit3A_373 = arith.constant 0xFF800000 : f32
    %broadcast_in_dim3A_374 = vector.broadcast %jit3A_373 : f32 to vector<64x64xf32>
    %select_n3A_375 = arith.select %eq3A_372, %broadcast_in_dim3A_374, %select_n3A_344 : vector<64x64xi1>, vector<64x64xf32>
    %convert_element_type3A_376 = arith.extui %eq3A_372 : vector<64x64xi1> to vector<64x64xi32>
    %convert_element_type3A_377 = arith.sitofp %convert_element_type3A_376 : vector<64x64xi32> to vector<64x64xf32>
    %dot_general3A_378 = arith.constant dense<0.000000e+00> : vector<64x3xf32>
    %dot_general3A_379 = tpu.matmul %convert_element_type3A_377, %get3A_8, %dot_general3A_378 {dimension_numbers = #tpu.dot_dimension_numbers<[0], [0], [1], [1], [0, 1, 1, 1], [], []>, transpose_lhs_hint = false} : vector<64x64xf32>, vector<64x3xf32>, vector<64x3xf32> -> vector<64x3xf32>
    %sub3A_380 = arith.subf %dot_general3A_379, %get3A_3 : vector<64x3xf32>
    %mul3A_381 = arith.mulf %sub3A_380, %sub3A_380 : vector<64x3xf32>
    %reduce_sum3A_382 = arith.constant dense<0.000000e+00> : vector<64xf32>
    %reduce_sum3A_383 = vector.multi_reduction <add>, %mul3A_381, %reduce_sum3A_382 [1] : vector<64x3xf32> to vector<64xf32>
    %broadcast_in_dim3A_384 = vector.shape_cast %reduce_sum3A_383 : vector<64xf32> to vector<64x1xf32>
    %sqrt3A_385 = math.sqrt %broadcast_in_dim3A_384 : vector<64x1xf32>
    %max3A_386 = arith.constant 9.99999996E-13 : f32
    %max3A_387 = vector.broadcast %max3A_386 : f32 to vector<64x1xf32>
    %max3A_388 = arith.maximumf %sqrt3A_385, %max3A_387 : vector<64x1xf32>
    %div3A_389 = vector.broadcast %max3A_388 : vector<64x1xf32> to vector<64x3xf32>
    %div3A_390 = arith.divf %sub3A_380, %div3A_389 : vector<64x3xf32>
    %reduce_max3A_391 = arith.constant dense<0xFF800000> : vector<64xf32>
    %reduce_max3A_392 = vector.multi_reduction <maximumf>, %select_n3A_375, %reduce_max3A_391 [0] : vector<64x64xf32> to vector<64xf32>
    %broadcast_in_dim3A_393 = vector.shape_cast %reduce_max3A_392 : vector<64xf32> to vector<1x64xf32>
    %eq3A_394 = vector.broadcast %broadcast_in_dim3A_393 : vector<1x64xf32> to vector<64x64xf32>
    %eq3A_395 = arith.cmpf oeq, %select_n3A_375, %eq3A_394 : vector<64x64xf32>
    %jit3A_396 = arith.constant 64 : i32
    %broadcast_in_dim3A_397 = vector.broadcast %jit3A_396 : i32 to vector<64x64xi32>
    %select_n3A_398 = arith.select %eq3A_395, %iota3A, %broadcast_in_dim3A_397 : vector<64x64xi1>, vector<64x64xi32>
    %reduce_min3A_399 = arith.constant dense<2147483647> : vector<64xi32>
    %reduce_min3A_400 = vector.multi_reduction <minsi>, %select_n3A_398, %reduce_min3A_399 [0] : vector<64x64xi32> to vector<64xi32>
    %broadcast_in_dim3A_401 = vector.shape_cast %reduce_min3A_400 : vector<64xi32> to vector<1x64xi32>
    %eq3A_402 = vector.broadcast %broadcast_in_dim3A_401 : vector<1x64xi32> to vector<64x64xi32>
    %eq3A_403 = arith.cmpi eq, %iota3A, %eq3A_402 : vector<64x64xi32>
    %jit3A_404 = arith.constant 0xFF800000 : f32
    %broadcast_in_dim3A_405 = vector.broadcast %jit3A_404 : f32 to vector<64x64xf32>
    %select_n3A_406 = arith.select %eq3A_403, %broadcast_in_dim3A_405, %select_n3A_375 : vector<64x64xi1>, vector<64x64xf32>
    %convert_element_type3A_407 = arith.extui %eq3A_403 : vector<64x64xi1> to vector<64x64xi32>
    %convert_element_type3A_408 = arith.sitofp %convert_element_type3A_407 : vector<64x64xi32> to vector<64x64xf32>
    %dot_general3A_409 = arith.constant dense<0.000000e+00> : vector<64x3xf32>
    %dot_general3A_410 = tpu.matmul %convert_element_type3A_408, %get3A_8, %dot_general3A_409 {dimension_numbers = #tpu.dot_dimension_numbers<[0], [0], [1], [1], [0, 1, 1, 1], [], []>, transpose_lhs_hint = false} : vector<64x64xf32>, vector<64x3xf32>, vector<64x3xf32> -> vector<64x3xf32>
    %sub3A_411 = arith.subf %dot_general3A_410, %get3A_3 : vector<64x3xf32>
    %mul3A_412 = arith.mulf %sub3A_411, %sub3A_411 : vector<64x3xf32>
    %reduce_sum3A_413 = arith.constant dense<0.000000e+00> : vector<64xf32>
    %reduce_sum3A_414 = vector.multi_reduction <add>, %mul3A_412, %reduce_sum3A_413 [1] : vector<64x3xf32> to vector<64xf32>
    %broadcast_in_dim3A_415 = vector.shape_cast %reduce_sum3A_414 : vector<64xf32> to vector<64x1xf32>
    %sqrt3A_416 = math.sqrt %broadcast_in_dim3A_415 : vector<64x1xf32>
    %max3A_417 = arith.constant 9.99999996E-13 : f32
    %max3A_418 = vector.broadcast %max3A_417 : f32 to vector<64x1xf32>
    %max3A_419 = arith.maximumf %sqrt3A_416, %max3A_418 : vector<64x1xf32>
    %div3A_420 = vector.broadcast %max3A_419 : vector<64x1xf32> to vector<64x3xf32>
    %div3A_421 = arith.divf %sub3A_411, %div3A_420 : vector<64x3xf32>
    %reduce_max3A_422 = arith.constant dense<0xFF800000> : vector<64xf32>
    %reduce_max3A_423 = vector.multi_reduction <maximumf>, %select_n3A_406, %reduce_max3A_422 [0] : vector<64x64xf32> to vector<64xf32>
    %broadcast_in_dim3A_424 = vector.shape_cast %reduce_max3A_423 : vector<64xf32> to vector<1x64xf32>
    %eq3A_425 = vector.broadcast %broadcast_in_dim3A_424 : vector<1x64xf32> to vector<64x64xf32>
    %eq3A_426 = arith.cmpf oeq, %select_n3A_406, %eq3A_425 : vector<64x64xf32>
    %jit3A_427 = arith.constant 64 : i32
    %broadcast_in_dim3A_428 = vector.broadcast %jit3A_427 : i32 to vector<64x64xi32>
    %select_n3A_429 = arith.select %eq3A_426, %iota3A, %broadcast_in_dim3A_428 : vector<64x64xi1>, vector<64x64xi32>
    %reduce_min3A_430 = arith.constant dense<2147483647> : vector<64xi32>
    %reduce_min3A_431 = vector.multi_reduction <minsi>, %select_n3A_429, %reduce_min3A_430 [0] : vector<64x64xi32> to vector<64xi32>
    %broadcast_in_dim3A_432 = vector.shape_cast %reduce_min3A_431 : vector<64xi32> to vector<1x64xi32>
    %eq3A_433 = vector.broadcast %broadcast_in_dim3A_432 : vector<1x64xi32> to vector<64x64xi32>
    %eq3A_434 = arith.cmpi eq, %iota3A, %eq3A_433 : vector<64x64xi32>
    %jit3A_435 = arith.constant 0xFF800000 : f32
    %broadcast_in_dim3A_436 = vector.broadcast %jit3A_435 : f32 to vector<64x64xf32>
    %select_n3A_437 = arith.select %eq3A_434, %broadcast_in_dim3A_436, %select_n3A_406 : vector<64x64xi1>, vector<64x64xf32>
    %convert_element_type3A_438 = arith.extui %eq3A_434 : vector<64x64xi1> to vector<64x64xi32>
    %convert_element_type3A_439 = arith.sitofp %convert_element_type3A_438 : vector<64x64xi32> to vector<64x64xf32>
    %dot_general3A_440 = arith.constant dense<0.000000e+00> : vector<64x3xf32>
    %dot_general3A_441 = tpu.matmul %convert_element_type3A_439, %get3A_8, %dot_general3A_440 {dimension_numbers = #tpu.dot_dimension_numbers<[0], [0], [1], [1], [0, 1, 1, 1], [], []>, transpose_lhs_hint = false} : vector<64x64xf32>, vector<64x3xf32>, vector<64x3xf32> -> vector<64x3xf32>
    %sub3A_442 = arith.subf %dot_general3A_441, %get3A_3 : vector<64x3xf32>
    %mul3A_443 = arith.mulf %sub3A_442, %sub3A_442 : vector<64x3xf32>
    %reduce_sum3A_444 = arith.constant dense<0.000000e+00> : vector<64xf32>
    %reduce_sum3A_445 = vector.multi_reduction <add>, %mul3A_443, %reduce_sum3A_444 [1] : vector<64x3xf32> to vector<64xf32>
    %broadcast_in_dim3A_446 = vector.shape_cast %reduce_sum3A_445 : vector<64xf32> to vector<64x1xf32>
    %sqrt3A_447 = math.sqrt %broadcast_in_dim3A_446 : vector<64x1xf32>
    %max3A_448 = arith.constant 9.99999996E-13 : f32
    %max3A_449 = vector.broadcast %max3A_448 : f32 to vector<64x1xf32>
    %max3A_450 = arith.maximumf %sqrt3A_447, %max3A_449 : vector<64x1xf32>
    %div3A_451 = vector.broadcast %max3A_450 : vector<64x1xf32> to vector<64x3xf32>
    %div3A_452 = arith.divf %sub3A_442, %div3A_451 : vector<64x3xf32>
    %reduce_max3A_453 = arith.constant dense<0xFF800000> : vector<64xf32>
    %reduce_max3A_454 = vector.multi_reduction <maximumf>, %select_n3A_437, %reduce_max3A_453 [0] : vector<64x64xf32> to vector<64xf32>
    %broadcast_in_dim3A_455 = vector.shape_cast %reduce_max3A_454 : vector<64xf32> to vector<1x64xf32>
    %eq3A_456 = vector.broadcast %broadcast_in_dim3A_455 : vector<1x64xf32> to vector<64x64xf32>
    %eq3A_457 = arith.cmpf oeq, %select_n3A_437, %eq3A_456 : vector<64x64xf32>
    %jit3A_458 = arith.constant 64 : i32
    %broadcast_in_dim3A_459 = vector.broadcast %jit3A_458 : i32 to vector<64x64xi32>
    %select_n3A_460 = arith.select %eq3A_457, %iota3A, %broadcast_in_dim3A_459 : vector<64x64xi1>, vector<64x64xi32>
    %reduce_min3A_461 = arith.constant dense<2147483647> : vector<64xi32>
    %reduce_min3A_462 = vector.multi_reduction <minsi>, %select_n3A_460, %reduce_min3A_461 [0] : vector<64x64xi32> to vector<64xi32>
    %broadcast_in_dim3A_463 = vector.shape_cast %reduce_min3A_462 : vector<64xi32> to vector<1x64xi32>
    %eq3A_464 = vector.broadcast %broadcast_in_dim3A_463 : vector<1x64xi32> to vector<64x64xi32>
    %eq3A_465 = arith.cmpi eq, %iota3A, %eq3A_464 : vector<64x64xi32>
    %jit3A_466 = arith.constant 0xFF800000 : f32
    %broadcast_in_dim3A_467 = vector.broadcast %jit3A_466 : f32 to vector<64x64xf32>
    %select_n3A_468 = arith.select %eq3A_465, %broadcast_in_dim3A_467, %select_n3A_437 : vector<64x64xi1>, vector<64x64xf32>
    %convert_element_type3A_469 = arith.extui %eq3A_465 : vector<64x64xi1> to vector<64x64xi32>
    %convert_element_type3A_470 = arith.sitofp %convert_element_type3A_469 : vector<64x64xi32> to vector<64x64xf32>
    %dot_general3A_471 = arith.constant dense<0.000000e+00> : vector<64x3xf32>
    %dot_general3A_472 = tpu.matmul %convert_element_type3A_470, %get3A_8, %dot_general3A_471 {dimension_numbers = #tpu.dot_dimension_numbers<[0], [0], [1], [1], [0, 1, 1, 1], [], []>, transpose_lhs_hint = false} : vector<64x64xf32>, vector<64x3xf32>, vector<64x3xf32> -> vector<64x3xf32>
    %sub3A_473 = arith.subf %dot_general3A_472, %get3A_3 : vector<64x3xf32>
    %mul3A_474 = arith.mulf %sub3A_473, %sub3A_473 : vector<64x3xf32>
    %reduce_sum3A_475 = arith.constant dense<0.000000e+00> : vector<64xf32>
    %reduce_sum3A_476 = vector.multi_reduction <add>, %mul3A_474, %reduce_sum3A_475 [1] : vector<64x3xf32> to vector<64xf32>
    %broadcast_in_dim3A_477 = vector.shape_cast %reduce_sum3A_476 : vector<64xf32> to vector<64x1xf32>
    %sqrt3A_478 = math.sqrt %broadcast_in_dim3A_477 : vector<64x1xf32>
    %max3A_479 = arith.constant 9.99999996E-13 : f32
    %max3A_480 = vector.broadcast %max3A_479 : f32 to vector<64x1xf32>
    %max3A_481 = arith.maximumf %sqrt3A_478, %max3A_480 : vector<64x1xf32>
    %div3A_482 = vector.broadcast %max3A_481 : vector<64x1xf32> to vector<64x3xf32>
    %div3A_483 = arith.divf %sub3A_473, %div3A_482 : vector<64x3xf32>
    %reduce_max3A_484 = arith.constant dense<0xFF800000> : vector<64xf32>
    %reduce_max3A_485 = vector.multi_reduction <maximumf>, %select_n3A_468, %reduce_max3A_484 [0] : vector<64x64xf32> to vector<64xf32>
    %broadcast_in_dim3A_486 = vector.shape_cast %reduce_max3A_485 : vector<64xf32> to vector<1x64xf32>
    %eq3A_487 = vector.broadcast %broadcast_in_dim3A_486 : vector<1x64xf32> to vector<64x64xf32>
    %eq3A_488 = arith.cmpf oeq, %select_n3A_468, %eq3A_487 : vector<64x64xf32>
    %jit3A_489 = arith.constant 64 : i32
    %broadcast_in_dim3A_490 = vector.broadcast %jit3A_489 : i32 to vector<64x64xi32>
    %select_n3A_491 = arith.select %eq3A_488, %iota3A, %broadcast_in_dim3A_490 : vector<64x64xi1>, vector<64x64xi32>
    %reduce_min3A_492 = arith.constant dense<2147483647> : vector<64xi32>
    %reduce_min3A_493 = vector.multi_reduction <minsi>, %select_n3A_491, %reduce_min3A_492 [0] : vector<64x64xi32> to vector<64xi32>
    %broadcast_in_dim3A_494 = vector.shape_cast %reduce_min3A_493 : vector<64xi32> to vector<1x64xi32>
    %eq3A_495 = vector.broadcast %broadcast_in_dim3A_494 : vector<1x64xi32> to vector<64x64xi32>
    %eq3A_496 = arith.cmpi eq, %iota3A, %eq3A_495 : vector<64x64xi32>
    %jit3A_497 = arith.constant 0xFF800000 : f32
    %broadcast_in_dim3A_498 = vector.broadcast %jit3A_497 : f32 to vector<64x64xf32>
    %select_n3A_499 = arith.select %eq3A_496, %broadcast_in_dim3A_498, %select_n3A_468 : vector<64x64xi1>, vector<64x64xf32>
    %convert_element_type3A_500 = arith.extui %eq3A_496 : vector<64x64xi1> to vector<64x64xi32>
    %convert_element_type3A_501 = arith.sitofp %convert_element_type3A_500 : vector<64x64xi32> to vector<64x64xf32>
    %dot_general3A_502 = arith.constant dense<0.000000e+00> : vector<64x3xf32>
    %dot_general3A_503 = tpu.matmul %convert_element_type3A_501, %get3A_8, %dot_general3A_502 {dimension_numbers = #tpu.dot_dimension_numbers<[0], [0], [1], [1], [0, 1, 1, 1], [], []>, transpose_lhs_hint = false} : vector<64x64xf32>, vector<64x3xf32>, vector<64x3xf32> -> vector<64x3xf32>
    %sub3A_504 = arith.subf %dot_general3A_503, %get3A_3 : vector<64x3xf32>
    %mul3A_505 = arith.mulf %sub3A_504, %sub3A_504 : vector<64x3xf32>
    %reduce_sum3A_506 = arith.constant dense<0.000000e+00> : vector<64xf32>
    %reduce_sum3A_507 = vector.multi_reduction <add>, %mul3A_505, %reduce_sum3A_506 [1] : vector<64x3xf32> to vector<64xf32>
    %broadcast_in_dim3A_508 = vector.shape_cast %reduce_sum3A_507 : vector<64xf32> to vector<64x1xf32>
    %sqrt3A_509 = math.sqrt %broadcast_in_dim3A_508 : vector<64x1xf32>
    %max3A_510 = arith.constant 9.99999996E-13 : f32
    %max3A_511 = vector.broadcast %max3A_510 : f32 to vector<64x1xf32>
    %max3A_512 = arith.maximumf %sqrt3A_509, %max3A_511 : vector<64x1xf32>
    %div3A_513 = vector.broadcast %max3A_512 : vector<64x1xf32> to vector<64x3xf32>
    %div3A_514 = arith.divf %sub3A_504, %div3A_513 : vector<64x3xf32>
    %reduce_max3A_515 = arith.constant dense<0xFF800000> : vector<64xf32>
    %reduce_max3A_516 = vector.multi_reduction <maximumf>, %select_n3A_499, %reduce_max3A_515 [0] : vector<64x64xf32> to vector<64xf32>
    %broadcast_in_dim3A_517 = vector.shape_cast %reduce_max3A_516 : vector<64xf32> to vector<1x64xf32>
    %eq3A_518 = vector.broadcast %broadcast_in_dim3A_517 : vector<1x64xf32> to vector<64x64xf32>
    %eq3A_519 = arith.cmpf oeq, %select_n3A_499, %eq3A_518 : vector<64x64xf32>
    %jit3A_520 = arith.constant 64 : i32
    %broadcast_in_dim3A_521 = vector.broadcast %jit3A_520 : i32 to vector<64x64xi32>
    %select_n3A_522 = arith.select %eq3A_519, %iota3A, %broadcast_in_dim3A_521 : vector<64x64xi1>, vector<64x64xi32>
    %reduce_min3A_523 = arith.constant dense<2147483647> : vector<64xi32>
    %reduce_min3A_524 = vector.multi_reduction <minsi>, %select_n3A_522, %reduce_min3A_523 [0] : vector<64x64xi32> to vector<64xi32>
    %broadcast_in_dim3A_525 = vector.shape_cast %reduce_min3A_524 : vector<64xi32> to vector<1x64xi32>
    %eq3A_526 = vector.broadcast %broadcast_in_dim3A_525 : vector<1x64xi32> to vector<64x64xi32>
    %eq3A_527 = arith.cmpi eq, %iota3A, %eq3A_526 : vector<64x64xi32>
    %jit3A_528 = arith.constant 0xFF800000 : f32
    %broadcast_in_dim3A_529 = vector.broadcast %jit3A_528 : f32 to vector<64x64xf32>
    %select_n3A_530 = arith.select %eq3A_527, %broadcast_in_dim3A_529, %select_n3A_499 : vector<64x64xi1>, vector<64x64xf32>
    %convert_element_type3A_531 = arith.extui %eq3A_527 : vector<64x64xi1> to vector<64x64xi32>
    %convert_element_type3A_532 = arith.sitofp %convert_element_type3A_531 : vector<64x64xi32> to vector<64x64xf32>
    %dot_general3A_533 = arith.constant dense<0.000000e+00> : vector<64x3xf32>
    %dot_general3A_534 = tpu.matmul %convert_element_type3A_532, %get3A_8, %dot_general3A_533 {dimension_numbers = #tpu.dot_dimension_numbers<[0], [0], [1], [1], [0, 1, 1, 1], [], []>, transpose_lhs_hint = false} : vector<64x64xf32>, vector<64x3xf32>, vector<64x3xf32> -> vector<64x3xf32>
    %sub3A_535 = arith.subf %dot_general3A_534, %get3A_3 : vector<64x3xf32>
    %mul3A_536 = arith.mulf %sub3A_535, %sub3A_535 : vector<64x3xf32>
    %reduce_sum3A_537 = arith.constant dense<0.000000e+00> : vector<64xf32>
    %reduce_sum3A_538 = vector.multi_reduction <add>, %mul3A_536, %reduce_sum3A_537 [1] : vector<64x3xf32> to vector<64xf32>
    %broadcast_in_dim3A_539 = vector.shape_cast %reduce_sum3A_538 : vector<64xf32> to vector<64x1xf32>
    %sqrt3A_540 = math.sqrt %broadcast_in_dim3A_539 : vector<64x1xf32>
    %max3A_541 = arith.constant 9.99999996E-13 : f32
    %max3A_542 = vector.broadcast %max3A_541 : f32 to vector<64x1xf32>
    %max3A_543 = arith.maximumf %sqrt3A_540, %max3A_542 : vector<64x1xf32>
    %div3A_544 = vector.broadcast %max3A_543 : vector<64x1xf32> to vector<64x3xf32>
    %div3A_545 = arith.divf %sub3A_535, %div3A_544 : vector<64x3xf32>
    %reduce_max3A_546 = arith.constant dense<0xFF800000> : vector<64xf32>
    %reduce_max3A_547 = vector.multi_reduction <maximumf>, %select_n3A_530, %reduce_max3A_546 [0] : vector<64x64xf32> to vector<64xf32>
    %broadcast_in_dim3A_548 = vector.shape_cast %reduce_max3A_547 : vector<64xf32> to vector<1x64xf32>
    %eq3A_549 = vector.broadcast %broadcast_in_dim3A_548 : vector<1x64xf32> to vector<64x64xf32>
    %eq3A_550 = arith.cmpf oeq, %select_n3A_530, %eq3A_549 : vector<64x64xf32>
    %jit3A_551 = arith.constant 64 : i32
    %broadcast_in_dim3A_552 = vector.broadcast %jit3A_551 : i32 to vector<64x64xi32>
    %select_n3A_553 = arith.select %eq3A_550, %iota3A, %broadcast_in_dim3A_552 : vector<64x64xi1>, vector<64x64xi32>
    %reduce_min3A_554 = arith.constant dense<2147483647> : vector<64xi32>
    %reduce_min3A_555 = vector.multi_reduction <minsi>, %select_n3A_553, %reduce_min3A_554 [0] : vector<64x64xi32> to vector<64xi32>
    %broadcast_in_dim3A_556 = vector.shape_cast %reduce_min3A_555 : vector<64xi32> to vector<1x64xi32>
    %eq3A_557 = vector.broadcast %broadcast_in_dim3A_556 : vector<1x64xi32> to vector<64x64xi32>
    %eq3A_558 = arith.cmpi eq, %iota3A, %eq3A_557 : vector<64x64xi32>
    %jit3A_559 = arith.constant 0xFF800000 : f32
    %broadcast_in_dim3A_560 = vector.broadcast %jit3A_559 : f32 to vector<64x64xf32>
    %select_n3A_561 = arith.select %eq3A_558, %broadcast_in_dim3A_560, %select_n3A_530 : vector<64x64xi1>, vector<64x64xf32>
    %convert_element_type3A_562 = arith.extui %eq3A_558 : vector<64x64xi1> to vector<64x64xi32>
    %convert_element_type3A_563 = arith.sitofp %convert_element_type3A_562 : vector<64x64xi32> to vector<64x64xf32>
    %dot_general3A_564 = arith.constant dense<0.000000e+00> : vector<64x3xf32>
    %dot_general3A_565 = tpu.matmul %convert_element_type3A_563, %get3A_8, %dot_general3A_564 {dimension_numbers = #tpu.dot_dimension_numbers<[0], [0], [1], [1], [0, 1, 1, 1], [], []>, transpose_lhs_hint = false} : vector<64x64xf32>, vector<64x3xf32>, vector<64x3xf32> -> vector<64x3xf32>
    %sub3A_566 = arith.subf %dot_general3A_565, %get3A_3 : vector<64x3xf32>
    %mul3A_567 = arith.mulf %sub3A_566, %sub3A_566 : vector<64x3xf32>
    %reduce_sum3A_568 = arith.constant dense<0.000000e+00> : vector<64xf32>
    %reduce_sum3A_569 = vector.multi_reduction <add>, %mul3A_567, %reduce_sum3A_568 [1] : vector<64x3xf32> to vector<64xf32>
    %broadcast_in_dim3A_570 = vector.shape_cast %reduce_sum3A_569 : vector<64xf32> to vector<64x1xf32>
    %sqrt3A_571 = math.sqrt %broadcast_in_dim3A_570 : vector<64x1xf32>
    %max3A_572 = arith.constant 9.99999996E-13 : f32
    %max3A_573 = vector.broadcast %max3A_572 : f32 to vector<64x1xf32>
    %max3A_574 = arith.maximumf %sqrt3A_571, %max3A_573 : vector<64x1xf32>
    %div3A_575 = vector.broadcast %max3A_574 : vector<64x1xf32> to vector<64x3xf32>
    %div3A_576 = arith.divf %sub3A_566, %div3A_575 : vector<64x3xf32>
    %reduce_max3A_577 = arith.constant dense<0xFF800000> : vector<64xf32>
    %reduce_max3A_578 = vector.multi_reduction <maximumf>, %select_n3A_561, %reduce_max3A_577 [0] : vector<64x64xf32> to vector<64xf32>
    %broadcast_in_dim3A_579 = vector.shape_cast %reduce_max3A_578 : vector<64xf32> to vector<1x64xf32>
    %eq3A_580 = vector.broadcast %broadcast_in_dim3A_579 : vector<1x64xf32> to vector<64x64xf32>
    %eq3A_581 = arith.cmpf oeq, %select_n3A_561, %eq3A_580 : vector<64x64xf32>
    %jit3A_582 = arith.constant 64 : i32
    %broadcast_in_dim3A_583 = vector.broadcast %jit3A_582 : i32 to vector<64x64xi32>
    %select_n3A_584 = arith.select %eq3A_581, %iota3A, %broadcast_in_dim3A_583 : vector<64x64xi1>, vector<64x64xi32>
    %reduce_min3A_585 = arith.constant dense<2147483647> : vector<64xi32>
    %reduce_min3A_586 = vector.multi_reduction <minsi>, %select_n3A_584, %reduce_min3A_585 [0] : vector<64x64xi32> to vector<64xi32>
    %broadcast_in_dim3A_587 = vector.shape_cast %reduce_min3A_586 : vector<64xi32> to vector<1x64xi32>
    %eq3A_588 = vector.broadcast %broadcast_in_dim3A_587 : vector<1x64xi32> to vector<64x64xi32>
    %eq3A_589 = arith.cmpi eq, %iota3A, %eq3A_588 : vector<64x64xi32>
    %jit3A_590 = arith.constant 0xFF800000 : f32
    %broadcast_in_dim3A_591 = vector.broadcast %jit3A_590 : f32 to vector<64x64xf32>
    %select_n3A_592 = arith.select %eq3A_589, %broadcast_in_dim3A_591, %select_n3A_561 : vector<64x64xi1>, vector<64x64xf32>
    %convert_element_type3A_593 = arith.extui %eq3A_589 : vector<64x64xi1> to vector<64x64xi32>
    %convert_element_type3A_594 = arith.sitofp %convert_element_type3A_593 : vector<64x64xi32> to vector<64x64xf32>
    %dot_general3A_595 = arith.constant dense<0.000000e+00> : vector<64x3xf32>
    %dot_general3A_596 = tpu.matmul %convert_element_type3A_594, %get3A_8, %dot_general3A_595 {dimension_numbers = #tpu.dot_dimension_numbers<[0], [0], [1], [1], [0, 1, 1, 1], [], []>, transpose_lhs_hint = false} : vector<64x64xf32>, vector<64x3xf32>, vector<64x3xf32> -> vector<64x3xf32>
    %sub3A_597 = arith.subf %dot_general3A_596, %get3A_3 : vector<64x3xf32>
    %mul3A_598 = arith.mulf %sub3A_597, %sub3A_597 : vector<64x3xf32>
    %reduce_sum3A_599 = arith.constant dense<0.000000e+00> : vector<64xf32>
    %reduce_sum3A_600 = vector.multi_reduction <add>, %mul3A_598, %reduce_sum3A_599 [1] : vector<64x3xf32> to vector<64xf32>
    %broadcast_in_dim3A_601 = vector.shape_cast %reduce_sum3A_600 : vector<64xf32> to vector<64x1xf32>
    %sqrt3A_602 = math.sqrt %broadcast_in_dim3A_601 : vector<64x1xf32>
    %max3A_603 = arith.constant 9.99999996E-13 : f32
    %max3A_604 = vector.broadcast %max3A_603 : f32 to vector<64x1xf32>
    %max3A_605 = arith.maximumf %sqrt3A_602, %max3A_604 : vector<64x1xf32>
    %div3A_606 = vector.broadcast %max3A_605 : vector<64x1xf32> to vector<64x3xf32>
    %div3A_607 = arith.divf %sub3A_597, %div3A_606 : vector<64x3xf32>
    %reduce_max3A_608 = arith.constant dense<0xFF800000> : vector<64xf32>
    %reduce_max3A_609 = vector.multi_reduction <maximumf>, %select_n3A_592, %reduce_max3A_608 [0] : vector<64x64xf32> to vector<64xf32>
    %broadcast_in_dim3A_610 = vector.shape_cast %reduce_max3A_609 : vector<64xf32> to vector<1x64xf32>
    %eq3A_611 = vector.broadcast %broadcast_in_dim3A_610 : vector<1x64xf32> to vector<64x64xf32>
    %eq3A_612 = arith.cmpf oeq, %select_n3A_592, %eq3A_611 : vector<64x64xf32>
    %jit3A_613 = arith.constant 64 : i32
    %broadcast_in_dim3A_614 = vector.broadcast %jit3A_613 : i32 to vector<64x64xi32>
    %select_n3A_615 = arith.select %eq3A_612, %iota3A, %broadcast_in_dim3A_614 : vector<64x64xi1>, vector<64x64xi32>
    %reduce_min3A_616 = arith.constant dense<2147483647> : vector<64xi32>
    %reduce_min3A_617 = vector.multi_reduction <minsi>, %select_n3A_615, %reduce_min3A_616 [0] : vector<64x64xi32> to vector<64xi32>
    %broadcast_in_dim3A_618 = vector.shape_cast %reduce_min3A_617 : vector<64xi32> to vector<1x64xi32>
    %eq3A_619 = vector.broadcast %broadcast_in_dim3A_618 : vector<1x64xi32> to vector<64x64xi32>
    %eq3A_620 = arith.cmpi eq, %iota3A, %eq3A_619 : vector<64x64xi32>
    %jit3A_621 = arith.constant 0xFF800000 : f32
    %broadcast_in_dim3A_622 = vector.broadcast %jit3A_621 : f32 to vector<64x64xf32>
    %select_n3A_623 = arith.select %eq3A_620, %broadcast_in_dim3A_622, %select_n3A_592 : vector<64x64xi1>, vector<64x64xf32>
    %convert_element_type3A_624 = arith.extui %eq3A_620 : vector<64x64xi1> to vector<64x64xi32>
    %convert_element_type3A_625 = arith.sitofp %convert_element_type3A_624 : vector<64x64xi32> to vector<64x64xf32>
    %dot_general3A_626 = arith.constant dense<0.000000e+00> : vector<64x3xf32>
    %dot_general3A_627 = tpu.matmul %convert_element_type3A_625, %get3A_8, %dot_general3A_626 {dimension_numbers = #tpu.dot_dimension_numbers<[0], [0], [1], [1], [0, 1, 1, 1], [], []>, transpose_lhs_hint = false} : vector<64x64xf32>, vector<64x3xf32>, vector<64x3xf32> -> vector<64x3xf32>
    %sub3A_628 = arith.subf %dot_general3A_627, %get3A_3 : vector<64x3xf32>
    %mul3A_629 = arith.mulf %sub3A_628, %sub3A_628 : vector<64x3xf32>
    %reduce_sum3A_630 = arith.constant dense<0.000000e+00> : vector<64xf32>
    %reduce_sum3A_631 = vector.multi_reduction <add>, %mul3A_629, %reduce_sum3A_630 [1] : vector<64x3xf32> to vector<64xf32>
    %broadcast_in_dim3A_632 = vector.shape_cast %reduce_sum3A_631 : vector<64xf32> to vector<64x1xf32>
    %sqrt3A_633 = math.sqrt %broadcast_in_dim3A_632 : vector<64x1xf32>
    %max3A_634 = arith.constant 9.99999996E-13 : f32
    %max3A_635 = vector.broadcast %max3A_634 : f32 to vector<64x1xf32>
    %max3A_636 = arith.maximumf %sqrt3A_633, %max3A_635 : vector<64x1xf32>
    %div3A_637 = vector.broadcast %max3A_636 : vector<64x1xf32> to vector<64x3xf32>
    %div3A_638 = arith.divf %sub3A_628, %div3A_637 : vector<64x3xf32>
    %reduce_max3A_639 = arith.constant dense<0xFF800000> : vector<64xf32>
    %reduce_max3A_640 = vector.multi_reduction <maximumf>, %select_n3A_623, %reduce_max3A_639 [0] : vector<64x64xf32> to vector<64xf32>
    %broadcast_in_dim3A_641 = vector.shape_cast %reduce_max3A_640 : vector<64xf32> to vector<1x64xf32>
    %eq3A_642 = vector.broadcast %broadcast_in_dim3A_641 : vector<1x64xf32> to vector<64x64xf32>
    %eq3A_643 = arith.cmpf oeq, %select_n3A_623, %eq3A_642 : vector<64x64xf32>
    %jit3A_644 = arith.constant 64 : i32
    %broadcast_in_dim3A_645 = vector.broadcast %jit3A_644 : i32 to vector<64x64xi32>
    %select_n3A_646 = arith.select %eq3A_643, %iota3A, %broadcast_in_dim3A_645 : vector<64x64xi1>, vector<64x64xi32>
    %reduce_min3A_647 = arith.constant dense<2147483647> : vector<64xi32>
    %reduce_min3A_648 = vector.multi_reduction <minsi>, %select_n3A_646, %reduce_min3A_647 [0] : vector<64x64xi32> to vector<64xi32>
    %broadcast_in_dim3A_649 = vector.shape_cast %reduce_min3A_648 : vector<64xi32> to vector<1x64xi32>
    %eq3A_650 = vector.broadcast %broadcast_in_dim3A_649 : vector<1x64xi32> to vector<64x64xi32>
    %eq3A_651 = arith.cmpi eq, %iota3A, %eq3A_650 : vector<64x64xi32>
    %convert_element_type3A_652 = arith.extui %eq3A_651 : vector<64x64xi1> to vector<64x64xi32>
    %convert_element_type3A_653 = arith.sitofp %convert_element_type3A_652 : vector<64x64xi32> to vector<64x64xf32>
    %dot_general3A_654 = arith.constant dense<0.000000e+00> : vector<64x3xf32>
    %dot_general3A_655 = tpu.matmul %convert_element_type3A_653, %get3A_8, %dot_general3A_654 {dimension_numbers = #tpu.dot_dimension_numbers<[0], [0], [1], [1], [0, 1, 1, 1], [], []>, transpose_lhs_hint = false} : vector<64x64xf32>, vector<64x3xf32>, vector<64x3xf32> -> vector<64x3xf32>
    %sub3A_656 = arith.subf %dot_general3A_655, %get3A_3 : vector<64x3xf32>
    %mul3A_657 = arith.mulf %sub3A_656, %sub3A_656 : vector<64x3xf32>
    %reduce_sum3A_658 = arith.constant dense<0.000000e+00> : vector<64xf32>
    %reduce_sum3A_659 = vector.multi_reduction <add>, %mul3A_657, %reduce_sum3A_658 [1] : vector<64x3xf32> to vector<64xf32>
    %broadcast_in_dim3A_660 = vector.shape_cast %reduce_sum3A_659 : vector<64xf32> to vector<64x1xf32>
    %sqrt3A_661 = math.sqrt %broadcast_in_dim3A_660 : vector<64x1xf32>
    %max3A_662 = arith.constant 9.99999996E-13 : f32
    %max3A_663 = vector.broadcast %max3A_662 : f32 to vector<64x1xf32>
    %max3A_664 = arith.maximumf %sqrt3A_661, %max3A_663 : vector<64x1xf32>
    %div3A_665 = vector.broadcast %max3A_664 : vector<64x1xf32> to vector<64x3xf32>
    %div3A_666 = arith.divf %sub3A_656, %div3A_665 : vector<64x3xf32>
    %concatenate3A = tpu.concatenate %broadcast_in_dim3A_67, %broadcast_in_dim3A_91, %broadcast_in_dim3A_122, %broadcast_in_dim3A_153, %broadcast_in_dim3A_184, %broadcast_in_dim3A_215, %broadcast_in_dim3A_246, %broadcast_in_dim3A_277, %broadcast_in_dim3A_308, %broadcast_in_dim3A_339, %broadcast_in_dim3A_370, %broadcast_in_dim3A_401, %broadcast_in_dim3A_432, %broadcast_in_dim3A_463, %broadcast_in_dim3A_494, %broadcast_in_dim3A_525, %broadcast_in_dim3A_556, %broadcast_in_dim3A_587, %broadcast_in_dim3A_618, %broadcast_in_dim3A_649 in 0 : vector<1x64xi32>, vector<1x64xi32>, vector<1x64xi32>, vector<1x64xi32>, vector<1x64xi32>, vector<1x64xi32>, vector<1x64xi32>, vector<1x64xi32>, vector<1x64xi32>, vector<1x64xi32>, vector<1x64xi32>, vector<1x64xi32>, vector<1x64xi32>, vector<1x64xi32>, vector<1x64xi32>, vector<1x64xi32>, vector<1x64xi32>, vector<1x64xi32>, vector<1x64xi32>, vector<1x64xi32> -> vector<20x64xi32>
    %swap3A = arith.constant 0 : index
    %swap3A_667 = arith.constant 0 : index
    %swap3A_668 = arith.constant 0 : index
    %swap3A_669 = vector.load %arg5[%swap3A, %swap3A_667, %swap3A_668] : memref<1x20x64xi32, #tpu.memory_space<vmem>>, vector<1x20x64xi32>
    %swap3A_670 = vector.shape_cast %swap3A_669 : vector<1x20x64xi32> to vector<20x64xi32>
    %swap3A_671 = vector.shape_cast %concatenate3A : vector<20x64xi32> to vector<1x20x64xi32>
    tpu.vector_store %arg5[%swap3A, %swap3A_667, %swap3A_668], %swap3A_671 {strides = array<i32>} : memref<1x20x64xi32, #tpu.memory_space<vmem>>, vector<1x20x64xi32>,
    %concatenate3A_672 = tpu.concatenate %div3A_80, %div3A_111, %div3A_142, %div3A_173, %div3A_204, %div3A_235, %div3A_266, %div3A_297, %div3A_328, %div3A_359, %div3A_390, %div3A_421, %div3A_452, %div3A_483, %div3A_514, %div3A_545, %div3A_576, %div3A_607, %div3A_638, %div3A_666 in 1 : vector<64x3xf32>, vector<64x3xf32>, vector<64x3xf32>, vector<64x3xf32>, vector<64x3xf32>, vector<64x3xf32>, vector<64x3xf32>, vector<64x3xf32>, vector<64x3xf32>, vector<64x3xf32>, vector<64x3xf32>, vector<64x3xf32>, vector<64x3xf32>, vector<64x3xf32>, vector<64x3xf32>, vector<64x3xf32>, vector<64x3xf32>, vector<64x3xf32>, vector<64x3xf32>, vector<64x3xf32> -> vector<64x60xf32>
    %swap3A_673 = arith.constant 0 : index
    %swap3A_674 = arith.constant 0 : index
    %swap3A_675 = arith.constant 0 : index
    %swap3A_676 = vector.load %arg6[%swap3A_673, %swap3A_674, %swap3A_675] : memref<1x64x60xf32, #tpu.memory_space<vmem>>, vector<1x64x60xf32>
    %swap3A_677 = vector.shape_cast %swap3A_676 : vector<1x64x60xf32> to vector<64x60xf32>
    %swap3A_678 = vector.shape_cast %concatenate3A_672 : vector<64x60xf32> to vector<1x64x60xf32>
    tpu.vector_store %arg6[%swap3A_673, %swap3A_674, %swap3A_675], %swap3A_678 {strides = array<i32>} : memref<1x64x60xf32, #tpu.memory_space<vmem>>, vector<1x64x60xf32>,
    return
  }
  func.func @transform_0(%arg0: i32, %arg1: i32) -> (i32, i32, i32) {
    %c0_i32 = arith.constant 0 : i32
    %c0_i32_0 = arith.constant 0 : i32
    return %arg0, %arg1, %c0_i32 : i32, i32, i32
  }
  func.func @transform_1(%arg0: i32, %arg1: i32) -> (i32, i32, i32) {
    %c0_i32 = arith.constant 0 : i32
    %c0_i32_0 = arith.constant 0 : i32
    %c0_i32_1 = arith.constant 0 : i32
    return %arg0, %c0_i32, %c0_i32_0 : i32, i32, i32
  }
  func.func @transform_2(%arg0: i32, %arg1: i32) -> (i32, i32, i32) {
    %c0_i32 = arith.constant 0 : i32
    %c0_i32_0 = arith.constant 0 : i32
    return %arg0, %c0_i32, %arg1 : i32, i32, i32
  }
  func.func @transform_3(%arg0: i32, %arg1: i32) -> (i32, i32, i32) {
    %c0_i32 = arith.constant 0 : i32
    %c0_i32_0 = arith.constant 0 : i32
    return %arg0, %c0_i32, %arg1 : i32, i32, i32
  }
  func.func @transform_4(%arg0: i32, %arg1: i32) -> (i32, i32, i32) {
    %c0_i32 = arith.constant 0 : i32
    %c0_i32_0 = arith.constant 0 : i32
    return %arg0, %arg1, %c0_i32 : i32, i32, i32
  }
}

module attributes {stable_mosaic.version = 14 : i64} {
  func.func @_convg_body(%arg0: i32, %arg1: i32, %arg2: memref<1x512x128xf32, #tpu.memory_space<vmem>>, %arg3: memref<3x64xf32, #tpu.memory_space<vmem>>, %arg4: memref<1x20x512x128xf32, #tpu.memory_space<vmem>>, %arg5: memref<1x512x60xf32, #tpu.memory_space<vmem>>, %arg6: memref<1x512x64xf32, #tpu.memory_space<vmem>>) attributes {dimension_semantics = [#tpu.dimension_semantics<arbitrary>, #tpu.dimension_semantics<arbitrary>], iteration_bounds = array<i64: 8, 2>, scalar_prefetch = 0 : i64, scratch_operands = 0 : i64, tpu.core_type = #tpu.core_type<tc>, window_params = [{transform_indices = @transform_0, window_bounds = array<i64: 1, 512, 128>}, {pipeline_mode = #tpu.pipeline_mode<synchronous>, transform_indices = @transform_1, window_bounds = array<i64: 3, 64>}, {transform_indices = @transform_2, window_bounds = array<i64: 1, 20, 512, 128>}, {transform_indices = @transform_3, window_bounds = array<i64: 1, 512, 60>}, {transform_indices = @transform_4, window_bounds = array<i64: 1, 512, 64>}]} {
    %get3A = arith.constant 0 : index
    %get3A_0 = arith.constant 0 : index
    %get3A_1 = arith.constant 0 : index
    %get3A_2 = vector.load %arg2[%get3A, %get3A_0, %get3A_1] : memref<1x512x128xf32, #tpu.memory_space<vmem>>, vector<1x512x128xf32>
    %get3A_3 = vector.shape_cast %get3A_2 : vector<1x512x128xf32> to vector<512x128xf32>
    %get3A_4 = arith.constant 0 : index
    %get3A_5 = arith.constant 0 : index
    %get3A_6 = vector.load %arg3[%get3A_4, %get3A_5] : memref<3x64xf32, #tpu.memory_space<vmem>>, vector<3x64xf32>
    %mul3A = arith.mulf %get3A_6, %get3A_6 : vector<3x64xf32>
    %reduce_sum3A = arith.constant dense<0.000000e+00> : vector<64xf32>
    %reduce_sum3A_7 = vector.multi_reduction <add>, %mul3A, %reduce_sum3A [0] : vector<3x64xf32> to vector<64xf32>
    %broadcast_in_dim3A = vector.shape_cast %reduce_sum3A_7 : vector<64xf32> to vector<1x64xf32>
    %sqrt3A = math.sqrt %broadcast_in_dim3A : vector<1x64xf32>
    %max3A = arith.constant 9.99999996E-13 : f32
    %max3A_8 = vector.broadcast %max3A : f32 to vector<1x64xf32>
    %max3A_9 = arith.maximumf %sqrt3A, %max3A_8 : vector<1x64xf32>
    %div3A = vector.broadcast %max3A_9 : vector<1x64xf32> to vector<3x64xf32>
    %div3A_10 = arith.divf %get3A_6, %div3A : vector<3x64xf32>
    %get3A_11 = arith.constant 0 : index
    %get3A_12 = arith.constant 0 : index
    %get3A_13 = arith.constant 0 : index
    %get3A_14 = arith.constant 0 : index
    %get3A_15 = vector.load %arg4[%get3A_11, %get3A_12, %get3A_13, %get3A_14] : memref<1x20x512x128xf32, #tpu.memory_space<vmem>>, vector<1x20x512x128xf32>
    %get3A_16 = vector.shape_cast %get3A_15 : vector<1x20x512x128xf32> to vector<20x512x128xf32>
    %get3A_17 = arith.constant 0 : index
    %get3A_18 = arith.constant 0 : index
    %get3A_19 = arith.constant 0 : index
    %get3A_20 = vector.load %arg5[%get3A_17, %get3A_18, %get3A_19] : memref<1x512x60xf32, #tpu.memory_space<vmem>>, vector<1x512x60xf32>
    %get3A_21 = vector.shape_cast %get3A_20 : vector<1x512x60xf32> to vector<512x60xf32>
    %slice3A = vector.extract_strided_slice %get3A_21 {offsets = [0, 0], sizes = [512, 3], strides = [1, 1]} : vector<512x60xf32> to vector<512x3xf32>
    %dot_general3A = arith.constant dense<0.000000e+00> : vector<512x64xf32>
    %dot_general3A_22 = tpu.matmul %slice3A, %div3A_10, %dot_general3A {dimension_numbers = #tpu.dot_dimension_numbers<[1], [0], [0], [1], [0, 0, 1, 1], [], []>, transpose_lhs_hint = false} : vector<512x3xf32>, vector<3x64xf32>, vector<512x64xf32> -> vector<512x64xf32>
    %max3A_23 = arith.constant 0.000000e+00 : f32
    %max3A_24 = vector.broadcast %max3A_23 : f32 to vector<512x64xf32>
    %max3A_25 = arith.maximumf %dot_general3A_22, %max3A_24 : vector<512x64xf32>
    %slice3A_26 = vector.extract_strided_slice %get3A_16 {offsets = [0, 0, 0], sizes = [1, 512, 128], strides = [1, 1, 1]} : vector<20x512x128xf32> to vector<1x512x128xf32>
    %squeeze3A = vector.shape_cast %slice3A_26 : vector<1x512x128xf32> to vector<512x128xf32>
    %slice3A_27 = vector.extract_strided_slice %squeeze3A {offsets = [0, 64], sizes = [512, 64], strides = [1, 1]} : vector<512x128xf32> to vector<512x64xf32>
    %mul3A_28 = arith.mulf %max3A_25, %slice3A_27 : vector<512x64xf32>
    %slice3A_29 = vector.extract_strided_slice %get3A_21 {offsets = [0, 3], sizes = [512, 3], strides = [1, 1]} : vector<512x60xf32> to vector<512x3xf32>
    %dot_general3A_30 = arith.constant dense<0.000000e+00> : vector<512x64xf32>
    %dot_general3A_31 = tpu.matmul %slice3A_29, %div3A_10, %dot_general3A_30 {dimension_numbers = #tpu.dot_dimension_numbers<[1], [0], [0], [1], [0, 0, 1, 1], [], []>, transpose_lhs_hint = false} : vector<512x3xf32>, vector<3x64xf32>, vector<512x64xf32> -> vector<512x64xf32>
    %max3A_32 = arith.constant 0.000000e+00 : f32
    %max3A_33 = vector.broadcast %max3A_32 : f32 to vector<512x64xf32>
    %max3A_34 = arith.maximumf %dot_general3A_31, %max3A_33 : vector<512x64xf32>
    %slice3A_35 = vector.extract_strided_slice %get3A_16 {offsets = [1, 0, 0], sizes = [1, 512, 128], strides = [1, 1, 1]} : vector<20x512x128xf32> to vector<1x512x128xf32>
    %squeeze3A_36 = vector.shape_cast %slice3A_35 : vector<1x512x128xf32> to vector<512x128xf32>
    %slice3A_37 = vector.extract_strided_slice %squeeze3A_36 {offsets = [0, 64], sizes = [512, 64], strides = [1, 1]} : vector<512x128xf32> to vector<512x64xf32>
    %mul3A_38 = arith.mulf %max3A_34, %slice3A_37 : vector<512x64xf32>
    %max3A_39 = arith.maximumf %mul3A_28, %mul3A_38 : vector<512x64xf32>
    %slice3A_40 = vector.extract_strided_slice %get3A_21 {offsets = [0, 6], sizes = [512, 3], strides = [1, 1]} : vector<512x60xf32> to vector<512x3xf32>
    %dot_general3A_41 = arith.constant dense<0.000000e+00> : vector<512x64xf32>
    %dot_general3A_42 = tpu.matmul %slice3A_40, %div3A_10, %dot_general3A_41 {dimension_numbers = #tpu.dot_dimension_numbers<[1], [0], [0], [1], [0, 0, 1, 1], [], []>, transpose_lhs_hint = false} : vector<512x3xf32>, vector<3x64xf32>, vector<512x64xf32> -> vector<512x64xf32>
    %max3A_43 = arith.constant 0.000000e+00 : f32
    %max3A_44 = vector.broadcast %max3A_43 : f32 to vector<512x64xf32>
    %max3A_45 = arith.maximumf %dot_general3A_42, %max3A_44 : vector<512x64xf32>
    %slice3A_46 = vector.extract_strided_slice %get3A_16 {offsets = [2, 0, 0], sizes = [1, 512, 128], strides = [1, 1, 1]} : vector<20x512x128xf32> to vector<1x512x128xf32>
    %squeeze3A_47 = vector.shape_cast %slice3A_46 : vector<1x512x128xf32> to vector<512x128xf32>
    %slice3A_48 = vector.extract_strided_slice %squeeze3A_47 {offsets = [0, 64], sizes = [512, 64], strides = [1, 1]} : vector<512x128xf32> to vector<512x64xf32>
    %mul3A_49 = arith.mulf %max3A_45, %slice3A_48 : vector<512x64xf32>
    %max3A_50 = arith.maximumf %max3A_39, %mul3A_49 : vector<512x64xf32>
    %slice3A_51 = vector.extract_strided_slice %get3A_21 {offsets = [0, 9], sizes = [512, 3], strides = [1, 1]} : vector<512x60xf32> to vector<512x3xf32>
    %dot_general3A_52 = arith.constant dense<0.000000e+00> : vector<512x64xf32>
    %dot_general3A_53 = tpu.matmul %slice3A_51, %div3A_10, %dot_general3A_52 {dimension_numbers = #tpu.dot_dimension_numbers<[1], [0], [0], [1], [0, 0, 1, 1], [], []>, transpose_lhs_hint = false} : vector<512x3xf32>, vector<3x64xf32>, vector<512x64xf32> -> vector<512x64xf32>
    %max3A_54 = arith.constant 0.000000e+00 : f32
    %max3A_55 = vector.broadcast %max3A_54 : f32 to vector<512x64xf32>
    %max3A_56 = arith.maximumf %dot_general3A_53, %max3A_55 : vector<512x64xf32>
    %slice3A_57 = vector.extract_strided_slice %get3A_16 {offsets = [3, 0, 0], sizes = [1, 512, 128], strides = [1, 1, 1]} : vector<20x512x128xf32> to vector<1x512x128xf32>
    %squeeze3A_58 = vector.shape_cast %slice3A_57 : vector<1x512x128xf32> to vector<512x128xf32>
    %slice3A_59 = vector.extract_strided_slice %squeeze3A_58 {offsets = [0, 64], sizes = [512, 64], strides = [1, 1]} : vector<512x128xf32> to vector<512x64xf32>
    %mul3A_60 = arith.mulf %max3A_56, %slice3A_59 : vector<512x64xf32>
    %max3A_61 = arith.maximumf %max3A_50, %mul3A_60 : vector<512x64xf32>
    %slice3A_62 = vector.extract_strided_slice %get3A_21 {offsets = [0, 12], sizes = [512, 3], strides = [1, 1]} : vector<512x60xf32> to vector<512x3xf32>
    %dot_general3A_63 = arith.constant dense<0.000000e+00> : vector<512x64xf32>
    %dot_general3A_64 = tpu.matmul %slice3A_62, %div3A_10, %dot_general3A_63 {dimension_numbers = #tpu.dot_dimension_numbers<[1], [0], [0], [1], [0, 0, 1, 1], [], []>, transpose_lhs_hint = false} : vector<512x3xf32>, vector<3x64xf32>, vector<512x64xf32> -> vector<512x64xf32>
    %max3A_65 = arith.constant 0.000000e+00 : f32
    %max3A_66 = vector.broadcast %max3A_65 : f32 to vector<512x64xf32>
    %max3A_67 = arith.maximumf %dot_general3A_64, %max3A_66 : vector<512x64xf32>
    %slice3A_68 = vector.extract_strided_slice %get3A_16 {offsets = [4, 0, 0], sizes = [1, 512, 128], strides = [1, 1, 1]} : vector<20x512x128xf32> to vector<1x512x128xf32>
    %squeeze3A_69 = vector.shape_cast %slice3A_68 : vector<1x512x128xf32> to vector<512x128xf32>
    %slice3A_70 = vector.extract_strided_slice %squeeze3A_69 {offsets = [0, 64], sizes = [512, 64], strides = [1, 1]} : vector<512x128xf32> to vector<512x64xf32>
    %mul3A_71 = arith.mulf %max3A_67, %slice3A_70 : vector<512x64xf32>
    %max3A_72 = arith.maximumf %max3A_61, %mul3A_71 : vector<512x64xf32>
    %slice3A_73 = vector.extract_strided_slice %get3A_21 {offsets = [0, 15], sizes = [512, 3], strides = [1, 1]} : vector<512x60xf32> to vector<512x3xf32>
    %dot_general3A_74 = arith.constant dense<0.000000e+00> : vector<512x64xf32>
    %dot_general3A_75 = tpu.matmul %slice3A_73, %div3A_10, %dot_general3A_74 {dimension_numbers = #tpu.dot_dimension_numbers<[1], [0], [0], [1], [0, 0, 1, 1], [], []>, transpose_lhs_hint = false} : vector<512x3xf32>, vector<3x64xf32>, vector<512x64xf32> -> vector<512x64xf32>
    %max3A_76 = arith.constant 0.000000e+00 : f32
    %max3A_77 = vector.broadcast %max3A_76 : f32 to vector<512x64xf32>
    %max3A_78 = arith.maximumf %dot_general3A_75, %max3A_77 : vector<512x64xf32>
    %slice3A_79 = vector.extract_strided_slice %get3A_16 {offsets = [5, 0, 0], sizes = [1, 512, 128], strides = [1, 1, 1]} : vector<20x512x128xf32> to vector<1x512x128xf32>
    %squeeze3A_80 = vector.shape_cast %slice3A_79 : vector<1x512x128xf32> to vector<512x128xf32>
    %slice3A_81 = vector.extract_strided_slice %squeeze3A_80 {offsets = [0, 64], sizes = [512, 64], strides = [1, 1]} : vector<512x128xf32> to vector<512x64xf32>
    %mul3A_82 = arith.mulf %max3A_78, %slice3A_81 : vector<512x64xf32>
    %max3A_83 = arith.maximumf %max3A_72, %mul3A_82 : vector<512x64xf32>
    %slice3A_84 = vector.extract_strided_slice %get3A_21 {offsets = [0, 18], sizes = [512, 3], strides = [1, 1]} : vector<512x60xf32> to vector<512x3xf32>
    %dot_general3A_85 = arith.constant dense<0.000000e+00> : vector<512x64xf32>
    %dot_general3A_86 = tpu.matmul %slice3A_84, %div3A_10, %dot_general3A_85 {dimension_numbers = #tpu.dot_dimension_numbers<[1], [0], [0], [1], [0, 0, 1, 1], [], []>, transpose_lhs_hint = false} : vector<512x3xf32>, vector<3x64xf32>, vector<512x64xf32> -> vector<512x64xf32>
    %max3A_87 = arith.constant 0.000000e+00 : f32
    %max3A_88 = vector.broadcast %max3A_87 : f32 to vector<512x64xf32>
    %max3A_89 = arith.maximumf %dot_general3A_86, %max3A_88 : vector<512x64xf32>
    %slice3A_90 = vector.extract_strided_slice %get3A_16 {offsets = [6, 0, 0], sizes = [1, 512, 128], strides = [1, 1, 1]} : vector<20x512x128xf32> to vector<1x512x128xf32>
    %squeeze3A_91 = vector.shape_cast %slice3A_90 : vector<1x512x128xf32> to vector<512x128xf32>
    %slice3A_92 = vector.extract_strided_slice %squeeze3A_91 {offsets = [0, 64], sizes = [512, 64], strides = [1, 1]} : vector<512x128xf32> to vector<512x64xf32>
    %mul3A_93 = arith.mulf %max3A_89, %slice3A_92 : vector<512x64xf32>
    %max3A_94 = arith.maximumf %max3A_83, %mul3A_93 : vector<512x64xf32>
    %slice3A_95 = vector.extract_strided_slice %get3A_21 {offsets = [0, 21], sizes = [512, 3], strides = [1, 1]} : vector<512x60xf32> to vector<512x3xf32>
    %dot_general3A_96 = arith.constant dense<0.000000e+00> : vector<512x64xf32>
    %dot_general3A_97 = tpu.matmul %slice3A_95, %div3A_10, %dot_general3A_96 {dimension_numbers = #tpu.dot_dimension_numbers<[1], [0], [0], [1], [0, 0, 1, 1], [], []>, transpose_lhs_hint = false} : vector<512x3xf32>, vector<3x64xf32>, vector<512x64xf32> -> vector<512x64xf32>
    %max3A_98 = arith.constant 0.000000e+00 : f32
    %max3A_99 = vector.broadcast %max3A_98 : f32 to vector<512x64xf32>
    %max3A_100 = arith.maximumf %dot_general3A_97, %max3A_99 : vector<512x64xf32>
    %slice3A_101 = vector.extract_strided_slice %get3A_16 {offsets = [7, 0, 0], sizes = [1, 512, 128], strides = [1, 1, 1]} : vector<20x512x128xf32> to vector<1x512x128xf32>
    %squeeze3A_102 = vector.shape_cast %slice3A_101 : vector<1x512x128xf32> to vector<512x128xf32>
    %slice3A_103 = vector.extract_strided_slice %squeeze3A_102 {offsets = [0, 64], sizes = [512, 64], strides = [1, 1]} : vector<512x128xf32> to vector<512x64xf32>
    %mul3A_104 = arith.mulf %max3A_100, %slice3A_103 : vector<512x64xf32>
    %max3A_105 = arith.maximumf %max3A_94, %mul3A_104 : vector<512x64xf32>
    %slice3A_106 = vector.extract_strided_slice %get3A_21 {offsets = [0, 24], sizes = [512, 3], strides = [1, 1]} : vector<512x60xf32> to vector<512x3xf32>
    %dot_general3A_107 = arith.constant dense<0.000000e+00> : vector<512x64xf32>
    %dot_general3A_108 = tpu.matmul %slice3A_106, %div3A_10, %dot_general3A_107 {dimension_numbers = #tpu.dot_dimension_numbers<[1], [0], [0], [1], [0, 0, 1, 1], [], []>, transpose_lhs_hint = false} : vector<512x3xf32>, vector<3x64xf32>, vector<512x64xf32> -> vector<512x64xf32>
    %max3A_109 = arith.constant 0.000000e+00 : f32
    %max3A_110 = vector.broadcast %max3A_109 : f32 to vector<512x64xf32>
    %max3A_111 = arith.maximumf %dot_general3A_108, %max3A_110 : vector<512x64xf32>
    %slice3A_112 = vector.extract_strided_slice %get3A_16 {offsets = [8, 0, 0], sizes = [1, 512, 128], strides = [1, 1, 1]} : vector<20x512x128xf32> to vector<1x512x128xf32>
    %squeeze3A_113 = vector.shape_cast %slice3A_112 : vector<1x512x128xf32> to vector<512x128xf32>
    %slice3A_114 = vector.extract_strided_slice %squeeze3A_113 {offsets = [0, 64], sizes = [512, 64], strides = [1, 1]} : vector<512x128xf32> to vector<512x64xf32>
    %mul3A_115 = arith.mulf %max3A_111, %slice3A_114 : vector<512x64xf32>
    %max3A_116 = arith.maximumf %max3A_105, %mul3A_115 : vector<512x64xf32>
    %slice3A_117 = vector.extract_strided_slice %get3A_21 {offsets = [0, 27], sizes = [512, 3], strides = [1, 1]} : vector<512x60xf32> to vector<512x3xf32>
    %dot_general3A_118 = arith.constant dense<0.000000e+00> : vector<512x64xf32>
    %dot_general3A_119 = tpu.matmul %slice3A_117, %div3A_10, %dot_general3A_118 {dimension_numbers = #tpu.dot_dimension_numbers<[1], [0], [0], [1], [0, 0, 1, 1], [], []>, transpose_lhs_hint = false} : vector<512x3xf32>, vector<3x64xf32>, vector<512x64xf32> -> vector<512x64xf32>
    %max3A_120 = arith.constant 0.000000e+00 : f32
    %max3A_121 = vector.broadcast %max3A_120 : f32 to vector<512x64xf32>
    %max3A_122 = arith.maximumf %dot_general3A_119, %max3A_121 : vector<512x64xf32>
    %slice3A_123 = vector.extract_strided_slice %get3A_16 {offsets = [9, 0, 0], sizes = [1, 512, 128], strides = [1, 1, 1]} : vector<20x512x128xf32> to vector<1x512x128xf32>
    %squeeze3A_124 = vector.shape_cast %slice3A_123 : vector<1x512x128xf32> to vector<512x128xf32>
    %slice3A_125 = vector.extract_strided_slice %squeeze3A_124 {offsets = [0, 64], sizes = [512, 64], strides = [1, 1]} : vector<512x128xf32> to vector<512x64xf32>
    %mul3A_126 = arith.mulf %max3A_122, %slice3A_125 : vector<512x64xf32>
    %max3A_127 = arith.maximumf %max3A_116, %mul3A_126 : vector<512x64xf32>
    %slice3A_128 = vector.extract_strided_slice %get3A_21 {offsets = [0, 30], sizes = [512, 3], strides = [1, 1]} : vector<512x60xf32> to vector<512x3xf32>
    %dot_general3A_129 = arith.constant dense<0.000000e+00> : vector<512x64xf32>
    %dot_general3A_130 = tpu.matmul %slice3A_128, %div3A_10, %dot_general3A_129 {dimension_numbers = #tpu.dot_dimension_numbers<[1], [0], [0], [1], [0, 0, 1, 1], [], []>, transpose_lhs_hint = false} : vector<512x3xf32>, vector<3x64xf32>, vector<512x64xf32> -> vector<512x64xf32>
    %max3A_131 = arith.constant 0.000000e+00 : f32
    %max3A_132 = vector.broadcast %max3A_131 : f32 to vector<512x64xf32>
    %max3A_133 = arith.maximumf %dot_general3A_130, %max3A_132 : vector<512x64xf32>
    %slice3A_134 = vector.extract_strided_slice %get3A_16 {offsets = [10, 0, 0], sizes = [1, 512, 128], strides = [1, 1, 1]} : vector<20x512x128xf32> to vector<1x512x128xf32>
    %squeeze3A_135 = vector.shape_cast %slice3A_134 : vector<1x512x128xf32> to vector<512x128xf32>
    %slice3A_136 = vector.extract_strided_slice %squeeze3A_135 {offsets = [0, 64], sizes = [512, 64], strides = [1, 1]} : vector<512x128xf32> to vector<512x64xf32>
    %mul3A_137 = arith.mulf %max3A_133, %slice3A_136 : vector<512x64xf32>
    %max3A_138 = arith.maximumf %max3A_127, %mul3A_137 : vector<512x64xf32>
    %slice3A_139 = vector.extract_strided_slice %get3A_21 {offsets = [0, 33], sizes = [512, 3], strides = [1, 1]} : vector<512x60xf32> to vector<512x3xf32>
    %dot_general3A_140 = arith.constant dense<0.000000e+00> : vector<512x64xf32>
    %dot_general3A_141 = tpu.matmul %slice3A_139, %div3A_10, %dot_general3A_140 {dimension_numbers = #tpu.dot_dimension_numbers<[1], [0], [0], [1], [0, 0, 1, 1], [], []>, transpose_lhs_hint = false} : vector<512x3xf32>, vector<3x64xf32>, vector<512x64xf32> -> vector<512x64xf32>
    %max3A_142 = arith.constant 0.000000e+00 : f32
    %max3A_143 = vector.broadcast %max3A_142 : f32 to vector<512x64xf32>
    %max3A_144 = arith.maximumf %dot_general3A_141, %max3A_143 : vector<512x64xf32>
    %slice3A_145 = vector.extract_strided_slice %get3A_16 {offsets = [11, 0, 0], sizes = [1, 512, 128], strides = [1, 1, 1]} : vector<20x512x128xf32> to vector<1x512x128xf32>
    %squeeze3A_146 = vector.shape_cast %slice3A_145 : vector<1x512x128xf32> to vector<512x128xf32>
    %slice3A_147 = vector.extract_strided_slice %squeeze3A_146 {offsets = [0, 64], sizes = [512, 64], strides = [1, 1]} : vector<512x128xf32> to vector<512x64xf32>
    %mul3A_148 = arith.mulf %max3A_144, %slice3A_147 : vector<512x64xf32>
    %max3A_149 = arith.maximumf %max3A_138, %mul3A_148 : vector<512x64xf32>
    %slice3A_150 = vector.extract_strided_slice %get3A_21 {offsets = [0, 36], sizes = [512, 3], strides = [1, 1]} : vector<512x60xf32> to vector<512x3xf32>
    %dot_general3A_151 = arith.constant dense<0.000000e+00> : vector<512x64xf32>
    %dot_general3A_152 = tpu.matmul %slice3A_150, %div3A_10, %dot_general3A_151 {dimension_numbers = #tpu.dot_dimension_numbers<[1], [0], [0], [1], [0, 0, 1, 1], [], []>, transpose_lhs_hint = false} : vector<512x3xf32>, vector<3x64xf32>, vector<512x64xf32> -> vector<512x64xf32>
    %max3A_153 = arith.constant 0.000000e+00 : f32
    %max3A_154 = vector.broadcast %max3A_153 : f32 to vector<512x64xf32>
    %max3A_155 = arith.maximumf %dot_general3A_152, %max3A_154 : vector<512x64xf32>
    %slice3A_156 = vector.extract_strided_slice %get3A_16 {offsets = [12, 0, 0], sizes = [1, 512, 128], strides = [1, 1, 1]} : vector<20x512x128xf32> to vector<1x512x128xf32>
    %squeeze3A_157 = vector.shape_cast %slice3A_156 : vector<1x512x128xf32> to vector<512x128xf32>
    %slice3A_158 = vector.extract_strided_slice %squeeze3A_157 {offsets = [0, 64], sizes = [512, 64], strides = [1, 1]} : vector<512x128xf32> to vector<512x64xf32>
    %mul3A_159 = arith.mulf %max3A_155, %slice3A_158 : vector<512x64xf32>
    %max3A_160 = arith.maximumf %max3A_149, %mul3A_159 : vector<512x64xf32>
    %slice3A_161 = vector.extract_strided_slice %get3A_21 {offsets = [0, 39], sizes = [512, 3], strides = [1, 1]} : vector<512x60xf32> to vector<512x3xf32>
    %dot_general3A_162 = arith.constant dense<0.000000e+00> : vector<512x64xf32>
    %dot_general3A_163 = tpu.matmul %slice3A_161, %div3A_10, %dot_general3A_162 {dimension_numbers = #tpu.dot_dimension_numbers<[1], [0], [0], [1], [0, 0, 1, 1], [], []>, transpose_lhs_hint = false} : vector<512x3xf32>, vector<3x64xf32>, vector<512x64xf32> -> vector<512x64xf32>
    %max3A_164 = arith.constant 0.000000e+00 : f32
    %max3A_165 = vector.broadcast %max3A_164 : f32 to vector<512x64xf32>
    %max3A_166 = arith.maximumf %dot_general3A_163, %max3A_165 : vector<512x64xf32>
    %slice3A_167 = vector.extract_strided_slice %get3A_16 {offsets = [13, 0, 0], sizes = [1, 512, 128], strides = [1, 1, 1]} : vector<20x512x128xf32> to vector<1x512x128xf32>
    %squeeze3A_168 = vector.shape_cast %slice3A_167 : vector<1x512x128xf32> to vector<512x128xf32>
    %slice3A_169 = vector.extract_strided_slice %squeeze3A_168 {offsets = [0, 64], sizes = [512, 64], strides = [1, 1]} : vector<512x128xf32> to vector<512x64xf32>
    %mul3A_170 = arith.mulf %max3A_166, %slice3A_169 : vector<512x64xf32>
    %max3A_171 = arith.maximumf %max3A_160, %mul3A_170 : vector<512x64xf32>
    %slice3A_172 = vector.extract_strided_slice %get3A_21 {offsets = [0, 42], sizes = [512, 3], strides = [1, 1]} : vector<512x60xf32> to vector<512x3xf32>
    %dot_general3A_173 = arith.constant dense<0.000000e+00> : vector<512x64xf32>
    %dot_general3A_174 = tpu.matmul %slice3A_172, %div3A_10, %dot_general3A_173 {dimension_numbers = #tpu.dot_dimension_numbers<[1], [0], [0], [1], [0, 0, 1, 1], [], []>, transpose_lhs_hint = false} : vector<512x3xf32>, vector<3x64xf32>, vector<512x64xf32> -> vector<512x64xf32>
    %max3A_175 = arith.constant 0.000000e+00 : f32
    %max3A_176 = vector.broadcast %max3A_175 : f32 to vector<512x64xf32>
    %max3A_177 = arith.maximumf %dot_general3A_174, %max3A_176 : vector<512x64xf32>
    %slice3A_178 = vector.extract_strided_slice %get3A_16 {offsets = [14, 0, 0], sizes = [1, 512, 128], strides = [1, 1, 1]} : vector<20x512x128xf32> to vector<1x512x128xf32>
    %squeeze3A_179 = vector.shape_cast %slice3A_178 : vector<1x512x128xf32> to vector<512x128xf32>
    %slice3A_180 = vector.extract_strided_slice %squeeze3A_179 {offsets = [0, 64], sizes = [512, 64], strides = [1, 1]} : vector<512x128xf32> to vector<512x64xf32>
    %mul3A_181 = arith.mulf %max3A_177, %slice3A_180 : vector<512x64xf32>
    %max3A_182 = arith.maximumf %max3A_171, %mul3A_181 : vector<512x64xf32>
    %slice3A_183 = vector.extract_strided_slice %get3A_21 {offsets = [0, 45], sizes = [512, 3], strides = [1, 1]} : vector<512x60xf32> to vector<512x3xf32>
    %dot_general3A_184 = arith.constant dense<0.000000e+00> : vector<512x64xf32>
    %dot_general3A_185 = tpu.matmul %slice3A_183, %div3A_10, %dot_general3A_184 {dimension_numbers = #tpu.dot_dimension_numbers<[1], [0], [0], [1], [0, 0, 1, 1], [], []>, transpose_lhs_hint = false} : vector<512x3xf32>, vector<3x64xf32>, vector<512x64xf32> -> vector<512x64xf32>
    %max3A_186 = arith.constant 0.000000e+00 : f32
    %max3A_187 = vector.broadcast %max3A_186 : f32 to vector<512x64xf32>
    %max3A_188 = arith.maximumf %dot_general3A_185, %max3A_187 : vector<512x64xf32>
    %slice3A_189 = vector.extract_strided_slice %get3A_16 {offsets = [15, 0, 0], sizes = [1, 512, 128], strides = [1, 1, 1]} : vector<20x512x128xf32> to vector<1x512x128xf32>
    %squeeze3A_190 = vector.shape_cast %slice3A_189 : vector<1x512x128xf32> to vector<512x128xf32>
    %slice3A_191 = vector.extract_strided_slice %squeeze3A_190 {offsets = [0, 64], sizes = [512, 64], strides = [1, 1]} : vector<512x128xf32> to vector<512x64xf32>
    %mul3A_192 = arith.mulf %max3A_188, %slice3A_191 : vector<512x64xf32>
    %max3A_193 = arith.maximumf %max3A_182, %mul3A_192 : vector<512x64xf32>
    %slice3A_194 = vector.extract_strided_slice %get3A_21 {offsets = [0, 48], sizes = [512, 3], strides = [1, 1]} : vector<512x60xf32> to vector<512x3xf32>
    %dot_general3A_195 = arith.constant dense<0.000000e+00> : vector<512x64xf32>
    %dot_general3A_196 = tpu.matmul %slice3A_194, %div3A_10, %dot_general3A_195 {dimension_numbers = #tpu.dot_dimension_numbers<[1], [0], [0], [1], [0, 0, 1, 1], [], []>, transpose_lhs_hint = false} : vector<512x3xf32>, vector<3x64xf32>, vector<512x64xf32> -> vector<512x64xf32>
    %max3A_197 = arith.constant 0.000000e+00 : f32
    %max3A_198 = vector.broadcast %max3A_197 : f32 to vector<512x64xf32>
    %max3A_199 = arith.maximumf %dot_general3A_196, %max3A_198 : vector<512x64xf32>
    %slice3A_200 = vector.extract_strided_slice %get3A_16 {offsets = [16, 0, 0], sizes = [1, 512, 128], strides = [1, 1, 1]} : vector<20x512x128xf32> to vector<1x512x128xf32>
    %squeeze3A_201 = vector.shape_cast %slice3A_200 : vector<1x512x128xf32> to vector<512x128xf32>
    %slice3A_202 = vector.extract_strided_slice %squeeze3A_201 {offsets = [0, 64], sizes = [512, 64], strides = [1, 1]} : vector<512x128xf32> to vector<512x64xf32>
    %mul3A_203 = arith.mulf %max3A_199, %slice3A_202 : vector<512x64xf32>
    %max3A_204 = arith.maximumf %max3A_193, %mul3A_203 : vector<512x64xf32>
    %slice3A_205 = vector.extract_strided_slice %get3A_21 {offsets = [0, 51], sizes = [512, 3], strides = [1, 1]} : vector<512x60xf32> to vector<512x3xf32>
    %dot_general3A_206 = arith.constant dense<0.000000e+00> : vector<512x64xf32>
    %dot_general3A_207 = tpu.matmul %slice3A_205, %div3A_10, %dot_general3A_206 {dimension_numbers = #tpu.dot_dimension_numbers<[1], [0], [0], [1], [0, 0, 1, 1], [], []>, transpose_lhs_hint = false} : vector<512x3xf32>, vector<3x64xf32>, vector<512x64xf32> -> vector<512x64xf32>
    %max3A_208 = arith.constant 0.000000e+00 : f32
    %max3A_209 = vector.broadcast %max3A_208 : f32 to vector<512x64xf32>
    %max3A_210 = arith.maximumf %dot_general3A_207, %max3A_209 : vector<512x64xf32>
    %slice3A_211 = vector.extract_strided_slice %get3A_16 {offsets = [17, 0, 0], sizes = [1, 512, 128], strides = [1, 1, 1]} : vector<20x512x128xf32> to vector<1x512x128xf32>
    %squeeze3A_212 = vector.shape_cast %slice3A_211 : vector<1x512x128xf32> to vector<512x128xf32>
    %slice3A_213 = vector.extract_strided_slice %squeeze3A_212 {offsets = [0, 64], sizes = [512, 64], strides = [1, 1]} : vector<512x128xf32> to vector<512x64xf32>
    %mul3A_214 = arith.mulf %max3A_210, %slice3A_213 : vector<512x64xf32>
    %max3A_215 = arith.maximumf %max3A_204, %mul3A_214 : vector<512x64xf32>
    %slice3A_216 = vector.extract_strided_slice %get3A_21 {offsets = [0, 54], sizes = [512, 3], strides = [1, 1]} : vector<512x60xf32> to vector<512x3xf32>
    %dot_general3A_217 = arith.constant dense<0.000000e+00> : vector<512x64xf32>
    %dot_general3A_218 = tpu.matmul %slice3A_216, %div3A_10, %dot_general3A_217 {dimension_numbers = #tpu.dot_dimension_numbers<[1], [0], [0], [1], [0, 0, 1, 1], [], []>, transpose_lhs_hint = false} : vector<512x3xf32>, vector<3x64xf32>, vector<512x64xf32> -> vector<512x64xf32>
    %max3A_219 = arith.constant 0.000000e+00 : f32
    %max3A_220 = vector.broadcast %max3A_219 : f32 to vector<512x64xf32>
    %max3A_221 = arith.maximumf %dot_general3A_218, %max3A_220 : vector<512x64xf32>
    %slice3A_222 = vector.extract_strided_slice %get3A_16 {offsets = [18, 0, 0], sizes = [1, 512, 128], strides = [1, 1, 1]} : vector<20x512x128xf32> to vector<1x512x128xf32>
    %squeeze3A_223 = vector.shape_cast %slice3A_222 : vector<1x512x128xf32> to vector<512x128xf32>
    %slice3A_224 = vector.extract_strided_slice %squeeze3A_223 {offsets = [0, 64], sizes = [512, 64], strides = [1, 1]} : vector<512x128xf32> to vector<512x64xf32>
    %mul3A_225 = arith.mulf %max3A_221, %slice3A_224 : vector<512x64xf32>
    %max3A_226 = arith.maximumf %max3A_215, %mul3A_225 : vector<512x64xf32>
    %slice3A_227 = vector.extract_strided_slice %get3A_21 {offsets = [0, 57], sizes = [512, 3], strides = [1, 1]} : vector<512x60xf32> to vector<512x3xf32>
    %dot_general3A_228 = arith.constant dense<0.000000e+00> : vector<512x64xf32>
    %dot_general3A_229 = tpu.matmul %slice3A_227, %div3A_10, %dot_general3A_228 {dimension_numbers = #tpu.dot_dimension_numbers<[1], [0], [0], [1], [0, 0, 1, 1], [], []>, transpose_lhs_hint = false} : vector<512x3xf32>, vector<3x64xf32>, vector<512x64xf32> -> vector<512x64xf32>
    %max3A_230 = arith.constant 0.000000e+00 : f32
    %max3A_231 = vector.broadcast %max3A_230 : f32 to vector<512x64xf32>
    %max3A_232 = arith.maximumf %dot_general3A_229, %max3A_231 : vector<512x64xf32>
    %slice3A_233 = vector.extract_strided_slice %get3A_16 {offsets = [19, 0, 0], sizes = [1, 512, 128], strides = [1, 1, 1]} : vector<20x512x128xf32> to vector<1x512x128xf32>
    %squeeze3A_234 = vector.shape_cast %slice3A_233 : vector<1x512x128xf32> to vector<512x128xf32>
    %slice3A_235 = vector.extract_strided_slice %squeeze3A_234 {offsets = [0, 64], sizes = [512, 64], strides = [1, 1]} : vector<512x128xf32> to vector<512x64xf32>
    %mul3A_236 = arith.mulf %max3A_232, %slice3A_235 : vector<512x64xf32>
    %max3A_237 = arith.maximumf %max3A_226, %mul3A_236 : vector<512x64xf32>
    %slice3A_238 = vector.extract_strided_slice %get3A_3 {offsets = [0, 0], sizes = [512, 64], strides = [1, 1]} : vector<512x128xf32> to vector<512x64xf32>
    %add3A = arith.addf %slice3A_238, %max3A_237 : vector<512x64xf32>
    %max3A_239 = arith.constant 0.000000e+00 : f32
    %max3A_240 = vector.broadcast %max3A_239 : f32 to vector<512x64xf32>
    %max3A_241 = arith.maximumf %add3A, %max3A_240 : vector<512x64xf32>
    %swap3A = arith.constant 0 : index
    %swap3A_242 = arith.constant 0 : index
    %swap3A_243 = arith.constant 0 : index
    %swap3A_244 = vector.load %arg6[%swap3A, %swap3A_242, %swap3A_243] : memref<1x512x64xf32, #tpu.memory_space<vmem>>, vector<1x512x64xf32>
    %swap3A_245 = vector.shape_cast %swap3A_244 : vector<1x512x64xf32> to vector<512x64xf32>
    %swap3A_246 = vector.shape_cast %max3A_241 : vector<512x64xf32> to vector<1x512x64xf32>
    tpu.vector_store %arg6[%swap3A, %swap3A_242, %swap3A_243], %swap3A_246 {strides = array<i32>} : memref<1x512x64xf32, #tpu.memory_space<vmem>>, vector<1x512x64xf32>,
    return
  }
  func.func @transform_0(%arg0: i32, %arg1: i32) -> (i32, i32, i32) {
    %c0_i32 = arith.constant 0 : i32
    %c0_i32_0 = arith.constant 0 : i32
    return %arg0, %arg1, %c0_i32 : i32, i32, i32
  }
  func.func @transform_1(%arg0: i32, %arg1: i32) -> (i32, i32) {
    %c0_i32 = arith.constant 0 : i32
    %c0_i32_0 = arith.constant 0 : i32
    %c0_i32_1 = arith.constant 0 : i32
    return %c0_i32, %c0_i32_0 : i32, i32
  }
  func.func @transform_2(%arg0: i32, %arg1: i32) -> (i32, i32, i32, i32) {
    %c0_i32 = arith.constant 0 : i32
    %c0_i32_0 = arith.constant 0 : i32
    %c0_i32_1 = arith.constant 0 : i32
    return %arg0, %c0_i32, %arg1, %c0_i32_0 : i32, i32, i32, i32
  }
  func.func @transform_3(%arg0: i32, %arg1: i32) -> (i32, i32, i32) {
    %c0_i32 = arith.constant 0 : i32
    %c0_i32_0 = arith.constant 0 : i32
    return %arg0, %arg1, %c0_i32 : i32, i32, i32
  }
  func.func @transform_4(%arg0: i32, %arg1: i32) -> (i32, i32, i32) {
    %c0_i32 = arith.constant 0 : i32
    %c0_i32_0 = arith.constant 0 : i32
    return %arg0, %arg1, %c0_i32 : i32, i32, i32
  }
}

module attributes {stable_mosaic.version = 14 : i64} {
  func.func @_pool_body(%arg0: i32, %arg1: i32, %arg2: memref<1x3x256xf32, #tpu.memory_space<vmem>>, %arg3: memref<1x1024x3xf32, #tpu.memory_space<vmem>>, %arg4: memref<1x1024x64xf32, #tpu.memory_space<vmem>>, %arg5: memref<1x256x64xf32, #tpu.memory_space<vmem>>) attributes {dimension_semantics = [#tpu.dimension_semantics<arbitrary>, #tpu.dimension_semantics<arbitrary>], iteration_bounds = array<i64: 8, 1>, scalar_prefetch = 0 : i64, scratch_operands = 0 : i64, tpu.core_type = #tpu.core_type<tc>, window_params = [{transform_indices = @transform_0, window_bounds = array<i64: 1, 3, 256>}, {transform_indices = @transform_1, window_bounds = array<i64: 1, 1024, 3>}, {transform_indices = @transform_2, window_bounds = array<i64: 1, 1024, 64>}, {transform_indices = @transform_3, window_bounds = array<i64: 1, 256, 64>}]} {
    %get3A = arith.constant 0 : index
    %get3A_0 = arith.constant 0 : index
    %get3A_1 = arith.constant 0 : index
    %get3A_2 = vector.load %arg2[%get3A, %get3A_0, %get3A_1] : memref<1x3x256xf32, #tpu.memory_space<vmem>>, vector<1x3x256xf32>
    %get3A_3 = vector.shape_cast %get3A_2 : vector<1x3x256xf32> to vector<3x256xf32>
    %get3A_4 = arith.constant 0 : index
    %get3A_5 = arith.constant 0 : index
    %get3A_6 = arith.constant 0 : index
    %get3A_7 = vector.load %arg3[%get3A_4, %get3A_5, %get3A_6] : memref<1x1024x3xf32, #tpu.memory_space<vmem>>, vector<1x1024x3xf32>
    %get3A_8 = vector.shape_cast %get3A_7 : vector<1x1024x3xf32> to vector<1024x3xf32>
    %get3A_9 = arith.constant 0 : index
    %get3A_10 = arith.constant 0 : index
    %get3A_11 = arith.constant 0 : index
    %get3A_12 = vector.load %arg4[%get3A_9, %get3A_10, %get3A_11] : memref<1x1024x64xf32, #tpu.memory_space<vmem>>, vector<1x1024x64xf32>
    %get3A_13 = vector.shape_cast %get3A_12 : vector<1x1024x64xf32> to vector<1024x64xf32>
    %iota3A = tpu.iota {dimensions = array<i32: 0>} : vector<1024x256xi32>
    %slice3A = vector.extract_strided_slice %get3A_8 {offsets = [0, 0], sizes = [1024, 1], strides = [1, 1]} : vector<1024x3xf32> to vector<1024x1xf32>
    %slice3A_14 = vector.extract_strided_slice %get3A_8 {offsets = [0, 1], sizes = [1024, 1], strides = [1, 1]} : vector<1024x3xf32> to vector<1024x1xf32>
    %slice3A_15 = vector.extract_strided_slice %get3A_8 {offsets = [0, 2], sizes = [1024, 1], strides = [1, 1]} : vector<1024x3xf32> to vector<1024x1xf32>
    %slice3A_16 = vector.extract_strided_slice %get3A_3 {offsets = [0, 0], sizes = [1, 256], strides = [1, 1]} : vector<3x256xf32> to vector<1x256xf32>
    %slice3A_17 = vector.extract_strided_slice %get3A_3 {offsets = [1, 0], sizes = [1, 256], strides = [1, 1]} : vector<3x256xf32> to vector<1x256xf32>
    %slice3A_18 = vector.extract_strided_slice %get3A_3 {offsets = [2, 0], sizes = [1, 256], strides = [1, 1]} : vector<3x256xf32> to vector<1x256xf32>
    %mul3A = vector.broadcast %slice3A : vector<1024x1xf32> to vector<1024x256xf32>
    %mul3A_19 = vector.broadcast %slice3A_16 : vector<1x256xf32> to vector<1024x256xf32>
    %mul3A_20 = arith.mulf %mul3A, %mul3A_19 : vector<1024x256xf32>
    %mul3A_21 = vector.broadcast %slice3A_14 : vector<1024x1xf32> to vector<1024x256xf32>
    %mul3A_22 = vector.broadcast %slice3A_17 : vector<1x256xf32> to vector<1024x256xf32>
    %mul3A_23 = arith.mulf %mul3A_21, %mul3A_22 : vector<1024x256xf32>
    %add3A = arith.addf %mul3A_20, %mul3A_23 : vector<1024x256xf32>
    %mul3A_24 = vector.broadcast %slice3A_15 : vector<1024x1xf32> to vector<1024x256xf32>
    %mul3A_25 = vector.broadcast %slice3A_18 : vector<1x256xf32> to vector<1024x256xf32>
    %mul3A_26 = arith.mulf %mul3A_24, %mul3A_25 : vector<1024x256xf32>
    %add3A_27 = arith.addf %add3A, %mul3A_26 : vector<1024x256xf32>
    %mul3A_28 = arith.mulf %slice3A, %slice3A : vector<1024x1xf32>
    %mul3A_29 = arith.mulf %slice3A_14, %slice3A_14 : vector<1024x1xf32>
    %add3A_30 = arith.addf %mul3A_28, %mul3A_29 : vector<1024x1xf32>
    %mul3A_31 = arith.mulf %slice3A_15, %slice3A_15 : vector<1024x1xf32>
    %add3A_32 = arith.addf %add3A_30, %mul3A_31 : vector<1024x1xf32>
    %mul3A_33 = arith.mulf %slice3A_16, %slice3A_16 : vector<1x256xf32>
    %mul3A_34 = arith.mulf %slice3A_17, %slice3A_17 : vector<1x256xf32>
    %add3A_35 = arith.addf %mul3A_33, %mul3A_34 : vector<1x256xf32>
    %mul3A_36 = arith.mulf %slice3A_18, %slice3A_18 : vector<1x256xf32>
    %add3A_37 = arith.addf %add3A_35, %mul3A_36 : vector<1x256xf32>
    %mul3A_38 = arith.constant -2.000000e+00 : f32
    %mul3A_39 = vector.broadcast %mul3A_38 : f32 to vector<1024x256xf32>
    %mul3A_40 = arith.mulf %mul3A_39, %add3A_27 : vector<1024x256xf32>
    %add3A_41 = vector.broadcast %add3A_32 : vector<1024x1xf32> to vector<1024x256xf32>
    %add3A_42 = arith.addf %mul3A_40, %add3A_41 : vector<1024x256xf32>
    %add3A_43 = vector.broadcast %add3A_37 : vector<1x256xf32> to vector<1024x256xf32>
    %add3A_44 = arith.addf %add3A_42, %add3A_43 : vector<1024x256xf32>
    %neg3A = arith.constant 0.000000e+00 : f32
    %neg3A_45 = vector.broadcast %neg3A : f32 to vector<1024x256xf32>
    %neg3A_46 = arith.subf %neg3A_45, %add3A_44 : vector<1024x256xf32>
    %reduce_max3A = arith.constant dense<0xFF800000> : vector<256xf32>
    %reduce_max3A_47 = vector.multi_reduction <maximumf>, %neg3A_46, %reduce_max3A [0] : vector<1024x256xf32> to vector<256xf32>
    %broadcast_in_dim3A = vector.shape_cast %reduce_max3A_47 : vector<256xf32> to vector<1x256xf32>
    %eq3A = vector.broadcast %broadcast_in_dim3A : vector<1x256xf32> to vector<1024x256xf32>
    %eq3A_48 = arith.cmpf oeq, %neg3A_46, %eq3A : vector<1024x256xf32>
    %jit3A = arith.constant 1024 : i32
    %broadcast_in_dim3A_49 = vector.broadcast %jit3A : i32 to vector<1024x256xi32>
    %select_n3A = arith.select %eq3A_48, %iota3A, %broadcast_in_dim3A_49 : vector<1024x256xi1>, vector<1024x256xi32>
    %reduce_min3A = arith.constant dense<2147483647> : vector<256xi32>
    %reduce_min3A_50 = vector.multi_reduction <minsi>, %select_n3A, %reduce_min3A [0] : vector<1024x256xi32> to vector<256xi32>
    %broadcast_in_dim3A_51 = vector.shape_cast %reduce_min3A_50 : vector<256xi32> to vector<1x256xi32>
    %eq3A_52 = vector.broadcast %broadcast_in_dim3A_51 : vector<1x256xi32> to vector<1024x256xi32>
    %eq3A_53 = arith.cmpi eq, %iota3A, %eq3A_52 : vector<1024x256xi32>
    %jit3A_54 = arith.constant 0xFF800000 : f32
    %broadcast_in_dim3A_55 = vector.broadcast %jit3A_54 : f32 to vector<1024x256xf32>
    %select_n3A_56 = arith.select %eq3A_53, %broadcast_in_dim3A_55, %neg3A_46 : vector<1024x256xi1>, vector<1024x256xf32>
    %reduce_max3A_57 = arith.constant dense<0xFF800000> : vector<256xf32>
    %reduce_max3A_58 = vector.multi_reduction <maximumf>, %select_n3A_56, %reduce_max3A_57 [0] : vector<1024x256xf32> to vector<256xf32>
    %broadcast_in_dim3A_59 = vector.shape_cast %reduce_max3A_58 : vector<256xf32> to vector<1x256xf32>
    %eq3A_60 = vector.broadcast %broadcast_in_dim3A_59 : vector<1x256xf32> to vector<1024x256xf32>
    %eq3A_61 = arith.cmpf oeq, %select_n3A_56, %eq3A_60 : vector<1024x256xf32>
    %jit3A_62 = arith.constant 1024 : i32
    %broadcast_in_dim3A_63 = vector.broadcast %jit3A_62 : i32 to vector<1024x256xi32>
    %select_n3A_64 = arith.select %eq3A_61, %iota3A, %broadcast_in_dim3A_63 : vector<1024x256xi1>, vector<1024x256xi32>
    %reduce_min3A_65 = arith.constant dense<2147483647> : vector<256xi32>
    %reduce_min3A_66 = vector.multi_reduction <minsi>, %select_n3A_64, %reduce_min3A_65 [0] : vector<1024x256xi32> to vector<256xi32>
    %broadcast_in_dim3A_67 = vector.shape_cast %reduce_min3A_66 : vector<256xi32> to vector<1x256xi32>
    %eq3A_68 = vector.broadcast %broadcast_in_dim3A_67 : vector<1x256xi32> to vector<1024x256xi32>
    %eq3A_69 = arith.cmpi eq, %iota3A, %eq3A_68 : vector<1024x256xi32>
    %jit3A_70 = arith.constant 0xFF800000 : f32
    %broadcast_in_dim3A_71 = vector.broadcast %jit3A_70 : f32 to vector<1024x256xf32>
    %select_n3A_72 = arith.select %eq3A_69, %broadcast_in_dim3A_71, %select_n3A_56 : vector<1024x256xi1>, vector<1024x256xf32>
    %convert_element_type3A = arith.extui %eq3A_69 : vector<1024x256xi1> to vector<1024x256xi32>
    %convert_element_type3A_73 = arith.sitofp %convert_element_type3A : vector<1024x256xi32> to vector<1024x256xf32>
    %dot_general3A = arith.constant dense<0.000000e+00> : vector<256x64xf32>
    %dot_general3A_74 = tpu.matmul %convert_element_type3A_73, %get3A_13, %dot_general3A {dimension_numbers = #tpu.dot_dimension_numbers<[0], [0], [1], [1], [0, 1, 1, 1], [], []>, transpose_lhs_hint = false} : vector<1024x256xf32>, vector<1024x64xf32>, vector<256x64xf32> -> vector<256x64xf32>
    %reduce_max3A_75 = arith.constant dense<0xFF800000> : vector<256xf32>
    %reduce_max3A_76 = vector.multi_reduction <maximumf>, %select_n3A_72, %reduce_max3A_75 [0] : vector<1024x256xf32> to vector<256xf32>
    %broadcast_in_dim3A_77 = vector.shape_cast %reduce_max3A_76 : vector<256xf32> to vector<1x256xf32>
    %eq3A_78 = vector.broadcast %broadcast_in_dim3A_77 : vector<1x256xf32> to vector<1024x256xf32>
    %eq3A_79 = arith.cmpf oeq, %select_n3A_72, %eq3A_78 : vector<1024x256xf32>
    %jit3A_80 = arith.constant 1024 : i32
    %broadcast_in_dim3A_81 = vector.broadcast %jit3A_80 : i32 to vector<1024x256xi32>
    %select_n3A_82 = arith.select %eq3A_79, %iota3A, %broadcast_in_dim3A_81 : vector<1024x256xi1>, vector<1024x256xi32>
    %reduce_min3A_83 = arith.constant dense<2147483647> : vector<256xi32>
    %reduce_min3A_84 = vector.multi_reduction <minsi>, %select_n3A_82, %reduce_min3A_83 [0] : vector<1024x256xi32> to vector<256xi32>
    %broadcast_in_dim3A_85 = vector.shape_cast %reduce_min3A_84 : vector<256xi32> to vector<1x256xi32>
    %eq3A_86 = vector.broadcast %broadcast_in_dim3A_85 : vector<1x256xi32> to vector<1024x256xi32>
    %eq3A_87 = arith.cmpi eq, %iota3A, %eq3A_86 : vector<1024x256xi32>
    %jit3A_88 = arith.constant 0xFF800000 : f32
    %broadcast_in_dim3A_89 = vector.broadcast %jit3A_88 : f32 to vector<1024x256xf32>
    %select_n3A_90 = arith.select %eq3A_87, %broadcast_in_dim3A_89, %select_n3A_72 : vector<1024x256xi1>, vector<1024x256xf32>
    %convert_element_type3A_91 = arith.extui %eq3A_87 : vector<1024x256xi1> to vector<1024x256xi32>
    %convert_element_type3A_92 = arith.sitofp %convert_element_type3A_91 : vector<1024x256xi32> to vector<1024x256xf32>
    %dot_general3A_93 = arith.constant dense<0.000000e+00> : vector<256x64xf32>
    %dot_general3A_94 = tpu.matmul %convert_element_type3A_92, %get3A_13, %dot_general3A_93 {dimension_numbers = #tpu.dot_dimension_numbers<[0], [0], [1], [1], [0, 1, 1, 1], [], []>, transpose_lhs_hint = false} : vector<1024x256xf32>, vector<1024x64xf32>, vector<256x64xf32> -> vector<256x64xf32>
    %max3A = arith.maximumf %dot_general3A_74, %dot_general3A_94 : vector<256x64xf32>
    %reduce_max3A_95 = arith.constant dense<0xFF800000> : vector<256xf32>
    %reduce_max3A_96 = vector.multi_reduction <maximumf>, %select_n3A_90, %reduce_max3A_95 [0] : vector<1024x256xf32> to vector<256xf32>
    %broadcast_in_dim3A_97 = vector.shape_cast %reduce_max3A_96 : vector<256xf32> to vector<1x256xf32>
    %eq3A_98 = vector.broadcast %broadcast_in_dim3A_97 : vector<1x256xf32> to vector<1024x256xf32>
    %eq3A_99 = arith.cmpf oeq, %select_n3A_90, %eq3A_98 : vector<1024x256xf32>
    %jit3A_100 = arith.constant 1024 : i32
    %broadcast_in_dim3A_101 = vector.broadcast %jit3A_100 : i32 to vector<1024x256xi32>
    %select_n3A_102 = arith.select %eq3A_99, %iota3A, %broadcast_in_dim3A_101 : vector<1024x256xi1>, vector<1024x256xi32>
    %reduce_min3A_103 = arith.constant dense<2147483647> : vector<256xi32>
    %reduce_min3A_104 = vector.multi_reduction <minsi>, %select_n3A_102, %reduce_min3A_103 [0] : vector<1024x256xi32> to vector<256xi32>
    %broadcast_in_dim3A_105 = vector.shape_cast %reduce_min3A_104 : vector<256xi32> to vector<1x256xi32>
    %eq3A_106 = vector.broadcast %broadcast_in_dim3A_105 : vector<1x256xi32> to vector<1024x256xi32>
    %eq3A_107 = arith.cmpi eq, %iota3A, %eq3A_106 : vector<1024x256xi32>
    %jit3A_108 = arith.constant 0xFF800000 : f32
    %broadcast_in_dim3A_109 = vector.broadcast %jit3A_108 : f32 to vector<1024x256xf32>
    %select_n3A_110 = arith.select %eq3A_107, %broadcast_in_dim3A_109, %select_n3A_90 : vector<1024x256xi1>, vector<1024x256xf32>
    %convert_element_type3A_111 = arith.extui %eq3A_107 : vector<1024x256xi1> to vector<1024x256xi32>
    %convert_element_type3A_112 = arith.sitofp %convert_element_type3A_111 : vector<1024x256xi32> to vector<1024x256xf32>
    %dot_general3A_113 = arith.constant dense<0.000000e+00> : vector<256x64xf32>
    %dot_general3A_114 = tpu.matmul %convert_element_type3A_112, %get3A_13, %dot_general3A_113 {dimension_numbers = #tpu.dot_dimension_numbers<[0], [0], [1], [1], [0, 1, 1, 1], [], []>, transpose_lhs_hint = false} : vector<1024x256xf32>, vector<1024x64xf32>, vector<256x64xf32> -> vector<256x64xf32>
    %max3A_115 = arith.maximumf %max3A, %dot_general3A_114 : vector<256x64xf32>
    %reduce_max3A_116 = arith.constant dense<0xFF800000> : vector<256xf32>
    %reduce_max3A_117 = vector.multi_reduction <maximumf>, %select_n3A_110, %reduce_max3A_116 [0] : vector<1024x256xf32> to vector<256xf32>
    %broadcast_in_dim3A_118 = vector.shape_cast %reduce_max3A_117 : vector<256xf32> to vector<1x256xf32>
    %eq3A_119 = vector.broadcast %broadcast_in_dim3A_118 : vector<1x256xf32> to vector<1024x256xf32>
    %eq3A_120 = arith.cmpf oeq, %select_n3A_110, %eq3A_119 : vector<1024x256xf32>
    %jit3A_121 = arith.constant 1024 : i32
    %broadcast_in_dim3A_122 = vector.broadcast %jit3A_121 : i32 to vector<1024x256xi32>
    %select_n3A_123 = arith.select %eq3A_120, %iota3A, %broadcast_in_dim3A_122 : vector<1024x256xi1>, vector<1024x256xi32>
    %reduce_min3A_124 = arith.constant dense<2147483647> : vector<256xi32>
    %reduce_min3A_125 = vector.multi_reduction <minsi>, %select_n3A_123, %reduce_min3A_124 [0] : vector<1024x256xi32> to vector<256xi32>
    %broadcast_in_dim3A_126 = vector.shape_cast %reduce_min3A_125 : vector<256xi32> to vector<1x256xi32>
    %eq3A_127 = vector.broadcast %broadcast_in_dim3A_126 : vector<1x256xi32> to vector<1024x256xi32>
    %eq3A_128 = arith.cmpi eq, %iota3A, %eq3A_127 : vector<1024x256xi32>
    %convert_element_type3A_129 = arith.extui %eq3A_128 : vector<1024x256xi1> to vector<1024x256xi32>
    %convert_element_type3A_130 = arith.sitofp %convert_element_type3A_129 : vector<1024x256xi32> to vector<1024x256xf32>
    %dot_general3A_131 = arith.constant dense<0.000000e+00> : vector<256x64xf32>
    %dot_general3A_132 = tpu.matmul %convert_element_type3A_130, %get3A_13, %dot_general3A_131 {dimension_numbers = #tpu.dot_dimension_numbers<[0], [0], [1], [1], [0, 1, 1, 1], [], []>, transpose_lhs_hint = false} : vector<1024x256xf32>, vector<1024x64xf32>, vector<256x64xf32> -> vector<256x64xf32>
    %max3A_133 = arith.maximumf %max3A_115, %dot_general3A_132 : vector<256x64xf32>
    %swap3A = arith.constant 0 : index
    %swap3A_134 = arith.constant 0 : index
    %swap3A_135 = arith.constant 0 : index
    %swap3A_136 = vector.load %arg5[%swap3A, %swap3A_134, %swap3A_135] : memref<1x256x64xf32, #tpu.memory_space<vmem>>, vector<1x256x64xf32>
    %swap3A_137 = vector.shape_cast %swap3A_136 : vector<1x256x64xf32> to vector<256x64xf32>
    %swap3A_138 = vector.shape_cast %max3A_133 : vector<256x64xf32> to vector<1x256x64xf32>
    tpu.vector_store %arg5[%swap3A, %swap3A_134, %swap3A_135], %swap3A_138 {strides = array<i32>} : memref<1x256x64xf32, #tpu.memory_space<vmem>>, vector<1x256x64xf32>,
    return
  }
  func.func @transform_0(%arg0: i32, %arg1: i32) -> (i32, i32, i32) {
    %c0_i32 = arith.constant 0 : i32
    %c0_i32_0 = arith.constant 0 : i32
    %c0_i32_1 = arith.constant 0 : i32
    return %arg0, %c0_i32, %c0_i32_0 : i32, i32, i32
  }
  func.func @transform_1(%arg0: i32, %arg1: i32) -> (i32, i32, i32) {
    %c0_i32 = arith.constant 0 : i32
    %c0_i32_0 = arith.constant 0 : i32
    %c0_i32_1 = arith.constant 0 : i32
    return %arg0, %c0_i32, %c0_i32_0 : i32, i32, i32
  }
  func.func @transform_2(%arg0: i32, %arg1: i32) -> (i32, i32, i32) {
    %c0_i32 = arith.constant 0 : i32
    %c0_i32_0 = arith.constant 0 : i32
    %c0_i32_1 = arith.constant 0 : i32
    return %arg0, %c0_i32, %c0_i32_0 : i32, i32, i32
  }
  func.func @transform_3(%arg0: i32, %arg1: i32) -> (i32, i32, i32) {
    %c0_i32 = arith.constant 0 : i32
    %c0_i32_0 = arith.constant 0 : i32
    %c0_i32_1 = arith.constant 0 : i32
    return %arg0, %c0_i32, %c0_i32_0 : i32, i32, i32
  }
}

module attributes {stable_mosaic.version = 14 : i64} {
  func.func @_conv_body(%arg0: i32, %arg1: i32, %arg2: memref<1x256x64xf32, #tpu.memory_space<vmem>>, %arg3: memref<1x256x64xf32, #tpu.memory_space<vmem>>, %arg4: memref<64x256xf32, #tpu.memory_space<vmem>>, %arg5: memref<1x256xf32, #tpu.memory_space<vmem>>, %arg6: memref<3x128xf32, #tpu.memory_space<vmem>>, %arg7: memref<1x20x256xi32, #tpu.memory_space<vmem>>, %arg8: memref<1x256x60xf32, #tpu.memory_space<vmem>>, %arg9: memref<1x256x128xf32, #tpu.memory_space<vmem>>) attributes {dimension_semantics = [#tpu.dimension_semantics<arbitrary>, #tpu.dimension_semantics<arbitrary>], iteration_bounds = array<i64: 8, 1>, scalar_prefetch = 0 : i64, scratch_operands = 0 : i64, tpu.core_type = #tpu.core_type<tc>, window_params = [{transform_indices = @transform_0, window_bounds = array<i64: 1, 256, 64>}, {transform_indices = @transform_1, window_bounds = array<i64: 1, 256, 64>}, {pipeline_mode = #tpu.pipeline_mode<synchronous>, transform_indices = @transform_2, window_bounds = array<i64: 64, 256>}, {pipeline_mode = #tpu.pipeline_mode<synchronous>, transform_indices = @transform_3, window_bounds = array<i64: 1, 256>}, {pipeline_mode = #tpu.pipeline_mode<synchronous>, transform_indices = @transform_4, window_bounds = array<i64: 3, 128>}, {transform_indices = @transform_5, window_bounds = array<i64: 1, 20, 256>}, {transform_indices = @transform_6, window_bounds = array<i64: 1, 256, 60>}, {transform_indices = @transform_7, window_bounds = array<i64: 1, 256, 128>}]} {
    %get3A = arith.constant 0 : index
    %get3A_0 = arith.constant 0 : index
    %get3A_1 = arith.constant 0 : index
    %get3A_2 = vector.load %arg2[%get3A, %get3A_0, %get3A_1] : memref<1x256x64xf32, #tpu.memory_space<vmem>>, vector<1x256x64xf32>
    %get3A_3 = vector.shape_cast %get3A_2 : vector<1x256x64xf32> to vector<256x64xf32>
    %get3A_4 = arith.constant 0 : index
    %get3A_5 = arith.constant 0 : index
    %get3A_6 = arith.constant 0 : index
    %get3A_7 = vector.load %arg3[%get3A_4, %get3A_5, %get3A_6] : memref<1x256x64xf32, #tpu.memory_space<vmem>>, vector<1x256x64xf32>
    %get3A_8 = vector.shape_cast %get3A_7 : vector<1x256x64xf32> to vector<256x64xf32>
    %get3A_9 = arith.constant 0 : index
    %get3A_10 = arith.constant 0 : index
    %get3A_11 = vector.load %arg4[%get3A_9, %get3A_10] : memref<64x256xf32, #tpu.memory_space<vmem>>, vector<64x256xf32>
    %get3A_12 = arith.constant 0 : index
    %get3A_13 = arith.constant 0 : index
    %get3A_14 = vector.load %arg5[%get3A_12, %get3A_13] : memref<1x256xf32, #tpu.memory_space<vmem>>, vector<1x256xf32>
    %slice3A = vector.extract_strided_slice %get3A_11 {offsets = [0, 128], sizes = [64, 128], strides = [1, 1]} : vector<64x256xf32> to vector<64x128xf32>
    %dot_general3A = arith.constant dense<0.000000e+00> : vector<256x128xf32>
    %dot_general3A_15 = tpu.matmul %get3A_3, %slice3A, %dot_general3A {dimension_numbers = #tpu.dot_dimension_numbers<[1], [0], [0], [1], [0, 0, 1, 1], [], []>, transpose_lhs_hint = false} : vector<256x64xf32>, vector<64x128xf32>, vector<256x128xf32> -> vector<256x128xf32>
    %slice3A_16 = vector.extract_strided_slice %get3A_14 {offsets = [0, 128], sizes = [1, 128], strides = [1, 1]} : vector<1x256xf32> to vector<1x128xf32>
    %add3A = vector.broadcast %slice3A_16 : vector<1x128xf32> to vector<256x128xf32>
    %add3A_17 = arith.addf %dot_general3A_15, %add3A : vector<256x128xf32>
    %slice3A_18 = vector.extract_strided_slice %get3A_11 {offsets = [0, 0], sizes = [64, 128], strides = [1, 1]} : vector<64x256xf32> to vector<64x128xf32>
    %dot_general3A_19 = arith.constant dense<0.000000e+00> : vector<256x128xf32>
    %dot_general3A_20 = tpu.matmul %get3A_8, %slice3A_18, %dot_general3A_19 {dimension_numbers = #tpu.dot_dimension_numbers<[1], [0], [0], [1], [0, 0, 1, 1], [], []>, transpose_lhs_hint = false} : vector<256x64xf32>, vector<64x128xf32>, vector<256x128xf32> -> vector<256x128xf32>
    %slice3A_21 = vector.extract_strided_slice %get3A_14 {offsets = [0, 0], sizes = [1, 128], strides = [1, 1]} : vector<1x256xf32> to vector<1x128xf32>
    %add3A_22 = vector.broadcast %slice3A_21 : vector<1x128xf32> to vector<256x128xf32>
    %add3A_23 = arith.addf %dot_general3A_20, %add3A_22 : vector<256x128xf32>
    %get3A_24 = arith.constant 0 : index
    %get3A_25 = arith.constant 0 : index
    %get3A_26 = vector.load %arg6[%get3A_24, %get3A_25] : memref<3x128xf32, #tpu.memory_space<vmem>>, vector<3x128xf32>
    %mul3A = arith.mulf %get3A_26, %get3A_26 : vector<3x128xf32>
    %reduce_sum3A = arith.constant dense<0.000000e+00> : vector<128xf32>
    %reduce_sum3A_27 = vector.multi_reduction <add>, %mul3A, %reduce_sum3A [0] : vector<3x128xf32> to vector<128xf32>
    %broadcast_in_dim3A = vector.shape_cast %reduce_sum3A_27 : vector<128xf32> to vector<1x128xf32>
    %sqrt3A = math.sqrt %broadcast_in_dim3A : vector<1x128xf32>
    %max3A = arith.constant 9.99999996E-13 : f32
    %max3A_28 = vector.broadcast %max3A : f32 to vector<1x128xf32>
    %max3A_29 = arith.maximumf %sqrt3A, %max3A_28 : vector<1x128xf32>
    %div3A = vector.broadcast %max3A_29 : vector<1x128xf32> to vector<3x128xf32>
    %div3A_30 = arith.divf %get3A_26, %div3A : vector<3x128xf32>
    %get3A_31 = arith.constant 0 : index
    %get3A_32 = arith.constant 0 : index
    %get3A_33 = arith.constant 0 : index
    %get3A_34 = vector.load %arg7[%get3A_31, %get3A_32, %get3A_33] : memref<1x20x256xi32, #tpu.memory_space<vmem>>, vector<1x20x256xi32>
    %get3A_35 = vector.shape_cast %get3A_34 : vector<1x20x256xi32> to vector<20x256xi32>
    %get3A_36 = arith.constant 0 : index
    %get3A_37 = arith.constant 0 : index
    %get3A_38 = arith.constant 0 : index
    %get3A_39 = vector.load %arg8[%get3A_36, %get3A_37, %get3A_38] : memref<1x256x60xf32, #tpu.memory_space<vmem>>, vector<1x256x60xf32>
    %get3A_40 = vector.shape_cast %get3A_39 : vector<1x256x60xf32> to vector<256x60xf32>
    %iota3A = tpu.iota {dimensions = array<i32: 0>} : vector<256x256xi32>
    %slice3A_41 = vector.extract_strided_slice %get3A_35 {offsets = [0, 0], sizes = [1, 256], strides = [1, 1]} : vector<20x256xi32> to vector<1x256xi32>
    %eq3A = vector.broadcast %slice3A_41 : vector<1x256xi32> to vector<256x256xi32>
    %eq3A_42 = arith.cmpi eq, %iota3A, %eq3A : vector<256x256xi32>
    %convert_element_type3A = arith.extui %eq3A_42 : vector<256x256xi1> to vector<256x256xi32>
    %convert_element_type3A_43 = arith.sitofp %convert_element_type3A : vector<256x256xi32> to vector<256x256xf32>
    %dot_general3A_44 = arith.constant dense<0.000000e+00> : vector<256x128xf32>
    %dot_general3A_45 = tpu.matmul %convert_element_type3A_43, %add3A_17, %dot_general3A_44 {dimension_numbers = #tpu.dot_dimension_numbers<[0], [0], [1], [1], [0, 1, 1, 1], [], []>, transpose_lhs_hint = false} : vector<256x256xf32>, vector<256x128xf32>, vector<256x128xf32> -> vector<256x128xf32>
    %slice3A_46 = vector.extract_strided_slice %get3A_40 {offsets = [0, 0], sizes = [256, 3], strides = [1, 1]} : vector<256x60xf32> to vector<256x3xf32>
    %dot_general3A_47 = arith.constant dense<0.000000e+00> : vector<256x128xf32>
    %dot_general3A_48 = tpu.matmul %slice3A_46, %div3A_30, %dot_general3A_47 {dimension_numbers = #tpu.dot_dimension_numbers<[1], [0], [0], [1], [0, 0, 1, 1], [], []>, transpose_lhs_hint = false} : vector<256x3xf32>, vector<3x128xf32>, vector<256x128xf32> -> vector<256x128xf32>
    %max3A_49 = arith.constant 0.000000e+00 : f32
    %max3A_50 = vector.broadcast %max3A_49 : f32 to vector<256x128xf32>
    %max3A_51 = arith.maximumf %dot_general3A_48, %max3A_50 : vector<256x128xf32>
    %mul3A_52 = arith.mulf %max3A_51, %dot_general3A_45 : vector<256x128xf32>
    %slice3A_53 = vector.extract_strided_slice %get3A_35 {offsets = [1, 0], sizes = [1, 256], strides = [1, 1]} : vector<20x256xi32> to vector<1x256xi32>
    %eq3A_54 = vector.broadcast %slice3A_53 : vector<1x256xi32> to vector<256x256xi32>
    %eq3A_55 = arith.cmpi eq, %iota3A, %eq3A_54 : vector<256x256xi32>
    %convert_element_type3A_56 = arith.extui %eq3A_55 : vector<256x256xi1> to vector<256x256xi32>
    %convert_element_type3A_57 = arith.sitofp %convert_element_type3A_56 : vector<256x256xi32> to vector<256x256xf32>
    %dot_general3A_58 = arith.constant dense<0.000000e+00> : vector<256x128xf32>
    %dot_general3A_59 = tpu.matmul %convert_element_type3A_57, %add3A_17, %dot_general3A_58 {dimension_numbers = #tpu.dot_dimension_numbers<[0], [0], [1], [1], [0, 1, 1, 1], [], []>, transpose_lhs_hint = false} : vector<256x256xf32>, vector<256x128xf32>, vector<256x128xf32> -> vector<256x128xf32>
    %slice3A_60 = vector.extract_strided_slice %get3A_40 {offsets = [0, 3], sizes = [256, 3], strides = [1, 1]} : vector<256x60xf32> to vector<256x3xf32>
    %dot_general3A_61 = arith.constant dense<0.000000e+00> : vector<256x128xf32>
    %dot_general3A_62 = tpu.matmul %slice3A_60, %div3A_30, %dot_general3A_61 {dimension_numbers = #tpu.dot_dimension_numbers<[1], [0], [0], [1], [0, 0, 1, 1], [], []>, transpose_lhs_hint = false} : vector<256x3xf32>, vector<3x128xf32>, vector<256x128xf32> -> vector<256x128xf32>
    %max3A_63 = arith.constant 0.000000e+00 : f32
    %max3A_64 = vector.broadcast %max3A_63 : f32 to vector<256x128xf32>
    %max3A_65 = arith.maximumf %dot_general3A_62, %max3A_64 : vector<256x128xf32>
    %mul3A_66 = arith.mulf %max3A_65, %dot_general3A_59 : vector<256x128xf32>
    %max3A_67 = arith.maximumf %mul3A_52, %mul3A_66 : vector<256x128xf32>
    %slice3A_68 = vector.extract_strided_slice %get3A_35 {offsets = [2, 0], sizes = [1, 256], strides = [1, 1]} : vector<20x256xi32> to vector<1x256xi32>
    %eq3A_69 = vector.broadcast %slice3A_68 : vector<1x256xi32> to vector<256x256xi32>
    %eq3A_70 = arith.cmpi eq, %iota3A, %eq3A_69 : vector<256x256xi32>
    %convert_element_type3A_71 = arith.extui %eq3A_70 : vector<256x256xi1> to vector<256x256xi32>
    %convert_element_type3A_72 = arith.sitofp %convert_element_type3A_71 : vector<256x256xi32> to vector<256x256xf32>
    %dot_general3A_73 = arith.constant dense<0.000000e+00> : vector<256x128xf32>
    %dot_general3A_74 = tpu.matmul %convert_element_type3A_72, %add3A_17, %dot_general3A_73 {dimension_numbers = #tpu.dot_dimension_numbers<[0], [0], [1], [1], [0, 1, 1, 1], [], []>, transpose_lhs_hint = false} : vector<256x256xf32>, vector<256x128xf32>, vector<256x128xf32> -> vector<256x128xf32>
    %slice3A_75 = vector.extract_strided_slice %get3A_40 {offsets = [0, 6], sizes = [256, 3], strides = [1, 1]} : vector<256x60xf32> to vector<256x3xf32>
    %dot_general3A_76 = arith.constant dense<0.000000e+00> : vector<256x128xf32>
    %dot_general3A_77 = tpu.matmul %slice3A_75, %div3A_30, %dot_general3A_76 {dimension_numbers = #tpu.dot_dimension_numbers<[1], [0], [0], [1], [0, 0, 1, 1], [], []>, transpose_lhs_hint = false} : vector<256x3xf32>, vector<3x128xf32>, vector<256x128xf32> -> vector<256x128xf32>
    %max3A_78 = arith.constant 0.000000e+00 : f32
    %max3A_79 = vector.broadcast %max3A_78 : f32 to vector<256x128xf32>
    %max3A_80 = arith.maximumf %dot_general3A_77, %max3A_79 : vector<256x128xf32>
    %mul3A_81 = arith.mulf %max3A_80, %dot_general3A_74 : vector<256x128xf32>
    %max3A_82 = arith.maximumf %max3A_67, %mul3A_81 : vector<256x128xf32>
    %slice3A_83 = vector.extract_strided_slice %get3A_35 {offsets = [3, 0], sizes = [1, 256], strides = [1, 1]} : vector<20x256xi32> to vector<1x256xi32>
    %eq3A_84 = vector.broadcast %slice3A_83 : vector<1x256xi32> to vector<256x256xi32>
    %eq3A_85 = arith.cmpi eq, %iota3A, %eq3A_84 : vector<256x256xi32>
    %convert_element_type3A_86 = arith.extui %eq3A_85 : vector<256x256xi1> to vector<256x256xi32>
    %convert_element_type3A_87 = arith.sitofp %convert_element_type3A_86 : vector<256x256xi32> to vector<256x256xf32>
    %dot_general3A_88 = arith.constant dense<0.000000e+00> : vector<256x128xf32>
    %dot_general3A_89 = tpu.matmul %convert_element_type3A_87, %add3A_17, %dot_general3A_88 {dimension_numbers = #tpu.dot_dimension_numbers<[0], [0], [1], [1], [0, 1, 1, 1], [], []>, transpose_lhs_hint = false} : vector<256x256xf32>, vector<256x128xf32>, vector<256x128xf32> -> vector<256x128xf32>
    %slice3A_90 = vector.extract_strided_slice %get3A_40 {offsets = [0, 9], sizes = [256, 3], strides = [1, 1]} : vector<256x60xf32> to vector<256x3xf32>
    %dot_general3A_91 = arith.constant dense<0.000000e+00> : vector<256x128xf32>
    %dot_general3A_92 = tpu.matmul %slice3A_90, %div3A_30, %dot_general3A_91 {dimension_numbers = #tpu.dot_dimension_numbers<[1], [0], [0], [1], [0, 0, 1, 1], [], []>, transpose_lhs_hint = false} : vector<256x3xf32>, vector<3x128xf32>, vector<256x128xf32> -> vector<256x128xf32>
    %max3A_93 = arith.constant 0.000000e+00 : f32
    %max3A_94 = vector.broadcast %max3A_93 : f32 to vector<256x128xf32>
    %max3A_95 = arith.maximumf %dot_general3A_92, %max3A_94 : vector<256x128xf32>
    %mul3A_96 = arith.mulf %max3A_95, %dot_general3A_89 : vector<256x128xf32>
    %max3A_97 = arith.maximumf %max3A_82, %mul3A_96 : vector<256x128xf32>
    %slice3A_98 = vector.extract_strided_slice %get3A_35 {offsets = [4, 0], sizes = [1, 256], strides = [1, 1]} : vector<20x256xi32> to vector<1x256xi32>
    %eq3A_99 = vector.broadcast %slice3A_98 : vector<1x256xi32> to vector<256x256xi32>
    %eq3A_100 = arith.cmpi eq, %iota3A, %eq3A_99 : vector<256x256xi32>
    %convert_element_type3A_101 = arith.extui %eq3A_100 : vector<256x256xi1> to vector<256x256xi32>
    %convert_element_type3A_102 = arith.sitofp %convert_element_type3A_101 : vector<256x256xi32> to vector<256x256xf32>
    %dot_general3A_103 = arith.constant dense<0.000000e+00> : vector<256x128xf32>
    %dot_general3A_104 = tpu.matmul %convert_element_type3A_102, %add3A_17, %dot_general3A_103 {dimension_numbers = #tpu.dot_dimension_numbers<[0], [0], [1], [1], [0, 1, 1, 1], [], []>, transpose_lhs_hint = false} : vector<256x256xf32>, vector<256x128xf32>, vector<256x128xf32> -> vector<256x128xf32>
    %slice3A_105 = vector.extract_strided_slice %get3A_40 {offsets = [0, 12], sizes = [256, 3], strides = [1, 1]} : vector<256x60xf32> to vector<256x3xf32>
    %dot_general3A_106 = arith.constant dense<0.000000e+00> : vector<256x128xf32>
    %dot_general3A_107 = tpu.matmul %slice3A_105, %div3A_30, %dot_general3A_106 {dimension_numbers = #tpu.dot_dimension_numbers<[1], [0], [0], [1], [0, 0, 1, 1], [], []>, transpose_lhs_hint = false} : vector<256x3xf32>, vector<3x128xf32>, vector<256x128xf32> -> vector<256x128xf32>
    %max3A_108 = arith.constant 0.000000e+00 : f32
    %max3A_109 = vector.broadcast %max3A_108 : f32 to vector<256x128xf32>
    %max3A_110 = arith.maximumf %dot_general3A_107, %max3A_109 : vector<256x128xf32>
    %mul3A_111 = arith.mulf %max3A_110, %dot_general3A_104 : vector<256x128xf32>
    %max3A_112 = arith.maximumf %max3A_97, %mul3A_111 : vector<256x128xf32>
    %slice3A_113 = vector.extract_strided_slice %get3A_35 {offsets = [5, 0], sizes = [1, 256], strides = [1, 1]} : vector<20x256xi32> to vector<1x256xi32>
    %eq3A_114 = vector.broadcast %slice3A_113 : vector<1x256xi32> to vector<256x256xi32>
    %eq3A_115 = arith.cmpi eq, %iota3A, %eq3A_114 : vector<256x256xi32>
    %convert_element_type3A_116 = arith.extui %eq3A_115 : vector<256x256xi1> to vector<256x256xi32>
    %convert_element_type3A_117 = arith.sitofp %convert_element_type3A_116 : vector<256x256xi32> to vector<256x256xf32>
    %dot_general3A_118 = arith.constant dense<0.000000e+00> : vector<256x128xf32>
    %dot_general3A_119 = tpu.matmul %convert_element_type3A_117, %add3A_17, %dot_general3A_118 {dimension_numbers = #tpu.dot_dimension_numbers<[0], [0], [1], [1], [0, 1, 1, 1], [], []>, transpose_lhs_hint = false} : vector<256x256xf32>, vector<256x128xf32>, vector<256x128xf32> -> vector<256x128xf32>
    %slice3A_120 = vector.extract_strided_slice %get3A_40 {offsets = [0, 15], sizes = [256, 3], strides = [1, 1]} : vector<256x60xf32> to vector<256x3xf32>
    %dot_general3A_121 = arith.constant dense<0.000000e+00> : vector<256x128xf32>
    %dot_general3A_122 = tpu.matmul %slice3A_120, %div3A_30, %dot_general3A_121 {dimension_numbers = #tpu.dot_dimension_numbers<[1], [0], [0], [1], [0, 0, 1, 1], [], []>, transpose_lhs_hint = false} : vector<256x3xf32>, vector<3x128xf32>, vector<256x128xf32> -> vector<256x128xf32>
    %max3A_123 = arith.constant 0.000000e+00 : f32
    %max3A_124 = vector.broadcast %max3A_123 : f32 to vector<256x128xf32>
    %max3A_125 = arith.maximumf %dot_general3A_122, %max3A_124 : vector<256x128xf32>
    %mul3A_126 = arith.mulf %max3A_125, %dot_general3A_119 : vector<256x128xf32>
    %max3A_127 = arith.maximumf %max3A_112, %mul3A_126 : vector<256x128xf32>
    %slice3A_128 = vector.extract_strided_slice %get3A_35 {offsets = [6, 0], sizes = [1, 256], strides = [1, 1]} : vector<20x256xi32> to vector<1x256xi32>
    %eq3A_129 = vector.broadcast %slice3A_128 : vector<1x256xi32> to vector<256x256xi32>
    %eq3A_130 = arith.cmpi eq, %iota3A, %eq3A_129 : vector<256x256xi32>
    %convert_element_type3A_131 = arith.extui %eq3A_130 : vector<256x256xi1> to vector<256x256xi32>
    %convert_element_type3A_132 = arith.sitofp %convert_element_type3A_131 : vector<256x256xi32> to vector<256x256xf32>
    %dot_general3A_133 = arith.constant dense<0.000000e+00> : vector<256x128xf32>
    %dot_general3A_134 = tpu.matmul %convert_element_type3A_132, %add3A_17, %dot_general3A_133 {dimension_numbers = #tpu.dot_dimension_numbers<[0], [0], [1], [1], [0, 1, 1, 1], [], []>, transpose_lhs_hint = false} : vector<256x256xf32>, vector<256x128xf32>, vector<256x128xf32> -> vector<256x128xf32>
    %slice3A_135 = vector.extract_strided_slice %get3A_40 {offsets = [0, 18], sizes = [256, 3], strides = [1, 1]} : vector<256x60xf32> to vector<256x3xf32>
    %dot_general3A_136 = arith.constant dense<0.000000e+00> : vector<256x128xf32>
    %dot_general3A_137 = tpu.matmul %slice3A_135, %div3A_30, %dot_general3A_136 {dimension_numbers = #tpu.dot_dimension_numbers<[1], [0], [0], [1], [0, 0, 1, 1], [], []>, transpose_lhs_hint = false} : vector<256x3xf32>, vector<3x128xf32>, vector<256x128xf32> -> vector<256x128xf32>
    %max3A_138 = arith.constant 0.000000e+00 : f32
    %max3A_139 = vector.broadcast %max3A_138 : f32 to vector<256x128xf32>
    %max3A_140 = arith.maximumf %dot_general3A_137, %max3A_139 : vector<256x128xf32>
    %mul3A_141 = arith.mulf %max3A_140, %dot_general3A_134 : vector<256x128xf32>
    %max3A_142 = arith.maximumf %max3A_127, %mul3A_141 : vector<256x128xf32>
    %slice3A_143 = vector.extract_strided_slice %get3A_35 {offsets = [7, 0], sizes = [1, 256], strides = [1, 1]} : vector<20x256xi32> to vector<1x256xi32>
    %eq3A_144 = vector.broadcast %slice3A_143 : vector<1x256xi32> to vector<256x256xi32>
    %eq3A_145 = arith.cmpi eq, %iota3A, %eq3A_144 : vector<256x256xi32>
    %convert_element_type3A_146 = arith.extui %eq3A_145 : vector<256x256xi1> to vector<256x256xi32>
    %convert_element_type3A_147 = arith.sitofp %convert_element_type3A_146 : vector<256x256xi32> to vector<256x256xf32>
    %dot_general3A_148 = arith.constant dense<0.000000e+00> : vector<256x128xf32>
    %dot_general3A_149 = tpu.matmul %convert_element_type3A_147, %add3A_17, %dot_general3A_148 {dimension_numbers = #tpu.dot_dimension_numbers<[0], [0], [1], [1], [0, 1, 1, 1], [], []>, transpose_lhs_hint = false} : vector<256x256xf32>, vector<256x128xf32>, vector<256x128xf32> -> vector<256x128xf32>
    %slice3A_150 = vector.extract_strided_slice %get3A_40 {offsets = [0, 21], sizes = [256, 3], strides = [1, 1]} : vector<256x60xf32> to vector<256x3xf32>
    %dot_general3A_151 = arith.constant dense<0.000000e+00> : vector<256x128xf32>
    %dot_general3A_152 = tpu.matmul %slice3A_150, %div3A_30, %dot_general3A_151 {dimension_numbers = #tpu.dot_dimension_numbers<[1], [0], [0], [1], [0, 0, 1, 1], [], []>, transpose_lhs_hint = false} : vector<256x3xf32>, vector<3x128xf32>, vector<256x128xf32> -> vector<256x128xf32>
    %max3A_153 = arith.constant 0.000000e+00 : f32
    %max3A_154 = vector.broadcast %max3A_153 : f32 to vector<256x128xf32>
    %max3A_155 = arith.maximumf %dot_general3A_152, %max3A_154 : vector<256x128xf32>
    %mul3A_156 = arith.mulf %max3A_155, %dot_general3A_149 : vector<256x128xf32>
    %max3A_157 = arith.maximumf %max3A_142, %mul3A_156 : vector<256x128xf32>
    %slice3A_158 = vector.extract_strided_slice %get3A_35 {offsets = [8, 0], sizes = [1, 256], strides = [1, 1]} : vector<20x256xi32> to vector<1x256xi32>
    %eq3A_159 = vector.broadcast %slice3A_158 : vector<1x256xi32> to vector<256x256xi32>
    %eq3A_160 = arith.cmpi eq, %iota3A, %eq3A_159 : vector<256x256xi32>
    %convert_element_type3A_161 = arith.extui %eq3A_160 : vector<256x256xi1> to vector<256x256xi32>
    %convert_element_type3A_162 = arith.sitofp %convert_element_type3A_161 : vector<256x256xi32> to vector<256x256xf32>
    %dot_general3A_163 = arith.constant dense<0.000000e+00> : vector<256x128xf32>
    %dot_general3A_164 = tpu.matmul %convert_element_type3A_162, %add3A_17, %dot_general3A_163 {dimension_numbers = #tpu.dot_dimension_numbers<[0], [0], [1], [1], [0, 1, 1, 1], [], []>, transpose_lhs_hint = false} : vector<256x256xf32>, vector<256x128xf32>, vector<256x128xf32> -> vector<256x128xf32>
    %slice3A_165 = vector.extract_strided_slice %get3A_40 {offsets = [0, 24], sizes = [256, 3], strides = [1, 1]} : vector<256x60xf32> to vector<256x3xf32>
    %dot_general3A_166 = arith.constant dense<0.000000e+00> : vector<256x128xf32>
    %dot_general3A_167 = tpu.matmul %slice3A_165, %div3A_30, %dot_general3A_166 {dimension_numbers = #tpu.dot_dimension_numbers<[1], [0], [0], [1], [0, 0, 1, 1], [], []>, transpose_lhs_hint = false} : vector<256x3xf32>, vector<3x128xf32>, vector<256x128xf32> -> vector<256x128xf32>
    %max3A_168 = arith.constant 0.000000e+00 : f32
    %max3A_169 = vector.broadcast %max3A_168 : f32 to vector<256x128xf32>
    %max3A_170 = arith.maximumf %dot_general3A_167, %max3A_169 : vector<256x128xf32>
    %mul3A_171 = arith.mulf %max3A_170, %dot_general3A_164 : vector<256x128xf32>
    %max3A_172 = arith.maximumf %max3A_157, %mul3A_171 : vector<256x128xf32>
    %slice3A_173 = vector.extract_strided_slice %get3A_35 {offsets = [9, 0], sizes = [1, 256], strides = [1, 1]} : vector<20x256xi32> to vector<1x256xi32>
    %eq3A_174 = vector.broadcast %slice3A_173 : vector<1x256xi32> to vector<256x256xi32>
    %eq3A_175 = arith.cmpi eq, %iota3A, %eq3A_174 : vector<256x256xi32>
    %convert_element_type3A_176 = arith.extui %eq3A_175 : vector<256x256xi1> to vector<256x256xi32>
    %convert_element_type3A_177 = arith.sitofp %convert_element_type3A_176 : vector<256x256xi32> to vector<256x256xf32>
    %dot_general3A_178 = arith.constant dense<0.000000e+00> : vector<256x128xf32>
    %dot_general3A_179 = tpu.matmul %convert_element_type3A_177, %add3A_17, %dot_general3A_178 {dimension_numbers = #tpu.dot_dimension_numbers<[0], [0], [1], [1], [0, 1, 1, 1], [], []>, transpose_lhs_hint = false} : vector<256x256xf32>, vector<256x128xf32>, vector<256x128xf32> -> vector<256x128xf32>
    %slice3A_180 = vector.extract_strided_slice %get3A_40 {offsets = [0, 27], sizes = [256, 3], strides = [1, 1]} : vector<256x60xf32> to vector<256x3xf32>
    %dot_general3A_181 = arith.constant dense<0.000000e+00> : vector<256x128xf32>
    %dot_general3A_182 = tpu.matmul %slice3A_180, %div3A_30, %dot_general3A_181 {dimension_numbers = #tpu.dot_dimension_numbers<[1], [0], [0], [1], [0, 0, 1, 1], [], []>, transpose_lhs_hint = false} : vector<256x3xf32>, vector<3x128xf32>, vector<256x128xf32> -> vector<256x128xf32>
    %max3A_183 = arith.constant 0.000000e+00 : f32
    %max3A_184 = vector.broadcast %max3A_183 : f32 to vector<256x128xf32>
    %max3A_185 = arith.maximumf %dot_general3A_182, %max3A_184 : vector<256x128xf32>
    %mul3A_186 = arith.mulf %max3A_185, %dot_general3A_179 : vector<256x128xf32>
    %max3A_187 = arith.maximumf %max3A_172, %mul3A_186 : vector<256x128xf32>
    %slice3A_188 = vector.extract_strided_slice %get3A_35 {offsets = [10, 0], sizes = [1, 256], strides = [1, 1]} : vector<20x256xi32> to vector<1x256xi32>
    %eq3A_189 = vector.broadcast %slice3A_188 : vector<1x256xi32> to vector<256x256xi32>
    %eq3A_190 = arith.cmpi eq, %iota3A, %eq3A_189 : vector<256x256xi32>
    %convert_element_type3A_191 = arith.extui %eq3A_190 : vector<256x256xi1> to vector<256x256xi32>
    %convert_element_type3A_192 = arith.sitofp %convert_element_type3A_191 : vector<256x256xi32> to vector<256x256xf32>
    %dot_general3A_193 = arith.constant dense<0.000000e+00> : vector<256x128xf32>
    %dot_general3A_194 = tpu.matmul %convert_element_type3A_192, %add3A_17, %dot_general3A_193 {dimension_numbers = #tpu.dot_dimension_numbers<[0], [0], [1], [1], [0, 1, 1, 1], [], []>, transpose_lhs_hint = false} : vector<256x256xf32>, vector<256x128xf32>, vector<256x128xf32> -> vector<256x128xf32>
    %slice3A_195 = vector.extract_strided_slice %get3A_40 {offsets = [0, 30], sizes = [256, 3], strides = [1, 1]} : vector<256x60xf32> to vector<256x3xf32>
    %dot_general3A_196 = arith.constant dense<0.000000e+00> : vector<256x128xf32>
    %dot_general3A_197 = tpu.matmul %slice3A_195, %div3A_30, %dot_general3A_196 {dimension_numbers = #tpu.dot_dimension_numbers<[1], [0], [0], [1], [0, 0, 1, 1], [], []>, transpose_lhs_hint = false} : vector<256x3xf32>, vector<3x128xf32>, vector<256x128xf32> -> vector<256x128xf32>
    %max3A_198 = arith.constant 0.000000e+00 : f32
    %max3A_199 = vector.broadcast %max3A_198 : f32 to vector<256x128xf32>
    %max3A_200 = arith.maximumf %dot_general3A_197, %max3A_199 : vector<256x128xf32>
    %mul3A_201 = arith.mulf %max3A_200, %dot_general3A_194 : vector<256x128xf32>
    %max3A_202 = arith.maximumf %max3A_187, %mul3A_201 : vector<256x128xf32>
    %slice3A_203 = vector.extract_strided_slice %get3A_35 {offsets = [11, 0], sizes = [1, 256], strides = [1, 1]} : vector<20x256xi32> to vector<1x256xi32>
    %eq3A_204 = vector.broadcast %slice3A_203 : vector<1x256xi32> to vector<256x256xi32>
    %eq3A_205 = arith.cmpi eq, %iota3A, %eq3A_204 : vector<256x256xi32>
    %convert_element_type3A_206 = arith.extui %eq3A_205 : vector<256x256xi1> to vector<256x256xi32>
    %convert_element_type3A_207 = arith.sitofp %convert_element_type3A_206 : vector<256x256xi32> to vector<256x256xf32>
    %dot_general3A_208 = arith.constant dense<0.000000e+00> : vector<256x128xf32>
    %dot_general3A_209 = tpu.matmul %convert_element_type3A_207, %add3A_17, %dot_general3A_208 {dimension_numbers = #tpu.dot_dimension_numbers<[0], [0], [1], [1], [0, 1, 1, 1], [], []>, transpose_lhs_hint = false} : vector<256x256xf32>, vector<256x128xf32>, vector<256x128xf32> -> vector<256x128xf32>
    %slice3A_210 = vector.extract_strided_slice %get3A_40 {offsets = [0, 33], sizes = [256, 3], strides = [1, 1]} : vector<256x60xf32> to vector<256x3xf32>
    %dot_general3A_211 = arith.constant dense<0.000000e+00> : vector<256x128xf32>
    %dot_general3A_212 = tpu.matmul %slice3A_210, %div3A_30, %dot_general3A_211 {dimension_numbers = #tpu.dot_dimension_numbers<[1], [0], [0], [1], [0, 0, 1, 1], [], []>, transpose_lhs_hint = false} : vector<256x3xf32>, vector<3x128xf32>, vector<256x128xf32> -> vector<256x128xf32>
    %max3A_213 = arith.constant 0.000000e+00 : f32
    %max3A_214 = vector.broadcast %max3A_213 : f32 to vector<256x128xf32>
    %max3A_215 = arith.maximumf %dot_general3A_212, %max3A_214 : vector<256x128xf32>
    %mul3A_216 = arith.mulf %max3A_215, %dot_general3A_209 : vector<256x128xf32>
    %max3A_217 = arith.maximumf %max3A_202, %mul3A_216 : vector<256x128xf32>
    %slice3A_218 = vector.extract_strided_slice %get3A_35 {offsets = [12, 0], sizes = [1, 256], strides = [1, 1]} : vector<20x256xi32> to vector<1x256xi32>
    %eq3A_219 = vector.broadcast %slice3A_218 : vector<1x256xi32> to vector<256x256xi32>
    %eq3A_220 = arith.cmpi eq, %iota3A, %eq3A_219 : vector<256x256xi32>
    %convert_element_type3A_221 = arith.extui %eq3A_220 : vector<256x256xi1> to vector<256x256xi32>
    %convert_element_type3A_222 = arith.sitofp %convert_element_type3A_221 : vector<256x256xi32> to vector<256x256xf32>
    %dot_general3A_223 = arith.constant dense<0.000000e+00> : vector<256x128xf32>
    %dot_general3A_224 = tpu.matmul %convert_element_type3A_222, %add3A_17, %dot_general3A_223 {dimension_numbers = #tpu.dot_dimension_numbers<[0], [0], [1], [1], [0, 1, 1, 1], [], []>, transpose_lhs_hint = false} : vector<256x256xf32>, vector<256x128xf32>, vector<256x128xf32> -> vector<256x128xf32>
    %slice3A_225 = vector.extract_strided_slice %get3A_40 {offsets = [0, 36], sizes = [256, 3], strides = [1, 1]} : vector<256x60xf32> to vector<256x3xf32>
    %dot_general3A_226 = arith.constant dense<0.000000e+00> : vector<256x128xf32>
    %dot_general3A_227 = tpu.matmul %slice3A_225, %div3A_30, %dot_general3A_226 {dimension_numbers = #tpu.dot_dimension_numbers<[1], [0], [0], [1], [0, 0, 1, 1], [], []>, transpose_lhs_hint = false} : vector<256x3xf32>, vector<3x128xf32>, vector<256x128xf32> -> vector<256x128xf32>
    %max3A_228 = arith.constant 0.000000e+00 : f32
    %max3A_229 = vector.broadcast %max3A_228 : f32 to vector<256x128xf32>
    %max3A_230 = arith.maximumf %dot_general3A_227, %max3A_229 : vector<256x128xf32>
    %mul3A_231 = arith.mulf %max3A_230, %dot_general3A_224 : vector<256x128xf32>
    %max3A_232 = arith.maximumf %max3A_217, %mul3A_231 : vector<256x128xf32>
    %slice3A_233 = vector.extract_strided_slice %get3A_35 {offsets = [13, 0], sizes = [1, 256], strides = [1, 1]} : vector<20x256xi32> to vector<1x256xi32>
    %eq3A_234 = vector.broadcast %slice3A_233 : vector<1x256xi32> to vector<256x256xi32>
    %eq3A_235 = arith.cmpi eq, %iota3A, %eq3A_234 : vector<256x256xi32>
    %convert_element_type3A_236 = arith.extui %eq3A_235 : vector<256x256xi1> to vector<256x256xi32>
    %convert_element_type3A_237 = arith.sitofp %convert_element_type3A_236 : vector<256x256xi32> to vector<256x256xf32>
    %dot_general3A_238 = arith.constant dense<0.000000e+00> : vector<256x128xf32>
    %dot_general3A_239 = tpu.matmul %convert_element_type3A_237, %add3A_17, %dot_general3A_238 {dimension_numbers = #tpu.dot_dimension_numbers<[0], [0], [1], [1], [0, 1, 1, 1], [], []>, transpose_lhs_hint = false} : vector<256x256xf32>, vector<256x128xf32>, vector<256x128xf32> -> vector<256x128xf32>
    %slice3A_240 = vector.extract_strided_slice %get3A_40 {offsets = [0, 39], sizes = [256, 3], strides = [1, 1]} : vector<256x60xf32> to vector<256x3xf32>
    %dot_general3A_241 = arith.constant dense<0.000000e+00> : vector<256x128xf32>
    %dot_general3A_242 = tpu.matmul %slice3A_240, %div3A_30, %dot_general3A_241 {dimension_numbers = #tpu.dot_dimension_numbers<[1], [0], [0], [1], [0, 0, 1, 1], [], []>, transpose_lhs_hint = false} : vector<256x3xf32>, vector<3x128xf32>, vector<256x128xf32> -> vector<256x128xf32>
    %max3A_243 = arith.constant 0.000000e+00 : f32
    %max3A_244 = vector.broadcast %max3A_243 : f32 to vector<256x128xf32>
    %max3A_245 = arith.maximumf %dot_general3A_242, %max3A_244 : vector<256x128xf32>
    %mul3A_246 = arith.mulf %max3A_245, %dot_general3A_239 : vector<256x128xf32>
    %max3A_247 = arith.maximumf %max3A_232, %mul3A_246 : vector<256x128xf32>
    %slice3A_248 = vector.extract_strided_slice %get3A_35 {offsets = [14, 0], sizes = [1, 256], strides = [1, 1]} : vector<20x256xi32> to vector<1x256xi32>
    %eq3A_249 = vector.broadcast %slice3A_248 : vector<1x256xi32> to vector<256x256xi32>
    %eq3A_250 = arith.cmpi eq, %iota3A, %eq3A_249 : vector<256x256xi32>
    %convert_element_type3A_251 = arith.extui %eq3A_250 : vector<256x256xi1> to vector<256x256xi32>
    %convert_element_type3A_252 = arith.sitofp %convert_element_type3A_251 : vector<256x256xi32> to vector<256x256xf32>
    %dot_general3A_253 = arith.constant dense<0.000000e+00> : vector<256x128xf32>
    %dot_general3A_254 = tpu.matmul %convert_element_type3A_252, %add3A_17, %dot_general3A_253 {dimension_numbers = #tpu.dot_dimension_numbers<[0], [0], [1], [1], [0, 1, 1, 1], [], []>, transpose_lhs_hint = false} : vector<256x256xf32>, vector<256x128xf32>, vector<256x128xf32> -> vector<256x128xf32>
    %slice3A_255 = vector.extract_strided_slice %get3A_40 {offsets = [0, 42], sizes = [256, 3], strides = [1, 1]} : vector<256x60xf32> to vector<256x3xf32>
    %dot_general3A_256 = arith.constant dense<0.000000e+00> : vector<256x128xf32>
    %dot_general3A_257 = tpu.matmul %slice3A_255, %div3A_30, %dot_general3A_256 {dimension_numbers = #tpu.dot_dimension_numbers<[1], [0], [0], [1], [0, 0, 1, 1], [], []>, transpose_lhs_hint = false} : vector<256x3xf32>, vector<3x128xf32>, vector<256x128xf32> -> vector<256x128xf32>
    %max3A_258 = arith.constant 0.000000e+00 : f32
    %max3A_259 = vector.broadcast %max3A_258 : f32 to vector<256x128xf32>
    %max3A_260 = arith.maximumf %dot_general3A_257, %max3A_259 : vector<256x128xf32>
    %mul3A_261 = arith.mulf %max3A_260, %dot_general3A_254 : vector<256x128xf32>
    %max3A_262 = arith.maximumf %max3A_247, %mul3A_261 : vector<256x128xf32>
    %slice3A_263 = vector.extract_strided_slice %get3A_35 {offsets = [15, 0], sizes = [1, 256], strides = [1, 1]} : vector<20x256xi32> to vector<1x256xi32>
    %eq3A_264 = vector.broadcast %slice3A_263 : vector<1x256xi32> to vector<256x256xi32>
    %eq3A_265 = arith.cmpi eq, %iota3A, %eq3A_264 : vector<256x256xi32>
    %convert_element_type3A_266 = arith.extui %eq3A_265 : vector<256x256xi1> to vector<256x256xi32>
    %convert_element_type3A_267 = arith.sitofp %convert_element_type3A_266 : vector<256x256xi32> to vector<256x256xf32>
    %dot_general3A_268 = arith.constant dense<0.000000e+00> : vector<256x128xf32>
    %dot_general3A_269 = tpu.matmul %convert_element_type3A_267, %add3A_17, %dot_general3A_268 {dimension_numbers = #tpu.dot_dimension_numbers<[0], [0], [1], [1], [0, 1, 1, 1], [], []>, transpose_lhs_hint = false} : vector<256x256xf32>, vector<256x128xf32>, vector<256x128xf32> -> vector<256x128xf32>
    %slice3A_270 = vector.extract_strided_slice %get3A_40 {offsets = [0, 45], sizes = [256, 3], strides = [1, 1]} : vector<256x60xf32> to vector<256x3xf32>
    %dot_general3A_271 = arith.constant dense<0.000000e+00> : vector<256x128xf32>
    %dot_general3A_272 = tpu.matmul %slice3A_270, %div3A_30, %dot_general3A_271 {dimension_numbers = #tpu.dot_dimension_numbers<[1], [0], [0], [1], [0, 0, 1, 1], [], []>, transpose_lhs_hint = false} : vector<256x3xf32>, vector<3x128xf32>, vector<256x128xf32> -> vector<256x128xf32>
    %max3A_273 = arith.constant 0.000000e+00 : f32
    %max3A_274 = vector.broadcast %max3A_273 : f32 to vector<256x128xf32>
    %max3A_275 = arith.maximumf %dot_general3A_272, %max3A_274 : vector<256x128xf32>
    %mul3A_276 = arith.mulf %max3A_275, %dot_general3A_269 : vector<256x128xf32>
    %max3A_277 = arith.maximumf %max3A_262, %mul3A_276 : vector<256x128xf32>
    %slice3A_278 = vector.extract_strided_slice %get3A_35 {offsets = [16, 0], sizes = [1, 256], strides = [1, 1]} : vector<20x256xi32> to vector<1x256xi32>
    %eq3A_279 = vector.broadcast %slice3A_278 : vector<1x256xi32> to vector<256x256xi32>
    %eq3A_280 = arith.cmpi eq, %iota3A, %eq3A_279 : vector<256x256xi32>
    %convert_element_type3A_281 = arith.extui %eq3A_280 : vector<256x256xi1> to vector<256x256xi32>
    %convert_element_type3A_282 = arith.sitofp %convert_element_type3A_281 : vector<256x256xi32> to vector<256x256xf32>
    %dot_general3A_283 = arith.constant dense<0.000000e+00> : vector<256x128xf32>
    %dot_general3A_284 = tpu.matmul %convert_element_type3A_282, %add3A_17, %dot_general3A_283 {dimension_numbers = #tpu.dot_dimension_numbers<[0], [0], [1], [1], [0, 1, 1, 1], [], []>, transpose_lhs_hint = false} : vector<256x256xf32>, vector<256x128xf32>, vector<256x128xf32> -> vector<256x128xf32>
    %slice3A_285 = vector.extract_strided_slice %get3A_40 {offsets = [0, 48], sizes = [256, 3], strides = [1, 1]} : vector<256x60xf32> to vector<256x3xf32>
    %dot_general3A_286 = arith.constant dense<0.000000e+00> : vector<256x128xf32>
    %dot_general3A_287 = tpu.matmul %slice3A_285, %div3A_30, %dot_general3A_286 {dimension_numbers = #tpu.dot_dimension_numbers<[1], [0], [0], [1], [0, 0, 1, 1], [], []>, transpose_lhs_hint = false} : vector<256x3xf32>, vector<3x128xf32>, vector<256x128xf32> -> vector<256x128xf32>
    %max3A_288 = arith.constant 0.000000e+00 : f32
    %max3A_289 = vector.broadcast %max3A_288 : f32 to vector<256x128xf32>
    %max3A_290 = arith.maximumf %dot_general3A_287, %max3A_289 : vector<256x128xf32>
    %mul3A_291 = arith.mulf %max3A_290, %dot_general3A_284 : vector<256x128xf32>
    %max3A_292 = arith.maximumf %max3A_277, %mul3A_291 : vector<256x128xf32>
    %slice3A_293 = vector.extract_strided_slice %get3A_35 {offsets = [17, 0], sizes = [1, 256], strides = [1, 1]} : vector<20x256xi32> to vector<1x256xi32>
    %eq3A_294 = vector.broadcast %slice3A_293 : vector<1x256xi32> to vector<256x256xi32>
    %eq3A_295 = arith.cmpi eq, %iota3A, %eq3A_294 : vector<256x256xi32>
    %convert_element_type3A_296 = arith.extui %eq3A_295 : vector<256x256xi1> to vector<256x256xi32>
    %convert_element_type3A_297 = arith.sitofp %convert_element_type3A_296 : vector<256x256xi32> to vector<256x256xf32>
    %dot_general3A_298 = arith.constant dense<0.000000e+00> : vector<256x128xf32>
    %dot_general3A_299 = tpu.matmul %convert_element_type3A_297, %add3A_17, %dot_general3A_298 {dimension_numbers = #tpu.dot_dimension_numbers<[0], [0], [1], [1], [0, 1, 1, 1], [], []>, transpose_lhs_hint = false} : vector<256x256xf32>, vector<256x128xf32>, vector<256x128xf32> -> vector<256x128xf32>
    %slice3A_300 = vector.extract_strided_slice %get3A_40 {offsets = [0, 51], sizes = [256, 3], strides = [1, 1]} : vector<256x60xf32> to vector<256x3xf32>
    %dot_general3A_301 = arith.constant dense<0.000000e+00> : vector<256x128xf32>
    %dot_general3A_302 = tpu.matmul %slice3A_300, %div3A_30, %dot_general3A_301 {dimension_numbers = #tpu.dot_dimension_numbers<[1], [0], [0], [1], [0, 0, 1, 1], [], []>, transpose_lhs_hint = false} : vector<256x3xf32>, vector<3x128xf32>, vector<256x128xf32> -> vector<256x128xf32>
    %max3A_303 = arith.constant 0.000000e+00 : f32
    %max3A_304 = vector.broadcast %max3A_303 : f32 to vector<256x128xf32>
    %max3A_305 = arith.maximumf %dot_general3A_302, %max3A_304 : vector<256x128xf32>
    %mul3A_306 = arith.mulf %max3A_305, %dot_general3A_299 : vector<256x128xf32>
    %max3A_307 = arith.maximumf %max3A_292, %mul3A_306 : vector<256x128xf32>
    %slice3A_308 = vector.extract_strided_slice %get3A_35 {offsets = [18, 0], sizes = [1, 256], strides = [1, 1]} : vector<20x256xi32> to vector<1x256xi32>
    %eq3A_309 = vector.broadcast %slice3A_308 : vector<1x256xi32> to vector<256x256xi32>
    %eq3A_310 = arith.cmpi eq, %iota3A, %eq3A_309 : vector<256x256xi32>
    %convert_element_type3A_311 = arith.extui %eq3A_310 : vector<256x256xi1> to vector<256x256xi32>
    %convert_element_type3A_312 = arith.sitofp %convert_element_type3A_311 : vector<256x256xi32> to vector<256x256xf32>
    %dot_general3A_313 = arith.constant dense<0.000000e+00> : vector<256x128xf32>
    %dot_general3A_314 = tpu.matmul %convert_element_type3A_312, %add3A_17, %dot_general3A_313 {dimension_numbers = #tpu.dot_dimension_numbers<[0], [0], [1], [1], [0, 1, 1, 1], [], []>, transpose_lhs_hint = false} : vector<256x256xf32>, vector<256x128xf32>, vector<256x128xf32> -> vector<256x128xf32>
    %slice3A_315 = vector.extract_strided_slice %get3A_40 {offsets = [0, 54], sizes = [256, 3], strides = [1, 1]} : vector<256x60xf32> to vector<256x3xf32>
    %dot_general3A_316 = arith.constant dense<0.000000e+00> : vector<256x128xf32>
    %dot_general3A_317 = tpu.matmul %slice3A_315, %div3A_30, %dot_general3A_316 {dimension_numbers = #tpu.dot_dimension_numbers<[1], [0], [0], [1], [0, 0, 1, 1], [], []>, transpose_lhs_hint = false} : vector<256x3xf32>, vector<3x128xf32>, vector<256x128xf32> -> vector<256x128xf32>
    %max3A_318 = arith.constant 0.000000e+00 : f32
    %max3A_319 = vector.broadcast %max3A_318 : f32 to vector<256x128xf32>
    %max3A_320 = arith.maximumf %dot_general3A_317, %max3A_319 : vector<256x128xf32>
    %mul3A_321 = arith.mulf %max3A_320, %dot_general3A_314 : vector<256x128xf32>
    %max3A_322 = arith.maximumf %max3A_307, %mul3A_321 : vector<256x128xf32>
    %slice3A_323 = vector.extract_strided_slice %get3A_35 {offsets = [19, 0], sizes = [1, 256], strides = [1, 1]} : vector<20x256xi32> to vector<1x256xi32>
    %eq3A_324 = vector.broadcast %slice3A_323 : vector<1x256xi32> to vector<256x256xi32>
    %eq3A_325 = arith.cmpi eq, %iota3A, %eq3A_324 : vector<256x256xi32>
    %convert_element_type3A_326 = arith.extui %eq3A_325 : vector<256x256xi1> to vector<256x256xi32>
    %convert_element_type3A_327 = arith.sitofp %convert_element_type3A_326 : vector<256x256xi32> to vector<256x256xf32>
    %dot_general3A_328 = arith.constant dense<0.000000e+00> : vector<256x128xf32>
    %dot_general3A_329 = tpu.matmul %convert_element_type3A_327, %add3A_17, %dot_general3A_328 {dimension_numbers = #tpu.dot_dimension_numbers<[0], [0], [1], [1], [0, 1, 1, 1], [], []>, transpose_lhs_hint = false} : vector<256x256xf32>, vector<256x128xf32>, vector<256x128xf32> -> vector<256x128xf32>
    %slice3A_330 = vector.extract_strided_slice %get3A_40 {offsets = [0, 57], sizes = [256, 3], strides = [1, 1]} : vector<256x60xf32> to vector<256x3xf32>
    %dot_general3A_331 = arith.constant dense<0.000000e+00> : vector<256x128xf32>
    %dot_general3A_332 = tpu.matmul %slice3A_330, %div3A_30, %dot_general3A_331 {dimension_numbers = #tpu.dot_dimension_numbers<[1], [0], [0], [1], [0, 0, 1, 1], [], []>, transpose_lhs_hint = false} : vector<256x3xf32>, vector<3x128xf32>, vector<256x128xf32> -> vector<256x128xf32>
    %max3A_333 = arith.constant 0.000000e+00 : f32
    %max3A_334 = vector.broadcast %max3A_333 : f32 to vector<256x128xf32>
    %max3A_335 = arith.maximumf %dot_general3A_332, %max3A_334 : vector<256x128xf32>
    %mul3A_336 = arith.mulf %max3A_335, %dot_general3A_329 : vector<256x128xf32>
    %max3A_337 = arith.maximumf %max3A_322, %mul3A_336 : vector<256x128xf32>
    %add3A_338 = arith.addf %add3A_23, %max3A_337 : vector<256x128xf32>
    %max3A_339 = arith.constant 0.000000e+00 : f32
    %max3A_340 = vector.broadcast %max3A_339 : f32 to vector<256x128xf32>
    %max3A_341 = arith.maximumf %add3A_338, %max3A_340 : vector<256x128xf32>
    %swap3A = arith.constant 0 : index
    %swap3A_342 = arith.constant 0 : index
    %swap3A_343 = arith.constant 0 : index
    %swap3A_344 = vector.load %arg9[%swap3A, %swap3A_342, %swap3A_343] : memref<1x256x128xf32, #tpu.memory_space<vmem>>, vector<1x256x128xf32>
    %swap3A_345 = vector.shape_cast %swap3A_344 : vector<1x256x128xf32> to vector<256x128xf32>
    %swap3A_346 = vector.shape_cast %max3A_341 : vector<256x128xf32> to vector<1x256x128xf32>
    tpu.vector_store %arg9[%swap3A, %swap3A_342, %swap3A_343], %swap3A_346 {strides = array<i32>} : memref<1x256x128xf32, #tpu.memory_space<vmem>>, vector<1x256x128xf32>,
    return
  }
  func.func @transform_0(%arg0: i32, %arg1: i32) -> (i32, i32, i32) {
    %c0_i32 = arith.constant 0 : i32
    %c0_i32_0 = arith.constant 0 : i32
    %c0_i32_1 = arith.constant 0 : i32
    return %arg0, %c0_i32, %c0_i32_0 : i32, i32, i32
  }
  func.func @transform_1(%arg0: i32, %arg1: i32) -> (i32, i32, i32) {
    %c0_i32 = arith.constant 0 : i32
    %c0_i32_0 = arith.constant 0 : i32
    return %arg0, %arg1, %c0_i32 : i32, i32, i32
  }
  func.func @transform_2(%arg0: i32, %arg1: i32) -> (i32, i32) {
    %c0_i32 = arith.constant 0 : i32
    %c0_i32_0 = arith.constant 0 : i32
    %c0_i32_1 = arith.constant 0 : i32
    return %c0_i32, %c0_i32_0 : i32, i32
  }
  func.func @transform_3(%arg0: i32, %arg1: i32) -> (i32, i32) {
    %c0_i32 = arith.constant 0 : i32
    %c0_i32_0 = arith.constant 0 : i32
    %c0_i32_1 = arith.constant 0 : i32
    return %c0_i32, %c0_i32_0 : i32, i32
  }
  func.func @transform_4(%arg0: i32, %arg1: i32) -> (i32, i32) {
    %c0_i32 = arith.constant 0 : i32
    %c0_i32_0 = arith.constant 0 : i32
    %c0_i32_1 = arith.constant 0 : i32
    return %c0_i32, %c0_i32_0 : i32, i32
  }
  func.func @transform_5(%arg0: i32, %arg1: i32) -> (i32, i32, i32) {
    %c0_i32 = arith.constant 0 : i32
    %c0_i32_0 = arith.constant 0 : i32
    return %arg0, %c0_i32, %arg1 : i32, i32, i32
  }
  func.func @transform_6(%arg0: i32, %arg1: i32) -> (i32, i32, i32) {
    %c0_i32 = arith.constant 0 : i32
    %c0_i32_0 = arith.constant 0 : i32
    return %arg0, %arg1, %c0_i32 : i32, i32, i32
  }
  func.func @transform_7(%arg0: i32, %arg1: i32) -> (i32, i32, i32) {
    %c0_i32 = arith.constant 0 : i32
    %c0_i32_0 = arith.constant 0 : i32
    return %arg0, %arg1, %c0_i32 : i32, i32, i32
  }
}

module attributes {stable_mosaic.version = 14 : i64} {
  func.func @_conv_body(%arg0: i32, %arg1: i32, %arg2: memref<1x256x128xf32, #tpu.memory_space<vmem>>, %arg3: memref<1x256x128xf32, #tpu.memory_space<vmem>>, %arg4: memref<128x512xf32, #tpu.memory_space<vmem>>, %arg5: memref<1x512xf32, #tpu.memory_space<vmem>>, %arg6: memref<3x256xf32, #tpu.memory_space<vmem>>, %arg7: memref<1x20x256xi32, #tpu.memory_space<vmem>>, %arg8: memref<1x256x60xf32, #tpu.memory_space<vmem>>, %arg9: memref<1x256x256xf32, #tpu.memory_space<vmem>>) attributes {dimension_semantics = [#tpu.dimension_semantics<arbitrary>, #tpu.dimension_semantics<arbitrary>], iteration_bounds = array<i64: 8, 1>, scalar_prefetch = 0 : i64, scratch_operands = 0 : i64, tpu.core_type = #tpu.core_type<tc>, window_params = [{transform_indices = @transform_0, window_bounds = array<i64: 1, 256, 128>}, {transform_indices = @transform_1, window_bounds = array<i64: 1, 256, 128>}, {pipeline_mode = #tpu.pipeline_mode<synchronous>, transform_indices = @transform_2, window_bounds = array<i64: 128, 512>}, {pipeline_mode = #tpu.pipeline_mode<synchronous>, transform_indices = @transform_3, window_bounds = array<i64: 1, 512>}, {pipeline_mode = #tpu.pipeline_mode<synchronous>, transform_indices = @transform_4, window_bounds = array<i64: 3, 256>}, {transform_indices = @transform_5, window_bounds = array<i64: 1, 20, 256>}, {transform_indices = @transform_6, window_bounds = array<i64: 1, 256, 60>}, {transform_indices = @transform_7, window_bounds = array<i64: 1, 256, 256>}]} {
    %get3A = arith.constant 0 : index
    %get3A_0 = arith.constant 0 : index
    %get3A_1 = arith.constant 0 : index
    %get3A_2 = vector.load %arg2[%get3A, %get3A_0, %get3A_1] : memref<1x256x128xf32, #tpu.memory_space<vmem>>, vector<1x256x128xf32>
    %get3A_3 = vector.shape_cast %get3A_2 : vector<1x256x128xf32> to vector<256x128xf32>
    %get3A_4 = arith.constant 0 : index
    %get3A_5 = arith.constant 0 : index
    %get3A_6 = arith.constant 0 : index
    %get3A_7 = vector.load %arg3[%get3A_4, %get3A_5, %get3A_6] : memref<1x256x128xf32, #tpu.memory_space<vmem>>, vector<1x256x128xf32>
    %get3A_8 = vector.shape_cast %get3A_7 : vector<1x256x128xf32> to vector<256x128xf32>
    %get3A_9 = arith.constant 0 : index
    %get3A_10 = arith.constant 0 : index
    %get3A_11 = vector.load %arg4[%get3A_9, %get3A_10] : memref<128x512xf32, #tpu.memory_space<vmem>>, vector<128x512xf32>
    %get3A_12 = arith.constant 0 : index
    %get3A_13 = arith.constant 0 : index
    %get3A_14 = vector.load %arg5[%get3A_12, %get3A_13] : memref<1x512xf32, #tpu.memory_space<vmem>>, vector<1x512xf32>
    %slice3A = vector.extract_strided_slice %get3A_11 {offsets = [0, 256], sizes = [128, 256], strides = [1, 1]} : vector<128x512xf32> to vector<128x256xf32>
    %dot_general3A = arith.constant dense<0.000000e+00> : vector<256x256xf32>
    %dot_general3A_15 = tpu.matmul %get3A_3, %slice3A, %dot_general3A {dimension_numbers = #tpu.dot_dimension_numbers<[1], [0], [0], [1], [0, 0, 1, 1], [], []>, transpose_lhs_hint = false} : vector<256x128xf32>, vector<128x256xf32>, vector<256x256xf32> -> vector<256x256xf32>
    %slice3A_16 = vector.extract_strided_slice %get3A_14 {offsets = [0, 256], sizes = [1, 256], strides = [1, 1]} : vector<1x512xf32> to vector<1x256xf32>
    %add3A = vector.broadcast %slice3A_16 : vector<1x256xf32> to vector<256x256xf32>
    %add3A_17 = arith.addf %dot_general3A_15, %add3A : vector<256x256xf32>
    %slice3A_18 = vector.extract_strided_slice %get3A_11 {offsets = [0, 0], sizes = [128, 256], strides = [1, 1]} : vector<128x512xf32> to vector<128x256xf32>
    %dot_general3A_19 = arith.constant dense<0.000000e+00> : vector<256x256xf32>
    %dot_general3A_20 = tpu.matmul %get3A_8, %slice3A_18, %dot_general3A_19 {dimension_numbers = #tpu.dot_dimension_numbers<[1], [0], [0], [1], [0, 0, 1, 1], [], []>, transpose_lhs_hint = false} : vector<256x128xf32>, vector<128x256xf32>, vector<256x256xf32> -> vector<256x256xf32>
    %slice3A_21 = vector.extract_strided_slice %get3A_14 {offsets = [0, 0], sizes = [1, 256], strides = [1, 1]} : vector<1x512xf32> to vector<1x256xf32>
    %add3A_22 = vector.broadcast %slice3A_21 : vector<1x256xf32> to vector<256x256xf32>
    %add3A_23 = arith.addf %dot_general3A_20, %add3A_22 : vector<256x256xf32>
    %get3A_24 = arith.constant 0 : index
    %get3A_25 = arith.constant 0 : index
    %get3A_26 = vector.load %arg6[%get3A_24, %get3A_25] : memref<3x256xf32, #tpu.memory_space<vmem>>, vector<3x256xf32>
    %mul3A = arith.mulf %get3A_26, %get3A_26 : vector<3x256xf32>
    %reduce_sum3A = arith.constant dense<0.000000e+00> : vector<256xf32>
    %reduce_sum3A_27 = vector.multi_reduction <add>, %mul3A, %reduce_sum3A [0] : vector<3x256xf32> to vector<256xf32>
    %broadcast_in_dim3A = vector.shape_cast %reduce_sum3A_27 : vector<256xf32> to vector<1x256xf32>
    %sqrt3A = math.sqrt %broadcast_in_dim3A : vector<1x256xf32>
    %max3A = arith.constant 9.99999996E-13 : f32
    %max3A_28 = vector.broadcast %max3A : f32 to vector<1x256xf32>
    %max3A_29 = arith.maximumf %sqrt3A, %max3A_28 : vector<1x256xf32>
    %div3A = vector.broadcast %max3A_29 : vector<1x256xf32> to vector<3x256xf32>
    %div3A_30 = arith.divf %get3A_26, %div3A : vector<3x256xf32>
    %get3A_31 = arith.constant 0 : index
    %get3A_32 = arith.constant 0 : index
    %get3A_33 = arith.constant 0 : index
    %get3A_34 = vector.load %arg7[%get3A_31, %get3A_32, %get3A_33] : memref<1x20x256xi32, #tpu.memory_space<vmem>>, vector<1x20x256xi32>
    %get3A_35 = vector.shape_cast %get3A_34 : vector<1x20x256xi32> to vector<20x256xi32>
    %get3A_36 = arith.constant 0 : index
    %get3A_37 = arith.constant 0 : index
    %get3A_38 = arith.constant 0 : index
    %get3A_39 = vector.load %arg8[%get3A_36, %get3A_37, %get3A_38] : memref<1x256x60xf32, #tpu.memory_space<vmem>>, vector<1x256x60xf32>
    %get3A_40 = vector.shape_cast %get3A_39 : vector<1x256x60xf32> to vector<256x60xf32>
    %iota3A = tpu.iota {dimensions = array<i32: 0>} : vector<256x256xi32>
    %slice3A_41 = vector.extract_strided_slice %get3A_35 {offsets = [0, 0], sizes = [1, 256], strides = [1, 1]} : vector<20x256xi32> to vector<1x256xi32>
    %eq3A = vector.broadcast %slice3A_41 : vector<1x256xi32> to vector<256x256xi32>
    %eq3A_42 = arith.cmpi eq, %iota3A, %eq3A : vector<256x256xi32>
    %convert_element_type3A = arith.extui %eq3A_42 : vector<256x256xi1> to vector<256x256xi32>
    %convert_element_type3A_43 = arith.sitofp %convert_element_type3A : vector<256x256xi32> to vector<256x256xf32>
    %dot_general3A_44 = arith.constant dense<0.000000e+00> : vector<256x256xf32>
    %dot_general3A_45 = tpu.matmul %convert_element_type3A_43, %add3A_17, %dot_general3A_44 {dimension_numbers = #tpu.dot_dimension_numbers<[0], [0], [1], [1], [0, 1, 1, 1], [], []>, transpose_lhs_hint = false} : vector<256x256xf32>, vector<256x256xf32>, vector<256x256xf32> -> vector<256x256xf32>
    %slice3A_46 = vector.extract_strided_slice %get3A_40 {offsets = [0, 0], sizes = [256, 3], strides = [1, 1]} : vector<256x60xf32> to vector<256x3xf32>
    %dot_general3A_47 = arith.constant dense<0.000000e+00> : vector<256x256xf32>
    %dot_general3A_48 = tpu.matmul %slice3A_46, %div3A_30, %dot_general3A_47 {dimension_numbers = #tpu.dot_dimension_numbers<[1], [0], [0], [1], [0, 0, 1, 1], [], []>, transpose_lhs_hint = false} : vector<256x3xf32>, vector<3x256xf32>, vector<256x256xf32> -> vector<256x256xf32>
    %max3A_49 = arith.constant 0.000000e+00 : f32
    %max3A_50 = vector.broadcast %max3A_49 : f32 to vector<256x256xf32>
    %max3A_51 = arith.maximumf %dot_general3A_48, %max3A_50 : vector<256x256xf32>
    %mul3A_52 = arith.mulf %max3A_51, %dot_general3A_45 : vector<256x256xf32>
    %slice3A_53 = vector.extract_strided_slice %get3A_35 {offsets = [1, 0], sizes = [1, 256], strides = [1, 1]} : vector<20x256xi32> to vector<1x256xi32>
    %eq3A_54 = vector.broadcast %slice3A_53 : vector<1x256xi32> to vector<256x256xi32>
    %eq3A_55 = arith.cmpi eq, %iota3A, %eq3A_54 : vector<256x256xi32>
    %convert_element_type3A_56 = arith.extui %eq3A_55 : vector<256x256xi1> to vector<256x256xi32>
    %convert_element_type3A_57 = arith.sitofp %convert_element_type3A_56 : vector<256x256xi32> to vector<256x256xf32>
    %dot_general3A_58 = arith.constant dense<0.000000e+00> : vector<256x256xf32>
    %dot_general3A_59 = tpu.matmul %convert_element_type3A_57, %add3A_17, %dot_general3A_58 {dimension_numbers = #tpu.dot_dimension_numbers<[0], [0], [1], [1], [0, 1, 1, 1], [], []>, transpose_lhs_hint = false} : vector<256x256xf32>, vector<256x256xf32>, vector<256x256xf32> -> vector<256x256xf32>
    %slice3A_60 = vector.extract_strided_slice %get3A_40 {offsets = [0, 3], sizes = [256, 3], strides = [1, 1]} : vector<256x60xf32> to vector<256x3xf32>
    %dot_general3A_61 = arith.constant dense<0.000000e+00> : vector<256x256xf32>
    %dot_general3A_62 = tpu.matmul %slice3A_60, %div3A_30, %dot_general3A_61 {dimension_numbers = #tpu.dot_dimension_numbers<[1], [0], [0], [1], [0, 0, 1, 1], [], []>, transpose_lhs_hint = false} : vector<256x3xf32>, vector<3x256xf32>, vector<256x256xf32> -> vector<256x256xf32>
    %max3A_63 = arith.constant 0.000000e+00 : f32
    %max3A_64 = vector.broadcast %max3A_63 : f32 to vector<256x256xf32>
    %max3A_65 = arith.maximumf %dot_general3A_62, %max3A_64 : vector<256x256xf32>
    %mul3A_66 = arith.mulf %max3A_65, %dot_general3A_59 : vector<256x256xf32>
    %max3A_67 = arith.maximumf %mul3A_52, %mul3A_66 : vector<256x256xf32>
    %slice3A_68 = vector.extract_strided_slice %get3A_35 {offsets = [2, 0], sizes = [1, 256], strides = [1, 1]} : vector<20x256xi32> to vector<1x256xi32>
    %eq3A_69 = vector.broadcast %slice3A_68 : vector<1x256xi32> to vector<256x256xi32>
    %eq3A_70 = arith.cmpi eq, %iota3A, %eq3A_69 : vector<256x256xi32>
    %convert_element_type3A_71 = arith.extui %eq3A_70 : vector<256x256xi1> to vector<256x256xi32>
    %convert_element_type3A_72 = arith.sitofp %convert_element_type3A_71 : vector<256x256xi32> to vector<256x256xf32>
    %dot_general3A_73 = arith.constant dense<0.000000e+00> : vector<256x256xf32>
    %dot_general3A_74 = tpu.matmul %convert_element_type3A_72, %add3A_17, %dot_general3A_73 {dimension_numbers = #tpu.dot_dimension_numbers<[0], [0], [1], [1], [0, 1, 1, 1], [], []>, transpose_lhs_hint = false} : vector<256x256xf32>, vector<256x256xf32>, vector<256x256xf32> -> vector<256x256xf32>
    %slice3A_75 = vector.extract_strided_slice %get3A_40 {offsets = [0, 6], sizes = [256, 3], strides = [1, 1]} : vector<256x60xf32> to vector<256x3xf32>
    %dot_general3A_76 = arith.constant dense<0.000000e+00> : vector<256x256xf32>
    %dot_general3A_77 = tpu.matmul %slice3A_75, %div3A_30, %dot_general3A_76 {dimension_numbers = #tpu.dot_dimension_numbers<[1], [0], [0], [1], [0, 0, 1, 1], [], []>, transpose_lhs_hint = false} : vector<256x3xf32>, vector<3x256xf32>, vector<256x256xf32> -> vector<256x256xf32>
    %max3A_78 = arith.constant 0.000000e+00 : f32
    %max3A_79 = vector.broadcast %max3A_78 : f32 to vector<256x256xf32>
    %max3A_80 = arith.maximumf %dot_general3A_77, %max3A_79 : vector<256x256xf32>
    %mul3A_81 = arith.mulf %max3A_80, %dot_general3A_74 : vector<256x256xf32>
    %max3A_82 = arith.maximumf %max3A_67, %mul3A_81 : vector<256x256xf32>
    %slice3A_83 = vector.extract_strided_slice %get3A_35 {offsets = [3, 0], sizes = [1, 256], strides = [1, 1]} : vector<20x256xi32> to vector<1x256xi32>
    %eq3A_84 = vector.broadcast %slice3A_83 : vector<1x256xi32> to vector<256x256xi32>
    %eq3A_85 = arith.cmpi eq, %iota3A, %eq3A_84 : vector<256x256xi32>
    %convert_element_type3A_86 = arith.extui %eq3A_85 : vector<256x256xi1> to vector<256x256xi32>
    %convert_element_type3A_87 = arith.sitofp %convert_element_type3A_86 : vector<256x256xi32> to vector<256x256xf32>
    %dot_general3A_88 = arith.constant dense<0.000000e+00> : vector<256x256xf32>
    %dot_general3A_89 = tpu.matmul %convert_element_type3A_87, %add3A_17, %dot_general3A_88 {dimension_numbers = #tpu.dot_dimension_numbers<[0], [0], [1], [1], [0, 1, 1, 1], [], []>, transpose_lhs_hint = false} : vector<256x256xf32>, vector<256x256xf32>, vector<256x256xf32> -> vector<256x256xf32>
    %slice3A_90 = vector.extract_strided_slice %get3A_40 {offsets = [0, 9], sizes = [256, 3], strides = [1, 1]} : vector<256x60xf32> to vector<256x3xf32>
    %dot_general3A_91 = arith.constant dense<0.000000e+00> : vector<256x256xf32>
    %dot_general3A_92 = tpu.matmul %slice3A_90, %div3A_30, %dot_general3A_91 {dimension_numbers = #tpu.dot_dimension_numbers<[1], [0], [0], [1], [0, 0, 1, 1], [], []>, transpose_lhs_hint = false} : vector<256x3xf32>, vector<3x256xf32>, vector<256x256xf32> -> vector<256x256xf32>
    %max3A_93 = arith.constant 0.000000e+00 : f32
    %max3A_94 = vector.broadcast %max3A_93 : f32 to vector<256x256xf32>
    %max3A_95 = arith.maximumf %dot_general3A_92, %max3A_94 : vector<256x256xf32>
    %mul3A_96 = arith.mulf %max3A_95, %dot_general3A_89 : vector<256x256xf32>
    %max3A_97 = arith.maximumf %max3A_82, %mul3A_96 : vector<256x256xf32>
    %slice3A_98 = vector.extract_strided_slice %get3A_35 {offsets = [4, 0], sizes = [1, 256], strides = [1, 1]} : vector<20x256xi32> to vector<1x256xi32>
    %eq3A_99 = vector.broadcast %slice3A_98 : vector<1x256xi32> to vector<256x256xi32>
    %eq3A_100 = arith.cmpi eq, %iota3A, %eq3A_99 : vector<256x256xi32>
    %convert_element_type3A_101 = arith.extui %eq3A_100 : vector<256x256xi1> to vector<256x256xi32>
    %convert_element_type3A_102 = arith.sitofp %convert_element_type3A_101 : vector<256x256xi32> to vector<256x256xf32>
    %dot_general3A_103 = arith.constant dense<0.000000e+00> : vector<256x256xf32>
    %dot_general3A_104 = tpu.matmul %convert_element_type3A_102, %add3A_17, %dot_general3A_103 {dimension_numbers = #tpu.dot_dimension_numbers<[0], [0], [1], [1], [0, 1, 1, 1], [], []>, transpose_lhs_hint = false} : vector<256x256xf32>, vector<256x256xf32>, vector<256x256xf32> -> vector<256x256xf32>
    %slice3A_105 = vector.extract_strided_slice %get3A_40 {offsets = [0, 12], sizes = [256, 3], strides = [1, 1]} : vector<256x60xf32> to vector<256x3xf32>
    %dot_general3A_106 = arith.constant dense<0.000000e+00> : vector<256x256xf32>
    %dot_general3A_107 = tpu.matmul %slice3A_105, %div3A_30, %dot_general3A_106 {dimension_numbers = #tpu.dot_dimension_numbers<[1], [0], [0], [1], [0, 0, 1, 1], [], []>, transpose_lhs_hint = false} : vector<256x3xf32>, vector<3x256xf32>, vector<256x256xf32> -> vector<256x256xf32>
    %max3A_108 = arith.constant 0.000000e+00 : f32
    %max3A_109 = vector.broadcast %max3A_108 : f32 to vector<256x256xf32>
    %max3A_110 = arith.maximumf %dot_general3A_107, %max3A_109 : vector<256x256xf32>
    %mul3A_111 = arith.mulf %max3A_110, %dot_general3A_104 : vector<256x256xf32>
    %max3A_112 = arith.maximumf %max3A_97, %mul3A_111 : vector<256x256xf32>
    %slice3A_113 = vector.extract_strided_slice %get3A_35 {offsets = [5, 0], sizes = [1, 256], strides = [1, 1]} : vector<20x256xi32> to vector<1x256xi32>
    %eq3A_114 = vector.broadcast %slice3A_113 : vector<1x256xi32> to vector<256x256xi32>
    %eq3A_115 = arith.cmpi eq, %iota3A, %eq3A_114 : vector<256x256xi32>
    %convert_element_type3A_116 = arith.extui %eq3A_115 : vector<256x256xi1> to vector<256x256xi32>
    %convert_element_type3A_117 = arith.sitofp %convert_element_type3A_116 : vector<256x256xi32> to vector<256x256xf32>
    %dot_general3A_118 = arith.constant dense<0.000000e+00> : vector<256x256xf32>
    %dot_general3A_119 = tpu.matmul %convert_element_type3A_117, %add3A_17, %dot_general3A_118 {dimension_numbers = #tpu.dot_dimension_numbers<[0], [0], [1], [1], [0, 1, 1, 1], [], []>, transpose_lhs_hint = false} : vector<256x256xf32>, vector<256x256xf32>, vector<256x256xf32> -> vector<256x256xf32>
    %slice3A_120 = vector.extract_strided_slice %get3A_40 {offsets = [0, 15], sizes = [256, 3], strides = [1, 1]} : vector<256x60xf32> to vector<256x3xf32>
    %dot_general3A_121 = arith.constant dense<0.000000e+00> : vector<256x256xf32>
    %dot_general3A_122 = tpu.matmul %slice3A_120, %div3A_30, %dot_general3A_121 {dimension_numbers = #tpu.dot_dimension_numbers<[1], [0], [0], [1], [0, 0, 1, 1], [], []>, transpose_lhs_hint = false} : vector<256x3xf32>, vector<3x256xf32>, vector<256x256xf32> -> vector<256x256xf32>
    %max3A_123 = arith.constant 0.000000e+00 : f32
    %max3A_124 = vector.broadcast %max3A_123 : f32 to vector<256x256xf32>
    %max3A_125 = arith.maximumf %dot_general3A_122, %max3A_124 : vector<256x256xf32>
    %mul3A_126 = arith.mulf %max3A_125, %dot_general3A_119 : vector<256x256xf32>
    %max3A_127 = arith.maximumf %max3A_112, %mul3A_126 : vector<256x256xf32>
    %slice3A_128 = vector.extract_strided_slice %get3A_35 {offsets = [6, 0], sizes = [1, 256], strides = [1, 1]} : vector<20x256xi32> to vector<1x256xi32>
    %eq3A_129 = vector.broadcast %slice3A_128 : vector<1x256xi32> to vector<256x256xi32>
    %eq3A_130 = arith.cmpi eq, %iota3A, %eq3A_129 : vector<256x256xi32>
    %convert_element_type3A_131 = arith.extui %eq3A_130 : vector<256x256xi1> to vector<256x256xi32>
    %convert_element_type3A_132 = arith.sitofp %convert_element_type3A_131 : vector<256x256xi32> to vector<256x256xf32>
    %dot_general3A_133 = arith.constant dense<0.000000e+00> : vector<256x256xf32>
    %dot_general3A_134 = tpu.matmul %convert_element_type3A_132, %add3A_17, %dot_general3A_133 {dimension_numbers = #tpu.dot_dimension_numbers<[0], [0], [1], [1], [0, 1, 1, 1], [], []>, transpose_lhs_hint = false} : vector<256x256xf32>, vector<256x256xf32>, vector<256x256xf32> -> vector<256x256xf32>
    %slice3A_135 = vector.extract_strided_slice %get3A_40 {offsets = [0, 18], sizes = [256, 3], strides = [1, 1]} : vector<256x60xf32> to vector<256x3xf32>
    %dot_general3A_136 = arith.constant dense<0.000000e+00> : vector<256x256xf32>
    %dot_general3A_137 = tpu.matmul %slice3A_135, %div3A_30, %dot_general3A_136 {dimension_numbers = #tpu.dot_dimension_numbers<[1], [0], [0], [1], [0, 0, 1, 1], [], []>, transpose_lhs_hint = false} : vector<256x3xf32>, vector<3x256xf32>, vector<256x256xf32> -> vector<256x256xf32>
    %max3A_138 = arith.constant 0.000000e+00 : f32
    %max3A_139 = vector.broadcast %max3A_138 : f32 to vector<256x256xf32>
    %max3A_140 = arith.maximumf %dot_general3A_137, %max3A_139 : vector<256x256xf32>
    %mul3A_141 = arith.mulf %max3A_140, %dot_general3A_134 : vector<256x256xf32>
    %max3A_142 = arith.maximumf %max3A_127, %mul3A_141 : vector<256x256xf32>
    %slice3A_143 = vector.extract_strided_slice %get3A_35 {offsets = [7, 0], sizes = [1, 256], strides = [1, 1]} : vector<20x256xi32> to vector<1x256xi32>
    %eq3A_144 = vector.broadcast %slice3A_143 : vector<1x256xi32> to vector<256x256xi32>
    %eq3A_145 = arith.cmpi eq, %iota3A, %eq3A_144 : vector<256x256xi32>
    %convert_element_type3A_146 = arith.extui %eq3A_145 : vector<256x256xi1> to vector<256x256xi32>
    %convert_element_type3A_147 = arith.sitofp %convert_element_type3A_146 : vector<256x256xi32> to vector<256x256xf32>
    %dot_general3A_148 = arith.constant dense<0.000000e+00> : vector<256x256xf32>
    %dot_general3A_149 = tpu.matmul %convert_element_type3A_147, %add3A_17, %dot_general3A_148 {dimension_numbers = #tpu.dot_dimension_numbers<[0], [0], [1], [1], [0, 1, 1, 1], [], []>, transpose_lhs_hint = false} : vector<256x256xf32>, vector<256x256xf32>, vector<256x256xf32> -> vector<256x256xf32>
    %slice3A_150 = vector.extract_strided_slice %get3A_40 {offsets = [0, 21], sizes = [256, 3], strides = [1, 1]} : vector<256x60xf32> to vector<256x3xf32>
    %dot_general3A_151 = arith.constant dense<0.000000e+00> : vector<256x256xf32>
    %dot_general3A_152 = tpu.matmul %slice3A_150, %div3A_30, %dot_general3A_151 {dimension_numbers = #tpu.dot_dimension_numbers<[1], [0], [0], [1], [0, 0, 1, 1], [], []>, transpose_lhs_hint = false} : vector<256x3xf32>, vector<3x256xf32>, vector<256x256xf32> -> vector<256x256xf32>
    %max3A_153 = arith.constant 0.000000e+00 : f32
    %max3A_154 = vector.broadcast %max3A_153 : f32 to vector<256x256xf32>
    %max3A_155 = arith.maximumf %dot_general3A_152, %max3A_154 : vector<256x256xf32>
    %mul3A_156 = arith.mulf %max3A_155, %dot_general3A_149 : vector<256x256xf32>
    %max3A_157 = arith.maximumf %max3A_142, %mul3A_156 : vector<256x256xf32>
    %slice3A_158 = vector.extract_strided_slice %get3A_35 {offsets = [8, 0], sizes = [1, 256], strides = [1, 1]} : vector<20x256xi32> to vector<1x256xi32>
    %eq3A_159 = vector.broadcast %slice3A_158 : vector<1x256xi32> to vector<256x256xi32>
    %eq3A_160 = arith.cmpi eq, %iota3A, %eq3A_159 : vector<256x256xi32>
    %convert_element_type3A_161 = arith.extui %eq3A_160 : vector<256x256xi1> to vector<256x256xi32>
    %convert_element_type3A_162 = arith.sitofp %convert_element_type3A_161 : vector<256x256xi32> to vector<256x256xf32>
    %dot_general3A_163 = arith.constant dense<0.000000e+00> : vector<256x256xf32>
    %dot_general3A_164 = tpu.matmul %convert_element_type3A_162, %add3A_17, %dot_general3A_163 {dimension_numbers = #tpu.dot_dimension_numbers<[0], [0], [1], [1], [0, 1, 1, 1], [], []>, transpose_lhs_hint = false} : vector<256x256xf32>, vector<256x256xf32>, vector<256x256xf32> -> vector<256x256xf32>
    %slice3A_165 = vector.extract_strided_slice %get3A_40 {offsets = [0, 24], sizes = [256, 3], strides = [1, 1]} : vector<256x60xf32> to vector<256x3xf32>
    %dot_general3A_166 = arith.constant dense<0.000000e+00> : vector<256x256xf32>
    %dot_general3A_167 = tpu.matmul %slice3A_165, %div3A_30, %dot_general3A_166 {dimension_numbers = #tpu.dot_dimension_numbers<[1], [0], [0], [1], [0, 0, 1, 1], [], []>, transpose_lhs_hint = false} : vector<256x3xf32>, vector<3x256xf32>, vector<256x256xf32> -> vector<256x256xf32>
    %max3A_168 = arith.constant 0.000000e+00 : f32
    %max3A_169 = vector.broadcast %max3A_168 : f32 to vector<256x256xf32>
    %max3A_170 = arith.maximumf %dot_general3A_167, %max3A_169 : vector<256x256xf32>
    %mul3A_171 = arith.mulf %max3A_170, %dot_general3A_164 : vector<256x256xf32>
    %max3A_172 = arith.maximumf %max3A_157, %mul3A_171 : vector<256x256xf32>
    %slice3A_173 = vector.extract_strided_slice %get3A_35 {offsets = [9, 0], sizes = [1, 256], strides = [1, 1]} : vector<20x256xi32> to vector<1x256xi32>
    %eq3A_174 = vector.broadcast %slice3A_173 : vector<1x256xi32> to vector<256x256xi32>
    %eq3A_175 = arith.cmpi eq, %iota3A, %eq3A_174 : vector<256x256xi32>
    %convert_element_type3A_176 = arith.extui %eq3A_175 : vector<256x256xi1> to vector<256x256xi32>
    %convert_element_type3A_177 = arith.sitofp %convert_element_type3A_176 : vector<256x256xi32> to vector<256x256xf32>
    %dot_general3A_178 = arith.constant dense<0.000000e+00> : vector<256x256xf32>
    %dot_general3A_179 = tpu.matmul %convert_element_type3A_177, %add3A_17, %dot_general3A_178 {dimension_numbers = #tpu.dot_dimension_numbers<[0], [0], [1], [1], [0, 1, 1, 1], [], []>, transpose_lhs_hint = false} : vector<256x256xf32>, vector<256x256xf32>, vector<256x256xf32> -> vector<256x256xf32>
    %slice3A_180 = vector.extract_strided_slice %get3A_40 {offsets = [0, 27], sizes = [256, 3], strides = [1, 1]} : vector<256x60xf32> to vector<256x3xf32>
    %dot_general3A_181 = arith.constant dense<0.000000e+00> : vector<256x256xf32>
    %dot_general3A_182 = tpu.matmul %slice3A_180, %div3A_30, %dot_general3A_181 {dimension_numbers = #tpu.dot_dimension_numbers<[1], [0], [0], [1], [0, 0, 1, 1], [], []>, transpose_lhs_hint = false} : vector<256x3xf32>, vector<3x256xf32>, vector<256x256xf32> -> vector<256x256xf32>
    %max3A_183 = arith.constant 0.000000e+00 : f32
    %max3A_184 = vector.broadcast %max3A_183 : f32 to vector<256x256xf32>
    %max3A_185 = arith.maximumf %dot_general3A_182, %max3A_184 : vector<256x256xf32>
    %mul3A_186 = arith.mulf %max3A_185, %dot_general3A_179 : vector<256x256xf32>
    %max3A_187 = arith.maximumf %max3A_172, %mul3A_186 : vector<256x256xf32>
    %slice3A_188 = vector.extract_strided_slice %get3A_35 {offsets = [10, 0], sizes = [1, 256], strides = [1, 1]} : vector<20x256xi32> to vector<1x256xi32>
    %eq3A_189 = vector.broadcast %slice3A_188 : vector<1x256xi32> to vector<256x256xi32>
    %eq3A_190 = arith.cmpi eq, %iota3A, %eq3A_189 : vector<256x256xi32>
    %convert_element_type3A_191 = arith.extui %eq3A_190 : vector<256x256xi1> to vector<256x256xi32>
    %convert_element_type3A_192 = arith.sitofp %convert_element_type3A_191 : vector<256x256xi32> to vector<256x256xf32>
    %dot_general3A_193 = arith.constant dense<0.000000e+00> : vector<256x256xf32>
    %dot_general3A_194 = tpu.matmul %convert_element_type3A_192, %add3A_17, %dot_general3A_193 {dimension_numbers = #tpu.dot_dimension_numbers<[0], [0], [1], [1], [0, 1, 1, 1], [], []>, transpose_lhs_hint = false} : vector<256x256xf32>, vector<256x256xf32>, vector<256x256xf32> -> vector<256x256xf32>
    %slice3A_195 = vector.extract_strided_slice %get3A_40 {offsets = [0, 30], sizes = [256, 3], strides = [1, 1]} : vector<256x60xf32> to vector<256x3xf32>
    %dot_general3A_196 = arith.constant dense<0.000000e+00> : vector<256x256xf32>
    %dot_general3A_197 = tpu.matmul %slice3A_195, %div3A_30, %dot_general3A_196 {dimension_numbers = #tpu.dot_dimension_numbers<[1], [0], [0], [1], [0, 0, 1, 1], [], []>, transpose_lhs_hint = false} : vector<256x3xf32>, vector<3x256xf32>, vector<256x256xf32> -> vector<256x256xf32>
    %max3A_198 = arith.constant 0.000000e+00 : f32
    %max3A_199 = vector.broadcast %max3A_198 : f32 to vector<256x256xf32>
    %max3A_200 = arith.maximumf %dot_general3A_197, %max3A_199 : vector<256x256xf32>
    %mul3A_201 = arith.mulf %max3A_200, %dot_general3A_194 : vector<256x256xf32>
    %max3A_202 = arith.maximumf %max3A_187, %mul3A_201 : vector<256x256xf32>
    %slice3A_203 = vector.extract_strided_slice %get3A_35 {offsets = [11, 0], sizes = [1, 256], strides = [1, 1]} : vector<20x256xi32> to vector<1x256xi32>
    %eq3A_204 = vector.broadcast %slice3A_203 : vector<1x256xi32> to vector<256x256xi32>
    %eq3A_205 = arith.cmpi eq, %iota3A, %eq3A_204 : vector<256x256xi32>
    %convert_element_type3A_206 = arith.extui %eq3A_205 : vector<256x256xi1> to vector<256x256xi32>
    %convert_element_type3A_207 = arith.sitofp %convert_element_type3A_206 : vector<256x256xi32> to vector<256x256xf32>
    %dot_general3A_208 = arith.constant dense<0.000000e+00> : vector<256x256xf32>
    %dot_general3A_209 = tpu.matmul %convert_element_type3A_207, %add3A_17, %dot_general3A_208 {dimension_numbers = #tpu.dot_dimension_numbers<[0], [0], [1], [1], [0, 1, 1, 1], [], []>, transpose_lhs_hint = false} : vector<256x256xf32>, vector<256x256xf32>, vector<256x256xf32> -> vector<256x256xf32>
    %slice3A_210 = vector.extract_strided_slice %get3A_40 {offsets = [0, 33], sizes = [256, 3], strides = [1, 1]} : vector<256x60xf32> to vector<256x3xf32>
    %dot_general3A_211 = arith.constant dense<0.000000e+00> : vector<256x256xf32>
    %dot_general3A_212 = tpu.matmul %slice3A_210, %div3A_30, %dot_general3A_211 {dimension_numbers = #tpu.dot_dimension_numbers<[1], [0], [0], [1], [0, 0, 1, 1], [], []>, transpose_lhs_hint = false} : vector<256x3xf32>, vector<3x256xf32>, vector<256x256xf32> -> vector<256x256xf32>
    %max3A_213 = arith.constant 0.000000e+00 : f32
    %max3A_214 = vector.broadcast %max3A_213 : f32 to vector<256x256xf32>
    %max3A_215 = arith.maximumf %dot_general3A_212, %max3A_214 : vector<256x256xf32>
    %mul3A_216 = arith.mulf %max3A_215, %dot_general3A_209 : vector<256x256xf32>
    %max3A_217 = arith.maximumf %max3A_202, %mul3A_216 : vector<256x256xf32>
    %slice3A_218 = vector.extract_strided_slice %get3A_35 {offsets = [12, 0], sizes = [1, 256], strides = [1, 1]} : vector<20x256xi32> to vector<1x256xi32>
    %eq3A_219 = vector.broadcast %slice3A_218 : vector<1x256xi32> to vector<256x256xi32>
    %eq3A_220 = arith.cmpi eq, %iota3A, %eq3A_219 : vector<256x256xi32>
    %convert_element_type3A_221 = arith.extui %eq3A_220 : vector<256x256xi1> to vector<256x256xi32>
    %convert_element_type3A_222 = arith.sitofp %convert_element_type3A_221 : vector<256x256xi32> to vector<256x256xf32>
    %dot_general3A_223 = arith.constant dense<0.000000e+00> : vector<256x256xf32>
    %dot_general3A_224 = tpu.matmul %convert_element_type3A_222, %add3A_17, %dot_general3A_223 {dimension_numbers = #tpu.dot_dimension_numbers<[0], [0], [1], [1], [0, 1, 1, 1], [], []>, transpose_lhs_hint = false} : vector<256x256xf32>, vector<256x256xf32>, vector<256x256xf32> -> vector<256x256xf32>
    %slice3A_225 = vector.extract_strided_slice %get3A_40 {offsets = [0, 36], sizes = [256, 3], strides = [1, 1]} : vector<256x60xf32> to vector<256x3xf32>
    %dot_general3A_226 = arith.constant dense<0.000000e+00> : vector<256x256xf32>
    %dot_general3A_227 = tpu.matmul %slice3A_225, %div3A_30, %dot_general3A_226 {dimension_numbers = #tpu.dot_dimension_numbers<[1], [0], [0], [1], [0, 0, 1, 1], [], []>, transpose_lhs_hint = false} : vector<256x3xf32>, vector<3x256xf32>, vector<256x256xf32> -> vector<256x256xf32>
    %max3A_228 = arith.constant 0.000000e+00 : f32
    %max3A_229 = vector.broadcast %max3A_228 : f32 to vector<256x256xf32>
    %max3A_230 = arith.maximumf %dot_general3A_227, %max3A_229 : vector<256x256xf32>
    %mul3A_231 = arith.mulf %max3A_230, %dot_general3A_224 : vector<256x256xf32>
    %max3A_232 = arith.maximumf %max3A_217, %mul3A_231 : vector<256x256xf32>
    %slice3A_233 = vector.extract_strided_slice %get3A_35 {offsets = [13, 0], sizes = [1, 256], strides = [1, 1]} : vector<20x256xi32> to vector<1x256xi32>
    %eq3A_234 = vector.broadcast %slice3A_233 : vector<1x256xi32> to vector<256x256xi32>
    %eq3A_235 = arith.cmpi eq, %iota3A, %eq3A_234 : vector<256x256xi32>
    %convert_element_type3A_236 = arith.extui %eq3A_235 : vector<256x256xi1> to vector<256x256xi32>
    %convert_element_type3A_237 = arith.sitofp %convert_element_type3A_236 : vector<256x256xi32> to vector<256x256xf32>
    %dot_general3A_238 = arith.constant dense<0.000000e+00> : vector<256x256xf32>
    %dot_general3A_239 = tpu.matmul %convert_element_type3A_237, %add3A_17, %dot_general3A_238 {dimension_numbers = #tpu.dot_dimension_numbers<[0], [0], [1], [1], [0, 1, 1, 1], [], []>, transpose_lhs_hint = false} : vector<256x256xf32>, vector<256x256xf32>, vector<256x256xf32> -> vector<256x256xf32>
    %slice3A_240 = vector.extract_strided_slice %get3A_40 {offsets = [0, 39], sizes = [256, 3], strides = [1, 1]} : vector<256x60xf32> to vector<256x3xf32>
    %dot_general3A_241 = arith.constant dense<0.000000e+00> : vector<256x256xf32>
    %dot_general3A_242 = tpu.matmul %slice3A_240, %div3A_30, %dot_general3A_241 {dimension_numbers = #tpu.dot_dimension_numbers<[1], [0], [0], [1], [0, 0, 1, 1], [], []>, transpose_lhs_hint = false} : vector<256x3xf32>, vector<3x256xf32>, vector<256x256xf32> -> vector<256x256xf32>
    %max3A_243 = arith.constant 0.000000e+00 : f32
    %max3A_244 = vector.broadcast %max3A_243 : f32 to vector<256x256xf32>
    %max3A_245 = arith.maximumf %dot_general3A_242, %max3A_244 : vector<256x256xf32>
    %mul3A_246 = arith.mulf %max3A_245, %dot_general3A_239 : vector<256x256xf32>
    %max3A_247 = arith.maximumf %max3A_232, %mul3A_246 : vector<256x256xf32>
    %slice3A_248 = vector.extract_strided_slice %get3A_35 {offsets = [14, 0], sizes = [1, 256], strides = [1, 1]} : vector<20x256xi32> to vector<1x256xi32>
    %eq3A_249 = vector.broadcast %slice3A_248 : vector<1x256xi32> to vector<256x256xi32>
    %eq3A_250 = arith.cmpi eq, %iota3A, %eq3A_249 : vector<256x256xi32>
    %convert_element_type3A_251 = arith.extui %eq3A_250 : vector<256x256xi1> to vector<256x256xi32>
    %convert_element_type3A_252 = arith.sitofp %convert_element_type3A_251 : vector<256x256xi32> to vector<256x256xf32>
    %dot_general3A_253 = arith.constant dense<0.000000e+00> : vector<256x256xf32>
    %dot_general3A_254 = tpu.matmul %convert_element_type3A_252, %add3A_17, %dot_general3A_253 {dimension_numbers = #tpu.dot_dimension_numbers<[0], [0], [1], [1], [0, 1, 1, 1], [], []>, transpose_lhs_hint = false} : vector<256x256xf32>, vector<256x256xf32>, vector<256x256xf32> -> vector<256x256xf32>
    %slice3A_255 = vector.extract_strided_slice %get3A_40 {offsets = [0, 42], sizes = [256, 3], strides = [1, 1]} : vector<256x60xf32> to vector<256x3xf32>
    %dot_general3A_256 = arith.constant dense<0.000000e+00> : vector<256x256xf32>
    %dot_general3A_257 = tpu.matmul %slice3A_255, %div3A_30, %dot_general3A_256 {dimension_numbers = #tpu.dot_dimension_numbers<[1], [0], [0], [1], [0, 0, 1, 1], [], []>, transpose_lhs_hint = false} : vector<256x3xf32>, vector<3x256xf32>, vector<256x256xf32> -> vector<256x256xf32>
    %max3A_258 = arith.constant 0.000000e+00 : f32
    %max3A_259 = vector.broadcast %max3A_258 : f32 to vector<256x256xf32>
    %max3A_260 = arith.maximumf %dot_general3A_257, %max3A_259 : vector<256x256xf32>
    %mul3A_261 = arith.mulf %max3A_260, %dot_general3A_254 : vector<256x256xf32>
    %max3A_262 = arith.maximumf %max3A_247, %mul3A_261 : vector<256x256xf32>
    %slice3A_263 = vector.extract_strided_slice %get3A_35 {offsets = [15, 0], sizes = [1, 256], strides = [1, 1]} : vector<20x256xi32> to vector<1x256xi32>
    %eq3A_264 = vector.broadcast %slice3A_263 : vector<1x256xi32> to vector<256x256xi32>
    %eq3A_265 = arith.cmpi eq, %iota3A, %eq3A_264 : vector<256x256xi32>
    %convert_element_type3A_266 = arith.extui %eq3A_265 : vector<256x256xi1> to vector<256x256xi32>
    %convert_element_type3A_267 = arith.sitofp %convert_element_type3A_266 : vector<256x256xi32> to vector<256x256xf32>
    %dot_general3A_268 = arith.constant dense<0.000000e+00> : vector<256x256xf32>
    %dot_general3A_269 = tpu.matmul %convert_element_type3A_267, %add3A_17, %dot_general3A_268 {dimension_numbers = #tpu.dot_dimension_numbers<[0], [0], [1], [1], [0, 1, 1, 1], [], []>, transpose_lhs_hint = false} : vector<256x256xf32>, vector<256x256xf32>, vector<256x256xf32> -> vector<256x256xf32>
    %slice3A_270 = vector.extract_strided_slice %get3A_40 {offsets = [0, 45], sizes = [256, 3], strides = [1, 1]} : vector<256x60xf32> to vector<256x3xf32>
    %dot_general3A_271 = arith.constant dense<0.000000e+00> : vector<256x256xf32>
    %dot_general3A_272 = tpu.matmul %slice3A_270, %div3A_30, %dot_general3A_271 {dimension_numbers = #tpu.dot_dimension_numbers<[1], [0], [0], [1], [0, 0, 1, 1], [], []>, transpose_lhs_hint = false} : vector<256x3xf32>, vector<3x256xf32>, vector<256x256xf32> -> vector<256x256xf32>
    %max3A_273 = arith.constant 0.000000e+00 : f32
    %max3A_274 = vector.broadcast %max3A_273 : f32 to vector<256x256xf32>
    %max3A_275 = arith.maximumf %dot_general3A_272, %max3A_274 : vector<256x256xf32>
    %mul3A_276 = arith.mulf %max3A_275, %dot_general3A_269 : vector<256x256xf32>
    %max3A_277 = arith.maximumf %max3A_262, %mul3A_276 : vector<256x256xf32>
    %slice3A_278 = vector.extract_strided_slice %get3A_35 {offsets = [16, 0], sizes = [1, 256], strides = [1, 1]} : vector<20x256xi32> to vector<1x256xi32>
    %eq3A_279 = vector.broadcast %slice3A_278 : vector<1x256xi32> to vector<256x256xi32>
    %eq3A_280 = arith.cmpi eq, %iota3A, %eq3A_279 : vector<256x256xi32>
    %convert_element_type3A_281 = arith.extui %eq3A_280 : vector<256x256xi1> to vector<256x256xi32>
    %convert_element_type3A_282 = arith.sitofp %convert_element_type3A_281 : vector<256x256xi32> to vector<256x256xf32>
    %dot_general3A_283 = arith.constant dense<0.000000e+00> : vector<256x256xf32>
    %dot_general3A_284 = tpu.matmul %convert_element_type3A_282, %add3A_17, %dot_general3A_283 {dimension_numbers = #tpu.dot_dimension_numbers<[0], [0], [1], [1], [0, 1, 1, 1], [], []>, transpose_lhs_hint = false} : vector<256x256xf32>, vector<256x256xf32>, vector<256x256xf32> -> vector<256x256xf32>
    %slice3A_285 = vector.extract_strided_slice %get3A_40 {offsets = [0, 48], sizes = [256, 3], strides = [1, 1]} : vector<256x60xf32> to vector<256x3xf32>
    %dot_general3A_286 = arith.constant dense<0.000000e+00> : vector<256x256xf32>
    %dot_general3A_287 = tpu.matmul %slice3A_285, %div3A_30, %dot_general3A_286 {dimension_numbers = #tpu.dot_dimension_numbers<[1], [0], [0], [1], [0, 0, 1, 1], [], []>, transpose_lhs_hint = false} : vector<256x3xf32>, vector<3x256xf32>, vector<256x256xf32> -> vector<256x256xf32>
    %max3A_288 = arith.constant 0.000000e+00 : f32
    %max3A_289 = vector.broadcast %max3A_288 : f32 to vector<256x256xf32>
    %max3A_290 = arith.maximumf %dot_general3A_287, %max3A_289 : vector<256x256xf32>
    %mul3A_291 = arith.mulf %max3A_290, %dot_general3A_284 : vector<256x256xf32>
    %max3A_292 = arith.maximumf %max3A_277, %mul3A_291 : vector<256x256xf32>
    %slice3A_293 = vector.extract_strided_slice %get3A_35 {offsets = [17, 0], sizes = [1, 256], strides = [1, 1]} : vector<20x256xi32> to vector<1x256xi32>
    %eq3A_294 = vector.broadcast %slice3A_293 : vector<1x256xi32> to vector<256x256xi32>
    %eq3A_295 = arith.cmpi eq, %iota3A, %eq3A_294 : vector<256x256xi32>
    %convert_element_type3A_296 = arith.extui %eq3A_295 : vector<256x256xi1> to vector<256x256xi32>
    %convert_element_type3A_297 = arith.sitofp %convert_element_type3A_296 : vector<256x256xi32> to vector<256x256xf32>
    %dot_general3A_298 = arith.constant dense<0.000000e+00> : vector<256x256xf32>
    %dot_general3A_299 = tpu.matmul %convert_element_type3A_297, %add3A_17, %dot_general3A_298 {dimension_numbers = #tpu.dot_dimension_numbers<[0], [0], [1], [1], [0, 1, 1, 1], [], []>, transpose_lhs_hint = false} : vector<256x256xf32>, vector<256x256xf32>, vector<256x256xf32> -> vector<256x256xf32>
    %slice3A_300 = vector.extract_strided_slice %get3A_40 {offsets = [0, 51], sizes = [256, 3], strides = [1, 1]} : vector<256x60xf32> to vector<256x3xf32>
    %dot_general3A_301 = arith.constant dense<0.000000e+00> : vector<256x256xf32>
    %dot_general3A_302 = tpu.matmul %slice3A_300, %div3A_30, %dot_general3A_301 {dimension_numbers = #tpu.dot_dimension_numbers<[1], [0], [0], [1], [0, 0, 1, 1], [], []>, transpose_lhs_hint = false} : vector<256x3xf32>, vector<3x256xf32>, vector<256x256xf32> -> vector<256x256xf32>
    %max3A_303 = arith.constant 0.000000e+00 : f32
    %max3A_304 = vector.broadcast %max3A_303 : f32 to vector<256x256xf32>
    %max3A_305 = arith.maximumf %dot_general3A_302, %max3A_304 : vector<256x256xf32>
    %mul3A_306 = arith.mulf %max3A_305, %dot_general3A_299 : vector<256x256xf32>
    %max3A_307 = arith.maximumf %max3A_292, %mul3A_306 : vector<256x256xf32>
    %slice3A_308 = vector.extract_strided_slice %get3A_35 {offsets = [18, 0], sizes = [1, 256], strides = [1, 1]} : vector<20x256xi32> to vector<1x256xi32>
    %eq3A_309 = vector.broadcast %slice3A_308 : vector<1x256xi32> to vector<256x256xi32>
    %eq3A_310 = arith.cmpi eq, %iota3A, %eq3A_309 : vector<256x256xi32>
    %convert_element_type3A_311 = arith.extui %eq3A_310 : vector<256x256xi1> to vector<256x256xi32>
    %convert_element_type3A_312 = arith.sitofp %convert_element_type3A_311 : vector<256x256xi32> to vector<256x256xf32>
    %dot_general3A_313 = arith.constant dense<0.000000e+00> : vector<256x256xf32>
    %dot_general3A_314 = tpu.matmul %convert_element_type3A_312, %add3A_17, %dot_general3A_313 {dimension_numbers = #tpu.dot_dimension_numbers<[0], [0], [1], [1], [0, 1, 1, 1], [], []>, transpose_lhs_hint = false} : vector<256x256xf32>, vector<256x256xf32>, vector<256x256xf32> -> vector<256x256xf32>
    %slice3A_315 = vector.extract_strided_slice %get3A_40 {offsets = [0, 54], sizes = [256, 3], strides = [1, 1]} : vector<256x60xf32> to vector<256x3xf32>
    %dot_general3A_316 = arith.constant dense<0.000000e+00> : vector<256x256xf32>
    %dot_general3A_317 = tpu.matmul %slice3A_315, %div3A_30, %dot_general3A_316 {dimension_numbers = #tpu.dot_dimension_numbers<[1], [0], [0], [1], [0, 0, 1, 1], [], []>, transpose_lhs_hint = false} : vector<256x3xf32>, vector<3x256xf32>, vector<256x256xf32> -> vector<256x256xf32>
    %max3A_318 = arith.constant 0.000000e+00 : f32
    %max3A_319 = vector.broadcast %max3A_318 : f32 to vector<256x256xf32>
    %max3A_320 = arith.maximumf %dot_general3A_317, %max3A_319 : vector<256x256xf32>
    %mul3A_321 = arith.mulf %max3A_320, %dot_general3A_314 : vector<256x256xf32>
    %max3A_322 = arith.maximumf %max3A_307, %mul3A_321 : vector<256x256xf32>
    %slice3A_323 = vector.extract_strided_slice %get3A_35 {offsets = [19, 0], sizes = [1, 256], strides = [1, 1]} : vector<20x256xi32> to vector<1x256xi32>
    %eq3A_324 = vector.broadcast %slice3A_323 : vector<1x256xi32> to vector<256x256xi32>
    %eq3A_325 = arith.cmpi eq, %iota3A, %eq3A_324 : vector<256x256xi32>
    %convert_element_type3A_326 = arith.extui %eq3A_325 : vector<256x256xi1> to vector<256x256xi32>
    %convert_element_type3A_327 = arith.sitofp %convert_element_type3A_326 : vector<256x256xi32> to vector<256x256xf32>
    %dot_general3A_328 = arith.constant dense<0.000000e+00> : vector<256x256xf32>
    %dot_general3A_329 = tpu.matmul %convert_element_type3A_327, %add3A_17, %dot_general3A_328 {dimension_numbers = #tpu.dot_dimension_numbers<[0], [0], [1], [1], [0, 1, 1, 1], [], []>, transpose_lhs_hint = false} : vector<256x256xf32>, vector<256x256xf32>, vector<256x256xf32> -> vector<256x256xf32>
    %slice3A_330 = vector.extract_strided_slice %get3A_40 {offsets = [0, 57], sizes = [256, 3], strides = [1, 1]} : vector<256x60xf32> to vector<256x3xf32>
    %dot_general3A_331 = arith.constant dense<0.000000e+00> : vector<256x256xf32>
    %dot_general3A_332 = tpu.matmul %slice3A_330, %div3A_30, %dot_general3A_331 {dimension_numbers = #tpu.dot_dimension_numbers<[1], [0], [0], [1], [0, 0, 1, 1], [], []>, transpose_lhs_hint = false} : vector<256x3xf32>, vector<3x256xf32>, vector<256x256xf32> -> vector<256x256xf32>
    %max3A_333 = arith.constant 0.000000e+00 : f32
    %max3A_334 = vector.broadcast %max3A_333 : f32 to vector<256x256xf32>
    %max3A_335 = arith.maximumf %dot_general3A_332, %max3A_334 : vector<256x256xf32>
    %mul3A_336 = arith.mulf %max3A_335, %dot_general3A_329 : vector<256x256xf32>
    %max3A_337 = arith.maximumf %max3A_322, %mul3A_336 : vector<256x256xf32>
    %add3A_338 = arith.addf %add3A_23, %max3A_337 : vector<256x256xf32>
    %max3A_339 = arith.constant 0.000000e+00 : f32
    %max3A_340 = vector.broadcast %max3A_339 : f32 to vector<256x256xf32>
    %max3A_341 = arith.maximumf %add3A_338, %max3A_340 : vector<256x256xf32>
    %swap3A = arith.constant 0 : index
    %swap3A_342 = arith.constant 0 : index
    %swap3A_343 = arith.constant 0 : index
    %swap3A_344 = vector.load %arg9[%swap3A, %swap3A_342, %swap3A_343] : memref<1x256x256xf32, #tpu.memory_space<vmem>>, vector<1x256x256xf32>
    %swap3A_345 = vector.shape_cast %swap3A_344 : vector<1x256x256xf32> to vector<256x256xf32>
    %swap3A_346 = vector.shape_cast %max3A_341 : vector<256x256xf32> to vector<1x256x256xf32>
    tpu.vector_store %arg9[%swap3A, %swap3A_342, %swap3A_343], %swap3A_346 {strides = array<i32>} : memref<1x256x256xf32, #tpu.memory_space<vmem>>, vector<1x256x256xf32>,
    return
  }
  func.func @transform_0(%arg0: i32, %arg1: i32) -> (i32, i32, i32) {
    %c0_i32 = arith.constant 0 : i32
    %c0_i32_0 = arith.constant 0 : i32
    %c0_i32_1 = arith.constant 0 : i32
    return %arg0, %c0_i32, %c0_i32_0 : i32, i32, i32
  }
  func.func @transform_1(%arg0: i32, %arg1: i32) -> (i32, i32, i32) {
    %c0_i32 = arith.constant 0 : i32
    %c0_i32_0 = arith.constant 0 : i32
    return %arg0, %arg1, %c0_i32 : i32, i32, i32
  }
  func.func @transform_2(%arg0: i32, %arg1: i32) -> (i32, i32) {
    %c0_i32 = arith.constant 0 : i32
    %c0_i32_0 = arith.constant 0 : i32
    %c0_i32_1 = arith.constant 0 : i32
    return %c0_i32, %c0_i32_0 : i32, i32
  }
  func.func @transform_3(%arg0: i32, %arg1: i32) -> (i32, i32) {
    %c0_i32 = arith.constant 0 : i32
    %c0_i32_0 = arith.constant 0 : i32
    %c0_i32_1 = arith.constant 0 : i32
    return %c0_i32, %c0_i32_0 : i32, i32
  }
  func.func @transform_4(%arg0: i32, %arg1: i32) -> (i32, i32) {
    %c0_i32 = arith.constant 0 : i32
    %c0_i32_0 = arith.constant 0 : i32
    %c0_i32_1 = arith.constant 0 : i32
    return %c0_i32, %c0_i32_0 : i32, i32
  }
  func.func @transform_5(%arg0: i32, %arg1: i32) -> (i32, i32, i32) {
    %c0_i32 = arith.constant 0 : i32
    %c0_i32_0 = arith.constant 0 : i32
    return %arg0, %c0_i32, %arg1 : i32, i32, i32
  }
  func.func @transform_6(%arg0: i32, %arg1: i32) -> (i32, i32, i32) {
    %c0_i32 = arith.constant 0 : i32
    %c0_i32_0 = arith.constant 0 : i32
    return %arg0, %arg1, %c0_i32 : i32, i32, i32
  }
  func.func @transform_7(%arg0: i32, %arg1: i32) -> (i32, i32, i32) {
    %c0_i32 = arith.constant 0 : i32
    %c0_i32_0 = arith.constant 0 : i32
    return %arg0, %arg1, %c0_i32 : i32, i32, i32
  }
}

module attributes {stable_mosaic.version = 14 : i64} {
  func.func @_pool_body(%arg0: i32, %arg1: i32, %arg2: memref<1x3x64xf32, #tpu.memory_space<vmem>>, %arg3: memref<1x256x3xf32, #tpu.memory_space<vmem>>, %arg4: memref<1x256x256xf32, #tpu.memory_space<vmem>>, %arg5: memref<1x64x256xf32, #tpu.memory_space<vmem>>) attributes {dimension_semantics = [#tpu.dimension_semantics<arbitrary>, #tpu.dimension_semantics<arbitrary>], iteration_bounds = array<i64: 8, 1>, scalar_prefetch = 0 : i64, scratch_operands = 0 : i64, tpu.core_type = #tpu.core_type<tc>, window_params = [{transform_indices = @transform_0, window_bounds = array<i64: 1, 3, 64>}, {transform_indices = @transform_1, window_bounds = array<i64: 1, 256, 3>}, {transform_indices = @transform_2, window_bounds = array<i64: 1, 256, 256>}, {transform_indices = @transform_3, window_bounds = array<i64: 1, 64, 256>}]} {
    %get3A = arith.constant 0 : index
    %get3A_0 = arith.constant 0 : index
    %get3A_1 = arith.constant 0 : index
    %get3A_2 = vector.load %arg2[%get3A, %get3A_0, %get3A_1] : memref<1x3x64xf32, #tpu.memory_space<vmem>>, vector<1x3x64xf32>
    %get3A_3 = vector.shape_cast %get3A_2 : vector<1x3x64xf32> to vector<3x64xf32>
    %get3A_4 = arith.constant 0 : index
    %get3A_5 = arith.constant 0 : index
    %get3A_6 = arith.constant 0 : index
    %get3A_7 = vector.load %arg3[%get3A_4, %get3A_5, %get3A_6] : memref<1x256x3xf32, #tpu.memory_space<vmem>>, vector<1x256x3xf32>
    %get3A_8 = vector.shape_cast %get3A_7 : vector<1x256x3xf32> to vector<256x3xf32>
    %get3A_9 = arith.constant 0 : index
    %get3A_10 = arith.constant 0 : index
    %get3A_11 = arith.constant 0 : index
    %get3A_12 = vector.load %arg4[%get3A_9, %get3A_10, %get3A_11] : memref<1x256x256xf32, #tpu.memory_space<vmem>>, vector<1x256x256xf32>
    %get3A_13 = vector.shape_cast %get3A_12 : vector<1x256x256xf32> to vector<256x256xf32>
    %iota3A = tpu.iota {dimensions = array<i32: 0>} : vector<256x64xi32>
    %slice3A = vector.extract_strided_slice %get3A_8 {offsets = [0, 0], sizes = [256, 1], strides = [1, 1]} : vector<256x3xf32> to vector<256x1xf32>
    %slice3A_14 = vector.extract_strided_slice %get3A_8 {offsets = [0, 1], sizes = [256, 1], strides = [1, 1]} : vector<256x3xf32> to vector<256x1xf32>
    %slice3A_15 = vector.extract_strided_slice %get3A_8 {offsets = [0, 2], sizes = [256, 1], strides = [1, 1]} : vector<256x3xf32> to vector<256x1xf32>
    %slice3A_16 = vector.extract_strided_slice %get3A_3 {offsets = [0, 0], sizes = [1, 64], strides = [1, 1]} : vector<3x64xf32> to vector<1x64xf32>
    %slice3A_17 = vector.extract_strided_slice %get3A_3 {offsets = [1, 0], sizes = [1, 64], strides = [1, 1]} : vector<3x64xf32> to vector<1x64xf32>
    %slice3A_18 = vector.extract_strided_slice %get3A_3 {offsets = [2, 0], sizes = [1, 64], strides = [1, 1]} : vector<3x64xf32> to vector<1x64xf32>
    %mul3A = vector.broadcast %slice3A : vector<256x1xf32> to vector<256x64xf32>
    %mul3A_19 = vector.broadcast %slice3A_16 : vector<1x64xf32> to vector<256x64xf32>
    %mul3A_20 = arith.mulf %mul3A, %mul3A_19 : vector<256x64xf32>
    %mul3A_21 = vector.broadcast %slice3A_14 : vector<256x1xf32> to vector<256x64xf32>
    %mul3A_22 = vector.broadcast %slice3A_17 : vector<1x64xf32> to vector<256x64xf32>
    %mul3A_23 = arith.mulf %mul3A_21, %mul3A_22 : vector<256x64xf32>
    %add3A = arith.addf %mul3A_20, %mul3A_23 : vector<256x64xf32>
    %mul3A_24 = vector.broadcast %slice3A_15 : vector<256x1xf32> to vector<256x64xf32>
    %mul3A_25 = vector.broadcast %slice3A_18 : vector<1x64xf32> to vector<256x64xf32>
    %mul3A_26 = arith.mulf %mul3A_24, %mul3A_25 : vector<256x64xf32>
    %add3A_27 = arith.addf %add3A, %mul3A_26 : vector<256x64xf32>
    %mul3A_28 = arith.mulf %slice3A, %slice3A : vector<256x1xf32>
    %mul3A_29 = arith.mulf %slice3A_14, %slice3A_14 : vector<256x1xf32>
    %add3A_30 = arith.addf %mul3A_28, %mul3A_29 : vector<256x1xf32>
    %mul3A_31 = arith.mulf %slice3A_15, %slice3A_15 : vector<256x1xf32>
    %add3A_32 = arith.addf %add3A_30, %mul3A_31 : vector<256x1xf32>
    %mul3A_33 = arith.mulf %slice3A_16, %slice3A_16 : vector<1x64xf32>
    %mul3A_34 = arith.mulf %slice3A_17, %slice3A_17 : vector<1x64xf32>
    %add3A_35 = arith.addf %mul3A_33, %mul3A_34 : vector<1x64xf32>
    %mul3A_36 = arith.mulf %slice3A_18, %slice3A_18 : vector<1x64xf32>
    %add3A_37 = arith.addf %add3A_35, %mul3A_36 : vector<1x64xf32>
    %mul3A_38 = arith.constant -2.000000e+00 : f32
    %mul3A_39 = vector.broadcast %mul3A_38 : f32 to vector<256x64xf32>
    %mul3A_40 = arith.mulf %mul3A_39, %add3A_27 : vector<256x64xf32>
    %add3A_41 = vector.broadcast %add3A_32 : vector<256x1xf32> to vector<256x64xf32>
    %add3A_42 = arith.addf %mul3A_40, %add3A_41 : vector<256x64xf32>
    %add3A_43 = vector.broadcast %add3A_37 : vector<1x64xf32> to vector<256x64xf32>
    %add3A_44 = arith.addf %add3A_42, %add3A_43 : vector<256x64xf32>
    %neg3A = arith.constant 0.000000e+00 : f32
    %neg3A_45 = vector.broadcast %neg3A : f32 to vector<256x64xf32>
    %neg3A_46 = arith.subf %neg3A_45, %add3A_44 : vector<256x64xf32>
    %reduce_max3A = arith.constant dense<0xFF800000> : vector<64xf32>
    %reduce_max3A_47 = vector.multi_reduction <maximumf>, %neg3A_46, %reduce_max3A [0] : vector<256x64xf32> to vector<64xf32>
    %broadcast_in_dim3A = vector.shape_cast %reduce_max3A_47 : vector<64xf32> to vector<1x64xf32>
    %eq3A = vector.broadcast %broadcast_in_dim3A : vector<1x64xf32> to vector<256x64xf32>
    %eq3A_48 = arith.cmpf oeq, %neg3A_46, %eq3A : vector<256x64xf32>
    %jit3A = arith.constant 256 : i32
    %broadcast_in_dim3A_49 = vector.broadcast %jit3A : i32 to vector<256x64xi32>
    %select_n3A = arith.select %eq3A_48, %iota3A, %broadcast_in_dim3A_49 : vector<256x64xi1>, vector<256x64xi32>
    %reduce_min3A = arith.constant dense<2147483647> : vector<64xi32>
    %reduce_min3A_50 = vector.multi_reduction <minsi>, %select_n3A, %reduce_min3A [0] : vector<256x64xi32> to vector<64xi32>
    %broadcast_in_dim3A_51 = vector.shape_cast %reduce_min3A_50 : vector<64xi32> to vector<1x64xi32>
    %eq3A_52 = vector.broadcast %broadcast_in_dim3A_51 : vector<1x64xi32> to vector<256x64xi32>
    %eq3A_53 = arith.cmpi eq, %iota3A, %eq3A_52 : vector<256x64xi32>
    %jit3A_54 = arith.constant 0xFF800000 : f32
    %broadcast_in_dim3A_55 = vector.broadcast %jit3A_54 : f32 to vector<256x64xf32>
    %select_n3A_56 = arith.select %eq3A_53, %broadcast_in_dim3A_55, %neg3A_46 : vector<256x64xi1>, vector<256x64xf32>
    %reduce_max3A_57 = arith.constant dense<0xFF800000> : vector<64xf32>
    %reduce_max3A_58 = vector.multi_reduction <maximumf>, %select_n3A_56, %reduce_max3A_57 [0] : vector<256x64xf32> to vector<64xf32>
    %broadcast_in_dim3A_59 = vector.shape_cast %reduce_max3A_58 : vector<64xf32> to vector<1x64xf32>
    %eq3A_60 = vector.broadcast %broadcast_in_dim3A_59 : vector<1x64xf32> to vector<256x64xf32>
    %eq3A_61 = arith.cmpf oeq, %select_n3A_56, %eq3A_60 : vector<256x64xf32>
    %jit3A_62 = arith.constant 256 : i32
    %broadcast_in_dim3A_63 = vector.broadcast %jit3A_62 : i32 to vector<256x64xi32>
    %select_n3A_64 = arith.select %eq3A_61, %iota3A, %broadcast_in_dim3A_63 : vector<256x64xi1>, vector<256x64xi32>
    %reduce_min3A_65 = arith.constant dense<2147483647> : vector<64xi32>
    %reduce_min3A_66 = vector.multi_reduction <minsi>, %select_n3A_64, %reduce_min3A_65 [0] : vector<256x64xi32> to vector<64xi32>
    %broadcast_in_dim3A_67 = vector.shape_cast %reduce_min3A_66 : vector<64xi32> to vector<1x64xi32>
    %eq3A_68 = vector.broadcast %broadcast_in_dim3A_67 : vector<1x64xi32> to vector<256x64xi32>
    %eq3A_69 = arith.cmpi eq, %iota3A, %eq3A_68 : vector<256x64xi32>
    %jit3A_70 = arith.constant 0xFF800000 : f32
    %broadcast_in_dim3A_71 = vector.broadcast %jit3A_70 : f32 to vector<256x64xf32>
    %select_n3A_72 = arith.select %eq3A_69, %broadcast_in_dim3A_71, %select_n3A_56 : vector<256x64xi1>, vector<256x64xf32>
    %convert_element_type3A = arith.extui %eq3A_69 : vector<256x64xi1> to vector<256x64xi32>
    %convert_element_type3A_73 = arith.sitofp %convert_element_type3A : vector<256x64xi32> to vector<256x64xf32>
    %dot_general3A = arith.constant dense<0.000000e+00> : vector<64x256xf32>
    %dot_general3A_74 = tpu.matmul %convert_element_type3A_73, %get3A_13, %dot_general3A {dimension_numbers = #tpu.dot_dimension_numbers<[0], [0], [1], [1], [0, 1, 1, 1], [], []>, transpose_lhs_hint = false} : vector<256x64xf32>, vector<256x256xf32>, vector<64x256xf32> -> vector<64x256xf32>
    %reduce_max3A_75 = arith.constant dense<0xFF800000> : vector<64xf32>
    %reduce_max3A_76 = vector.multi_reduction <maximumf>, %select_n3A_72, %reduce_max3A_75 [0] : vector<256x64xf32> to vector<64xf32>
    %broadcast_in_dim3A_77 = vector.shape_cast %reduce_max3A_76 : vector<64xf32> to vector<1x64xf32>
    %eq3A_78 = vector.broadcast %broadcast_in_dim3A_77 : vector<1x64xf32> to vector<256x64xf32>
    %eq3A_79 = arith.cmpf oeq, %select_n3A_72, %eq3A_78 : vector<256x64xf32>
    %jit3A_80 = arith.constant 256 : i32
    %broadcast_in_dim3A_81 = vector.broadcast %jit3A_80 : i32 to vector<256x64xi32>
    %select_n3A_82 = arith.select %eq3A_79, %iota3A, %broadcast_in_dim3A_81 : vector<256x64xi1>, vector<256x64xi32>
    %reduce_min3A_83 = arith.constant dense<2147483647> : vector<64xi32>
    %reduce_min3A_84 = vector.multi_reduction <minsi>, %select_n3A_82, %reduce_min3A_83 [0] : vector<256x64xi32> to vector<64xi32>
    %broadcast_in_dim3A_85 = vector.shape_cast %reduce_min3A_84 : vector<64xi32> to vector<1x64xi32>
    %eq3A_86 = vector.broadcast %broadcast_in_dim3A_85 : vector<1x64xi32> to vector<256x64xi32>
    %eq3A_87 = arith.cmpi eq, %iota3A, %eq3A_86 : vector<256x64xi32>
    %jit3A_88 = arith.constant 0xFF800000 : f32
    %broadcast_in_dim3A_89 = vector.broadcast %jit3A_88 : f32 to vector<256x64xf32>
    %select_n3A_90 = arith.select %eq3A_87, %broadcast_in_dim3A_89, %select_n3A_72 : vector<256x64xi1>, vector<256x64xf32>
    %convert_element_type3A_91 = arith.extui %eq3A_87 : vector<256x64xi1> to vector<256x64xi32>
    %convert_element_type3A_92 = arith.sitofp %convert_element_type3A_91 : vector<256x64xi32> to vector<256x64xf32>
    %dot_general3A_93 = arith.constant dense<0.000000e+00> : vector<64x256xf32>
    %dot_general3A_94 = tpu.matmul %convert_element_type3A_92, %get3A_13, %dot_general3A_93 {dimension_numbers = #tpu.dot_dimension_numbers<[0], [0], [1], [1], [0, 1, 1, 1], [], []>, transpose_lhs_hint = false} : vector<256x64xf32>, vector<256x256xf32>, vector<64x256xf32> -> vector<64x256xf32>
    %max3A = arith.maximumf %dot_general3A_74, %dot_general3A_94 : vector<64x256xf32>
    %reduce_max3A_95 = arith.constant dense<0xFF800000> : vector<64xf32>
    %reduce_max3A_96 = vector.multi_reduction <maximumf>, %select_n3A_90, %reduce_max3A_95 [0] : vector<256x64xf32> to vector<64xf32>
    %broadcast_in_dim3A_97 = vector.shape_cast %reduce_max3A_96 : vector<64xf32> to vector<1x64xf32>
    %eq3A_98 = vector.broadcast %broadcast_in_dim3A_97 : vector<1x64xf32> to vector<256x64xf32>
    %eq3A_99 = arith.cmpf oeq, %select_n3A_90, %eq3A_98 : vector<256x64xf32>
    %jit3A_100 = arith.constant 256 : i32
    %broadcast_in_dim3A_101 = vector.broadcast %jit3A_100 : i32 to vector<256x64xi32>
    %select_n3A_102 = arith.select %eq3A_99, %iota3A, %broadcast_in_dim3A_101 : vector<256x64xi1>, vector<256x64xi32>
    %reduce_min3A_103 = arith.constant dense<2147483647> : vector<64xi32>
    %reduce_min3A_104 = vector.multi_reduction <minsi>, %select_n3A_102, %reduce_min3A_103 [0] : vector<256x64xi32> to vector<64xi32>
    %broadcast_in_dim3A_105 = vector.shape_cast %reduce_min3A_104 : vector<64xi32> to vector<1x64xi32>
    %eq3A_106 = vector.broadcast %broadcast_in_dim3A_105 : vector<1x64xi32> to vector<256x64xi32>
    %eq3A_107 = arith.cmpi eq, %iota3A, %eq3A_106 : vector<256x64xi32>
    %jit3A_108 = arith.constant 0xFF800000 : f32
    %broadcast_in_dim3A_109 = vector.broadcast %jit3A_108 : f32 to vector<256x64xf32>
    %select_n3A_110 = arith.select %eq3A_107, %broadcast_in_dim3A_109, %select_n3A_90 : vector<256x64xi1>, vector<256x64xf32>
    %convert_element_type3A_111 = arith.extui %eq3A_107 : vector<256x64xi1> to vector<256x64xi32>
    %convert_element_type3A_112 = arith.sitofp %convert_element_type3A_111 : vector<256x64xi32> to vector<256x64xf32>
    %dot_general3A_113 = arith.constant dense<0.000000e+00> : vector<64x256xf32>
    %dot_general3A_114 = tpu.matmul %convert_element_type3A_112, %get3A_13, %dot_general3A_113 {dimension_numbers = #tpu.dot_dimension_numbers<[0], [0], [1], [1], [0, 1, 1, 1], [], []>, transpose_lhs_hint = false} : vector<256x64xf32>, vector<256x256xf32>, vector<64x256xf32> -> vector<64x256xf32>
    %max3A_115 = arith.maximumf %max3A, %dot_general3A_114 : vector<64x256xf32>
    %reduce_max3A_116 = arith.constant dense<0xFF800000> : vector<64xf32>
    %reduce_max3A_117 = vector.multi_reduction <maximumf>, %select_n3A_110, %reduce_max3A_116 [0] : vector<256x64xf32> to vector<64xf32>
    %broadcast_in_dim3A_118 = vector.shape_cast %reduce_max3A_117 : vector<64xf32> to vector<1x64xf32>
    %eq3A_119 = vector.broadcast %broadcast_in_dim3A_118 : vector<1x64xf32> to vector<256x64xf32>
    %eq3A_120 = arith.cmpf oeq, %select_n3A_110, %eq3A_119 : vector<256x64xf32>
    %jit3A_121 = arith.constant 256 : i32
    %broadcast_in_dim3A_122 = vector.broadcast %jit3A_121 : i32 to vector<256x64xi32>
    %select_n3A_123 = arith.select %eq3A_120, %iota3A, %broadcast_in_dim3A_122 : vector<256x64xi1>, vector<256x64xi32>
    %reduce_min3A_124 = arith.constant dense<2147483647> : vector<64xi32>
    %reduce_min3A_125 = vector.multi_reduction <minsi>, %select_n3A_123, %reduce_min3A_124 [0] : vector<256x64xi32> to vector<64xi32>
    %broadcast_in_dim3A_126 = vector.shape_cast %reduce_min3A_125 : vector<64xi32> to vector<1x64xi32>
    %eq3A_127 = vector.broadcast %broadcast_in_dim3A_126 : vector<1x64xi32> to vector<256x64xi32>
    %eq3A_128 = arith.cmpi eq, %iota3A, %eq3A_127 : vector<256x64xi32>
    %convert_element_type3A_129 = arith.extui %eq3A_128 : vector<256x64xi1> to vector<256x64xi32>
    %convert_element_type3A_130 = arith.sitofp %convert_element_type3A_129 : vector<256x64xi32> to vector<256x64xf32>
    %dot_general3A_131 = arith.constant dense<0.000000e+00> : vector<64x256xf32>
    %dot_general3A_132 = tpu.matmul %convert_element_type3A_130, %get3A_13, %dot_general3A_131 {dimension_numbers = #tpu.dot_dimension_numbers<[0], [0], [1], [1], [0, 1, 1, 1], [], []>, transpose_lhs_hint = false} : vector<256x64xf32>, vector<256x256xf32>, vector<64x256xf32> -> vector<64x256xf32>
    %max3A_133 = arith.maximumf %max3A_115, %dot_general3A_132 : vector<64x256xf32>
    %swap3A = arith.constant 0 : index
    %swap3A_134 = arith.constant 0 : index
    %swap3A_135 = arith.constant 0 : index
    %swap3A_136 = vector.load %arg5[%swap3A, %swap3A_134, %swap3A_135] : memref<1x64x256xf32, #tpu.memory_space<vmem>>, vector<1x64x256xf32>
    %swap3A_137 = vector.shape_cast %swap3A_136 : vector<1x64x256xf32> to vector<64x256xf32>
    %swap3A_138 = vector.shape_cast %max3A_133 : vector<64x256xf32> to vector<1x64x256xf32>
    tpu.vector_store %arg5[%swap3A, %swap3A_134, %swap3A_135], %swap3A_138 {strides = array<i32>} : memref<1x64x256xf32, #tpu.memory_space<vmem>>, vector<1x64x256xf32>,
    return
  }
  func.func @transform_0(%arg0: i32, %arg1: i32) -> (i32, i32, i32) {
    %c0_i32 = arith.constant 0 : i32
    %c0_i32_0 = arith.constant 0 : i32
    %c0_i32_1 = arith.constant 0 : i32
    return %arg0, %c0_i32, %c0_i32_0 : i32, i32, i32
  }
  func.func @transform_1(%arg0: i32, %arg1: i32) -> (i32, i32, i32) {
    %c0_i32 = arith.constant 0 : i32
    %c0_i32_0 = arith.constant 0 : i32
    %c0_i32_1 = arith.constant 0 : i32
    return %arg0, %c0_i32, %c0_i32_0 : i32, i32, i32
  }
  func.func @transform_2(%arg0: i32, %arg1: i32) -> (i32, i32, i32) {
    %c0_i32 = arith.constant 0 : i32
    %c0_i32_0 = arith.constant 0 : i32
    %c0_i32_1 = arith.constant 0 : i32
    return %arg0, %c0_i32, %c0_i32_0 : i32, i32, i32
  }
  func.func @transform_3(%arg0: i32, %arg1: i32) -> (i32, i32, i32) {
    %c0_i32 = arith.constant 0 : i32
    %c0_i32_0 = arith.constant 0 : i32
    %c0_i32_1 = arith.constant 0 : i32
    return %arg0, %c0_i32, %c0_i32_0 : i32, i32, i32
  }
}

module attributes {stable_mosaic.version = 14 : i64} {
  func.func @_conv_body(%arg0: i32, %arg1: i32, %arg2: memref<1x64x256xf32, #tpu.memory_space<vmem>>, %arg3: memref<1x64x256xf32, #tpu.memory_space<vmem>>, %arg4: memref<256x2048xf32, #tpu.memory_space<vmem>>, %arg5: memref<1x2048xf32, #tpu.memory_space<vmem>>, %arg6: memref<3x1024xf32, #tpu.memory_space<vmem>>, %arg7: memref<1x20x64xi32, #tpu.memory_space<vmem>>, %arg8: memref<1x64x60xf32, #tpu.memory_space<vmem>>, %arg9: memref<1x1x1024xf32, #tpu.memory_space<vmem>>) attributes {dimension_semantics = [#tpu.dimension_semantics<arbitrary>, #tpu.dimension_semantics<arbitrary>], iteration_bounds = array<i64: 8, 1>, scalar_prefetch = 0 : i64, scratch_operands = 0 : i64, tpu.core_type = #tpu.core_type<tc>, window_params = [{transform_indices = @transform_0, window_bounds = array<i64: 1, 64, 256>}, {transform_indices = @transform_1, window_bounds = array<i64: 1, 64, 256>}, {pipeline_mode = #tpu.pipeline_mode<synchronous>, transform_indices = @transform_2, window_bounds = array<i64: 256, 2048>}, {pipeline_mode = #tpu.pipeline_mode<synchronous>, transform_indices = @transform_3, window_bounds = array<i64: 1, 2048>}, {pipeline_mode = #tpu.pipeline_mode<synchronous>, transform_indices = @transform_4, window_bounds = array<i64: 3, 1024>}, {transform_indices = @transform_5, window_bounds = array<i64: 1, 20, 64>}, {transform_indices = @transform_6, window_bounds = array<i64: 1, 64, 60>}, {transform_indices = @transform_7, window_bounds = array<i64: 1, 1, 1024>}]} {
    %get3A = arith.constant 0 : index
    %get3A_0 = arith.constant 0 : index
    %get3A_1 = arith.constant 0 : index
    %get3A_2 = vector.load %arg2[%get3A, %get3A_0, %get3A_1] : memref<1x64x256xf32, #tpu.memory_space<vmem>>, vector<1x64x256xf32>
    %get3A_3 = vector.shape_cast %get3A_2 : vector<1x64x256xf32> to vector<64x256xf32>
    %get3A_4 = arith.constant 0 : index
    %get3A_5 = arith.constant 0 : index
    %get3A_6 = arith.constant 0 : index
    %get3A_7 = vector.load %arg3[%get3A_4, %get3A_5, %get3A_6] : memref<1x64x256xf32, #tpu.memory_space<vmem>>, vector<1x64x256xf32>
    %get3A_8 = vector.shape_cast %get3A_7 : vector<1x64x256xf32> to vector<64x256xf32>
    %get3A_9 = arith.constant 0 : index
    %get3A_10 = arith.constant 0 : index
    %get3A_11 = vector.load %arg4[%get3A_9, %get3A_10] : memref<256x2048xf32, #tpu.memory_space<vmem>>, vector<256x2048xf32>
    %get3A_12 = arith.constant 0 : index
    %get3A_13 = arith.constant 0 : index
    %get3A_14 = vector.load %arg5[%get3A_12, %get3A_13] : memref<1x2048xf32, #tpu.memory_space<vmem>>, vector<1x2048xf32>
    %slice3A = vector.extract_strided_slice %get3A_11 {offsets = [0, 1024], sizes = [256, 1024], strides = [1, 1]} : vector<256x2048xf32> to vector<256x1024xf32>
    %dot_general3A = arith.constant dense<0.000000e+00> : vector<64x1024xf32>
    %dot_general3A_15 = tpu.matmul %get3A_3, %slice3A, %dot_general3A {dimension_numbers = #tpu.dot_dimension_numbers<[1], [0], [0], [1], [0, 0, 1, 1], [], []>, transpose_lhs_hint = false} : vector<64x256xf32>, vector<256x1024xf32>, vector<64x1024xf32> -> vector<64x1024xf32>
    %slice3A_16 = vector.extract_strided_slice %get3A_14 {offsets = [0, 1024], sizes = [1, 1024], strides = [1, 1]} : vector<1x2048xf32> to vector<1x1024xf32>
    %add3A = vector.broadcast %slice3A_16 : vector<1x1024xf32> to vector<64x1024xf32>
    %add3A_17 = arith.addf %dot_general3A_15, %add3A : vector<64x1024xf32>
    %slice3A_18 = vector.extract_strided_slice %get3A_11 {offsets = [0, 0], sizes = [256, 1024], strides = [1, 1]} : vector<256x2048xf32> to vector<256x1024xf32>
    %dot_general3A_19 = arith.constant dense<0.000000e+00> : vector<64x1024xf32>
    %dot_general3A_20 = tpu.matmul %get3A_8, %slice3A_18, %dot_general3A_19 {dimension_numbers = #tpu.dot_dimension_numbers<[1], [0], [0], [1], [0, 0, 1, 1], [], []>, transpose_lhs_hint = false} : vector<64x256xf32>, vector<256x1024xf32>, vector<64x1024xf32> -> vector<64x1024xf32>
    %slice3A_21 = vector.extract_strided_slice %get3A_14 {offsets = [0, 0], sizes = [1, 1024], strides = [1, 1]} : vector<1x2048xf32> to vector<1x1024xf32>
    %add3A_22 = vector.broadcast %slice3A_21 : vector<1x1024xf32> to vector<64x1024xf32>
    %add3A_23 = arith.addf %dot_general3A_20, %add3A_22 : vector<64x1024xf32>
    %get3A_24 = arith.constant 0 : index
    %get3A_25 = arith.constant 0 : index
    %get3A_26 = vector.load %arg6[%get3A_24, %get3A_25] : memref<3x1024xf32, #tpu.memory_space<vmem>>, vector<3x1024xf32>
    %mul3A = arith.mulf %get3A_26, %get3A_26 : vector<3x1024xf32>
    %reduce_sum3A = arith.constant dense<0.000000e+00> : vector<1024xf32>
    %reduce_sum3A_27 = vector.multi_reduction <add>, %mul3A, %reduce_sum3A [0] : vector<3x1024xf32> to vector<1024xf32>
    %broadcast_in_dim3A = vector.shape_cast %reduce_sum3A_27 : vector<1024xf32> to vector<1x1024xf32>
    %sqrt3A = math.sqrt %broadcast_in_dim3A : vector<1x1024xf32>
    %max3A = arith.constant 9.99999996E-13 : f32
    %max3A_28 = vector.broadcast %max3A : f32 to vector<1x1024xf32>
    %max3A_29 = arith.maximumf %sqrt3A, %max3A_28 : vector<1x1024xf32>
    %div3A = vector.broadcast %max3A_29 : vector<1x1024xf32> to vector<3x1024xf32>
    %div3A_30 = arith.divf %get3A_26, %div3A : vector<3x1024xf32>
    %get3A_31 = arith.constant 0 : index
    %get3A_32 = arith.constant 0 : index
    %get3A_33 = arith.constant 0 : index
    %get3A_34 = vector.load %arg7[%get3A_31, %get3A_32, %get3A_33] : memref<1x20x64xi32, #tpu.memory_space<vmem>>, vector<1x20x64xi32>
    %get3A_35 = vector.shape_cast %get3A_34 : vector<1x20x64xi32> to vector<20x64xi32>
    %get3A_36 = arith.constant 0 : index
    %get3A_37 = arith.constant 0 : index
    %get3A_38 = arith.constant 0 : index
    %get3A_39 = vector.load %arg8[%get3A_36, %get3A_37, %get3A_38] : memref<1x64x60xf32, #tpu.memory_space<vmem>>, vector<1x64x60xf32>
    %get3A_40 = vector.shape_cast %get3A_39 : vector<1x64x60xf32> to vector<64x60xf32>
    %iota3A = tpu.iota {dimensions = array<i32: 0>} : vector<64x64xi32>
    %slice3A_41 = vector.extract_strided_slice %get3A_35 {offsets = [0, 0], sizes = [1, 64], strides = [1, 1]} : vector<20x64xi32> to vector<1x64xi32>
    %eq3A = vector.broadcast %slice3A_41 : vector<1x64xi32> to vector<64x64xi32>
    %eq3A_42 = arith.cmpi eq, %iota3A, %eq3A : vector<64x64xi32>
    %convert_element_type3A = arith.extui %eq3A_42 : vector<64x64xi1> to vector<64x64xi32>
    %convert_element_type3A_43 = arith.sitofp %convert_element_type3A : vector<64x64xi32> to vector<64x64xf32>
    %dot_general3A_44 = arith.constant dense<0.000000e+00> : vector<64x1024xf32>
    %dot_general3A_45 = tpu.matmul %convert_element_type3A_43, %add3A_17, %dot_general3A_44 {dimension_numbers = #tpu.dot_dimension_numbers<[0], [0], [1], [1], [0, 1, 1, 1], [], []>, transpose_lhs_hint = false} : vector<64x64xf32>, vector<64x1024xf32>, vector<64x1024xf32> -> vector<64x1024xf32>
    %slice3A_46 = vector.extract_strided_slice %get3A_40 {offsets = [0, 0], sizes = [64, 3], strides = [1, 1]} : vector<64x60xf32> to vector<64x3xf32>
    %dot_general3A_47 = arith.constant dense<0.000000e+00> : vector<64x1024xf32>
    %dot_general3A_48 = tpu.matmul %slice3A_46, %div3A_30, %dot_general3A_47 {dimension_numbers = #tpu.dot_dimension_numbers<[1], [0], [0], [1], [0, 0, 1, 1], [], []>, transpose_lhs_hint = false} : vector<64x3xf32>, vector<3x1024xf32>, vector<64x1024xf32> -> vector<64x1024xf32>
    %max3A_49 = arith.constant 0.000000e+00 : f32
    %max3A_50 = vector.broadcast %max3A_49 : f32 to vector<64x1024xf32>
    %max3A_51 = arith.maximumf %dot_general3A_48, %max3A_50 : vector<64x1024xf32>
    %mul3A_52 = arith.mulf %max3A_51, %dot_general3A_45 : vector<64x1024xf32>
    %slice3A_53 = vector.extract_strided_slice %get3A_35 {offsets = [1, 0], sizes = [1, 64], strides = [1, 1]} : vector<20x64xi32> to vector<1x64xi32>
    %eq3A_54 = vector.broadcast %slice3A_53 : vector<1x64xi32> to vector<64x64xi32>
    %eq3A_55 = arith.cmpi eq, %iota3A, %eq3A_54 : vector<64x64xi32>
    %convert_element_type3A_56 = arith.extui %eq3A_55 : vector<64x64xi1> to vector<64x64xi32>
    %convert_element_type3A_57 = arith.sitofp %convert_element_type3A_56 : vector<64x64xi32> to vector<64x64xf32>
    %dot_general3A_58 = arith.constant dense<0.000000e+00> : vector<64x1024xf32>
    %dot_general3A_59 = tpu.matmul %convert_element_type3A_57, %add3A_17, %dot_general3A_58 {dimension_numbers = #tpu.dot_dimension_numbers<[0], [0], [1], [1], [0, 1, 1, 1], [], []>, transpose_lhs_hint = false} : vector<64x64xf32>, vector<64x1024xf32>, vector<64x1024xf32> -> vector<64x1024xf32>
    %slice3A_60 = vector.extract_strided_slice %get3A_40 {offsets = [0, 3], sizes = [64, 3], strides = [1, 1]} : vector<64x60xf32> to vector<64x3xf32>
    %dot_general3A_61 = arith.constant dense<0.000000e+00> : vector<64x1024xf32>
    %dot_general3A_62 = tpu.matmul %slice3A_60, %div3A_30, %dot_general3A_61 {dimension_numbers = #tpu.dot_dimension_numbers<[1], [0], [0], [1], [0, 0, 1, 1], [], []>, transpose_lhs_hint = false} : vector<64x3xf32>, vector<3x1024xf32>, vector<64x1024xf32> -> vector<64x1024xf32>
    %max3A_63 = arith.constant 0.000000e+00 : f32
    %max3A_64 = vector.broadcast %max3A_63 : f32 to vector<64x1024xf32>
    %max3A_65 = arith.maximumf %dot_general3A_62, %max3A_64 : vector<64x1024xf32>
    %mul3A_66 = arith.mulf %max3A_65, %dot_general3A_59 : vector<64x1024xf32>
    %max3A_67 = arith.maximumf %mul3A_52, %mul3A_66 : vector<64x1024xf32>
    %slice3A_68 = vector.extract_strided_slice %get3A_35 {offsets = [2, 0], sizes = [1, 64], strides = [1, 1]} : vector<20x64xi32> to vector<1x64xi32>
    %eq3A_69 = vector.broadcast %slice3A_68 : vector<1x64xi32> to vector<64x64xi32>
    %eq3A_70 = arith.cmpi eq, %iota3A, %eq3A_69 : vector<64x64xi32>
    %convert_element_type3A_71 = arith.extui %eq3A_70 : vector<64x64xi1> to vector<64x64xi32>
    %convert_element_type3A_72 = arith.sitofp %convert_element_type3A_71 : vector<64x64xi32> to vector<64x64xf32>
    %dot_general3A_73 = arith.constant dense<0.000000e+00> : vector<64x1024xf32>
    %dot_general3A_74 = tpu.matmul %convert_element_type3A_72, %add3A_17, %dot_general3A_73 {dimension_numbers = #tpu.dot_dimension_numbers<[0], [0], [1], [1], [0, 1, 1, 1], [], []>, transpose_lhs_hint = false} : vector<64x64xf32>, vector<64x1024xf32>, vector<64x1024xf32> -> vector<64x1024xf32>
    %slice3A_75 = vector.extract_strided_slice %get3A_40 {offsets = [0, 6], sizes = [64, 3], strides = [1, 1]} : vector<64x60xf32> to vector<64x3xf32>
    %dot_general3A_76 = arith.constant dense<0.000000e+00> : vector<64x1024xf32>
    %dot_general3A_77 = tpu.matmul %slice3A_75, %div3A_30, %dot_general3A_76 {dimension_numbers = #tpu.dot_dimension_numbers<[1], [0], [0], [1], [0, 0, 1, 1], [], []>, transpose_lhs_hint = false} : vector<64x3xf32>, vector<3x1024xf32>, vector<64x1024xf32> -> vector<64x1024xf32>
    %max3A_78 = arith.constant 0.000000e+00 : f32
    %max3A_79 = vector.broadcast %max3A_78 : f32 to vector<64x1024xf32>
    %max3A_80 = arith.maximumf %dot_general3A_77, %max3A_79 : vector<64x1024xf32>
    %mul3A_81 = arith.mulf %max3A_80, %dot_general3A_74 : vector<64x1024xf32>
    %max3A_82 = arith.maximumf %max3A_67, %mul3A_81 : vector<64x1024xf32>
    %slice3A_83 = vector.extract_strided_slice %get3A_35 {offsets = [3, 0], sizes = [1, 64], strides = [1, 1]} : vector<20x64xi32> to vector<1x64xi32>
    %eq3A_84 = vector.broadcast %slice3A_83 : vector<1x64xi32> to vector<64x64xi32>
    %eq3A_85 = arith.cmpi eq, %iota3A, %eq3A_84 : vector<64x64xi32>
    %convert_element_type3A_86 = arith.extui %eq3A_85 : vector<64x64xi1> to vector<64x64xi32>
    %convert_element_type3A_87 = arith.sitofp %convert_element_type3A_86 : vector<64x64xi32> to vector<64x64xf32>
    %dot_general3A_88 = arith.constant dense<0.000000e+00> : vector<64x1024xf32>
    %dot_general3A_89 = tpu.matmul %convert_element_type3A_87, %add3A_17, %dot_general3A_88 {dimension_numbers = #tpu.dot_dimension_numbers<[0], [0], [1], [1], [0, 1, 1, 1], [], []>, transpose_lhs_hint = false} : vector<64x64xf32>, vector<64x1024xf32>, vector<64x1024xf32> -> vector<64x1024xf32>
    %slice3A_90 = vector.extract_strided_slice %get3A_40 {offsets = [0, 9], sizes = [64, 3], strides = [1, 1]} : vector<64x60xf32> to vector<64x3xf32>
    %dot_general3A_91 = arith.constant dense<0.000000e+00> : vector<64x1024xf32>
    %dot_general3A_92 = tpu.matmul %slice3A_90, %div3A_30, %dot_general3A_91 {dimension_numbers = #tpu.dot_dimension_numbers<[1], [0], [0], [1], [0, 0, 1, 1], [], []>, transpose_lhs_hint = false} : vector<64x3xf32>, vector<3x1024xf32>, vector<64x1024xf32> -> vector<64x1024xf32>
    %max3A_93 = arith.constant 0.000000e+00 : f32
    %max3A_94 = vector.broadcast %max3A_93 : f32 to vector<64x1024xf32>
    %max3A_95 = arith.maximumf %dot_general3A_92, %max3A_94 : vector<64x1024xf32>
    %mul3A_96 = arith.mulf %max3A_95, %dot_general3A_89 : vector<64x1024xf32>
    %max3A_97 = arith.maximumf %max3A_82, %mul3A_96 : vector<64x1024xf32>
    %slice3A_98 = vector.extract_strided_slice %get3A_35 {offsets = [4, 0], sizes = [1, 64], strides = [1, 1]} : vector<20x64xi32> to vector<1x64xi32>
    %eq3A_99 = vector.broadcast %slice3A_98 : vector<1x64xi32> to vector<64x64xi32>
    %eq3A_100 = arith.cmpi eq, %iota3A, %eq3A_99 : vector<64x64xi32>
    %convert_element_type3A_101 = arith.extui %eq3A_100 : vector<64x64xi1> to vector<64x64xi32>
    %convert_element_type3A_102 = arith.sitofp %convert_element_type3A_101 : vector<64x64xi32> to vector<64x64xf32>
    %dot_general3A_103 = arith.constant dense<0.000000e+00> : vector<64x1024xf32>
    %dot_general3A_104 = tpu.matmul %convert_element_type3A_102, %add3A_17, %dot_general3A_103 {dimension_numbers = #tpu.dot_dimension_numbers<[0], [0], [1], [1], [0, 1, 1, 1], [], []>, transpose_lhs_hint = false} : vector<64x64xf32>, vector<64x1024xf32>, vector<64x1024xf32> -> vector<64x1024xf32>
    %slice3A_105 = vector.extract_strided_slice %get3A_40 {offsets = [0, 12], sizes = [64, 3], strides = [1, 1]} : vector<64x60xf32> to vector<64x3xf32>
    %dot_general3A_106 = arith.constant dense<0.000000e+00> : vector<64x1024xf32>
    %dot_general3A_107 = tpu.matmul %slice3A_105, %div3A_30, %dot_general3A_106 {dimension_numbers = #tpu.dot_dimension_numbers<[1], [0], [0], [1], [0, 0, 1, 1], [], []>, transpose_lhs_hint = false} : vector<64x3xf32>, vector<3x1024xf32>, vector<64x1024xf32> -> vector<64x1024xf32>
    %max3A_108 = arith.constant 0.000000e+00 : f32
    %max3A_109 = vector.broadcast %max3A_108 : f32 to vector<64x1024xf32>
    %max3A_110 = arith.maximumf %dot_general3A_107, %max3A_109 : vector<64x1024xf32>
    %mul3A_111 = arith.mulf %max3A_110, %dot_general3A_104 : vector<64x1024xf32>
    %max3A_112 = arith.maximumf %max3A_97, %mul3A_111 : vector<64x1024xf32>
    %slice3A_113 = vector.extract_strided_slice %get3A_35 {offsets = [5, 0], sizes = [1, 64], strides = [1, 1]} : vector<20x64xi32> to vector<1x64xi32>
    %eq3A_114 = vector.broadcast %slice3A_113 : vector<1x64xi32> to vector<64x64xi32>
    %eq3A_115 = arith.cmpi eq, %iota3A, %eq3A_114 : vector<64x64xi32>
    %convert_element_type3A_116 = arith.extui %eq3A_115 : vector<64x64xi1> to vector<64x64xi32>
    %convert_element_type3A_117 = arith.sitofp %convert_element_type3A_116 : vector<64x64xi32> to vector<64x64xf32>
    %dot_general3A_118 = arith.constant dense<0.000000e+00> : vector<64x1024xf32>
    %dot_general3A_119 = tpu.matmul %convert_element_type3A_117, %add3A_17, %dot_general3A_118 {dimension_numbers = #tpu.dot_dimension_numbers<[0], [0], [1], [1], [0, 1, 1, 1], [], []>, transpose_lhs_hint = false} : vector<64x64xf32>, vector<64x1024xf32>, vector<64x1024xf32> -> vector<64x1024xf32>
    %slice3A_120 = vector.extract_strided_slice %get3A_40 {offsets = [0, 15], sizes = [64, 3], strides = [1, 1]} : vector<64x60xf32> to vector<64x3xf32>
    %dot_general3A_121 = arith.constant dense<0.000000e+00> : vector<64x1024xf32>
    %dot_general3A_122 = tpu.matmul %slice3A_120, %div3A_30, %dot_general3A_121 {dimension_numbers = #tpu.dot_dimension_numbers<[1], [0], [0], [1], [0, 0, 1, 1], [], []>, transpose_lhs_hint = false} : vector<64x3xf32>, vector<3x1024xf32>, vector<64x1024xf32> -> vector<64x1024xf32>
    %max3A_123 = arith.constant 0.000000e+00 : f32
    %max3A_124 = vector.broadcast %max3A_123 : f32 to vector<64x1024xf32>
    %max3A_125 = arith.maximumf %dot_general3A_122, %max3A_124 : vector<64x1024xf32>
    %mul3A_126 = arith.mulf %max3A_125, %dot_general3A_119 : vector<64x1024xf32>
    %max3A_127 = arith.maximumf %max3A_112, %mul3A_126 : vector<64x1024xf32>
    %slice3A_128 = vector.extract_strided_slice %get3A_35 {offsets = [6, 0], sizes = [1, 64], strides = [1, 1]} : vector<20x64xi32> to vector<1x64xi32>
    %eq3A_129 = vector.broadcast %slice3A_128 : vector<1x64xi32> to vector<64x64xi32>
    %eq3A_130 = arith.cmpi eq, %iota3A, %eq3A_129 : vector<64x64xi32>
    %convert_element_type3A_131 = arith.extui %eq3A_130 : vector<64x64xi1> to vector<64x64xi32>
    %convert_element_type3A_132 = arith.sitofp %convert_element_type3A_131 : vector<64x64xi32> to vector<64x64xf32>
    %dot_general3A_133 = arith.constant dense<0.000000e+00> : vector<64x1024xf32>
    %dot_general3A_134 = tpu.matmul %convert_element_type3A_132, %add3A_17, %dot_general3A_133 {dimension_numbers = #tpu.dot_dimension_numbers<[0], [0], [1], [1], [0, 1, 1, 1], [], []>, transpose_lhs_hint = false} : vector<64x64xf32>, vector<64x1024xf32>, vector<64x1024xf32> -> vector<64x1024xf32>
    %slice3A_135 = vector.extract_strided_slice %get3A_40 {offsets = [0, 18], sizes = [64, 3], strides = [1, 1]} : vector<64x60xf32> to vector<64x3xf32>
    %dot_general3A_136 = arith.constant dense<0.000000e+00> : vector<64x1024xf32>
    %dot_general3A_137 = tpu.matmul %slice3A_135, %div3A_30, %dot_general3A_136 {dimension_numbers = #tpu.dot_dimension_numbers<[1], [0], [0], [1], [0, 0, 1, 1], [], []>, transpose_lhs_hint = false} : vector<64x3xf32>, vector<3x1024xf32>, vector<64x1024xf32> -> vector<64x1024xf32>
    %max3A_138 = arith.constant 0.000000e+00 : f32
    %max3A_139 = vector.broadcast %max3A_138 : f32 to vector<64x1024xf32>
    %max3A_140 = arith.maximumf %dot_general3A_137, %max3A_139 : vector<64x1024xf32>
    %mul3A_141 = arith.mulf %max3A_140, %dot_general3A_134 : vector<64x1024xf32>
    %max3A_142 = arith.maximumf %max3A_127, %mul3A_141 : vector<64x1024xf32>
    %slice3A_143 = vector.extract_strided_slice %get3A_35 {offsets = [7, 0], sizes = [1, 64], strides = [1, 1]} : vector<20x64xi32> to vector<1x64xi32>
    %eq3A_144 = vector.broadcast %slice3A_143 : vector<1x64xi32> to vector<64x64xi32>
    %eq3A_145 = arith.cmpi eq, %iota3A, %eq3A_144 : vector<64x64xi32>
    %convert_element_type3A_146 = arith.extui %eq3A_145 : vector<64x64xi1> to vector<64x64xi32>
    %convert_element_type3A_147 = arith.sitofp %convert_element_type3A_146 : vector<64x64xi32> to vector<64x64xf32>
    %dot_general3A_148 = arith.constant dense<0.000000e+00> : vector<64x1024xf32>
    %dot_general3A_149 = tpu.matmul %convert_element_type3A_147, %add3A_17, %dot_general3A_148 {dimension_numbers = #tpu.dot_dimension_numbers<[0], [0], [1], [1], [0, 1, 1, 1], [], []>, transpose_lhs_hint = false} : vector<64x64xf32>, vector<64x1024xf32>, vector<64x1024xf32> -> vector<64x1024xf32>
    %slice3A_150 = vector.extract_strided_slice %get3A_40 {offsets = [0, 21], sizes = [64, 3], strides = [1, 1]} : vector<64x60xf32> to vector<64x3xf32>
    %dot_general3A_151 = arith.constant dense<0.000000e+00> : vector<64x1024xf32>
    %dot_general3A_152 = tpu.matmul %slice3A_150, %div3A_30, %dot_general3A_151 {dimension_numbers = #tpu.dot_dimension_numbers<[1], [0], [0], [1], [0, 0, 1, 1], [], []>, transpose_lhs_hint = false} : vector<64x3xf32>, vector<3x1024xf32>, vector<64x1024xf32> -> vector<64x1024xf32>
    %max3A_153 = arith.constant 0.000000e+00 : f32
    %max3A_154 = vector.broadcast %max3A_153 : f32 to vector<64x1024xf32>
    %max3A_155 = arith.maximumf %dot_general3A_152, %max3A_154 : vector<64x1024xf32>
    %mul3A_156 = arith.mulf %max3A_155, %dot_general3A_149 : vector<64x1024xf32>
    %max3A_157 = arith.maximumf %max3A_142, %mul3A_156 : vector<64x1024xf32>
    %slice3A_158 = vector.extract_strided_slice %get3A_35 {offsets = [8, 0], sizes = [1, 64], strides = [1, 1]} : vector<20x64xi32> to vector<1x64xi32>
    %eq3A_159 = vector.broadcast %slice3A_158 : vector<1x64xi32> to vector<64x64xi32>
    %eq3A_160 = arith.cmpi eq, %iota3A, %eq3A_159 : vector<64x64xi32>
    %convert_element_type3A_161 = arith.extui %eq3A_160 : vector<64x64xi1> to vector<64x64xi32>
    %convert_element_type3A_162 = arith.sitofp %convert_element_type3A_161 : vector<64x64xi32> to vector<64x64xf32>
    %dot_general3A_163 = arith.constant dense<0.000000e+00> : vector<64x1024xf32>
    %dot_general3A_164 = tpu.matmul %convert_element_type3A_162, %add3A_17, %dot_general3A_163 {dimension_numbers = #tpu.dot_dimension_numbers<[0], [0], [1], [1], [0, 1, 1, 1], [], []>, transpose_lhs_hint = false} : vector<64x64xf32>, vector<64x1024xf32>, vector<64x1024xf32> -> vector<64x1024xf32>
    %slice3A_165 = vector.extract_strided_slice %get3A_40 {offsets = [0, 24], sizes = [64, 3], strides = [1, 1]} : vector<64x60xf32> to vector<64x3xf32>
    %dot_general3A_166 = arith.constant dense<0.000000e+00> : vector<64x1024xf32>
    %dot_general3A_167 = tpu.matmul %slice3A_165, %div3A_30, %dot_general3A_166 {dimension_numbers = #tpu.dot_dimension_numbers<[1], [0], [0], [1], [0, 0, 1, 1], [], []>, transpose_lhs_hint = false} : vector<64x3xf32>, vector<3x1024xf32>, vector<64x1024xf32> -> vector<64x1024xf32>
    %max3A_168 = arith.constant 0.000000e+00 : f32
    %max3A_169 = vector.broadcast %max3A_168 : f32 to vector<64x1024xf32>
    %max3A_170 = arith.maximumf %dot_general3A_167, %max3A_169 : vector<64x1024xf32>
    %mul3A_171 = arith.mulf %max3A_170, %dot_general3A_164 : vector<64x1024xf32>
    %max3A_172 = arith.maximumf %max3A_157, %mul3A_171 : vector<64x1024xf32>
    %slice3A_173 = vector.extract_strided_slice %get3A_35 {offsets = [9, 0], sizes = [1, 64], strides = [1, 1]} : vector<20x64xi32> to vector<1x64xi32>
    %eq3A_174 = vector.broadcast %slice3A_173 : vector<1x64xi32> to vector<64x64xi32>
    %eq3A_175 = arith.cmpi eq, %iota3A, %eq3A_174 : vector<64x64xi32>
    %convert_element_type3A_176 = arith.extui %eq3A_175 : vector<64x64xi1> to vector<64x64xi32>
    %convert_element_type3A_177 = arith.sitofp %convert_element_type3A_176 : vector<64x64xi32> to vector<64x64xf32>
    %dot_general3A_178 = arith.constant dense<0.000000e+00> : vector<64x1024xf32>
    %dot_general3A_179 = tpu.matmul %convert_element_type3A_177, %add3A_17, %dot_general3A_178 {dimension_numbers = #tpu.dot_dimension_numbers<[0], [0], [1], [1], [0, 1, 1, 1], [], []>, transpose_lhs_hint = false} : vector<64x64xf32>, vector<64x1024xf32>, vector<64x1024xf32> -> vector<64x1024xf32>
    %slice3A_180 = vector.extract_strided_slice %get3A_40 {offsets = [0, 27], sizes = [64, 3], strides = [1, 1]} : vector<64x60xf32> to vector<64x3xf32>
    %dot_general3A_181 = arith.constant dense<0.000000e+00> : vector<64x1024xf32>
    %dot_general3A_182 = tpu.matmul %slice3A_180, %div3A_30, %dot_general3A_181 {dimension_numbers = #tpu.dot_dimension_numbers<[1], [0], [0], [1], [0, 0, 1, 1], [], []>, transpose_lhs_hint = false} : vector<64x3xf32>, vector<3x1024xf32>, vector<64x1024xf32> -> vector<64x1024xf32>
    %max3A_183 = arith.constant 0.000000e+00 : f32
    %max3A_184 = vector.broadcast %max3A_183 : f32 to vector<64x1024xf32>
    %max3A_185 = arith.maximumf %dot_general3A_182, %max3A_184 : vector<64x1024xf32>
    %mul3A_186 = arith.mulf %max3A_185, %dot_general3A_179 : vector<64x1024xf32>
    %max3A_187 = arith.maximumf %max3A_172, %mul3A_186 : vector<64x1024xf32>
    %slice3A_188 = vector.extract_strided_slice %get3A_35 {offsets = [10, 0], sizes = [1, 64], strides = [1, 1]} : vector<20x64xi32> to vector<1x64xi32>
    %eq3A_189 = vector.broadcast %slice3A_188 : vector<1x64xi32> to vector<64x64xi32>
    %eq3A_190 = arith.cmpi eq, %iota3A, %eq3A_189 : vector<64x64xi32>
    %convert_element_type3A_191 = arith.extui %eq3A_190 : vector<64x64xi1> to vector<64x64xi32>
    %convert_element_type3A_192 = arith.sitofp %convert_element_type3A_191 : vector<64x64xi32> to vector<64x64xf32>
    %dot_general3A_193 = arith.constant dense<0.000000e+00> : vector<64x1024xf32>
    %dot_general3A_194 = tpu.matmul %convert_element_type3A_192, %add3A_17, %dot_general3A_193 {dimension_numbers = #tpu.dot_dimension_numbers<[0], [0], [1], [1], [0, 1, 1, 1], [], []>, transpose_lhs_hint = false} : vector<64x64xf32>, vector<64x1024xf32>, vector<64x1024xf32> -> vector<64x1024xf32>
    %slice3A_195 = vector.extract_strided_slice %get3A_40 {offsets = [0, 30], sizes = [64, 3], strides = [1, 1]} : vector<64x60xf32> to vector<64x3xf32>
    %dot_general3A_196 = arith.constant dense<0.000000e+00> : vector<64x1024xf32>
    %dot_general3A_197 = tpu.matmul %slice3A_195, %div3A_30, %dot_general3A_196 {dimension_numbers = #tpu.dot_dimension_numbers<[1], [0], [0], [1], [0, 0, 1, 1], [], []>, transpose_lhs_hint = false} : vector<64x3xf32>, vector<3x1024xf32>, vector<64x1024xf32> -> vector<64x1024xf32>
    %max3A_198 = arith.constant 0.000000e+00 : f32
    %max3A_199 = vector.broadcast %max3A_198 : f32 to vector<64x1024xf32>
    %max3A_200 = arith.maximumf %dot_general3A_197, %max3A_199 : vector<64x1024xf32>
    %mul3A_201 = arith.mulf %max3A_200, %dot_general3A_194 : vector<64x1024xf32>
    %max3A_202 = arith.maximumf %max3A_187, %mul3A_201 : vector<64x1024xf32>
    %slice3A_203 = vector.extract_strided_slice %get3A_35 {offsets = [11, 0], sizes = [1, 64], strides = [1, 1]} : vector<20x64xi32> to vector<1x64xi32>
    %eq3A_204 = vector.broadcast %slice3A_203 : vector<1x64xi32> to vector<64x64xi32>
    %eq3A_205 = arith.cmpi eq, %iota3A, %eq3A_204 : vector<64x64xi32>
    %convert_element_type3A_206 = arith.extui %eq3A_205 : vector<64x64xi1> to vector<64x64xi32>
    %convert_element_type3A_207 = arith.sitofp %convert_element_type3A_206 : vector<64x64xi32> to vector<64x64xf32>
    %dot_general3A_208 = arith.constant dense<0.000000e+00> : vector<64x1024xf32>
    %dot_general3A_209 = tpu.matmul %convert_element_type3A_207, %add3A_17, %dot_general3A_208 {dimension_numbers = #tpu.dot_dimension_numbers<[0], [0], [1], [1], [0, 1, 1, 1], [], []>, transpose_lhs_hint = false} : vector<64x64xf32>, vector<64x1024xf32>, vector<64x1024xf32> -> vector<64x1024xf32>
    %slice3A_210 = vector.extract_strided_slice %get3A_40 {offsets = [0, 33], sizes = [64, 3], strides = [1, 1]} : vector<64x60xf32> to vector<64x3xf32>
    %dot_general3A_211 = arith.constant dense<0.000000e+00> : vector<64x1024xf32>
    %dot_general3A_212 = tpu.matmul %slice3A_210, %div3A_30, %dot_general3A_211 {dimension_numbers = #tpu.dot_dimension_numbers<[1], [0], [0], [1], [0, 0, 1, 1], [], []>, transpose_lhs_hint = false} : vector<64x3xf32>, vector<3x1024xf32>, vector<64x1024xf32> -> vector<64x1024xf32>
    %max3A_213 = arith.constant 0.000000e+00 : f32
    %max3A_214 = vector.broadcast %max3A_213 : f32 to vector<64x1024xf32>
    %max3A_215 = arith.maximumf %dot_general3A_212, %max3A_214 : vector<64x1024xf32>
    %mul3A_216 = arith.mulf %max3A_215, %dot_general3A_209 : vector<64x1024xf32>
    %max3A_217 = arith.maximumf %max3A_202, %mul3A_216 : vector<64x1024xf32>
    %slice3A_218 = vector.extract_strided_slice %get3A_35 {offsets = [12, 0], sizes = [1, 64], strides = [1, 1]} : vector<20x64xi32> to vector<1x64xi32>
    %eq3A_219 = vector.broadcast %slice3A_218 : vector<1x64xi32> to vector<64x64xi32>
    %eq3A_220 = arith.cmpi eq, %iota3A, %eq3A_219 : vector<64x64xi32>
    %convert_element_type3A_221 = arith.extui %eq3A_220 : vector<64x64xi1> to vector<64x64xi32>
    %convert_element_type3A_222 = arith.sitofp %convert_element_type3A_221 : vector<64x64xi32> to vector<64x64xf32>
    %dot_general3A_223 = arith.constant dense<0.000000e+00> : vector<64x1024xf32>
    %dot_general3A_224 = tpu.matmul %convert_element_type3A_222, %add3A_17, %dot_general3A_223 {dimension_numbers = #tpu.dot_dimension_numbers<[0], [0], [1], [1], [0, 1, 1, 1], [], []>, transpose_lhs_hint = false} : vector<64x64xf32>, vector<64x1024xf32>, vector<64x1024xf32> -> vector<64x1024xf32>
    %slice3A_225 = vector.extract_strided_slice %get3A_40 {offsets = [0, 36], sizes = [64, 3], strides = [1, 1]} : vector<64x60xf32> to vector<64x3xf32>
    %dot_general3A_226 = arith.constant dense<0.000000e+00> : vector<64x1024xf32>
    %dot_general3A_227 = tpu.matmul %slice3A_225, %div3A_30, %dot_general3A_226 {dimension_numbers = #tpu.dot_dimension_numbers<[1], [0], [0], [1], [0, 0, 1, 1], [], []>, transpose_lhs_hint = false} : vector<64x3xf32>, vector<3x1024xf32>, vector<64x1024xf32> -> vector<64x1024xf32>
    %max3A_228 = arith.constant 0.000000e+00 : f32
    %max3A_229 = vector.broadcast %max3A_228 : f32 to vector<64x1024xf32>
    %max3A_230 = arith.maximumf %dot_general3A_227, %max3A_229 : vector<64x1024xf32>
    %mul3A_231 = arith.mulf %max3A_230, %dot_general3A_224 : vector<64x1024xf32>
    %max3A_232 = arith.maximumf %max3A_217, %mul3A_231 : vector<64x1024xf32>
    %slice3A_233 = vector.extract_strided_slice %get3A_35 {offsets = [13, 0], sizes = [1, 64], strides = [1, 1]} : vector<20x64xi32> to vector<1x64xi32>
    %eq3A_234 = vector.broadcast %slice3A_233 : vector<1x64xi32> to vector<64x64xi32>
    %eq3A_235 = arith.cmpi eq, %iota3A, %eq3A_234 : vector<64x64xi32>
    %convert_element_type3A_236 = arith.extui %eq3A_235 : vector<64x64xi1> to vector<64x64xi32>
    %convert_element_type3A_237 = arith.sitofp %convert_element_type3A_236 : vector<64x64xi32> to vector<64x64xf32>
    %dot_general3A_238 = arith.constant dense<0.000000e+00> : vector<64x1024xf32>
    %dot_general3A_239 = tpu.matmul %convert_element_type3A_237, %add3A_17, %dot_general3A_238 {dimension_numbers = #tpu.dot_dimension_numbers<[0], [0], [1], [1], [0, 1, 1, 1], [], []>, transpose_lhs_hint = false} : vector<64x64xf32>, vector<64x1024xf32>, vector<64x1024xf32> -> vector<64x1024xf32>
    %slice3A_240 = vector.extract_strided_slice %get3A_40 {offsets = [0, 39], sizes = [64, 3], strides = [1, 1]} : vector<64x60xf32> to vector<64x3xf32>
    %dot_general3A_241 = arith.constant dense<0.000000e+00> : vector<64x1024xf32>
    %dot_general3A_242 = tpu.matmul %slice3A_240, %div3A_30, %dot_general3A_241 {dimension_numbers = #tpu.dot_dimension_numbers<[1], [0], [0], [1], [0, 0, 1, 1], [], []>, transpose_lhs_hint = false} : vector<64x3xf32>, vector<3x1024xf32>, vector<64x1024xf32> -> vector<64x1024xf32>
    %max3A_243 = arith.constant 0.000000e+00 : f32
    %max3A_244 = vector.broadcast %max3A_243 : f32 to vector<64x1024xf32>
    %max3A_245 = arith.maximumf %dot_general3A_242, %max3A_244 : vector<64x1024xf32>
    %mul3A_246 = arith.mulf %max3A_245, %dot_general3A_239 : vector<64x1024xf32>
    %max3A_247 = arith.maximumf %max3A_232, %mul3A_246 : vector<64x1024xf32>
    %slice3A_248 = vector.extract_strided_slice %get3A_35 {offsets = [14, 0], sizes = [1, 64], strides = [1, 1]} : vector<20x64xi32> to vector<1x64xi32>
    %eq3A_249 = vector.broadcast %slice3A_248 : vector<1x64xi32> to vector<64x64xi32>
    %eq3A_250 = arith.cmpi eq, %iota3A, %eq3A_249 : vector<64x64xi32>
    %convert_element_type3A_251 = arith.extui %eq3A_250 : vector<64x64xi1> to vector<64x64xi32>
    %convert_element_type3A_252 = arith.sitofp %convert_element_type3A_251 : vector<64x64xi32> to vector<64x64xf32>
    %dot_general3A_253 = arith.constant dense<0.000000e+00> : vector<64x1024xf32>
    %dot_general3A_254 = tpu.matmul %convert_element_type3A_252, %add3A_17, %dot_general3A_253 {dimension_numbers = #tpu.dot_dimension_numbers<[0], [0], [1], [1], [0, 1, 1, 1], [], []>, transpose_lhs_hint = false} : vector<64x64xf32>, vector<64x1024xf32>, vector<64x1024xf32> -> vector<64x1024xf32>
    %slice3A_255 = vector.extract_strided_slice %get3A_40 {offsets = [0, 42], sizes = [64, 3], strides = [1, 1]} : vector<64x60xf32> to vector<64x3xf32>
    %dot_general3A_256 = arith.constant dense<0.000000e+00> : vector<64x1024xf32>
    %dot_general3A_257 = tpu.matmul %slice3A_255, %div3A_30, %dot_general3A_256 {dimension_numbers = #tpu.dot_dimension_numbers<[1], [0], [0], [1], [0, 0, 1, 1], [], []>, transpose_lhs_hint = false} : vector<64x3xf32>, vector<3x1024xf32>, vector<64x1024xf32> -> vector<64x1024xf32>
    %max3A_258 = arith.constant 0.000000e+00 : f32
    %max3A_259 = vector.broadcast %max3A_258 : f32 to vector<64x1024xf32>
    %max3A_260 = arith.maximumf %dot_general3A_257, %max3A_259 : vector<64x1024xf32>
    %mul3A_261 = arith.mulf %max3A_260, %dot_general3A_254 : vector<64x1024xf32>
    %max3A_262 = arith.maximumf %max3A_247, %mul3A_261 : vector<64x1024xf32>
    %slice3A_263 = vector.extract_strided_slice %get3A_35 {offsets = [15, 0], sizes = [1, 64], strides = [1, 1]} : vector<20x64xi32> to vector<1x64xi32>
    %eq3A_264 = vector.broadcast %slice3A_263 : vector<1x64xi32> to vector<64x64xi32>
    %eq3A_265 = arith.cmpi eq, %iota3A, %eq3A_264 : vector<64x64xi32>
    %convert_element_type3A_266 = arith.extui %eq3A_265 : vector<64x64xi1> to vector<64x64xi32>
    %convert_element_type3A_267 = arith.sitofp %convert_element_type3A_266 : vector<64x64xi32> to vector<64x64xf32>
    %dot_general3A_268 = arith.constant dense<0.000000e+00> : vector<64x1024xf32>
    %dot_general3A_269 = tpu.matmul %convert_element_type3A_267, %add3A_17, %dot_general3A_268 {dimension_numbers = #tpu.dot_dimension_numbers<[0], [0], [1], [1], [0, 1, 1, 1], [], []>, transpose_lhs_hint = false} : vector<64x64xf32>, vector<64x1024xf32>, vector<64x1024xf32> -> vector<64x1024xf32>
    %slice3A_270 = vector.extract_strided_slice %get3A_40 {offsets = [0, 45], sizes = [64, 3], strides = [1, 1]} : vector<64x60xf32> to vector<64x3xf32>
    %dot_general3A_271 = arith.constant dense<0.000000e+00> : vector<64x1024xf32>
    %dot_general3A_272 = tpu.matmul %slice3A_270, %div3A_30, %dot_general3A_271 {dimension_numbers = #tpu.dot_dimension_numbers<[1], [0], [0], [1], [0, 0, 1, 1], [], []>, transpose_lhs_hint = false} : vector<64x3xf32>, vector<3x1024xf32>, vector<64x1024xf32> -> vector<64x1024xf32>
    %max3A_273 = arith.constant 0.000000e+00 : f32
    %max3A_274 = vector.broadcast %max3A_273 : f32 to vector<64x1024xf32>
    %max3A_275 = arith.maximumf %dot_general3A_272, %max3A_274 : vector<64x1024xf32>
    %mul3A_276 = arith.mulf %max3A_275, %dot_general3A_269 : vector<64x1024xf32>
    %max3A_277 = arith.maximumf %max3A_262, %mul3A_276 : vector<64x1024xf32>
    %slice3A_278 = vector.extract_strided_slice %get3A_35 {offsets = [16, 0], sizes = [1, 64], strides = [1, 1]} : vector<20x64xi32> to vector<1x64xi32>
    %eq3A_279 = vector.broadcast %slice3A_278 : vector<1x64xi32> to vector<64x64xi32>
    %eq3A_280 = arith.cmpi eq, %iota3A, %eq3A_279 : vector<64x64xi32>
    %convert_element_type3A_281 = arith.extui %eq3A_280 : vector<64x64xi1> to vector<64x64xi32>
    %convert_element_type3A_282 = arith.sitofp %convert_element_type3A_281 : vector<64x64xi32> to vector<64x64xf32>
    %dot_general3A_283 = arith.constant dense<0.000000e+00> : vector<64x1024xf32>
    %dot_general3A_284 = tpu.matmul %convert_element_type3A_282, %add3A_17, %dot_general3A_283 {dimension_numbers = #tpu.dot_dimension_numbers<[0], [0], [1], [1], [0, 1, 1, 1], [], []>, transpose_lhs_hint = false} : vector<64x64xf32>, vector<64x1024xf32>, vector<64x1024xf32> -> vector<64x1024xf32>
    %slice3A_285 = vector.extract_strided_slice %get3A_40 {offsets = [0, 48], sizes = [64, 3], strides = [1, 1]} : vector<64x60xf32> to vector<64x3xf32>
    %dot_general3A_286 = arith.constant dense<0.000000e+00> : vector<64x1024xf32>
    %dot_general3A_287 = tpu.matmul %slice3A_285, %div3A_30, %dot_general3A_286 {dimension_numbers = #tpu.dot_dimension_numbers<[1], [0], [0], [1], [0, 0, 1, 1], [], []>, transpose_lhs_hint = false} : vector<64x3xf32>, vector<3x1024xf32>, vector<64x1024xf32> -> vector<64x1024xf32>
    %max3A_288 = arith.constant 0.000000e+00 : f32
    %max3A_289 = vector.broadcast %max3A_288 : f32 to vector<64x1024xf32>
    %max3A_290 = arith.maximumf %dot_general3A_287, %max3A_289 : vector<64x1024xf32>
    %mul3A_291 = arith.mulf %max3A_290, %dot_general3A_284 : vector<64x1024xf32>
    %max3A_292 = arith.maximumf %max3A_277, %mul3A_291 : vector<64x1024xf32>
    %slice3A_293 = vector.extract_strided_slice %get3A_35 {offsets = [17, 0], sizes = [1, 64], strides = [1, 1]} : vector<20x64xi32> to vector<1x64xi32>
    %eq3A_294 = vector.broadcast %slice3A_293 : vector<1x64xi32> to vector<64x64xi32>
    %eq3A_295 = arith.cmpi eq, %iota3A, %eq3A_294 : vector<64x64xi32>
    %convert_element_type3A_296 = arith.extui %eq3A_295 : vector<64x64xi1> to vector<64x64xi32>
    %convert_element_type3A_297 = arith.sitofp %convert_element_type3A_296 : vector<64x64xi32> to vector<64x64xf32>
    %dot_general3A_298 = arith.constant dense<0.000000e+00> : vector<64x1024xf32>
    %dot_general3A_299 = tpu.matmul %convert_element_type3A_297, %add3A_17, %dot_general3A_298 {dimension_numbers = #tpu.dot_dimension_numbers<[0], [0], [1], [1], [0, 1, 1, 1], [], []>, transpose_lhs_hint = false} : vector<64x64xf32>, vector<64x1024xf32>, vector<64x1024xf32> -> vector<64x1024xf32>
    %slice3A_300 = vector.extract_strided_slice %get3A_40 {offsets = [0, 51], sizes = [64, 3], strides = [1, 1]} : vector<64x60xf32> to vector<64x3xf32>
    %dot_general3A_301 = arith.constant dense<0.000000e+00> : vector<64x1024xf32>
    %dot_general3A_302 = tpu.matmul %slice3A_300, %div3A_30, %dot_general3A_301 {dimension_numbers = #tpu.dot_dimension_numbers<[1], [0], [0], [1], [0, 0, 1, 1], [], []>, transpose_lhs_hint = false} : vector<64x3xf32>, vector<3x1024xf32>, vector<64x1024xf32> -> vector<64x1024xf32>
    %max3A_303 = arith.constant 0.000000e+00 : f32
    %max3A_304 = vector.broadcast %max3A_303 : f32 to vector<64x1024xf32>
    %max3A_305 = arith.maximumf %dot_general3A_302, %max3A_304 : vector<64x1024xf32>
    %mul3A_306 = arith.mulf %max3A_305, %dot_general3A_299 : vector<64x1024xf32>
    %max3A_307 = arith.maximumf %max3A_292, %mul3A_306 : vector<64x1024xf32>
    %slice3A_308 = vector.extract_strided_slice %get3A_35 {offsets = [18, 0], sizes = [1, 64], strides = [1, 1]} : vector<20x64xi32> to vector<1x64xi32>
    %eq3A_309 = vector.broadcast %slice3A_308 : vector<1x64xi32> to vector<64x64xi32>
    %eq3A_310 = arith.cmpi eq, %iota3A, %eq3A_309 : vector<64x64xi32>
    %convert_element_type3A_311 = arith.extui %eq3A_310 : vector<64x64xi1> to vector<64x64xi32>
    %convert_element_type3A_312 = arith.sitofp %convert_element_type3A_311 : vector<64x64xi32> to vector<64x64xf32>
    %dot_general3A_313 = arith.constant dense<0.000000e+00> : vector<64x1024xf32>
    %dot_general3A_314 = tpu.matmul %convert_element_type3A_312, %add3A_17, %dot_general3A_313 {dimension_numbers = #tpu.dot_dimension_numbers<[0], [0], [1], [1], [0, 1, 1, 1], [], []>, transpose_lhs_hint = false} : vector<64x64xf32>, vector<64x1024xf32>, vector<64x1024xf32> -> vector<64x1024xf32>
    %slice3A_315 = vector.extract_strided_slice %get3A_40 {offsets = [0, 54], sizes = [64, 3], strides = [1, 1]} : vector<64x60xf32> to vector<64x3xf32>
    %dot_general3A_316 = arith.constant dense<0.000000e+00> : vector<64x1024xf32>
    %dot_general3A_317 = tpu.matmul %slice3A_315, %div3A_30, %dot_general3A_316 {dimension_numbers = #tpu.dot_dimension_numbers<[1], [0], [0], [1], [0, 0, 1, 1], [], []>, transpose_lhs_hint = false} : vector<64x3xf32>, vector<3x1024xf32>, vector<64x1024xf32> -> vector<64x1024xf32>
    %max3A_318 = arith.constant 0.000000e+00 : f32
    %max3A_319 = vector.broadcast %max3A_318 : f32 to vector<64x1024xf32>
    %max3A_320 = arith.maximumf %dot_general3A_317, %max3A_319 : vector<64x1024xf32>
    %mul3A_321 = arith.mulf %max3A_320, %dot_general3A_314 : vector<64x1024xf32>
    %max3A_322 = arith.maximumf %max3A_307, %mul3A_321 : vector<64x1024xf32>
    %slice3A_323 = vector.extract_strided_slice %get3A_35 {offsets = [19, 0], sizes = [1, 64], strides = [1, 1]} : vector<20x64xi32> to vector<1x64xi32>
    %eq3A_324 = vector.broadcast %slice3A_323 : vector<1x64xi32> to vector<64x64xi32>
    %eq3A_325 = arith.cmpi eq, %iota3A, %eq3A_324 : vector<64x64xi32>
    %convert_element_type3A_326 = arith.extui %eq3A_325 : vector<64x64xi1> to vector<64x64xi32>
    %convert_element_type3A_327 = arith.sitofp %convert_element_type3A_326 : vector<64x64xi32> to vector<64x64xf32>
    %dot_general3A_328 = arith.constant dense<0.000000e+00> : vector<64x1024xf32>
    %dot_general3A_329 = tpu.matmul %convert_element_type3A_327, %add3A_17, %dot_general3A_328 {dimension_numbers = #tpu.dot_dimension_numbers<[0], [0], [1], [1], [0, 1, 1, 1], [], []>, transpose_lhs_hint = false} : vector<64x64xf32>, vector<64x1024xf32>, vector<64x1024xf32> -> vector<64x1024xf32>
    %slice3A_330 = vector.extract_strided_slice %get3A_40 {offsets = [0, 57], sizes = [64, 3], strides = [1, 1]} : vector<64x60xf32> to vector<64x3xf32>
    %dot_general3A_331 = arith.constant dense<0.000000e+00> : vector<64x1024xf32>
    %dot_general3A_332 = tpu.matmul %slice3A_330, %div3A_30, %dot_general3A_331 {dimension_numbers = #tpu.dot_dimension_numbers<[1], [0], [0], [1], [0, 0, 1, 1], [], []>, transpose_lhs_hint = false} : vector<64x3xf32>, vector<3x1024xf32>, vector<64x1024xf32> -> vector<64x1024xf32>
    %max3A_333 = arith.constant 0.000000e+00 : f32
    %max3A_334 = vector.broadcast %max3A_333 : f32 to vector<64x1024xf32>
    %max3A_335 = arith.maximumf %dot_general3A_332, %max3A_334 : vector<64x1024xf32>
    %mul3A_336 = arith.mulf %max3A_335, %dot_general3A_329 : vector<64x1024xf32>
    %max3A_337 = arith.maximumf %max3A_322, %mul3A_336 : vector<64x1024xf32>
    %add3A_338 = arith.addf %add3A_23, %max3A_337 : vector<64x1024xf32>
    %reduce_max3A = arith.constant dense<0xFF800000> : vector<1024xf32>
    %reduce_max3A_339 = vector.multi_reduction <maximumf>, %add3A_338, %reduce_max3A [0] : vector<64x1024xf32> to vector<1024xf32>
    %broadcast_in_dim3A_340 = vector.shape_cast %reduce_max3A_339 : vector<1024xf32> to vector<1x1024xf32>
    %swap3A = arith.constant 0 : index
    %swap3A_341 = arith.constant 0 : index
    %swap3A_342 = arith.constant 0 : index
    %swap3A_343 = vector.load %arg9[%swap3A, %swap3A_341, %swap3A_342] : memref<1x1x1024xf32, #tpu.memory_space<vmem>>, vector<1x1x1024xf32>
    %swap3A_344 = vector.shape_cast %swap3A_343 : vector<1x1x1024xf32> to vector<1x1024xf32>
    %swap3A_345 = vector.shape_cast %broadcast_in_dim3A_340 : vector<1x1024xf32> to vector<1x1x1024xf32>
    tpu.vector_store %arg9[%swap3A, %swap3A_341, %swap3A_342], %swap3A_345 {strides = array<i32>} : memref<1x1x1024xf32, #tpu.memory_space<vmem>>, vector<1x1x1024xf32>,
    return
  }
  func.func @transform_0(%arg0: i32, %arg1: i32) -> (i32, i32, i32) {
    %c0_i32 = arith.constant 0 : i32
    %c0_i32_0 = arith.constant 0 : i32
    %c0_i32_1 = arith.constant 0 : i32
    return %arg0, %c0_i32, %c0_i32_0 : i32, i32, i32
  }
  func.func @transform_1(%arg0: i32, %arg1: i32) -> (i32, i32, i32) {
    %c0_i32 = arith.constant 0 : i32
    %c0_i32_0 = arith.constant 0 : i32
    return %arg0, %arg1, %c0_i32 : i32, i32, i32
  }
  func.func @transform_2(%arg0: i32, %arg1: i32) -> (i32, i32) {
    %c0_i32 = arith.constant 0 : i32
    %c0_i32_0 = arith.constant 0 : i32
    %c0_i32_1 = arith.constant 0 : i32
    return %c0_i32, %c0_i32_0 : i32, i32
  }
  func.func @transform_3(%arg0: i32, %arg1: i32) -> (i32, i32) {
    %c0_i32 = arith.constant 0 : i32
    %c0_i32_0 = arith.constant 0 : i32
    %c0_i32_1 = arith.constant 0 : i32
    return %c0_i32, %c0_i32_0 : i32, i32
  }
  func.func @transform_4(%arg0: i32, %arg1: i32) -> (i32, i32) {
    %c0_i32 = arith.constant 0 : i32
    %c0_i32_0 = arith.constant 0 : i32
    %c0_i32_1 = arith.constant 0 : i32
    return %c0_i32, %c0_i32_0 : i32, i32
  }
  func.func @transform_5(%arg0: i32, %arg1: i32) -> (i32, i32, i32) {
    %c0_i32 = arith.constant 0 : i32
    %c0_i32_0 = arith.constant 0 : i32
    return %arg0, %c0_i32, %arg1 : i32, i32, i32
  }
  func.func @transform_6(%arg0: i32, %arg1: i32) -> (i32, i32, i32) {
    %c0_i32 = arith.constant 0 : i32
    %c0_i32_0 = arith.constant 0 : i32
    return %arg0, %arg1, %c0_i32 : i32, i32, i32
  }
  func.func @transform_7(%arg0: i32, %arg1: i32) -> (i32, i32, i32) {
    %c0_i32 = arith.constant 0 : i32
    %c0_i32_0 = arith.constant 0 : i32
    return %arg0, %arg1, %c0_i32 : i32, i32, i32
  }
}

module attributes {stable_mosaic.version = 14 : i64} {
  func.func @_head_body(%arg0: memref<8x1024xf32, #tpu.memory_space<vmem>>, %arg1: memref<1024x256xf32, #tpu.memory_space<vmem>>, %arg2: memref<1x256xf32, #tpu.memory_space<vmem>>, %arg3: memref<1x256xf32, #tpu.memory_space<vmem>>, %arg4: memref<1x256xf32, #tpu.memory_space<vmem>>, %arg5: memref<1x256xf32, #tpu.memory_space<vmem>>, %arg6: memref<1x256xf32, #tpu.memory_space<vmem>>, %arg7: memref<256x40xf32, #tpu.memory_space<vmem>>, %arg8: memref<1x40xf32, #tpu.memory_space<vmem>>, %arg9: memref<8x40xf32, #tpu.memory_space<vmem>>) attributes {dimension_semantics = [], scalar_prefetch = 0 : i64, scratch_operands = 0 : i64, tpu.core_type = #tpu.core_type<tc>} {
    %get3A = arith.constant 0 : index
    %get3A_0 = arith.constant 0 : index
    %get3A_1 = vector.load %arg0[%get3A, %get3A_0] : memref<8x1024xf32, #tpu.memory_space<vmem>>, vector<8x1024xf32>
    %get3A_2 = arith.constant 0 : index
    %get3A_3 = arith.constant 0 : index
    %get3A_4 = vector.load %arg1[%get3A_2, %get3A_3] : memref<1024x256xf32, #tpu.memory_space<vmem>>, vector<1024x256xf32>
    %dot_general3A = arith.constant dense<0.000000e+00> : vector<8x256xf32>
    %dot_general3A_5 = tpu.matmul %get3A_1, %get3A_4, %dot_general3A {dimension_numbers = #tpu.dot_dimension_numbers<[1], [0], [0], [1], [0, 0, 1, 1], [], []>, transpose_lhs_hint = false} : vector<8x1024xf32>, vector<1024x256xf32>, vector<8x256xf32> -> vector<8x256xf32>
    %get3A_6 = arith.constant 0 : index
    %get3A_7 = arith.constant 0 : index
    %get3A_8 = vector.load %arg2[%get3A_6, %get3A_7] : memref<1x256xf32, #tpu.memory_space<vmem>>, vector<1x256xf32>
    %add3A = vector.broadcast %get3A_8 : vector<1x256xf32> to vector<8x256xf32>
    %add3A_9 = arith.addf %dot_general3A_5, %add3A : vector<8x256xf32>
    %get3A_10 = arith.constant 0 : index
    %get3A_11 = arith.constant 0 : index
    %get3A_12 = vector.load %arg5[%get3A_10, %get3A_11] : memref<1x256xf32, #tpu.memory_space<vmem>>, vector<1x256xf32>
    %sub3A = vector.broadcast %get3A_12 : vector<1x256xf32> to vector<8x256xf32>
    %sub3A_13 = arith.subf %add3A_9, %sub3A : vector<8x256xf32>
    %get3A_14 = arith.constant 0 : index
    %get3A_15 = arith.constant 0 : index
    %get3A_16 = vector.load %arg6[%get3A_14, %get3A_15] : memref<1x256xf32, #tpu.memory_space<vmem>>, vector<1x256xf32>
    %add3A_17 = arith.constant 9.99999974E-6 : f32
    %add3A_18 = vector.broadcast %add3A_17 : f32 to vector<1x256xf32>
    %add3A_19 = arith.addf %get3A_16, %add3A_18 : vector<1x256xf32>
    %sqrt3A = math.sqrt %add3A_19 : vector<1x256xf32>
    %div3A = vector.broadcast %sqrt3A : vector<1x256xf32> to vector<8x256xf32>
    %div3A_20 = arith.divf %sub3A_13, %div3A : vector<8x256xf32>
    %get3A_21 = arith.constant 0 : index
    %get3A_22 = arith.constant 0 : index
    %get3A_23 = vector.load %arg3[%get3A_21, %get3A_22] : memref<1x256xf32, #tpu.memory_space<vmem>>, vector<1x256xf32>
    %mul3A = vector.broadcast %get3A_23 : vector<1x256xf32> to vector<8x256xf32>
    %mul3A_24 = arith.mulf %div3A_20, %mul3A : vector<8x256xf32>
    %get3A_25 = arith.constant 0 : index
    %get3A_26 = arith.constant 0 : index
    %get3A_27 = vector.load %arg4[%get3A_25, %get3A_26] : memref<1x256xf32, #tpu.memory_space<vmem>>, vector<1x256xf32>
    %add3A_28 = vector.broadcast %get3A_27 : vector<1x256xf32> to vector<8x256xf32>
    %add3A_29 = arith.addf %mul3A_24, %add3A_28 : vector<8x256xf32>
    %max3A = arith.constant 0.000000e+00 : f32
    %max3A_30 = vector.broadcast %max3A : f32 to vector<8x256xf32>
    %max3A_31 = arith.maximumf %add3A_29, %max3A_30 : vector<8x256xf32>
    %get3A_32 = arith.constant 0 : index
    %get3A_33 = arith.constant 0 : index
    %get3A_34 = vector.load %arg7[%get3A_32, %get3A_33] : memref<256x40xf32, #tpu.memory_space<vmem>>, vector<256x40xf32>
    %dot_general3A_35 = arith.constant dense<0.000000e+00> : vector<8x40xf32>
    %dot_general3A_36 = tpu.matmul %max3A_31, %get3A_34, %dot_general3A_35 {dimension_numbers = #tpu.dot_dimension_numbers<[1], [0], [0], [1], [0, 0, 1, 1], [], []>, transpose_lhs_hint = false} : vector<8x256xf32>, vector<256x40xf32>, vector<8x40xf32> -> vector<8x40xf32>
    %get3A_37 = arith.constant 0 : index
    %get3A_38 = arith.constant 0 : index
    %get3A_39 = vector.load %arg8[%get3A_37, %get3A_38] : memref<1x40xf32, #tpu.memory_space<vmem>>, vector<1x40xf32>
    %add3A_40 = vector.broadcast %get3A_39 : vector<1x40xf32> to vector<8x40xf32>
    %add3A_41 = arith.addf %dot_general3A_36, %add3A_40 : vector<8x40xf32>
    %swap3A = arith.constant 0 : index
    %swap3A_42 = arith.constant 0 : index
    %swap3A_43 = vector.load %arg9[%swap3A, %swap3A_42] : memref<8x40xf32, #tpu.memory_space<vmem>>, vector<8x40xf32>
    tpu.vector_store %arg9[%swap3A, %swap3A_42], %add3A_41 {strides = array<i32>} : memref<8x40xf32, #tpu.memory_space<vmem>>, vector<8x40xf32>,
    return
  }
}

</mosaic_0001>

<sc_bundles>
// kernel: kernel.14.cloned.1.call-start
scs
__scs_entry_jumppad:
0x0: {  	(pc) =	sbr.rel $0x88, $3  }
0x1: {  	(tag) =	ssettag $0x0;
	lr =	simm.s32 $0x1  }
0x2: {  	[smem:$0x3F8B] =	sst lr;
	_ =	strace $0xD0000000  }
0x3: {  	_ = 	snop  }
0x4: {  	_ = 	snop  }
0x5: {  	_ = 	snop  }
0x6: {  	_ = 	snop  }
0x7: {  	_ = 	snop  }
__scs_overlays_trampoline_lowered:
0x8: {  	[smem:$0x3F9A] =	sst s0  }
0x9: {  	[smem:$0x3F9B] =	sst s1  }
0xa: {  	[smem:$0x3F9C] =	sst s2  }
0xb: {  	[smem:$0x3F9D] =	sst s3  }
0xc: {  	[smem:$0x3F9E] =	sst s4  }
0xd: {  	[smem:$0x3F9F] =	sst s5  }
0xe: {  	[smem:$0x3FA0] =	sst s6  }
0xf: {  	[smem:$0x3FA1] =	sst s7  }
0x10: {  	[smem:$0x3FA2] =	sst s8  }
0x11: {  	[smem:$0x3FA3] =	sst s9;
	s0 =	simm.s32 @!p0 $0x0  }
0x12: {  	s1 =	sld [smem:$0x3F89];
	s0 =	simm.s32 @p0 $0x1  }
0x13: {  	[smem:$0x3FA4] =	sst s0;
	s0 =	simm.s32 @!p1 $0x0  }
0x14: {  	s2 =	sld [smem:$0x3F88];
	s0 =	simm.s32 @p1 $0x1  }
0x15: {  	[smem:$0x3FA5] =	sst s0;
	s0 =	simm.s32 @!p2 $0x0  }
0x16: {  	s3 =	sld [smem:$0x3FDB];
	s0 =	simm.s32 @p2 $0x1  }
0x17: {  	s4 =	simm.s32 $0x1BF5;
	[smem:$0x3FA7] =	sst s0  }
0x18: {  	s0 =	sld [smem:$0x3F8A];
	_ =	swait.ge [sflag:s4], $0x0  }
0x19: {  	s7 =	sld [smem:$0x3F8B]  }
0x1a: {  	s8 =	sadd.s32 $0xFFFFE003, lr  }
0x1b: {  	s9 =	sadd.s32 $0xFFFFFEF7, lr;
	s5 =	simm.s32 $0xFFFFFFFF;
	p2 =	slt.u32 s8, $0xFFFFF086  }
0x1c: {  	p1 =	slt.u32 s9, $0xF7A;
	s5 =	simm.s32 @!p2 $0x0  }
0x1d: {  	s5 =	simm.s32 @p1 $0x1;
	p0 =	seq.s32 s7, s2  }
0x1e: {  	s7 =	smul.u32 @!p0 $0xF7A, s2;
	p2 =	seq.s32 @!p0 s5, $0x0  }
0x1f: {  	s9 =	smul.u32 $0xF7A, s1;
	s8 =	simm.s32 @!p0 $0x1BF5;
	p2 =	por !p2, p0  }
0x20: {  	[sflag:s8] =	ssyncset.s32 @!p0 $0xFFFFF086;
	s6 =	sadd.s32 @!p0 s3, s7;
	s7 =	simm.s32 @!p0 $0x108  }
0x21: {  	s3 =	sadd.s32 s3, s9;
	s6 =	sadd.s32 @!p0 $0x88, s6;
	s7 =	simm.s32 @p2 $0x1082  }
0x22: {  	[simem:s7], [sflag:s8] =	dma.local @!p0 [hbm:s6], $0xF7A  }
0x23: {  	s9 =	sor.u32 $0xD0000000, s2;
	s6 =	simm.s32 $0x108;
	_ =	swait.ge @!p0 [sflag:s8], $0x0  }
0x24: {  	s3 =	sadd.s32 $0x88, s3;
	s6 =	simm.s32 @!p1 $0x1082;
	[sflag:s4] =	ssyncset.s32 $0xFFFFF086  }
0x25: {  	[simem:s6], [sflag:s4] =	dma.local [hbm:s3], $0xF7A  }
0x26: {  	[smem:$0x3F8B] =	sst s1;
	(tag) =	ssettag s2;
	_ =	strace s9  }
0x27: {  	s1 =	sld [smem:$0x3F9B]  }
0x28: {  	s2 =	sld [smem:$0x3F9C]  }
0x29: {  	s4 =	sld [smem:$0x3F9E]  }
0x2a: {  	p0 =	seq.s32 s5, $0x0;
	s5 =	sld [smem:$0x3F9F]  }
0x2b: {  	s6 =	sld [smem:$0x3FA0]  }
0x2c: {  	s7 =	sld [smem:$0x3FA1]  }
0x2d: {  	s3 =	simm.s32 $0x108;
	s8 =	sld [smem:$0x3FA2]  }
0x2e: {  	s3 =	simm.s32 @!p0 $0x1082;
	s9 =	sld [smem:$0x3FA3]  }
0x2f: {  	lr =	sadd.s32 s0, s3;
	s0 =	sld [smem:$0x3F9A]  }
0x30: {  	s3 =	sld [smem:$0x3F9D]  }
0x31: {  	[smem:$0x3FA6] =	sst s10  }
0x32: {  	s10 =	sld [smem:$0x3FA4];
	_ =	sdelay $0x3  }
0x33: {  	p0 =	seq.s32 s10, $0x1;
	s10 =	sld [smem:$0x3FA6];
	_ =	sdelay $0x3  }
0x34: {  	[smem:$0x3FA6] =	sst s10  }
0x35: {  	s10 =	sld [smem:$0x3FA5];
	_ =	sdelay $0x3  }
0x36: {  	p1 =	seq.s32 s10, $0x1;
	s10 =	sld [smem:$0x3FA6];
	_ =	sdelay $0x3  }
0x37: {  	[smem:$0x3FA6] =	sst s10  }
0x38: {  	s10 =	sld [smem:$0x3FA7]  }
0x39: {  	_ = 	snop;
	(pc) =	sbr.ind lr, $3  }
0x3a: {  	_ = 	snop  }
0x3b: {  	_ = 	snop  }
0x3c: {  	p2 =	seq.s32 s10, $0x1;
	s10 =	sld [smem:$0x3FA6]  }
0x3d: {  	_ =	shalt  }
0x3e: {  	_ =	shalt  }
0x3f: {  	_ =	shalt  }
0x40: {  	_ =	shalt  }
0x41: {  	_ =	shalt  }
0x42: {  	_ =	shalt  }
0x43: {  	_ =	shalt  }
0x44: {  	_ =	shalt  }
0x45: {  	_ =	shalt  }
0x46: {  	_ =	shalt  }
0x47: {  	_ =	shalt  }
0x48: {  	_ =	shalt  }
0x49: {  	_ =	shalt  }
0x4a: {  	_ =	shalt  }
0x4b: {  	_ =	shalt  }
0x4c: {  	_ =	shalt  }
0x4d: {  	_ =	shalt  }
0x4e: {  	_ =	shalt  }
0x4f: {  	_ =	shalt  }
0x50: {  	_ =	shalt  }
0x51: {  	_ =	shalt  }
0x52: {  	_ =	shalt  }
0x53: {  	_ =	shalt  }
0x54: {  	_ =	shalt  }
0x55: {  	_ =	shalt  }
0x56: {  	_ =	shalt  }
0x57: {  	_ =	shalt  }
0x58: {  	_ =	shalt  }
0x59: {  	_ =	shalt  }
0x5a: {  	_ =	shalt  }
0x5b: {  	_ =	shalt  }
0x5c: {  	_ =	shalt  }
0x5d: {  	_ =	shalt  }
0x5e: {  	_ =	shalt  }
0x5f: {  	_ =	shalt  }
0x60: {  	_ =	shalt  }
0x61: {  	_ =	shalt  }
0x62: {  	_ =	shalt  }
0x63: {  	_ =	shalt  }
0x64: {  	_ =	shalt  }
0x65: {  	_ =	shalt  }
0x66: {  	_ =	shalt  }
0x67: {  	_ =	shalt  }
0x68: {  	_ =	shalt  }
0x69: {  	_ =	shalt  }
0x6a: {  	_ =	shalt  }
0x6b: {  	_ =	shalt  }
0x6c: {  	_ =	shalt  }
0x6d: {  	_ =	shalt  }
0x6e: {  	_ =	shalt  }
0x6f: {  	_ =	shalt  }
0x70: {  	_ =	shalt  }
0x71: {  	_ =	shalt  }
0x72: {  	_ =	shalt  }
0x73: {  	_ =	shalt  }
0x74: {  	_ =	shalt  }
0x75: {  	_ =	shalt  }
0x76: {  	_ =	shalt  }
0x77: {  	_ =	shalt  }
0x78: {  	_ =	shalt  }
0x79: {  	_ =	shalt  }
0x7a: {  	_ =	shalt  }
0x7b: {  	_ =	shalt  }
0x7c: {  	_ =	shalt  }
0x7d: {  	_ =	shalt  }
0x7e: {  	_ =	shalt  }
0x7f: {  	_ =	shalt  }
0x80: {  	_ =	shalt  }
0x81: {  	_ =	shalt  }
0x82: {  	_ =	shalt  }
0x83: {  	_ =	shalt  }
0x84: {  	_ =	shalt  }
0x85: {  	_ =	shalt  }
0x86: {  	_ =	shalt  }
0x87: {  	_ =	shalt  }
.Lfunc_end0:
.L_simem_size_0:
called_computation_lowered:
.L_overlay_start_0:
0x88: {  	s2 =	sld [smem:$0x3FD9]  }
0x89: {  	s3 =	sld [smem:$0x3FFE];
	_ =	sdelay $0x1  }
0x8a: {  	s1 =	srdreg.scid  }
0x8b: {  	s0 =	sand.u32 $0x1, s1  }
0x8c: {  	s16 =	sshll.u32 s0, $0xA;
	s2 =	sadd.s32 s3, s2  }
0x8d: {  	s2 =	sadd.s32 s2, s16  }
0x8e: {  	[smem:$0x3FB2] =	sst s2  }
0x8f: {  	_ = 	snop  }
0x90: {  	(tm) =	ssettm $0x1  }
0x91: {  	s17 =	sld [smem:$0x3FFB];
	_ =	sdelay $0x3  }
0x92: {  	_ =	strace s17  }
0x93: {  	s2 =	sld [smem:$0x3FFC];
	_ =	sdelay $0x3  }
0x94: {  	_ =	strace s2  }
0x95: {  	s2 =	sld [smem:$0x3FFD];
	_ =	sdelay $0x3  }
0x96: {  	_ =	strace s2  }
0x97: {  	_ =	strace $0x8FFFFFFF  }
0x98: {  	s18 =	sld [smem:$0x3FDB];
	_ =	sdelay $0x1  }
0x99: {  	s19 =	simm.s32 $_scs_section_size  }
0x9a: {  	s4 =	simm.s32 $_size__tile_overlayer_lowered;
	s5 =	simm.s32 $_tile_overlayer_lowered  }
0x9b: {  	s22 =	simm.s32 $0x1BFF;
	s21 =	sshll.u32 s5, $0x1;
	s2 =	sadd.s32 s19, s18  }
0x9c: {  	s6 =	simm.s32 $0x0;
	s20 =	sshll.u32 s4, $0x1;
	s4 =	sadd.s32 s21, s2  }
0x9d: {  	[timem:s6], [sflag:s22] =	dma.local [hbm:s4], s20  }
0x9e: {  	_ =	swait.ge [sflag:s22], s20  }
0x9f: {  	s3 =	ssub.s32 $0x0, s20;
	[sflag:s22] =	ssyncset.done $0x0  }
0xa0: {  	[sflag:s22] =	ssyncadd.s32 s3;
	_ =	sdelay $0x1  }
0xa1: {  	s23 =	simm.s32 $0x1B8B  }
0xa2: {  	_ =	swait.ge [sflag:s23], $0x1  }
0xa3: {  	[sflag:s23] =	ssyncset.done $0x0  }
0xa4: {  	s25 =	simm.s32 $0x1B8E;
	s24 =	sld [smem:$0x3FFE];
	[sflag:s23] =	ssyncadd.s32 $0xFFFFFFFF  }
0xa5: {  	s26 =	simm.s32 $execute0_lowered;
	[smem:$0x3FD2] =	sst s25  }
0xa6: {  	s4 =	sshll.u32 s26, $0x1;
	_ =	strace $0x80000046;
	[dreg:$0x1] =	wrdreg $0xFFFFFFFF  }
0xa7: {  	s28 =	simm.s32 $_size_execute0_lowered;
	s2 =	sadd.s32 s2, s4;
	[dreg:$0x0] =	wrdreg $0x0  }
0xa8: {  	s4 =	sshll.u32 s28, $0x1;
	[dreg:$0x2] =	wrdreg s2  }
0xa9: {  	[dreg:$0x3] =	wrdreg s4  }
0xaa: {  	[dreg:$0x4] =	wrdreg $0xC0  }
0xab: {  	_ =	task [dreg:s6], $0x5FFFF  }
0xac: {  	[dreg:$0x1] =	wrdreg $0xFFFFFFFF  }
0xad: {  	[dreg:$0x0] =	wrdreg $0x60  }
0xae: {  	[dreg:$0x2] =	wrdreg s24  }
0xaf: {  	[dreg:$0x3] =	wrdreg $0x9  }
0xb0: {  	_ =	task.clear_ibuf [dreg:s6], $0x4FFFF;
	_ =	strace $0x90000046  }
0xb1: {  	s29 =	simm.s32 $0x9;
	_ =	strace $0x80000048  }
0xb2: {  	_ =	swait.ge [sflag:s29], $0x1  }
0xb3: {  	[sflag:s29] =	ssyncadd.s32 $0xFFFFFFFF  }
0xb4: {  	_ =	strace $0x90000048  }
0xb5: {  	_ =	sfence  }
0xb6: {  	s30 =	sld [smem:$0x0];
	_ =	sdelay $0x2  }
0xb7: {  	s31 =	sshll.u32 s1, $0xD;
	s1 =	sshrl.u32 s1, $0x2  }
0xb8: {  	s3 =	sand.u32 $0x4000, s31;
	s1 =	sadd.s32 s1, s30  }
0xb9: {  	s0 =	sor.u32 s3, s0;
	s1 =	sshll.u32 s1, $0x11  }
0xba: {  	s0 =	sor.u32 s1, s0  }
0xbb: {  	s0 =	sadd.s32 $0x8F2B, s0  }
0xbc: {  	[sflag:s0] =	ssyncadd.remote.s32 $0x1  }
0xbd: {  	_ =	sfence.sel $0xFFFF  }
0xbe: {  	[dreg:$0x0] =	wrdreg $0xFFFFFFFF;
	(pc) =	sbr.abs _section_cstart, $3  }
0xbf: {  	[dreg:$0x1] =	wrdreg $0xFFFFFFFF  }
0xc0: {  	_ =	task.clear_ibuf [dreg:s6], $0x2FFFF;
	_ =	strace $0x9FFFFFFF  }
0xc1: {  	(tm) =	ssettm $0x7FFFFFFF  }
tec
execute0_lowered:
.L_overlay_start_1:
0x0: {  	(tag) =	ssettag $0x1  }
0x1: {  	s1 =	srdreg.scid;
	s0 =	stileid.u32  }
0x2: {  	s26 =	sand.u32 $0x1, s1;
	s29 =	sshll.u32 s0, $0x1  }
0x3: {  	s8 =	sor.u32 s26, s29  }
0x4: {  	s9 =	rddreg [dreg:$0x0];
	s28 =	smul.u32 $0x1400, s8  }
0x5: {  	s2 =	simm.s32 $0x0;
	s1 =	rddreg [dreg:$0x1]  }
0x6: {  	[smem:$0x7FF] =	sst s2;
	s25 =	sadd.s32 $0x2400, s9;
	s3 =	sshrl.u32 s28, $0x3  }
0x7: {  	_ =	strace $0x80000047;
	s4 =	sadd.s32 s25, s3;
	s3 =	simm.s32 $0x2  }
0x8: {  	[tilespmem:s2], [sflag:$0x2] =	stream.linear.gather [hbm4b:s4+s2], $0x200, $0x38;
	[tilespmem:$0x10200] =	vst v63  }
0x9: {  	_ =	swait.ge [sflag:s3], $0x200  }
0xa: {  	s6 =	simm.s32 $0x200;
	[sflag:s3] =	ssyncset.done $0x0  }
0xb: {  	s7 =	simm.s32 $0x1;
	s5 =	sadd.s32 $0x7400, s9;
	[sflag:s3] =	ssyncadd.s32 $0xFFFFFE00  }
0xc: {  	[tilespmem:s6], [sflag:$0x1] =	stream.indirect.gather [hbm4b:s5+s6], $0x80, s2, s6, $0xb8;
	[tilespmem:$0x10200] =	vst v63  }
0xd: {  	s8 =	smul.u32 $0x14000, s8;
	_ =	swait.ge [sflag:s7], $0x10000  }
0xe: {  	s29 =	sadd.s32 $0x27400, s9;
	[sflag:s7] =	ssyncset.done $0x0  }
0xf: {  	s8 =	sadd.s32 s29, s8;
	[sflag:s7] =	ssyncadd.s32 $0xFFFF0000  }
0x10: {  	[hbm4b:s8+s2] =	stream.linear.scatter [tilespmem:s6], [sflag:$0x2], $0x10000, $0x38;
	[tilespmem:$0x10200] =	vst v63  }
0x11: {  	s10 =	sor.u32 $0x200, s28;
	_ =	swait.ge [sflag:s3], $0x10000  }
0x12: {  	s30 =	sshrl.u32 s10, $0x3;
	[sflag:s3] =	ssyncset.done $0x0  }
0x13: {  	s9 =	sadd.s32 s25, s30;
	[sflag:s3] =	ssyncadd.s32 $0xFFFF0000  }
0x14: {  	[tilespmem:s2], [sflag:$0x2] =	stream.linear.gather [hbm4b:s9+s2], $0x200, $0x38;
	[tilespmem:$0x10200] =	vst v63  }
0x15: {  	_ =	swait.ge [sflag:s3], $0x200  }
0x16: {  	[sflag:s3] =	ssyncset.done $0x0  }
0x17: {  	[sflag:s3] =	ssyncadd.s32 $0xFFFFFE00  }
0x18: {  	[tilespmem:s6], [sflag:$0x1] =	stream.indirect.gather [hbm4b:s5+s6], $0x80, s2, s6, $0xb8;
	[tilespmem:$0x10200] =	vst v63  }
0x19: {  	_ =	swait.ge [sflag:s7], $0x10000  }
0x1a: {  	s10 =	sshll.u32 s10, $0x4;
	[sflag:s7] =	ssyncset.done $0x0  }
0x1b: {  	s10 =	sadd.s32 s29, s10;
	[sflag:s7] =	ssyncadd.s32 $0xFFFF0000  }
0x1c: {  	[hbm4b:s10+s2] =	stream.linear.scatter [tilespmem:s6], [sflag:$0x2], $0x10000, $0x38;
	[tilespmem:$0x10200] =	vst v63  }
0x1d: {  	s12 =	sadd.s32 $0x400, s28;
	_ =	swait.ge [sflag:s3], $0x10000  }
0x1e: {  	s11 =	sshrl.u32 s12, $0x3;
	[sflag:s3] =	ssyncset.done $0x0  }
0x1f: {  	s11 =	sadd.s32 s25, s11;
	[sflag:s3] =	ssyncadd.s32 $0xFFFF0000  }
0x20: {  	[tilespmem:s2], [sflag:$0x2] =	stream.linear.gather [hbm4b:s11+s2], $0x200, $0x38;
	[tilespmem:$0x10200] =	vst v63  }
0x21: {  	_ =	swait.ge [sflag:s3], $0x200  }
0x22: {  	[sflag:s3] =	ssyncset.done $0x0  }
0x23: {  	[sflag:s3] =	ssyncadd.s32 $0xFFFFFE00  }
0x24: {  	[tilespmem:s6], [sflag:$0x1] =	stream.indirect.gather [hbm4b:s5+s6], $0x80, s2, s6, $0xb8;
	[tilespmem:$0x10200] =	vst v63  }
0x25: {  	_ =	swait.ge [sflag:s7], $0x10000  }
0x26: {  	s12 =	sshll.u32 s12, $0x4;
	[sflag:s7] =	ssyncset.done $0x0  }
0x27: {  	s12 =	sadd.s32 s29, s12;
	[sflag:s7] =	ssyncadd.s32 $0xFFFF0000  }
0x28: {  	[hbm4b:s12+s2] =	stream.linear.scatter [tilespmem:s6], [sflag:$0x2], $0x10000, $0x38;
	[tilespmem:$0x10200] =	vst v63  }
0x29: {  	s14 =	sadd.s32 $0x600, s28;
	_ =	swait.ge [sflag:s3], $0x10000  }
0x2a: {  	s13 =	sshrl.u32 s14, $0x3;
	[sflag:s3] =	ssyncset.done $0x0  }
0x2b: {  	s13 =	sadd.s32 s25, s13;
	[sflag:s3] =	ssyncadd.s32 $0xFFFF0000  }
0x2c: {  	[tilespmem:s2], [sflag:$0x2] =	stream.linear.gather [hbm4b:s13+s2], $0x200, $0x38;
	[tilespmem:$0x10200] =	vst v63  }
0x2d: {  	_ =	swait.ge [sflag:s3], $0x200  }
0x2e: {  	[sflag:s3] =	ssyncset.done $0x0  }
0x2f: {  	[sflag:s3] =	ssyncadd.s32 $0xFFFFFE00  }
0x30: {  	[tilespmem:s6], [sflag:$0x1] =	stream.indirect.gather [hbm4b:s5+s6], $0x80, s2, s6, $0xb8;
	[tilespmem:$0x10200] =	vst v63  }
0x31: {  	_ =	swait.ge [sflag:s7], $0x10000  }
0x32: {  	s14 =	sshll.u32 s14, $0x4;
	[sflag:s7] =	ssyncset.done $0x0  }
0x33: {  	s14 =	sadd.s32 s29, s14;
	[sflag:s7] =	ssyncadd.s32 $0xFFFF0000  }
0x34: {  	[hbm4b:s14+s2] =	stream.linear.scatter [tilespmem:s6], [sflag:$0x2], $0x10000, $0x38;
	[tilespmem:$0x10200] =	vst v63  }
0x35: {  	s16 =	sadd.s32 $0x800, s28;
	_ =	swait.ge [sflag:s3], $0x10000  }
0x36: {  	s15 =	sshrl.u32 s16, $0x3;
	[sflag:s3] =	ssyncset.done $0x0  }
0x37: {  	s15 =	sadd.s32 s25, s15;
	[sflag:s3] =	ssyncadd.s32 $0xFFFF0000  }
0x38: {  	[tilespmem:s2], [sflag:$0x2] =	stream.linear.gather [hbm4b:s15+s2], $0x200, $0x38;
	[tilespmem:$0x10200] =	vst v63  }
0x39: {  	_ =	swait.ge [sflag:s3], $0x200  }
0x3a: {  	[sflag:s3] =	ssyncset.done $0x0  }
0x3b: {  	[sflag:s3] =	ssyncadd.s32 $0xFFFFFE00  }
0x3c: {  	[tilespmem:s6], [sflag:$0x1] =	stream.indirect.gather [hbm4b:s5+s6], $0x80, s2, s6, $0xb8;
	[tilespmem:$0x10200] =	vst v63  }
0x3d: {  	_ =	swait.ge [sflag:s7], $0x10000  }
0x3e: {  	s16 =	sshll.u32 s16, $0x4;
	[sflag:s7] =	ssyncset.done $0x0  }
0x3f: {  	s16 =	sadd.s32 s29, s16;
	[sflag:s7] =	ssyncadd.s32 $0xFFFF0000  }
0x40: {  	[hbm4b:s16+s2] =	stream.linear.scatter [tilespmem:s6], [sflag:$0x2], $0x10000, $0x38;
	[tilespmem:$0x10200] =	vst v63  }
0x41: {  	s18 =	sadd.s32 $0xA00, s28;
	_ =	swait.ge [sflag:s3], $0x10000  }
0x42: {  	s17 =	sshrl.u32 s18, $0x3;
	[sflag:s3] =	ssyncset.done $0x0  }
0x43: {  	s17 =	sadd.s32 s25, s17;
	[sflag:s3] =	ssyncadd.s32 $0xFFFF0000  }
0x44: {  	[tilespmem:s2], [sflag:$0x2] =	stream.linear.gather [hbm4b:s17+s2], $0x200, $0x38;
	[tilespmem:$0x10200] =	vst v63  }
0x45: {  	_ =	swait.ge [sflag:s3], $0x200  }
0x46: {  	[sflag:s3] =	ssyncset.done $0x0  }
0x47: {  	[sflag:s3] =	ssyncadd.s32 $0xFFFFFE00  }
0x48: {  	[tilespmem:s6], [sflag:$0x1] =	stream.indirect.gather [hbm4b:s5+s6], $0x80, s2, s6, $0xb8;
	[tilespmem:$0x10200] =	vst v63  }
0x49: {  	_ =	swait.ge [sflag:s7], $0x10000  }
0x4a: {  	s18 =	sshll.u32 s18, $0x4;
	[sflag:s7] =	ssyncset.done $0x0  }
0x4b: {  	s18 =	sadd.s32 s29, s18;
	[sflag:s7] =	ssyncadd.s32 $0xFFFF0000  }
0x4c: {  	[hbm4b:s18+s2] =	stream.linear.scatter [tilespmem:s6], [sflag:$0x2], $0x10000, $0x38;
	[tilespmem:$0x10200] =	vst v63  }
0x4d: {  	s20 =	sadd.s32 $0xC00, s28;
	_ =	swait.ge [sflag:s3], $0x10000  }
0x4e: {  	s19 =	sshrl.u32 s20, $0x3;
	[sflag:s3] =	ssyncset.done $0x0  }
0x4f: {  	s19 =	sadd.s32 s25, s19;
	[sflag:s3] =	ssyncadd.s32 $0xFFFF0000  }
0x50: {  	[tilespmem:s2], [sflag:$0x2] =	stream.linear.gather [hbm4b:s19+s2], $0x200, $0x38;
	[tilespmem:$0x10200] =	vst v63  }
0x51: {  	_ =	swait.ge [sflag:s3], $0x200  }
0x52: {  	[sflag:s3] =	ssyncset.done $0x0  }
0x53: {  	[sflag:s3] =	ssyncadd.s32 $0xFFFFFE00  }
0x54: {  	[tilespmem:s6], [sflag:$0x1] =	stream.indirect.gather [hbm4b:s5+s6], $0x80, s2, s6, $0xb8;
	[tilespmem:$0x10200] =	vst v63  }
0x55: {  	_ =	swait.ge [sflag:s7], $0x10000  }
0x56: {  	s20 =	sshll.u32 s20, $0x4;
	[sflag:s7] =	ssyncset.done $0x0  }
0x57: {  	s20 =	sadd.s32 s29, s20;
	[sflag:s7] =	ssyncadd.s32 $0xFFFF0000  }
0x58: {  	[hbm4b:s20+s2] =	stream.linear.scatter [tilespmem:s6], [sflag:$0x2], $0x10000, $0x38;
	[tilespmem:$0x10200] =	vst v63  }
0x59: {  	s22 =	sadd.s32 $0xE00, s28;
	_ =	swait.ge [sflag:s3], $0x10000  }
0x5a: {  	s21 =	sshrl.u32 s22, $0x3;
	[sflag:s3] =	ssyncset.done $0x0  }
0x5b: {  	s21 =	sadd.s32 s25, s21;
	[sflag:s3] =	ssyncadd.s32 $0xFFFF0000  }
0x5c: {  	[tilespmem:s2], [sflag:$0x2] =	stream.linear.gather [hbm4b:s21+s2], $0x200, $0x38;
	[tilespmem:$0x10200] =	vst v63  }
0x5d: {  	_ =	swait.ge [sflag:s3], $0x200  }
0x5e: {  	[sflag:s3] =	ssyncset.done $0x0  }
0x5f: {  	[sflag:s3] =	ssyncadd.s32 $0xFFFFFE00  }
0x60: {  	[tilespmem:s6], [sflag:$0x1] =	stream.indirect.gather [hbm4b:s5+s6], $0x80, s2, s6, $0xb8;
	[tilespmem:$0x10200] =	vst v63  }
0x61: {  	_ =	swait.ge [sflag:s7], $0x10000  }
0x62: {  	s22 =	sshll.u32 s22, $0x4;
	[sflag:s7] =	ssyncset.done $0x0  }
0x63: {  	s22 =	sadd.s32 s29, s22;
	[sflag:s7] =	ssyncadd.s32 $0xFFFF0000  }
0x64: {  	[hbm4b:s22+s2] =	stream.linear.scatter [tilespmem:s6], [sflag:$0x2], $0x10000, $0x38;
	[tilespmem:$0x10200] =	vst v63  }
0x65: {  	s24 =	sadd.s32 $0x1000, s28;
	_ =	swait.ge [sflag:s3], $0x10000  }
0x66: {  	s23 =	sshrl.u32 s24, $0x3;
	[sflag:s3] =	ssyncset.done $0x0  }
0x67: {  	s23 =	sadd.s32 s25, s23;
	[sflag:s3] =	ssyncadd.s32 $0xFFFF0000  }
0x68: {  	[tilespmem:s2], [sflag:$0x2] =	stream.linear.gather [hbm4b:s23+s2], $0x200, $0x38;
	[tilespmem:$0x10200] =	vst v63  }
0x69: {  	_ =	swait.ge [sflag:s3], $0x200  }
0x6a: {  	[sflag:s3] =	ssyncset.done $0x0  }
0x6b: {  	[sflag:s3] =	ssyncadd.s32 $0xFFFFFE00  }
0x6c: {  	[tilespmem:s6], [sflag:$0x1] =	stream.indirect.gather [hbm4b:s5+s6], $0x80, s2, s6, $0xb8;
	[tilespmem:$0x10200] =	vst v63  }
0x6d: {  	_ =	swait.ge [sflag:s7], $0x10000  }
0x6e: {  	s24 =	sshll.u32 s24, $0x4;
	[sflag:s7] =	ssyncset.done $0x0  }
0x6f: {  	s24 =	sadd.s32 s29, s24;
	[sflag:s7] =	ssyncadd.s32 $0xFFFF0000  }
0x70: {  	[hbm4b:s24+s2] =	stream.linear.scatter [tilespmem:s6], [sflag:$0x2], $0x10000, $0x38;
	[tilespmem:$0x10200] =	vst v63  }
0x71: {  	s28 =	sadd.s32 $0x1200, s28;
	_ =	swait.ge [sflag:s3], $0x10000  }
0x72: {  	s30 =	sshrl.u32 s28, $0x3;
	[sflag:s3] =	ssyncset.done $0x0  }
0x73: {  	s26 =	ssub.s32 $0x2, s26;
	s25 =	sadd.s32 s25, s30;
	[sflag:s3] =	ssyncadd.s32 $0xFFFF0000  }
0x74: {  	[tilespmem:s2], [sflag:$0x2] =	stream.linear.gather [hbm4b:s25+s2], $0x200, $0x38;
	[tilespmem:$0x10200] =	vst v63  }
0x75: {  	s31 =	sshrl.u32 s26, $0x1;
	_ =	swait.ge [sflag:s3], $0x200  }
0x76: {  	s30 =	ssub.s32 s26, s31;
	[sflag:s3] =	ssyncset.done $0x0  }
0x77: {  	s31 =	sshll.u32 s28, $0x4;
	s28 =	smax.u32 s30, $0x1;
	[sflag:s3] =	ssyncadd.s32 $0xFFFFFE00  }
0x78: {  	[tilespmem:s6], [sflag:$0x1] =	stream.indirect.gather [hbm4b:s5+s6], $0x80, s2, s6, $0xb8;
	[tilespmem:$0x10200] =	vst v63  }
0x79: {  	p0 =	sne.s32 s28, $0x1;
	_ =	swait.ge [sflag:s7], $0x10000  }
.Ltmp0:
0x7a: {  	[sflag:s7] =	ssyncset.done $0x0;
	(pc) =	sbr.rel @!p0 .LBB2_2-.Ltmp0, $4  }
0x7b: {  	s26 =	sadd.s32 s29, s31;
	[sflag:s7] =	ssyncadd.s32 $0xFFFF0000  }
0x7c: {  	[hbm4b:s26+s2] =	stream.linear.scatter [tilespmem:s6], [sflag:$0x2], $0x10000, $0x38;
	[tilespmem:$0x10200] =	vst v63  }
0x7d: {  	_ =	swait.ge [sflag:s3], $0x10000  }
0x7e: {  	s28 =	sadd.s32 $0xFFFFFFFF, s28;
	[sflag:s3] =	ssyncset.done $0x0  }
.LBB2_1:
0x7f: {  	p0 =	sne.s32 s28, $0x1;
	s28 =	sadd.s32 $0xFFFFFFFF, s28;
	[sflag:s3] =	ssyncadd.s32 $0xFFFF0000  }
0x80: {  	[tilespmem:s2], [sflag:$0x2] =	stream.linear.gather [hbm4b:s4+s2], $0x200, $0x38;
	[tilespmem:$0x10200] =	vst v63  }
0x81: {  	_ =	swait.ge [sflag:s3], $0x200  }
0x82: {  	[sflag:s3] =	ssyncset.done $0x0  }
0x83: {  	[sflag:s3] =	ssyncadd.s32 $0xFFFFFE00  }
0x84: {  	[tilespmem:s6], [sflag:$0x1] =	stream.indirect.gather [hbm4b:s5+s6], $0x80, s2, s6, $0xb8;
	[tilespmem:$0x10200] =	vst v63  }
0x85: {  	_ =	swait.ge [sflag:s7], $0x10000  }
0x86: {  	[sflag:s7] =	ssyncset.done $0x0  }
0x87: {  	[sflag:s7] =	ssyncadd.s32 $0xFFFF0000  }
0x88: {  	[hbm4b:s8+s2] =	stream.linear.scatter [tilespmem:s6], [sflag:$0x2], $0x10000, $0x38;
	[tilespmem:$0x10200] =	vst v63  }
0x89: {  	_ =	swait.ge [sflag:s3], $0x10000  }
0x8a: {  	[sflag:s3] =	ssyncset.done $0x0  }
0x8b: {  	[sflag:s3] =	ssyncadd.s32 $0xFFFF0000  }
0x8c: {  	[tilespmem:s2], [sflag:$0x2] =	stream.linear.gather [hbm4b:s9+s2], $0x200, $0x38;
	[tilespmem:$0x10200] =	vst v63  }
0x8d: {  	_ =	swait.ge [sflag:s3], $0x200  }
0x8e: {  	[sflag:s3] =	ssyncset.done $0x0  }
0x8f: {  	[sflag:s3] =	ssyncadd.s32 $0xFFFFFE00  }
0x90: {  	[tilespmem:s6], [sflag:$0x1] =	stream.indirect.gather [hbm4b:s5+s6], $0x80, s2, s6, $0xb8;
	[tilespmem:$0x10200] =	vst v63  }
0x91: {  	_ =	swait.ge [sflag:s7], $0x10000  }
0x92: {  	[sflag:s7] =	ssyncset.done $0x0  }
0x93: {  	[sflag:s7] =	ssyncadd.s32 $0xFFFF0000  }
0x94: {  	[hbm4b:s10+s2] =	stream.linear.scatter [tilespmem:s6], [sflag:$0x2], $0x10000, $0x38;
	[tilespmem:$0x10200] =	vst v63  }
0x95: {  	_ =	swait.ge [sflag:s3], $0x10000  }
0x96: {  	[sflag:s3] =	ssyncset.done $0x0  }
0x97: {  	[sflag:s3] =	ssyncadd.s32 $0xFFFF0000  }
0x98: {  	[tilespmem:s2], [sflag:$0x2] =	stream.linear.gather [hbm4b:s11+s2], $0x200, $0x38;
	[tilespmem:$0x10200] =	vst v63  }
0x99: {  	_ =	swait.ge [sflag:s3], $0x200  }
0x9a: {  	[sflag:s3] =	ssyncset.done $0x0  }
0x9b: {  	[sflag:s3] =	ssyncadd.s32 $0xFFFFFE00  }
0x9c: {  	[tilespmem:s6], [sflag:$0x1] =	stream.indirect.gather [hbm4b:s5+s6], $0x80, s2, s6, $0xb8;
	[tilespmem:$0x10200] =	vst v63  }
0x9d: {  	_ =	swait.ge [sflag:s7], $0x10000  }
0x9e: {  	[sflag:s7] =	ssyncset.done $0x0  }
0x9f: {  	[sflag:s7] =	ssyncadd.s32 $0xFFFF0000  }
0xa0: {  	[hbm4b:s12+s2] =	stream.linear.scatter [tilespmem:s6], [sflag:$0x2], $0x10000, $0x38;
	[tilespmem:$0x10200] =	vst v63  }
0xa1: {  	_ =	swait.ge [sflag:s3], $0x10000  }
0xa2: {  	[sflag:s3] =	ssyncset.done $0x0  }
0xa3: {  	[sflag:s3] =	ssyncadd.s32 $0xFFFF0000  }
0xa4: {  	[tilespmem:s2], [sflag:$0x2] =	stream.linear.gather [hbm4b:s13+s2], $0x200, $0x38;
	[tilespmem:$0x10200] =	vst v63  }
0xa5: {  	_ =	swait.ge [sflag:s3], $0x200  }
0xa6: {  	[sflag:s3] =	ssyncset.done $0x0  }
0xa7: {  	[sflag:s3] =	ssyncadd.s32 $0xFFFFFE00  }
0xa8: {  	[tilespmem:s6], [sflag:$0x1] =	stream.indirect.gather [hbm4b:s5+s6], $0x80, s2, s6, $0xb8;
	[tilespmem:$0x10200] =	vst v63  }
0xa9: {  	_ =	swait.ge [sflag:s7], $0x10000  }
0xaa: {  	[sflag:s7] =	ssyncset.done $0x0  }
0xab: {  	[sflag:s7] =	ssyncadd.s32 $0xFFFF0000  }
0xac: {  	[hbm4b:s14+s2] =	stream.linear.scatter [tilespmem:s6], [sflag:$0x2], $0x10000, $0x38;
	[tilespmem:$0x10200] =	vst v63  }
0xad: {  	_ =	swait.ge [sflag:s3], $0x10000  }
0xae: {  	[sflag:s3] =	ssyncset.done $0x0  }
0xaf: {  	[sflag:s3] =	ssyncadd.s32 $0xFFFF0000  }
0xb0: {  	[tilespmem:s2], [sflag:$0x2] =	stream.linear.gather [hbm4b:s15+s2], $0x200, $0x38;
	[tilespmem:$0x10200] =	vst v63  }
0xb1: {  	_ =	swait.ge [sflag:s3], $0x200  }
0xb2: {  	[sflag:s3] =	ssyncset.done $0x0  }
0xb3: {  	[sflag:s3] =	ssyncadd.s32 $0xFFFFFE00  }
0xb4: {  	[tilespmem:s6], [sflag:$0x1] =	stream.indirect.gather [hbm4b:s5+s6], $0x80, s2, s6, $0xb8;
	[tilespmem:$0x10200] =	vst v63  }
0xb5: {  	_ =	swait.ge [sflag:s7], $0x10000  }
0xb6: {  	[sflag:s7] =	ssyncset.done $0x0  }
0xb7: {  	[sflag:s7] =	ssyncadd.s32 $0xFFFF0000  }
0xb8: {  	[hbm4b:s16+s2] =	stream.linear.scatter [tilespmem:s6], [sflag:$0x2], $0x10000, $0x38;
	[tilespmem:$0x10200] =	vst v63  }
0xb9: {  	_ =	swait.ge [sflag:s3], $0x10000  }
0xba: {  	[sflag:s3] =	ssyncset.done $0x0  }
0xbb: {  	[sflag:s3] =	ssyncadd.s32 $0xFFFF0000  }
0xbc: {  	[tilespmem:s2], [sflag:$0x2] =	stream.linear.gather [hbm4b:s17+s2], $0x200, $0x38;
	[tilespmem:$0x10200] =	vst v63  }
0xbd: {  	_ =	swait.ge [sflag:s3], $0x200  }
0xbe: {  	[sflag:s3] =	ssyncset.done $0x0  }
0xbf: {  	[sflag:s3] =	ssyncadd.s32 $0xFFFFFE00  }
0xc0: {  	[tilespmem:s6], [sflag:$0x1] =	stream.indirect.gather [hbm4b:s5+s6], $0x80, s2, s6, $0xb8;
	[tilespmem:$0x10200] =	vst v63  }
0xc1: {  	_ =	swait.ge [sflag:s7], $0x10000  }
0xc2: {  	[sflag:s7] =	ssyncset.done $0x0  }
0xc3: {  	[sflag:s7] =	ssyncadd.s32 $0xFFFF0000  }
0xc4: {  	[hbm4b:s18+s2] =	stream.linear.scatter [tilespmem:s6], [sflag:$0x2], $0x10000, $0x38;
	[tilespmem:$0x10200] =	vst v63  }
0xc5: {  	_ =	swait.ge [sflag:s3], $0x10000  }
0xc6: {  	[sflag:s3] =	ssyncset.done $0x0  }
0xc7: {  	[sflag:s3] =	ssyncadd.s32 $0xFFFF0000  }
0xc8: {  	[tilespmem:s2], [sflag:$0x2] =	stream.linear.gather [hbm4b:s19+s2], $0x200, $0x38;
	[tilespmem:$0x10200] =	vst v63  }
0xc9: {  	_ =	swait.ge [sflag:s3], $0x200  }
0xca: {  	[sflag:s3] =	ssyncset.done $0x0  }
0xcb: {  	[sflag:s3] =	ssyncadd.s32 $0xFFFFFE00  }
0xcc: {  	[tilespmem:s6], [sflag:$0x1] =	stream.indirect.gather [hbm4b:s5+s6], $0x80, s2, s6, $0xb8;
	[tilespmem:$0x10200] =	vst v63  }
0xcd: {  	_ =	swait.ge [sflag:s7], $0x10000  }
0xce: {  	[sflag:s7] =	ssyncset.done $0x0  }
0xcf: {  	[sflag:s7] =	ssyncadd.s32 $0xFFFF0000  }
0xd0: {  	[hbm4b:s20+s2] =	stream.linear.scatter [tilespmem:s6], [sflag:$0x2], $0x10000, $0x38;
	[tilespmem:$0x10200] =	vst v63  }
0xd1: {  	_ =	swait.ge [sflag:s3], $0x10000  }
0xd2: {  	[sflag:s3] =	ssyncset.done $0x0  }
0xd3: {  	[sflag:s3] =	ssyncadd.s32 $0xFFFF0000  }
0xd4: {  	[tilespmem:s2], [sflag:$0x2] =	stream.linear.gather [hbm4b:s21+s2], $0x200, $0x38;
	[tilespmem:$0x10200] =	vst v63  }
0xd5: {  	_ =	swait.ge [sflag:s3], $0x200  }
0xd6: {  	[sflag:s3] =	ssyncset.done $0x0  }
0xd7: {  	[sflag:s3] =	ssyncadd.s32 $0xFFFFFE00  }
0xd8: {  	[tilespmem:s6], [sflag:$0x1] =	stream.indirect.gather [hbm4b:s5+s6], $0x80, s2, s6, $0xb8;
	[tilespmem:$0x10200] =	vst v63  }
0xd9: {  	_ =	swait.ge [sflag:s7], $0x10000  }
0xda: {  	[sflag:s7] =	ssyncset.done $0x0  }
0xdb: {  	[sflag:s7] =	ssyncadd.s32 $0xFFFF0000  }
0xdc: {  	[hbm4b:s22+s2] =	stream.linear.scatter [tilespmem:s6], [sflag:$0x2], $0x10000, $0x38;
	[tilespmem:$0x10200] =	vst v63  }
0xdd: {  	_ =	swait.ge [sflag:s3], $0x10000  }
0xde: {  	[sflag:s3] =	ssyncset.done $0x0  }
0xdf: {  	[sflag:s3] =	ssyncadd.s32 $0xFFFF0000  }
0xe0: {  	[tilespmem:s2], [sflag:$0x2] =	stream.linear.gather [hbm4b:s23+s2], $0x200, $0x38;
	[tilespmem:$0x10200] =	vst v63  }
0xe1: {  	_ =	swait.ge [sflag:s3], $0x200  }
0xe2: {  	[sflag:s3] =	ssyncset.done $0x0  }
0xe3: {  	[sflag:s3] =	ssyncadd.s32 $0xFFFFFE00  }
0xe4: {  	[tilespmem:s6], [sflag:$0x1] =	stream.indirect.gather [hbm4b:s5+s6], $0x80, s2, s6, $0xb8;
	[tilespmem:$0x10200] =	vst v63  }
0xe5: {  	_ =	swait.ge [sflag:s7], $0x10000  }
0xe6: {  	[sflag:s7] =	ssyncset.done $0x0  }
0xe7: {  	[sflag:s7] =	ssyncadd.s32 $0xFFFF0000  }
0xe8: {  	[hbm4b:s24+s2] =	stream.linear.scatter [tilespmem:s6], [sflag:$0x2], $0x10000, $0x38;
	[tilespmem:$0x10200] =	vst v63  }
0xe9: {  	_ =	swait.ge [sflag:s3], $0x10000  }
0xea: {  	[sflag:s3] =	ssyncset.done $0x0  }
0xeb: {  	[sflag:s3] =	ssyncadd.s32 $0xFFFF0000  }
0xec: {  	[tilespmem:s2], [sflag:$0x2] =	stream.linear.gather [hbm4b:s25+s2], $0x200, $0x38;
	[tilespmem:$0x10200] =	vst v63  }
0xed: {  	_ =	swait.ge [sflag:s3], $0x200  }
0xee: {  	[sflag:s3] =	ssyncset.done $0x0  }
0xef: {  	[sflag:s3] =	ssyncadd.s32 $0xFFFFFE00  }
0xf0: {  	[tilespmem:s6], [sflag:$0x1] =	stream.indirect.gather [hbm4b:s5+s6], $0x80, s2, s6, $0xb8;
	[tilespmem:$0x10200] =	vst v63  }
0xf1: {  	_ =	swait.ge [sflag:s7], $0x10000  }
.Ltmp1:
0xf2: {  	[sflag:s7] =	ssyncset.done $0x0;
	(pc) =	sbr.rel @p0 .LBB2_1-.Ltmp1, $4  }
0xf3: {  	[sflag:s7] =	ssyncadd.s32 $0xFFFF0000  }
0xf4: {  	[hbm4b:s26+s2] =	stream.linear.scatter [tilespmem:s6], [sflag:$0x2], $0x10000, $0x38;
	[tilespmem:$0x10200] =	vst v63  }
0xf5: {  	_ =	swait.ge [sflag:s3], $0x10000  }
0xf6: {  	[sflag:s3] =	ssyncset.done $0x0  }
.LBB2_2:
0xf7: {  	[sflag:s3] =	ssyncadd.s32 $0xFFFF0000  }
0xf8: {  	_ =	sfence.sel $0x180000  }
0xf9: {  	[bflag:$0x0] =	sbarrier.arrive $0xFFFF  }
0xfa: {  	p0 =	sne.s32 s0, $0x0;
	_ =	strace $0x90000047  }
0xfb: {  	s0 =	sadd.s32 @!p0 $0x100000, s1;
	[bflag:$0x2] =	sbarrier.arrive $0xFFFF  }
0xfc: {  	[sflag:s0] =	ssyncadd.tile.s32 @!p0 $0x1;
	_ =	shalt  }
.Lfunc_end2:
_tile_overlayer_lowered:
.L_overlay_start_2:
0xfd: {  	(tag) =	ssettag $0x2  }
0xfe: {  	s0 =	rddreg [dreg:$0x0];
	s2 =	stileid.u32  }
0xff: {  	s1 =	rddreg [dreg:$0x1];
	p0 =	sne.s32 s2, $0x0  }
0x100: {  	s3 =	rddreg [dreg:$0x2];
	[bflag:$0x3] =	sbarrier.arrive $0xFFFF;
	s2 =	simm.s32 @!p0 $0x1C02  }
0x101: {  	[timem:s3], [sflag:s2] =	dma.local @!p0 [hbm:s0], s1  }
0x102: {  	s0 =	simm.s32 @!p0 $0x2  }
0x103: {  	_ =	swait.ge @!p0 [sflag:s0], s1  }
0x104: {  	s1 =	ssub.s32 @!p0 $0x0, s1;
	[sflag:s0] =	ssyncset.done @!p0 $0x0  }
0x105: {  	[sflag:s0] =	ssyncadd.s32 @!p0 s1  }
0x106: {  	[bflag:$0x3] =	sbarrier.arrive $0xFFFF  }
0x107: {  	_ =	shalt  }

</sc_bundles>
